<compile_context>
chip_gen: v7x
topology: tpu7x:2x2x1
jax: 0.10.2.dev20260603
libtpu: 0.0.44.dev20260713+nightly
codegen_flags: <defaults>
</compile_context>

<pallas_src>
import functools
import math

import jax
import jax.numpy as jnp
from jax.experimental import pallas as pl
from jax.experimental.pallas import tpu as pltpu
from jax.experimental.pallas import tpu_sc as plsc

N = 10000
E = 320000
F_IN = 128
H = 128
C = 10
RATIO = 0.5
K1 = math.ceil(RATIO * N)
K2 = math.ceil(RATIO * K1)
K3 = math.ceil(RATIO * K2)

NPAD = 10240
EPAD = 327680
CH = 128
NSUB = 16
NCORE = 2
EPT = EPAD // (NSUB * NCORE)
NCHUNK = EPT // CH
RPT = NPAD // NSUB


NBUF = 2


def _make_edge_agg(D):
    mesh = plsc.VectorSubcoreMesh(core_axis_name="c", subcore_axis_name="s",
                                  num_cores=NCORE)

    @functools.partial(
        pl.kernel, mesh=mesh,
        out_type=jax.ShapeDtypeStruct((NCORE * NPAD, D), jnp.float32),
        scratch_types=[
            pltpu.VMEM((NBUF, CH), jnp.int32),
            pltpu.VMEM((NBUF, CH), jnp.int32),
            pltpu.VMEM((NBUF, CH, D), jnp.float32),
            pltpu.VMEM_SHARED((NPAD, D), jnp.float32),
        ] + [pltpu.SemaphoreType.DMA] * NBUF,
    )
    def k(vals_hbm, src_hbm, dst_hbm, zero_hbm, out_hbm, idx_s, idx_d, rows,
          acc, *sems):
        c = jax.lax.axis_index("c")
        s = jax.lax.axis_index("s")
        wid = c * NSUB + s

        def issue(i, b):
            base = pl.multiple_of(wid * EPT + i * CH, CH)
            pltpu.sync_copy(src_hbm.at[pl.ds(base, CH)], idx_s.at[b])
            pltpu.sync_copy(dst_hbm.at[pl.ds(base, CH)], idx_d.at[b])
            pltpu.async_copy(vals_hbm.at[idx_s.at[b]], rows.at[b], sems[b])

        def consume(i, b):
            pltpu.make_async_copy(vals_hbm.at[pl.ds(0, CH)], rows.at[b],
                                  sems[b]).wait()
            pltpu.sync_copy(rows.at[b], acc.at[idx_d.at[b]], add=True)

        for b in range(NBUF):
            issue(b, b)
        pltpu.sync_copy(zero_hbm, acc.at[pl.ds(s * RPT, RPT)])
        plsc.subcore_barrier()

        def body(g, carry):
            for b in range(NBUF):
                i = g * NBUF + b
                consume(i, b)
                issue(i + NBUF, b)
            return carry

        jax.lax.fori_loop(0, NCHUNK // NBUF - 1, body, 0)
        for b in range(NBUF):
            consume(NCHUNK - NBUF + b, b)
        plsc.subcore_barrier()
        pltpu.sync_copy(acc.at[pl.ds(s * RPT, RPT)],
                        out_hbm.at[pl.ds(c * NPAD + s * RPT, RPT)])

    return k


_edge_agg_128 = _make_edge_agg(128)


def _agg_rows(hwp_pad, srcp, dstp, zero128):
    out = _edge_agg_128(hwp_pad, srcp, dstp, zero128)
    return out[:N] + out[NPAD:NPAD + N]


def _make_scalar_agg():
    mesh = plsc.VectorSubcoreMesh(core_axis_name="c", subcore_axis_name="s",
                                  num_cores=NCORE)
    NW = NCORE * NSUB

    @functools.partial(
        pl.kernel, mesh=mesh,
        out_type=jax.ShapeDtypeStruct((NW, NPAD), jnp.float32),
        compiler_params=pltpu.CompilerParams(needs_layout_passes=False),
        scratch_types=[
            pltpu.VMEM((NPAD,), jnp.float32),
            pltpu.VMEM((NPAD,), jnp.float32),
            pltpu.VMEM((EPT,), jnp.int32),
            pltpu.VMEM((EPT,), jnp.int32),
        ],
    )
    def k(vals_hbm, src_hbm, dst_hbm, zero_hbm, out_hbm, vals_l, acc_l,
          idx_s, idx_d):
        c = jax.lax.axis_index("c")
        s = jax.lax.axis_index("s")
        wid = c * NSUB + s
        ebase = pl.multiple_of(wid * EPT, CH)
        pltpu.sync_copy(vals_hbm, vals_l)
        pltpu.sync_copy(src_hbm.at[pl.ds(ebase, EPT)], idx_s)
        pltpu.sync_copy(dst_hbm.at[pl.ds(ebase, EPT)], idx_d)
        pltpu.sync_copy(zero_hbm, acc_l)

        def body(i, carry):
            sv = idx_s[pl.ds(i * 16, 16)]
            dv = idx_d[pl.ds(i * 16, 16)]
            v = plsc.load_gather(vals_l, [sv])
            plsc.addupdate_scatter(acc_l, [dv], v)
            return carry

        jax.lax.fori_loop(0, EPT // 16, body, 0)
        pltpu.sync_copy(acc_l, out_hbm.at[wid])

    return k


_scalar_agg = _make_scalar_agg()


def _agg_scalar(v, srcp, dstp, zero128):
    vp = jnp.zeros((NPAD,), jnp.float32).at[:N].set(v)
    out = _scalar_agg(vp, srcp, dstp, jnp.zeros((NPAD,), jnp.float32))
    return out.sum(axis=0)[:N]


def _mlp_body(z_ref, wc1_ref, bc1_ref, wc2_ref, bc2_ref, wc3_ref, bc3_ref, out_ref):
    z = z_ref[...]
    z = jax.nn.relu(z @ wc1_ref[...] + bc1_ref[...])
    z = jax.nn.relu(z @ wc2_ref[...] + bc2_ref[...])
    z = z @ wc3_ref[...] + bc3_ref[...]
    out_ref[...] = jax.nn.log_softmax(z, axis=-1)


def _mlp_head(z, Wc1, bc1, Wc2, bc2, Wc3, bc3):
    Wc3p = jnp.zeros((H // 2, 128), jnp.float32).at[:, :C].set(Wc3)
    bc3p = jnp.full((128,), -1e30, jnp.float32).at[:C].set(bc3)
    out = pl.pallas_call(
        _mlp_body,
        out_shape=jax.ShapeDtypeStruct((1, 128), jnp.float32),
    )(z, Wc1, bc1[None, :], Wc2, bc2[None, :], Wc3p, bc3p[None, :])
    return out[:, :C]


def _rbf(h, nm, k):
    mu = (h * nm[:, None]).sum(axis=0) / k
    var = (((h - mu) ** 2) * nm[:, None]).sum(axis=0) / (k - 1)
    out = 1.0 / (jnp.sqrt(2.0 * jnp.pi * var) + 1e-6) * jnp.exp(-0.5 * ((h - mu) ** 2) / var)
    return out * nm[:, None]


def _readout(h, nm, k):
    mx = jnp.max(jnp.where(nm[:, None] > 0, h, -jnp.inf), axis=0)
    mn = (h * nm[:, None]).sum(axis=0) / k
    return jnp.concatenate([mx, mn])[None, :]


def _layer(h, W, b, Ws, bs, nm, srcp, dstp, zero128, k):
    degagg = _agg_scalar(nm, srcp, dstp, zero128)
    deg = nm * (degagg + 1.0)
    dis = jax.lax.rsqrt(jnp.maximum(deg, 1.0)) * (deg > 0).astype(jnp.float32)
    d2n = dis * dis * nm
    hw = h @ W
    hwp = jnp.zeros((NPAD, H), jnp.float32).at[:N].set(hw * dis[:, None])
    agg = _agg_rows(hwp, srcp, dstp, zero128)
    h1 = jax.nn.relu((agg * dis[:, None] + hw * d2n[:, None] + b) * nm[:, None])
    hs = (h1 @ Ws)[:, 0]
    sagg = _agg_scalar(hs * dis, srcp, dstp, zero128)
    score = (sagg * dis + hs * d2n + bs[0]) * nm
    masked = jnp.where(nm > 0, score, -jnp.inf)
    _, idx = jax.lax.top_k(masked, k)
    new_nm = jnp.zeros((N,), jnp.float32).at[idx].set(1.0)
    h2 = h1 * jnp.tanh(score)[:, None] * new_nm[:, None]
    return h2, new_nm


def kernel(x, edge_index, batch, W1, b1, Ws1, bs1, W2, b2, Ws2, bs2, W3, b3, Ws3, bs3, Wc1, bc1, Wc2, bc2, Wc3, bc3):
    pad = jnp.full((EPAD - E,), NPAD - 1, jnp.int32)
    srcp = jnp.concatenate([edge_index[0], pad])
    dstp = jnp.concatenate([edge_index[1], pad])
    zero128 = jnp.zeros((RPT, 128), jnp.float32)
    nm = jnp.ones((N,), jnp.float32)

    h, nm = _layer(x, W1, b1, Ws1, bs1, nm, srcp, dstp, zero128, K1)
    h = _rbf(h, nm, K1)
    r1 = _readout(h, nm, K1)
    h, nm = _layer(h, W2, b2, Ws2, bs2, nm, srcp, dstp, zero128, K2)
    h = _rbf(h, nm, K2)
    r2 = _readout(h, nm, K2)
    h, nm = _layer(h, W3, b3, Ws3, bs3, nm, srcp, dstp, zero128, K3)
    h = _rbf(h, nm, K3)
    r3 = _readout(h, nm, K3)
    z = r1 + r2 + r3
    return _mlp_head(z, Wc1, bc1, Wc2, bc2, Wc3, bc3)

# --- scband reference (transcript-rebuilt; emitter-appended) ---
"""Pipeline reference for scband-rbfgnn-19859928776937 (READ-ONLY COPY).

The authoritative reference and input builder live on the scoring server;
editing this copy changes nothing except your own understanding.
"""

import jax, jax.numpy as jnp
import numpy as np
import math

N = 10000
E = 320000
F_IN = 128
H = 128
C = 10
RATIO = 0.5
K1 = math.ceil(RATIO * N)
K2 = math.ceil(RATIO * K1)
K3 = math.ceil(RATIO * K2)


def _gcn(h, W, b, src, dst, nm, em):
    # GCNConv with self-loops and symmetric normalization, restricted to active
    # nodes (nm) and active edges (em) -- masked equivalent of subgraph extraction.
    hw = h @ W
    deg = jnp.zeros((N,), jnp.float32).at[dst].add(em) + nm
    dis = jax.lax.rsqrt(jnp.maximum(deg, 1.0)) * (deg > 0).astype(jnp.float32)
    coef = dis[src] * dis[dst] * em
    out = jnp.zeros_like(hw).at[dst].add(hw[src] * coef[:, None])
    out = out + hw * (dis * dis * nm)[:, None]
    return (out + b) * nm[:, None]


def _sag_pool(h, src, dst, nm, em, Ws, bs, k):
    # SAGPool: GCN score, top-k node selection, gate by tanh(score).
    score = _gcn(h, Ws, bs, src, dst, nm, em)[:, 0]
    masked = jnp.where(nm > 0, score, -jnp.inf)
    _, idx = jax.lax.top_k(masked, k)
    new_nm = jnp.zeros((N,), jnp.float32).at[idx].set(1.0)
    h2 = h * jnp.tanh(score)[:, None] * new_nm[:, None]
    new_em = em * new_nm[src] * new_nm[dst]
    return h2, new_nm, new_em


def _rbf(h, nm, k):
    # rbf_update with scatter_mean / scatter_std (unbiased) over the single graph.
    mu = (h * nm[:, None]).sum(axis=0) / k
    var = (((h - mu) ** 2) * nm[:, None]).sum(axis=0) / (k - 1)
    out = 1.0 / (jnp.sqrt(2.0 * jnp.pi * var) + 1e-6) * jnp.exp(-0.5 * ((h - mu) ** 2) / var)
    return out * nm[:, None]


def _readout(h, nm, k):
    mx = jnp.max(jnp.where(nm[:, None] > 0, h, -jnp.inf), axis=0)
    mn = (h * nm[:, None]).sum(axis=0) / k
    return jnp.concatenate([mx, mn])[None, :]


def _forward(x, edge_index, W1, b1, Ws1, bs1, W2, b2, Ws2, bs2, W3, b3, Ws3, bs3, Wc1, bc1, Wc2, bc2, Wc3, bc3):
    src = edge_index[0]
    dst = edge_index[1]
    nm = jnp.ones((N,), jnp.float32)
    em = jnp.ones((E,), jnp.float32)
    h = jax.nn.relu(_gcn(x, W1, b1, src, dst, nm, em))
    h, nm, em = _sag_pool(h, src, dst, nm, em, Ws1, bs1, K1)
    h = _rbf(h, nm, K1)
    r1 = _readout(h, nm, K1)
    h = jax.nn.relu(_gcn(h, W2, b2, src, dst, nm, em))
    h, nm, em = _sag_pool(h, src, dst, nm, em, Ws2, bs2, K2)
    h = _rbf(h, nm, K2)
    r2 = _readout(h, nm, K2)
    h = jax.nn.relu(_gcn(h, W3, b3, src, dst, nm, em))
    h, nm, em = _sag_pool(h, src, dst, nm, em, Ws3, bs3, K3)
    h = _rbf(h, nm, K3)
    r3 = _readout(h, nm, K3)
    z = r1 + r2 + r3
    z = jax.nn.relu(z @ Wc1 + bc1)
    z = jax.nn.relu(z @ Wc2 + bc2)  # dropout is identity in eval mode
    z = z @ Wc3 + bc3
    return jax.nn.log_softmax(z, axis=-1)


def _init(k, fan_in, shape):
    return jax.random.normal(k, shape, dtype=jnp.float32) * (1.0 / np.sqrt(fan_in))


def setup_inputs(seed: int = 0):
    key = jax.random.key(seed)
    ks = jax.random.split(key, 16)
    inp = {}
    inp["x"] = jax.random.normal(ks[0], (N, F_IN), dtype=jnp.float32)
    inp["edge_index"] = jax.random.randint(ks[1], (2, E), 0, N, dtype=jnp.int32)
    inp["batch"] = jnp.zeros((N,), dtype=jnp.int32)
    inp["W1"] = _init(ks[2], F_IN, (F_IN, H)); inp["b1"] = jnp.zeros((H,), jnp.float32)
    inp["Ws1"] = _init(ks[3], H, (H, 1)); inp["bs1"] = jnp.zeros((1,), jnp.float32)
    inp["W2"] = _init(ks[4], H, (H, H)); inp["b2"] = jnp.zeros((H,), jnp.float32)
    inp["Ws2"] = _init(ks[5], H, (H, 1)); inp["bs2"] = jnp.zeros((1,), jnp.float32)
    inp["W3"] = _init(ks[6], H, (H, H)); inp["b3"] = jnp.zeros((H,), jnp.float32)
    inp["Ws3"] = _init(ks[7], H, (H, 1)); inp["bs3"] = jnp.zeros((1,), jnp.float32)
    inp["Wc1"] = _init(ks[8], 2 * H, (2 * H, H)); inp["bc1"] = jnp.zeros((H,), jnp.float32)
    inp["Wc2"] = _init(ks[9], H, (H, H // 2)); inp["bc2"] = jnp.zeros((H // 2,), jnp.float32)
    inp["Wc3"] = _init(ks[10], H // 2, (H // 2, C)); inp["bc3"] = jnp.zeros((C,), jnp.float32)
    return inp


def reference(x, edge_index, batch, W1, b1, Ws1, bs1, W2, b2, Ws2, bs2, W3, b3, Ws3, bs3, Wc1, bc1, Wc2, bc2, Wc3, bc3):
    # batch is all zeros (single graph); per-graph reductions become global ones.
    return _forward(x, edge_index, W1, b1, Ws1, bs1, W2, b2, Ws2, bs2, W3, b3, Ws3, bs3, Wc1, bc1, Wc2, bc2, Wc3, bc3)

if __name__ == "__main__":
    import jax
    _d = setup_inputs()
    print(jax.jit(kernel)(*tuple(_d.values())))

</pallas_src>

<mosaic_0001>
#map = affine_map<(d0, d1) -> (0)>
#map1 = affine_map<(d0, d1) -> (0, 0)>
module attributes {stable_mosaic.version = 14 : i64} {
  func.func @k(%arg0: i32, %arg1: i32, %arg2: memref<10240xf32, #tpu.memory_space<hbm>>, %arg3: memref<327680xi32, #tpu.memory_space<hbm>>, %arg4: memref<327680xi32, #tpu.memory_space<hbm>>, %arg5: memref<10240xf32, #tpu.memory_space<hbm>>, %arg6: memref<32x10240xf32, #tpu.memory_space<hbm>>, %arg7: memref<10240xf32, #tpu.memory_space<vmem>>, %arg8: memref<10240xf32, #tpu.memory_space<vmem>>, %arg9: memref<10240xi32, #tpu.memory_space<vmem>>, %arg10: memref<10240xi32, #tpu.memory_space<vmem>>) attributes {dimension_semantics = [#tpu.dimension_semantics<core_parallel>, #tpu.dimension_semantics<subcore_parallel>], iteration_bounds = array<i64: 2, 16>, scalar_prefetch = 0 : i64, scratch_operands = 4 : i64, tpu.core_type = #tpu.core_type<sc_vector_subcore>, window_params = [{transform_indices = #map}, {transform_indices = #map}, {transform_indices = #map}, {transform_indices = #map}, {transform_indices = #map1}]} {
    %mul3A = arith.constant 16 : i32
    %mul3A_0 = arith.muli %arg0, %mul3A : i32
    %add3A = arith.addi %mul3A_0, %arg1 : i32
    %mul3A_1 = arith.constant 10240 : i32
    %mul3A_2 = arith.muli %add3A, %mul3A_1 : i32
    %multiple_of3A = tpu.assume_multiple %mul3A_2, 128 : i32
    "tpu.region"() ({
      %run_scoped3A = tpu.sem_alloc : memref<!tpu.dma_semaphore, #tpu.memory_space<semaphore_mem>>
      tpu.enqueue_dma source(%arg2 : memref<10240xf32, #tpu.memory_space<hbm>>) target(%arg7 : memref<10240xf32, #tpu.memory_space<vmem>>) target_semaphore(%run_scoped3A : memref<!tpu.dma_semaphore, #tpu.memory_space<semaphore_mem>>)
      tpu.wait_dma2 semaphore(%run_scoped3A : memref<!tpu.dma_semaphore, #tpu.memory_space<semaphore_mem>>) src(%arg2 : memref<10240xf32, #tpu.memory_space<hbm>>) dst(%arg7 : memref<10240xf32, #tpu.memory_space<vmem>>)
      tpu.yield
    }) : () -> ()
    "tpu.region"() ({
      %run_scoped3A = tpu.sem_alloc : memref<!tpu.dma_semaphore, #tpu.memory_space<semaphore_mem>>
      %dma_start3A = tpu.memref_slice %arg3[%multiple_of3A] : memref<327680xi32, #tpu.memory_space<hbm>> -> memref<10240xi32, #tpu.memory_space<hbm>>
      %dma_start3A_8 = tpu.memref_slice %arg3[%multiple_of3A] : memref<327680xi32, #tpu.memory_space<hbm>> -> memref<10240xi32, #tpu.memory_space<hbm>>
      tpu.enqueue_dma source(%dma_start3A_8 : memref<10240xi32, #tpu.memory_space<hbm>>) target(%arg9 : memref<10240xi32, #tpu.memory_space<vmem>>) target_semaphore(%run_scoped3A : memref<!tpu.dma_semaphore, #tpu.memory_space<semaphore_mem>>)
      %dma_wait3A = tpu.memref_slice %arg3[%multiple_of3A] : memref<327680xi32, #tpu.memory_space<hbm>> -> memref<10240xi32, #tpu.memory_space<hbm>>
      %dma_wait3A_9 = tpu.memref_slice %arg3[%multiple_of3A] : memref<327680xi32, #tpu.memory_space<hbm>> -> memref<10240xi32, #tpu.memory_space<hbm>>
      tpu.wait_dma2 semaphore(%run_scoped3A : memref<!tpu.dma_semaphore, #tpu.memory_space<semaphore_mem>>) src(%dma_wait3A_9 : memref<10240xi32, #tpu.memory_space<hbm>>) dst(%arg9 : memref<10240xi32, #tpu.memory_space<vmem>>)
      tpu.yield
    }) : () -> ()
    "tpu.region"() ({
      %run_scoped3A = tpu.sem_alloc : memref<!tpu.dma_semaphore, #tpu.memory_space<semaphore_mem>>
      %dma_start3A = tpu.memref_slice %arg4[%multiple_of3A] : memref<327680xi32, #tpu.memory_space<hbm>> -> memref<10240xi32, #tpu.memory_space<hbm>>
      %dma_start3A_8 = tpu.memref_slice %arg4[%multiple_of3A] : memref<327680xi32, #tpu.memory_space<hbm>> -> memref<10240xi32, #tpu.memory_space<hbm>>
      tpu.enqueue_dma source(%dma_start3A_8 : memref<10240xi32, #tpu.memory_space<hbm>>) target(%arg10 : memref<10240xi32, #tpu.memory_space<vmem>>) target_semaphore(%run_scoped3A : memref<!tpu.dma_semaphore, #tpu.memory_space<semaphore_mem>>)
      %dma_wait3A = tpu.memref_slice %arg4[%multiple_of3A] : memref<327680xi32, #tpu.memory_space<hbm>> -> memref<10240xi32, #tpu.memory_space<hbm>>
      %dma_wait3A_9 = tpu.memref_slice %arg4[%multiple_of3A] : memref<327680xi32, #tpu.memory_space<hbm>> -> memref<10240xi32, #tpu.memory_space<hbm>>
      tpu.wait_dma2 semaphore(%run_scoped3A : memref<!tpu.dma_semaphore, #tpu.memory_space<semaphore_mem>>) src(%dma_wait3A_9 : memref<10240xi32, #tpu.memory_space<hbm>>) dst(%arg10 : memref<10240xi32, #tpu.memory_space<vmem>>)
      tpu.yield
    }) : () -> ()
    "tpu.region"() ({
      %run_scoped3A = tpu.sem_alloc : memref<!tpu.dma_semaphore, #tpu.memory_space<semaphore_mem>>
      tpu.enqueue_dma source(%arg5 : memref<10240xf32, #tpu.memory_space<hbm>>) target(%arg8 : memref<10240xf32, #tpu.memory_space<vmem>>) target_semaphore(%run_scoped3A : memref<!tpu.dma_semaphore, #tpu.memory_space<semaphore_mem>>)
      tpu.wait_dma2 semaphore(%run_scoped3A : memref<!tpu.dma_semaphore, #tpu.memory_space<semaphore_mem>>) src(%arg5 : memref<10240xf32, #tpu.memory_space<hbm>>) dst(%arg8 : memref<10240xf32, #tpu.memory_space<vmem>>)
      tpu.yield
    }) : () -> ()
    %scan3A = arith.constant 0 : i32
    %scan3A_3 = arith.constant 0 : i32
    %scan3A_4 = arith.constant 640 : i32
    %scan3A_5 = arith.addi %scan3A_3, %scan3A_4 : i32
    %scan3A_6 = arith.constant 1 : i32
    scf.for %scan3A_8 = %scan3A_3 to %scan3A_5 step %scan3A_6  : i32 {
      %mul3A_9 = arith.constant 16 : i32
      %mul3A_10 = arith.muli %scan3A_8, %mul3A_9 : i32
      %get3A = arith.index_cast %mul3A_10 : i32 to index
      %get3A_11 = tpu.vector_load %arg9[%get3A] {strides = array<i32>} : memref<10240xi32, #tpu.memory_space<vmem>>, vector<16xi32>,
      %mul3A_12 = arith.constant 16 : i32
      %mul3A_13 = arith.muli %scan3A_8, %mul3A_12 : i32
      %get3A_14 = arith.index_cast %mul3A_13 : i32 to index
      %get3A_15 = tpu.vector_load %arg10[%get3A_14] {strides = array<i32>} : memref<10240xi32, #tpu.memory_space<vmem>>, vector<16xi32>,
      %gather3A = tpu.vector_load_idx %arg7[%get3A_11] : memref<10240xf32, #tpu.memory_space<vmem>>[vector<16xi32>], vector<16xf32>,
      tpu.vector_store_idx %arg8[%get3A_15], %gather3A {add = true} : memref<10240xf32, #tpu.memory_space<vmem>>[vector<16xi32>], vector<16xf32>,
    }
    %scan3A_7 = arith.constant 640 : i32
    "tpu.region"() ({
      %run_scoped3A = tpu.sem_alloc : memref<!tpu.dma_semaphore, #tpu.memory_space<semaphore_mem>>
      %dma_start3A = arith.constant 0 : i32
      %dma_start3A_8 = tpu.memref_slice %arg6[%add3A, %dma_start3A] : memref<32x10240xf32, #tpu.memory_space<hbm>> -> memref<1x10240xf32, #tpu.memory_space<hbm>>
      %dma_start3A_9 = tpu.memref_squeeze %dma_start3A_8 : memref<1x10240xf32, #tpu.memory_space<hbm>> -> memref<10240xf32, #tpu.memory_space<hbm>>
      %dma_start3A_10 = arith.constant 0 : i32
      %dma_start3A_11 = tpu.memref_slice %arg6[%add3A, %dma_start3A_10] : memref<32x10240xf32, #tpu.memory_space<hbm>> -> memref<1x10240xf32, #tpu.memory_space<hbm>>
      %dma_start3A_12 = tpu.memref_squeeze %dma_start3A_11 : memref<1x10240xf32, #tpu.memory_space<hbm>> -> memref<10240xf32, #tpu.memory_space<hbm>>
      tpu.enqueue_dma source(%arg8 : memref<10240xf32, #tpu.memory_space<vmem>>) target(%dma_start3A_12 : memref<10240xf32, #tpu.memory_space<hbm>>) target_semaphore(%run_scoped3A : memref<!tpu.dma_semaphore, #tpu.memory_space<semaphore_mem>>)
      %dma_wait3A = arith.constant 0 : i32
      %dma_wait3A_13 = tpu.memref_slice %arg6[%add3A, %dma_wait3A] : memref<32x10240xf32, #tpu.memory_space<hbm>> -> memref<1x10240xf32, #tpu.memory_space<hbm>>
      %dma_wait3A_14 = tpu.memref_squeeze %dma_wait3A_13 : memref<1x10240xf32, #tpu.memory_space<hbm>> -> memref<10240xf32, #tpu.memory_space<hbm>>
      %dma_wait3A_15 = arith.constant 0 : i32
      %dma_wait3A_16 = tpu.memref_slice %arg6[%add3A, %dma_wait3A_15] : memref<32x10240xf32, #tpu.memory_space<hbm>> -> memref<1x10240xf32, #tpu.memory_space<hbm>>
      %dma_wait3A_17 = tpu.memref_squeeze %dma_wait3A_16 : memref<1x10240xf32, #tpu.memory_space<hbm>> -> memref<10240xf32, #tpu.memory_space<hbm>>
      tpu.wait_dma2 semaphore(%run_scoped3A : memref<!tpu.dma_semaphore, #tpu.memory_space<semaphore_mem>>) src(%arg8 : memref<10240xf32, #tpu.memory_space<vmem>>) dst(%dma_wait3A_17 : memref<10240xf32, #tpu.memory_space<hbm>>)
      tpu.yield
    }) : () -> ()
    return
  }
}

#map = affine_map<(d0, d1) -> (0, 0)>
#map1 = affine_map<(d0, d1) -> (0)>
module attributes {stable_mosaic.version = 14 : i64} {
  func.func @k(%arg0: i32, %arg1: i32, %arg2: memref<10240x128xf32, #tpu.memory_space<hbm>>, %arg3: memref<327680xi32, #tpu.memory_space<hbm>>, %arg4: memref<327680xi32, #tpu.memory_space<hbm>>, %arg5: memref<640x128xf32, #tpu.memory_space<hbm>>, %arg6: memref<20480x128xf32, #tpu.memory_space<hbm>>, %arg7: memref<2x128xi32, #tpu.memory_space<vmem>>, %arg8: memref<2x128xi32, #tpu.memory_space<vmem>>, %arg9: memref<2x128x128xf32, #tpu.memory_space<vmem>>, %arg10: memref<10240x128xf32, #tpu.memory_space<vmem_shared>>, %arg11: memref<!tpu.dma_semaphore, #tpu.memory_space<semaphore_mem>>, %arg12: memref<!tpu.dma_semaphore, #tpu.memory_space<semaphore_mem>>) attributes {dimension_semantics = [#tpu.dimension_semantics<core_parallel>, #tpu.dimension_semantics<subcore_parallel>], iteration_bounds = array<i64: 2, 16>, scalar_prefetch = 0 : i64, scratch_operands = 6 : i64, tpu.core_type = #tpu.core_type<sc_vector_subcore>, window_params = [{transform_indices = #map}, {transform_indices = #map1}, {transform_indices = #map1}, {transform_indices = #map}, {transform_indices = #map}]} {
    %mul3A = arith.constant 16 : i32
    %mul3A_0 = arith.muli %arg0, %mul3A : i32
    %add3A = arith.addi %mul3A_0, %arg1 : i32
    %mul3A_1 = arith.constant 10240 : i32
    %mul3A_2 = arith.muli %add3A, %mul3A_1 : i32
    %add3A_3 = arith.constant 0 : i32
    %add3A_4 = arith.addi %mul3A_2, %add3A_3 : i32
    %multiple_of3A = tpu.assume_multiple %add3A_4, 128 : i32
    %run_scoped3A = arith.constant 0 : i32
    "tpu.region"() ({
      %run_scoped3A_84 = tpu.sem_alloc : memref<!tpu.dma_semaphore, #tpu.memory_space<semaphore_mem>>
      %dma_start3A_85 = arith.constant 0 : i32
      %dma_start3A_86 = tpu.memref_slice %arg7[%run_scoped3A, %dma_start3A_85] : memref<2x128xi32, #tpu.memory_space<vmem>> -> memref<1x128xi32, #tpu.memory_space<vmem>>
      %dma_start3A_87 = tpu.memref_squeeze %dma_start3A_86 : memref<1x128xi32, #tpu.memory_space<vmem>> -> memref<128xi32, #tpu.memory_space<vmem>>
      %dma_start3A_88 = tpu.memref_slice %arg3[%multiple_of3A] : memref<327680xi32, #tpu.memory_space<hbm>> -> memref<128xi32, #tpu.memory_space<hbm>>
      %dma_start3A_89 = arith.constant 0 : i32
      %dma_start3A_90 = tpu.memref_slice %arg7[%run_scoped3A, %dma_start3A_89] : memref<2x128xi32, #tpu.memory_space<vmem>> -> memref<1x128xi32, #tpu.memory_space<vmem>>
      %dma_start3A_91 = tpu.memref_squeeze %dma_start3A_90 : memref<1x128xi32, #tpu.memory_space<vmem>> -> memref<128xi32, #tpu.memory_space<vmem>>
      %dma_start3A_92 = tpu.memref_slice %arg3[%multiple_of3A] : memref<327680xi32, #tpu.memory_space<hbm>> -> memref<128xi32, #tpu.memory_space<hbm>>
      tpu.enqueue_dma source(%dma_start3A_92 : memref<128xi32, #tpu.memory_space<hbm>>) target(%dma_start3A_91 : memref<128xi32, #tpu.memory_space<vmem>>) target_semaphore(%run_scoped3A_84 : memref<!tpu.dma_semaphore, #tpu.memory_space<semaphore_mem>>)
      %dma_wait3A_93 = arith.constant 0 : i32
      %dma_wait3A_94 = tpu.memref_slice %arg7[%run_scoped3A, %dma_wait3A_93] : memref<2x128xi32, #tpu.memory_space<vmem>> -> memref<1x128xi32, #tpu.memory_space<vmem>>
      %dma_wait3A_95 = tpu.memref_squeeze %dma_wait3A_94 : memref<1x128xi32, #tpu.memory_space<vmem>> -> memref<128xi32, #tpu.memory_space<vmem>>
      %dma_wait3A_96 = tpu.memref_slice %arg3[%multiple_of3A] : memref<327680xi32, #tpu.memory_space<hbm>> -> memref<128xi32, #tpu.memory_space<hbm>>
      %dma_wait3A_97 = arith.constant 0 : i32
      %dma_wait3A_98 = tpu.memref_slice %arg7[%run_scoped3A, %dma_wait3A_97] : memref<2x128xi32, #tpu.memory_space<vmem>> -> memref<1x128xi32, #tpu.memory_space<vmem>>
      %dma_wait3A_99 = tpu.memref_squeeze %dma_wait3A_98 : memref<1x128xi32, #tpu.memory_space<vmem>> -> memref<128xi32, #tpu.memory_space<vmem>>
      %dma_wait3A_100 = tpu.memref_slice %arg3[%multiple_of3A] : memref<327680xi32, #tpu.memory_space<hbm>> -> memref<128xi32, #tpu.memory_space<hbm>>
      tpu.wait_dma2 semaphore(%run_scoped3A_84 : memref<!tpu.dma_semaphore, #tpu.memory_space<semaphore_mem>>) src(%dma_wait3A_100 : memref<128xi32, #tpu.memory_space<hbm>>) dst(%dma_wait3A_99 : memref<128xi32, #tpu.memory_space<vmem>>)
      tpu.yield
    }) : () -> ()
    %run_scoped3A_5 = arith.constant 0 : i32
    "tpu.region"() ({
      %run_scoped3A_84 = tpu.sem_alloc : memref<!tpu.dma_semaphore, #tpu.memory_space<semaphore_mem>>
      %dma_start3A_85 = arith.constant 0 : i32
      %dma_start3A_86 = tpu.memref_slice %arg8[%run_scoped3A_5, %dma_start3A_85] : memref<2x128xi32, #tpu.memory_space<vmem>> -> memref<1x128xi32, #tpu.memory_space<vmem>>
      %dma_start3A_87 = tpu.memref_squeeze %dma_start3A_86 : memref<1x128xi32, #tpu.memory_space<vmem>> -> memref<128xi32, #tpu.memory_space<vmem>>
      %dma_start3A_88 = tpu.memref_slice %arg4[%multiple_of3A] : memref<327680xi32, #tpu.memory_space<hbm>> -> memref<128xi32, #tpu.memory_space<hbm>>
      %dma_start3A_89 = arith.constant 0 : i32
      %dma_start3A_90 = tpu.memref_slice %arg8[%run_scoped3A_5, %dma_start3A_89] : memref<2x128xi32, #tpu.memory_space<vmem>> -> memref<1x128xi32, #tpu.memory_space<vmem>>
      %dma_start3A_91 = tpu.memref_squeeze %dma_start3A_90 : memref<1x128xi32, #tpu.memory_space<vmem>> -> memref<128xi32, #tpu.memory_space<vmem>>
      %dma_start3A_92 = tpu.memref_slice %arg4[%multiple_of3A] : memref<327680xi32, #tpu.memory_space<hbm>> -> memref<128xi32, #tpu.memory_space<hbm>>
      tpu.enqueue_dma source(%dma_start3A_92 : memref<128xi32, #tpu.memory_space<hbm>>) target(%dma_start3A_91 : memref<128xi32, #tpu.memory_space<vmem>>) target_semaphore(%run_scoped3A_84 : memref<!tpu.dma_semaphore, #tpu.memory_space<semaphore_mem>>)
      %dma_wait3A_93 = arith.constant 0 : i32
      %dma_wait3A_94 = tpu.memref_slice %arg8[%run_scoped3A_5, %dma_wait3A_93] : memref<2x128xi32, #tpu.memory_space<vmem>> -> memref<1x128xi32, #tpu.memory_space<vmem>>
      %dma_wait3A_95 = tpu.memref_squeeze %dma_wait3A_94 : memref<1x128xi32, #tpu.memory_space<vmem>> -> memref<128xi32, #tpu.memory_space<vmem>>
      %dma_wait3A_96 = tpu.memref_slice %arg4[%multiple_of3A] : memref<327680xi32, #tpu.memory_space<hbm>> -> memref<128xi32, #tpu.memory_space<hbm>>
      %dma_wait3A_97 = arith.constant 0 : i32
      %dma_wait3A_98 = tpu.memref_slice %arg8[%run_scoped3A_5, %dma_wait3A_97] : memref<2x128xi32, #tpu.memory_space<vmem>> -> memref<1x128xi32, #tpu.memory_space<vmem>>
      %dma_wait3A_99 = tpu.memref_squeeze %dma_wait3A_98 : memref<1x128xi32, #tpu.memory_space<vmem>> -> memref<128xi32, #tpu.memory_space<vmem>>
      %dma_wait3A_100 = tpu.memref_slice %arg4[%multiple_of3A] : memref<327680xi32, #tpu.memory_space<hbm>> -> memref<128xi32, #tpu.memory_space<hbm>>
      tpu.wait_dma2 semaphore(%run_scoped3A_84 : memref<!tpu.dma_semaphore, #tpu.memory_space<semaphore_mem>>) src(%dma_wait3A_100 : memref<128xi32, #tpu.memory_space<hbm>>) dst(%dma_wait3A_99 : memref<128xi32, #tpu.memory_space<vmem>>)
      tpu.yield
    }) : () -> ()
    %dma_start3A = arith.constant 0 : i32
    %dma_start3A_6 = arith.constant 0 : i32
    %dma_start3A_7 = arith.constant 0 : i32
    %dma_start3A_8 = arith.constant 0 : i32
    %dma_start3A_9 = tpu.memref_slice %arg9[%dma_start3A_6, %dma_start3A_7, %dma_start3A_8] : memref<2x128x128xf32, #tpu.memory_space<vmem>> -> memref<1x128x128xf32, #tpu.memory_space<vmem>>
    %dma_start3A_10 = tpu.memref_squeeze %dma_start3A_9 : memref<1x128x128xf32, #tpu.memory_space<vmem>> -> memref<128x128xf32, #tpu.memory_space<vmem>>
    %dma_start3A_11 = arith.constant 0 : i32
    %dma_start3A_12 = tpu.memref_slice %arg7[%dma_start3A, %dma_start3A_11] : memref<2x128xi32, #tpu.memory_space<vmem>> -> memref<1x128xi32, #tpu.memory_space<vmem>>
    %dma_start3A_13 = tpu.memref_squeeze %dma_start3A_12 : memref<1x128xi32, #tpu.memory_space<vmem>> -> memref<128xi32, #tpu.memory_space<vmem>>
    %dma_start3A_14 = arith.constant 0 : i32
    %dma_start3A_15 = arith.constant 0 : i32
    %dma_start3A_16 = tpu.memref_slice %arg2[%dma_start3A_14, %dma_start3A_15] : memref<10240x128xf32, #tpu.memory_space<hbm>> -> memref<10240x128xf32, #tpu.memory_space<hbm>>
    tpu.enqueue_indirect_dma source(%dma_start3A_16 : memref<10240x128xf32, #tpu.memory_space<hbm>>) target(%dma_start3A_10 : memref<128x128xf32, #tpu.memory_space<vmem>>) offsets(%dma_start3A_13 : memref<128xi32, #tpu.memory_space<vmem>>) semaphore(%arg11 : memref<!tpu.dma_semaphore, #tpu.memory_space<semaphore_mem>>)
    %mul3A_17 = arith.constant 10240 : i32
    %mul3A_18 = arith.muli %add3A, %mul3A_17 : i32
    %add3A_19 = arith.constant 128 : i32
    %add3A_20 = arith.addi %mul3A_18, %add3A_19 : i32
    %multiple_of3A_21 = tpu.assume_multiple %add3A_20, 128 : i32
    %run_scoped3A_22 = arith.constant 1 : i32
    "tpu.region"() ({
      %run_scoped3A_84 = tpu.sem_alloc : memref<!tpu.dma_semaphore, #tpu.memory_space<semaphore_mem>>
      %dma_start3A_85 = arith.constant 0 : i32
      %dma_start3A_86 = tpu.memref_slice %arg7[%run_scoped3A_22, %dma_start3A_85] : memref<2x128xi32, #tpu.memory_space<vmem>> -> memref<1x128xi32, #tpu.memory_space<vmem>>
      %dma_start3A_87 = tpu.memref_squeeze %dma_start3A_86 : memref<1x128xi32, #tpu.memory_space<vmem>> -> memref<128xi32, #tpu.memory_space<vmem>>
      %dma_start3A_88 = tpu.memref_slice %arg3[%multiple_of3A_21] : memref<327680xi32, #tpu.memory_space<hbm>> -> memref<128xi32, #tpu.memory_space<hbm>>
      %dma_start3A_89 = arith.constant 0 : i32
      %dma_start3A_90 = tpu.memref_slice %arg7[%run_scoped3A_22, %dma_start3A_89] : memref<2x128xi32, #tpu.memory_space<vmem>> -> memref<1x128xi32, #tpu.memory_space<vmem>>
      %dma_start3A_91 = tpu.memref_squeeze %dma_start3A_90 : memref<1x128xi32, #tpu.memory_space<vmem>> -> memref<128xi32, #tpu.memory_space<vmem>>
      %dma_start3A_92 = tpu.memref_slice %arg3[%multiple_of3A_21] : memref<327680xi32, #tpu.memory_space<hbm>> -> memref<128xi32, #tpu.memory_space<hbm>>
      tpu.enqueue_dma source(%dma_start3A_92 : memref<128xi32, #tpu.memory_space<hbm>>) target(%dma_start3A_91 : memref<128xi32, #tpu.memory_space<vmem>>) target_semaphore(%run_scoped3A_84 : memref<!tpu.dma_semaphore, #tpu.memory_space<semaphore_mem>>)
      %dma_wait3A_93 = arith.constant 0 : i32
      %dma_wait3A_94 = tpu.memref_slice %arg7[%run_scoped3A_22, %dma_wait3A_93] : memref<2x128xi32, #tpu.memory_space<vmem>> -> memref<1x128xi32, #tpu.memory_space<vmem>>
      %dma_wait3A_95 = tpu.memref_squeeze %dma_wait3A_94 : memref<1x128xi32, #tpu.memory_space<vmem>> -> memref<128xi32, #tpu.memory_space<vmem>>
      %dma_wait3A_96 = tpu.memref_slice %arg3[%multiple_of3A_21] : memref<327680xi32, #tpu.memory_space<hbm>> -> memref<128xi32, #tpu.memory_space<hbm>>
      %dma_wait3A_97 = arith.constant 0 : i32
      %dma_wait3A_98 = tpu.memref_slice %arg7[%run_scoped3A_22, %dma_wait3A_97] : memref<2x128xi32, #tpu.memory_space<vmem>> -> memref<1x128xi32, #tpu.memory_space<vmem>>
      %dma_wait3A_99 = tpu.memref_squeeze %dma_wait3A_98 : memref<1x128xi32, #tpu.memory_space<vmem>> -> memref<128xi32, #tpu.memory_space<vmem>>
      %dma_wait3A_100 = tpu.memref_slice %arg3[%multiple_of3A_21] : memref<327680xi32, #tpu.memory_space<hbm>> -> memref<128xi32, #tpu.memory_space<hbm>>
      tpu.wait_dma2 semaphore(%run_scoped3A_84 : memref<!tpu.dma_semaphore, #tpu.memory_space<semaphore_mem>>) src(%dma_wait3A_100 : memref<128xi32, #tpu.memory_space<hbm>>) dst(%dma_wait3A_99 : memref<128xi32, #tpu.memory_space<vmem>>)
      tpu.yield
    }) : () -> ()
    %run_scoped3A_23 = arith.constant 1 : i32
    "tpu.region"() ({
      %run_scoped3A_84 = tpu.sem_alloc : memref<!tpu.dma_semaphore, #tpu.memory_space<semaphore_mem>>
      %dma_start3A_85 = arith.constant 0 : i32
      %dma_start3A_86 = tpu.memref_slice %arg8[%run_scoped3A_23, %dma_start3A_85] : memref<2x128xi32, #tpu.memory_space<vmem>> -> memref<1x128xi32, #tpu.memory_space<vmem>>
      %dma_start3A_87 = tpu.memref_squeeze %dma_start3A_86 : memref<1x128xi32, #tpu.memory_space<vmem>> -> memref<128xi32, #tpu.memory_space<vmem>>
      %dma_start3A_88 = tpu.memref_slice %arg4[%multiple_of3A_21] : memref<327680xi32, #tpu.memory_space<hbm>> -> memref<128xi32, #tpu.memory_space<hbm>>
      %dma_start3A_89 = arith.constant 0 : i32
      %dma_start3A_90 = tpu.memref_slice %arg8[%run_scoped3A_23, %dma_start3A_89] : memref<2x128xi32, #tpu.memory_space<vmem>> -> memref<1x128xi32, #tpu.memory_space<vmem>>
      %dma_start3A_91 = tpu.memref_squeeze %dma_start3A_90 : memref<1x128xi32, #tpu.memory_space<vmem>> -> memref<128xi32, #tpu.memory_space<vmem>>
      %dma_start3A_92 = tpu.memref_slice %arg4[%multiple_of3A_21] : memref<327680xi32, #tpu.memory_space<hbm>> -> memref<128xi32, #tpu.memory_space<hbm>>
      tpu.enqueue_dma source(%dma_start3A_92 : memref<128xi32, #tpu.memory_space<hbm>>) target(%dma_start3A_91 : memref<128xi32, #tpu.memory_space<vmem>>) target_semaphore(%run_scoped3A_84 : memref<!tpu.dma_semaphore, #tpu.memory_space<semaphore_mem>>)
      %dma_wait3A_93 = arith.constant 0 : i32
      %dma_wait3A_94 = tpu.memref_slice %arg8[%run_scoped3A_23, %dma_wait3A_93] : memref<2x128xi32, #tpu.memory_space<vmem>> -> memref<1x128xi32, #tpu.memory_space<vmem>>
      %dma_wait3A_95 = tpu.memref_squeeze %dma_wait3A_94 : memref<1x128xi32, #tpu.memory_space<vmem>> -> memref<128xi32, #tpu.memory_space<vmem>>
      %dma_wait3A_96 = tpu.memref_slice %arg4[%multiple_of3A_21] : memref<327680xi32, #tpu.memory_space<hbm>> -> memref<128xi32, #tpu.memory_space<hbm>>
      %dma_wait3A_97 = arith.constant 0 : i32
      %dma_wait3A_98 = tpu.memref_slice %arg8[%run_scoped3A_23, %dma_wait3A_97] : memref<2x128xi32, #tpu.memory_space<vmem>> -> memref<1x128xi32, #tpu.memory_space<vmem>>
      %dma_wait3A_99 = tpu.memref_squeeze %dma_wait3A_98 : memref<1x128xi32, #tpu.memory_space<vmem>> -> memref<128xi32, #tpu.memory_space<vmem>>
      %dma_wait3A_100 = tpu.memref_slice %arg4[%multiple_of3A_21] : memref<327680xi32, #tpu.memory_space<hbm>> -> memref<128xi32, #tpu.memory_space<hbm>>
      tpu.wait_dma2 semaphore(%run_scoped3A_84 : memref<!tpu.dma_semaphore, #tpu.memory_space<semaphore_mem>>) src(%dma_wait3A_100 : memref<128xi32, #tpu.memory_space<hbm>>) dst(%dma_wait3A_99 : memref<128xi32, #tpu.memory_space<vmem>>)
      tpu.yield
    }) : () -> ()
    %dma_start3A_24 = arith.constant 1 : i32
    %dma_start3A_25 = arith.constant 1 : i32
    %dma_start3A_26 = arith.constant 0 : i32
    %dma_start3A_27 = arith.constant 0 : i32
    %dma_start3A_28 = tpu.memref_slice %arg9[%dma_start3A_25, %dma_start3A_26, %dma_start3A_27] : memref<2x128x128xf32, #tpu.memory_space<vmem>> -> memref<1x128x128xf32, #tpu.memory_space<vmem>>
    %dma_start3A_29 = tpu.memref_squeeze %dma_start3A_28 : memref<1x128x128xf32, #tpu.memory_space<vmem>> -> memref<128x128xf32, #tpu.memory_space<vmem>>
    %dma_start3A_30 = arith.constant 0 : i32
    %dma_start3A_31 = tpu.memref_slice %arg7[%dma_start3A_24, %dma_start3A_30] : memref<2x128xi32, #tpu.memory_space<vmem>> -> memref<1x128xi32, #tpu.memory_space<vmem>>
    %dma_start3A_32 = tpu.memref_squeeze %dma_start3A_31 : memref<1x128xi32, #tpu.memory_space<vmem>> -> memref<128xi32, #tpu.memory_space<vmem>>
    %dma_start3A_33 = arith.constant 0 : i32
    %dma_start3A_34 = arith.constant 0 : i32
    %dma_start3A_35 = tpu.memref_slice %arg2[%dma_start3A_33, %dma_start3A_34] : memref<10240x128xf32, #tpu.memory_space<hbm>> -> memref<10240x128xf32, #tpu.memory_space<hbm>>
    tpu.enqueue_indirect_dma source(%dma_start3A_35 : memref<10240x128xf32, #tpu.memory_space<hbm>>) target(%dma_start3A_29 : memref<128x128xf32, #tpu.memory_space<vmem>>) offsets(%dma_start3A_32 : memref<128xi32, #tpu.memory_space<vmem>>) semaphore(%arg12 : memref<!tpu.dma_semaphore, #tpu.memory_space<semaphore_mem>>)
    %mul3A_36 = arith.constant 640 : i32
    %mul3A_37 = arith.muli %arg1, %mul3A_36 : i32
    "tpu.region"() ({
      %run_scoped3A_84 = tpu.sem_alloc : memref<!tpu.dma_semaphore, #tpu.memory_space<semaphore_mem>>
      %dma_start3A_85 = arith.constant 0 : i32
      %dma_start3A_86 = tpu.memref_slice %arg10[%mul3A_37, %dma_start3A_85] : memref<10240x128xf32, #tpu.memory_space<vmem_shared>> -> memref<640x128xf32, #tpu.memory_space<vmem_shared>>
      tpu.enqueue_dma source(%arg5 : memref<640x128xf32, #tpu.memory_space<hbm>>) target(%dma_start3A_86 : memref<640x128xf32, #tpu.memory_space<vmem_shared>>) target_semaphore(%run_scoped3A_84 : memref<!tpu.dma_semaphore, #tpu.memory_space<semaphore_mem>>)
      %dma_wait3A_87 = arith.constant 0 : i32
      %dma_wait3A_88 = tpu.memref_slice %arg10[%mul3A_37, %dma_wait3A_87] : memref<10240x128xf32, #tpu.memory_space<vmem_shared>> -> memref<640x128xf32, #tpu.memory_space<vmem_shared>>
      tpu.wait_dma2 semaphore(%run_scoped3A_84 : memref<!tpu.dma_semaphore, #tpu.memory_space<semaphore_mem>>) src(%arg5 : memref<640x128xf32, #tpu.memory_space<hbm>>) dst(%dma_wait3A_88 : memref<640x128xf32, #tpu.memory_space<vmem_shared>>)
      tpu.yield
    }) : () -> ()
    %barrier3A = arith.constant 0 : index
    tpu.barrier barrier_id(%barrier3A)
    %scan3A = arith.constant 0 : i32
    %scan3A_38 = arith.constant 0 : i32
    %scan3A_39 = arith.constant 39 : i32
    %scan3A_40 = arith.addi %scan3A_38, %scan3A_39 : i32
    %scan3A_41 = arith.constant 1 : i32
    scf.for %scan3A_84 = %scan3A_38 to %scan3A_40 step %scan3A_41  : i32 {
      %mul3A_85 = arith.constant 2 : i32
      %mul3A_86 = arith.muli %scan3A_84, %mul3A_85 : i32
      %add3A_87 = arith.constant 0 : i32
      %add3A_88 = arith.addi %mul3A_86, %add3A_87 : i32
      %dma_wait3A_89 = arith.constant 0 : i32
      %dma_wait3A_90 = arith.constant 0 : i32
      %dma_wait3A_91 = arith.constant 0 : i32
      %dma_wait3A_92 = tpu.memref_slice %arg9[%dma_wait3A_89, %dma_wait3A_90, %dma_wait3A_91] : memref<2x128x128xf32, #tpu.memory_space<vmem>> -> memref<1x128x128xf32, #tpu.memory_space<vmem>>
      %dma_wait3A_93 = tpu.memref_squeeze %dma_wait3A_92 : memref<1x128x128xf32, #tpu.memory_space<vmem>> -> memref<128x128xf32, #tpu.memory_space<vmem>>
      %dma_wait3A_94 = arith.constant 0 : i32
      %dma_wait3A_95 = arith.constant 0 : i32
      %dma_wait3A_96 = tpu.memref_slice %arg2[%dma_wait3A_94, %dma_wait3A_95] : memref<10240x128xf32, #tpu.memory_space<hbm>> -> memref<128x128xf32, #tpu.memory_space<hbm>>
      %dma_wait3A_97 = arith.constant 0 : i32
      %dma_wait3A_98 = arith.constant 0 : i32
      %dma_wait3A_99 = tpu.memref_slice %arg9[%dma_wait3A_89, %dma_wait3A_97, %dma_wait3A_98] : memref<2x128x128xf32, #tpu.memory_space<vmem>> -> memref<1x128x128xf32, #tpu.memory_space<vmem>>
      %dma_wait3A_100 = tpu.memref_squeeze %dma_wait3A_99 : memref<1x128x128xf32, #tpu.memory_space<vmem>> -> memref<128x128xf32, #tpu.memory_space<vmem>>
      %dma_wait3A_101 = arith.constant 0 : i32
      %dma_wait3A_102 = arith.constant 0 : i32
      %dma_wait3A_103 = tpu.memref_slice %arg2[%dma_wait3A_101, %dma_wait3A_102] : memref<10240x128xf32, #tpu.memory_space<hbm>> -> memref<128x128xf32, #tpu.memory_space<hbm>>
      tpu.wait_dma2 semaphore(%arg11 : memref<!tpu.dma_semaphore, #tpu.memory_space<semaphore_mem>>) src(%dma_wait3A_103 : memref<128x128xf32, #tpu.memory_space<hbm>>) dst(%dma_wait3A_100 : memref<128x128xf32, #tpu.memory_space<vmem>>)
      %run_scoped3A_104 = arith.constant 0 : i32
      %run_scoped3A_105 = arith.constant 0 : i32
      "tpu.region"() ({
        %run_scoped3A_171 = tpu.sem_alloc : memref<!tpu.dma_semaphore, #tpu.memory_space<semaphore_mem>>
        %dma_start3A_172 = arith.constant 0 : i32
        %dma_start3A_173 = arith.constant 0 : i32
        %dma_start3A_174 = tpu.memref_slice %arg9[%run_scoped3A_104, %dma_start3A_172, %dma_start3A_173] : memref<2x128x128xf32, #tpu.memory_space<vmem>> -> memref<1x128x128xf32, #tpu.memory_space<vmem>>
        %dma_start3A_175 = tpu.memref_squeeze %dma_start3A_174 : memref<1x128x128xf32, #tpu.memory_space<vmem>> -> memref<128x128xf32, #tpu.memory_space<vmem>>
        %dma_start3A_176 = arith.constant 0 : i32
        %dma_start3A_177 = tpu.memref_slice %arg8[%run_scoped3A_105, %dma_start3A_176] : memref<2x128xi32, #tpu.memory_space<vmem>> -> memref<1x128xi32, #tpu.memory_space<vmem>>
        %dma_start3A_178 = tpu.memref_squeeze %dma_start3A_177 : memref<1x128xi32, #tpu.memory_space<vmem>> -> memref<128xi32, #tpu.memory_space<vmem>>
        %dma_start3A_179 = arith.constant 0 : i32
        %dma_start3A_180 = arith.constant 0 : i32
        %dma_start3A_181 = tpu.memref_slice %arg10[%dma_start3A_179, %dma_start3A_180] : memref<10240x128xf32, #tpu.memory_space<vmem_shared>> -> memref<10240x128xf32, #tpu.memory_space<vmem_shared>>
        tpu.enqueue_indirect_dma source(%dma_start3A_175 : memref<128x128xf32, #tpu.memory_space<vmem>>) target(%dma_start3A_181 : memref<10240x128xf32, #tpu.memory_space<vmem_shared>>) offsets(%dma_start3A_178 : memref<128xi32, #tpu.memory_space<vmem>>) semaphore(%run_scoped3A_171 : memref<!tpu.dma_semaphore, #tpu.memory_space<semaphore_mem>>) {add = true}
        %dma_wait3A_182 = arith.constant 0 : i32
        %dma_wait3A_183 = arith.constant 0 : i32
        %dma_wait3A_184 = tpu.memref_slice %arg9[%run_scoped3A_104, %dma_wait3A_182, %dma_wait3A_183] : memref<2x128x128xf32, #tpu.memory_space<vmem>> -> memref<1x128x128xf32, #tpu.memory_space<vmem>>
        %dma_wait3A_185 = tpu.memref_squeeze %dma_wait3A_184 : memref<1x128x128xf32, #tpu.memory_space<vmem>> -> memref<128x128xf32, #tpu.memory_space<vmem>>
        %dma_wait3A_186 = arith.constant 0 : i32
        %dma_wait3A_187 = tpu.memref_slice %arg8[%run_scoped3A_105, %dma_wait3A_186] : memref<2x128xi32, #tpu.memory_space<vmem>> -> memref<1x128xi32, #tpu.memory_space<vmem>>
        %dma_wait3A_188 = tpu.memref_squeeze %dma_wait3A_187 : memref<1x128xi32, #tpu.memory_space<vmem>> -> memref<128xi32, #tpu.memory_space<vmem>>
        %dma_wait3A_189 = arith.constant 0 : i32
        %dma_wait3A_190 = arith.constant 0 : i32
        %dma_wait3A_191 = tpu.memref_slice %arg10[%dma_wait3A_189, %dma_wait3A_190] : memref<10240x128xf32, #tpu.memory_space<vmem_shared>> -> memref<10240x128xf32, #tpu.memory_space<vmem_shared>>
        tpu.wait_indirect_dma semaphore(%run_scoped3A_171 : memref<!tpu.dma_semaphore, #tpu.memory_space<semaphore_mem>>) src(%dma_wait3A_185 : memref<128x128xf32, #tpu.memory_space<vmem>>) dst(%dma_wait3A_191 : memref<10240x128xf32, #tpu.memory_space<vmem_shared>>)
        tpu.yield
      }) : () -> ()
      %add3A_106 = arith.constant 2 : i32
      %add3A_107 = arith.addi %add3A_88, %add3A_106 : i32
      %mul3A_108 = arith.constant 10240 : i32
      %mul3A_109 = arith.muli %add3A, %mul3A_108 : i32
      %mul3A_110 = arith.constant 128 : i32
      %mul3A_111 = arith.muli %add3A_107, %mul3A_110 : i32
      %add3A_112 = arith.addi %mul3A_109, %mul3A_111 : i32
      %multiple_of3A_113 = tpu.assume_multiple %add3A_112, 128 : i32
      %run_scoped3A_114 = arith.constant 0 : i32
      "tpu.region"() ({
        %run_scoped3A_171 = tpu.sem_alloc : memref<!tpu.dma_semaphore, #tpu.memory_space<semaphore_mem>>
        %dma_start3A_172 = arith.constant 0 : i32
        %dma_start3A_173 = tpu.memref_slice %arg7[%run_scoped3A_114, %dma_start3A_172] : memref<2x128xi32, #tpu.memory_space<vmem>> -> memref<1x128xi32, #tpu.memory_space<vmem>>
        %dma_start3A_174 = tpu.memref_squeeze %dma_start3A_173 : memref<1x128xi32, #tpu.memory_space<vmem>> -> memref<128xi32, #tpu.memory_space<vmem>>
        %dma_start3A_175 = tpu.memref_slice %arg3[%multiple_of3A_113] : memref<327680xi32, #tpu.memory_space<hbm>> -> memref<128xi32, #tpu.memory_space<hbm>>
        %dma_start3A_176 = arith.constant 0 : i32
        %dma_start3A_177 = tpu.memref_slice %arg7[%run_scoped3A_114, %dma_start3A_176] : memref<2x128xi32, #tpu.memory_space<vmem>> -> memref<1x128xi32, #tpu.memory_space<vmem>>
        %dma_start3A_178 = tpu.memref_squeeze %dma_start3A_177 : memref<1x128xi32, #tpu.memory_space<vmem>> -> memref<128xi32, #tpu.memory_space<vmem>>
        %dma_start3A_179 = tpu.memref_slice %arg3[%multiple_of3A_113] : memref<327680xi32, #tpu.memory_space<hbm>> -> memref<128xi32, #tpu.memory_space<hbm>>
        tpu.enqueue_dma source(%dma_start3A_179 : memref<128xi32, #tpu.memory_space<hbm>>) target(%dma_start3A_178 : memref<128xi32, #tpu.memory_space<vmem>>) target_semaphore(%run_scoped3A_171 : memref<!tpu.dma_semaphore, #tpu.memory_space<semaphore_mem>>)
        %dma_wait3A_180 = arith.constant 0 : i32
        %dma_wait3A_181 = tpu.memref_slice %arg7[%run_scoped3A_114, %dma_wait3A_180] : memref<2x128xi32, #tpu.memory_space<vmem>> -> memref<1x128xi32, #tpu.memory_space<vmem>>
        %dma_wait3A_182 = tpu.memref_squeeze %dma_wait3A_181 : memref<1x128xi32, #tpu.memory_space<vmem>> -> memref<128xi32, #tpu.memory_space<vmem>>
        %dma_wait3A_183 = tpu.memref_slice %arg3[%multiple_of3A_113] : memref<327680xi32, #tpu.memory_space<hbm>> -> memref<128xi32, #tpu.memory_space<hbm>>
        %dma_wait3A_184 = arith.constant 0 : i32
        %dma_wait3A_185 = tpu.memref_slice %arg7[%run_scoped3A_114, %dma_wait3A_184] : memref<2x128xi32, #tpu.memory_space<vmem>> -> memref<1x128xi32, #tpu.memory_space<vmem>>
        %dma_wait3A_186 = tpu.memref_squeeze %dma_wait3A_185 : memref<1x128xi32, #tpu.memory_space<vmem>> -> memref<128xi32, #tpu.memory_space<vmem>>
        %dma_wait3A_187 = tpu.memref_slice %arg3[%multiple_of3A_113] : memref<327680xi32, #tpu.memory_space<hbm>> -> memref<128xi32, #tpu.memory_space<hbm>>
        tpu.wait_dma2 semaphore(%run_scoped3A_171 : memref<!tpu.dma_semaphore, #tpu.memory_space<semaphore_mem>>) src(%dma_wait3A_187 : memref<128xi32, #tpu.memory_space<hbm>>) dst(%dma_wait3A_186 : memref<128xi32, #tpu.memory_space<vmem>>)
        tpu.yield
      }) : () -> ()
      %run_scoped3A_115 = arith.constant 0 : i32
      "tpu.region"() ({
        %run_scoped3A_171 = tpu.sem_alloc : memref<!tpu.dma_semaphore, #tpu.memory_space<semaphore_mem>>
        %dma_start3A_172 = arith.constant 0 : i32
        %dma_start3A_173 = tpu.memref_slice %arg8[%run_scoped3A_115, %dma_start3A_172] : memref<2x128xi32, #tpu.memory_space<vmem>> -> memref<1x128xi32, #tpu.memory_space<vmem>>
        %dma_start3A_174 = tpu.memref_squeeze %dma_start3A_173 : memref<1x128xi32, #tpu.memory_space<vmem>> -> memref<128xi32, #tpu.memory_space<vmem>>
        %dma_start3A_175 = tpu.memref_slice %arg4[%multiple_of3A_113] : memref<327680xi32, #tpu.memory_space<hbm>> -> memref<128xi32, #tpu.memory_space<hbm>>
        %dma_start3A_176 = arith.constant 0 : i32
        %dma_start3A_177 = tpu.memref_slice %arg8[%run_scoped3A_115, %dma_start3A_176] : memref<2x128xi32, #tpu.memory_space<vmem>> -> memref<1x128xi32, #tpu.memory_space<vmem>>
        %dma_start3A_178 = tpu.memref_squeeze %dma_start3A_177 : memref<1x128xi32, #tpu.memory_space<vmem>> -> memref<128xi32, #tpu.memory_space<vmem>>
        %dma_start3A_179 = tpu.memref_slice %arg4[%multiple_of3A_113] : memref<327680xi32, #tpu.memory_space<hbm>> -> memref<128xi32, #tpu.memory_space<hbm>>
        tpu.enqueue_dma source(%dma_start3A_179 : memref<128xi32, #tpu.memory_space<hbm>>) target(%dma_start3A_178 : memref<128xi32, #tpu.memory_space<vmem>>) target_semaphore(%run_scoped3A_171 : memref<!tpu.dma_semaphore, #tpu.memory_space<semaphore_mem>>)
        %dma_wait3A_180 = arith.constant 0 : i32
        %dma_wait3A_181 = tpu.memref_slice %arg8[%run_scoped3A_115, %dma_wait3A_180] : memref<2x128xi32, #tpu.memory_space<vmem>> -> memref<1x128xi32, #tpu.memory_space<vmem>>
        %dma_wait3A_182 = tpu.memref_squeeze %dma_wait3A_181 : memref<1x128xi32, #tpu.memory_space<vmem>> -> memref<128xi32, #tpu.memory_space<vmem>>
        %dma_wait3A_183 = tpu.memref_slice %arg4[%multiple_of3A_113] : memref<327680xi32, #tpu.memory_space<hbm>> -> memref<128xi32, #tpu.memory_space<hbm>>
        %dma_wait3A_184 = arith.constant 0 : i32
        %dma_wait3A_185 = tpu.memref_slice %arg8[%run_scoped3A_115, %dma_wait3A_184] : memref<2x128xi32, #tpu.memory_space<vmem>> -> memref<1x128xi32, #tpu.memory_space<vmem>>
        %dma_wait3A_186 = tpu.memref_squeeze %dma_wait3A_185 : memref<1x128xi32, #tpu.memory_space<vmem>> -> memref<128xi32, #tpu.memory_space<vmem>>
        %dma_wait3A_187 = tpu.memref_slice %arg4[%multiple_of3A_113] : memref<327680xi32, #tpu.memory_space<hbm>> -> memref<128xi32, #tpu.memory_space<hbm>>
        tpu.wait_dma2 semaphore(%run_scoped3A_171 : memref<!tpu.dma_semaphore, #tpu.memory_space<semaphore_mem>>) src(%dma_wait3A_187 : memref<128xi32, #tpu.memory_space<hbm>>) dst(%dma_wait3A_186 : memref<128xi32, #tpu.memory_space<vmem>>)
        tpu.yield
      }) : () -> ()
      %dma_start3A_116 = arith.constant 0 : i32
      %dma_start3A_117 = arith.constant 0 : i32
      %dma_start3A_118 = arith.constant 0 : i32
      %dma_start3A_119 = arith.constant 0 : i32
      %dma_start3A_120 = tpu.memref_slice %arg9[%dma_start3A_117, %dma_start3A_118, %dma_start3A_119] : memref<2x128x128xf32, #tpu.memory_space<vmem>> -> memref<1x128x128xf32, #tpu.memory_space<vmem>>
      %dma_start3A_121 = tpu.memref_squeeze %dma_start3A_120 : memref<1x128x128xf32, #tpu.memory_space<vmem>> -> memref<128x128xf32, #tpu.memory_space<vmem>>
      %dma_start3A_122 = arith.constant 0 : i32
      %dma_start3A_123 = tpu.memref_slice %arg7[%dma_start3A_116, %dma_start3A_122] : memref<2x128xi32, #tpu.memory_space<vmem>> -> memref<1x128xi32, #tpu.memory_space<vmem>>
      %dma_start3A_124 = tpu.memref_squeeze %dma_start3A_123 : memref<1x128xi32, #tpu.memory_space<vmem>> -> memref<128xi32, #tpu.memory_space<vmem>>
      %dma_start3A_125 = arith.constant 0 : i32
      %dma_start3A_126 = arith.constant 0 : i32
      %dma_start3A_127 = tpu.memref_slice %arg2[%dma_start3A_125, %dma_start3A_126] : memref<10240x128xf32, #tpu.memory_space<hbm>> -> memref<10240x128xf32, #tpu.memory_space<hbm>>
      tpu.enqueue_indirect_dma source(%dma_start3A_127 : memref<10240x128xf32, #tpu.memory_space<hbm>>) target(%dma_start3A_121 : memref<128x128xf32, #tpu.memory_space<vmem>>) offsets(%dma_start3A_124 : memref<128xi32, #tpu.memory_space<vmem>>) semaphore(%arg11 : memref<!tpu.dma_semaphore, #tpu.memory_space<semaphore_mem>>)
      %mul3A_128 = arith.constant 2 : i32
      %mul3A_129 = arith.muli %scan3A_84, %mul3A_128 : i32
      %add3A_130 = arith.constant 1 : i32
      %add3A_131 = arith.addi %mul3A_129, %add3A_130 : i32
      %dma_wait3A_132 = arith.constant 1 : i32
      %dma_wait3A_133 = arith.constant 0 : i32
      %dma_wait3A_134 = arith.constant 0 : i32
      %dma_wait3A_135 = tpu.memref_slice %arg9[%dma_wait3A_132, %dma_wait3A_133, %dma_wait3A_134] : memref<2x128x128xf32, #tpu.memory_space<vmem>> -> memref<1x128x128xf32, #tpu.memory_space<vmem>>
      %dma_wait3A_136 = tpu.memref_squeeze %dma_wait3A_135 : memref<1x128x128xf32, #tpu.memory_space<vmem>> -> memref<128x128xf32, #tpu.memory_space<vmem>>
      %dma_wait3A_137 = arith.constant 0 : i32
      %dma_wait3A_138 = arith.constant 0 : i32
      %dma_wait3A_139 = tpu.memref_slice %arg2[%dma_wait3A_137, %dma_wait3A_138] : memref<10240x128xf32, #tpu.memory_space<hbm>> -> memref<128x128xf32, #tpu.memory_space<hbm>>
      %dma_wait3A_140 = arith.constant 0 : i32
      %dma_wait3A_141 = arith.constant 0 : i32
      %dma_wait3A_142 = tpu.memref_slice %arg9[%dma_wait3A_132, %dma_wait3A_140, %dma_wait3A_141] : memref<2x128x128xf32, #tpu.memory_space<vmem>> -> memref<1x128x128xf32, #tpu.memory_space<vmem>>
      %dma_wait3A_143 = tpu.memref_squeeze %dma_wait3A_142 : memref<1x128x128xf32, #tpu.memory_space<vmem>> -> memref<128x128xf32, #tpu.memory_space<vmem>>
      %dma_wait3A_144 = arith.constant 0 : i32
      %dma_wait3A_145 = arith.constant 0 : i32
      %dma_wait3A_146 = tpu.memref_slice %arg2[%dma_wait3A_144, %dma_wait3A_145] : memref<10240x128xf32, #tpu.memory_space<hbm>> -> memref<128x128xf32, #tpu.memory_space<hbm>>
      tpu.wait_dma2 semaphore(%arg12 : memref<!tpu.dma_semaphore, #tpu.memory_space<semaphore_mem>>) src(%dma_wait3A_146 : memref<128x128xf32, #tpu.memory_space<hbm>>) dst(%dma_wait3A_143 : memref<128x128xf32, #tpu.memory_space<vmem>>)
      %run_scoped3A_147 = arith.constant 1 : i32
      %run_scoped3A_148 = arith.constant 1 : i32
      "tpu.region"() ({
        %run_scoped3A_171 = tpu.sem_alloc : memref<!tpu.dma_semaphore, #tpu.memory_space<semaphore_mem>>
        %dma_start3A_172 = arith.constant 0 : i32
        %dma_start3A_173 = arith.constant 0 : i32
        %dma_start3A_174 = tpu.memref_slice %arg9[%run_scoped3A_147, %dma_start3A_172, %dma_start3A_173] : memref<2x128x128xf32, #tpu.memory_space<vmem>> -> memref<1x128x128xf32, #tpu.memory_space<vmem>>
        %dma_start3A_175 = tpu.memref_squeeze %dma_start3A_174 : memref<1x128x128xf32, #tpu.memory_space<vmem>> -> memref<128x128xf32, #tpu.memory_space<vmem>>
        %dma_start3A_176 = arith.constant 0 : i32
        %dma_start3A_177 = tpu.memref_slice %arg8[%run_scoped3A_148, %dma_start3A_176] : memref<2x128xi32, #tpu.memory_space<vmem>> -> memref<1x128xi32, #tpu.memory_space<vmem>>
        %dma_start3A_178 = tpu.memref_squeeze %dma_start3A_177 : memref<1x128xi32, #tpu.memory_space<vmem>> -> memref<128xi32, #tpu.memory_space<vmem>>
        %dma_start3A_179 = arith.constant 0 : i32
        %dma_start3A_180 = arith.constant 0 : i32
        %dma_start3A_181 = tpu.memref_slice %arg10[%dma_start3A_179, %dma_start3A_180] : memref<10240x128xf32, #tpu.memory_space<vmem_shared>> -> memref<10240x128xf32, #tpu.memory_space<vmem_shared>>
        tpu.enqueue_indirect_dma source(%dma_start3A_175 : memref<128x128xf32, #tpu.memory_space<vmem>>) target(%dma_start3A_181 : memref<10240x128xf32, #tpu.memory_space<vmem_shared>>) offsets(%dma_start3A_178 : memref<128xi32, #tpu.memory_space<vmem>>) semaphore(%run_scoped3A_171 : memref<!tpu.dma_semaphore, #tpu.memory_space<semaphore_mem>>) {add = true}
        %dma_wait3A_182 = arith.constant 0 : i32
        %dma_wait3A_183 = arith.constant 0 : i32
        %dma_wait3A_184 = tpu.memref_slice %arg9[%run_scoped3A_147, %dma_wait3A_182, %dma_wait3A_183] : memref<2x128x128xf32, #tpu.memory_space<vmem>> -> memref<1x128x128xf32, #tpu.memory_space<vmem>>
        %dma_wait3A_185 = tpu.memref_squeeze %dma_wait3A_184 : memref<1x128x128xf32, #tpu.memory_space<vmem>> -> memref<128x128xf32, #tpu.memory_space<vmem>>
        %dma_wait3A_186 = arith.constant 0 : i32
        %dma_wait3A_187 = tpu.memref_slice %arg8[%run_scoped3A_148, %dma_wait3A_186] : memref<2x128xi32, #tpu.memory_space<vmem>> -> memref<1x128xi32, #tpu.memory_space<vmem>>
        %dma_wait3A_188 = tpu.memref_squeeze %dma_wait3A_187 : memref<1x128xi32, #tpu.memory_space<vmem>> -> memref<128xi32, #tpu.memory_space<vmem>>
        %dma_wait3A_189 = arith.constant 0 : i32
        %dma_wait3A_190 = arith.constant 0 : i32
        %dma_wait3A_191 = tpu.memref_slice %arg10[%dma_wait3A_189, %dma_wait3A_190] : memref<10240x128xf32, #tpu.memory_space<vmem_shared>> -> memref<10240x128xf32, #tpu.memory_space<vmem_shared>>
        tpu.wait_indirect_dma semaphore(%run_scoped3A_171 : memref<!tpu.dma_semaphore, #tpu.memory_space<semaphore_mem>>) src(%dma_wait3A_185 : memref<128x128xf32, #tpu.memory_space<vmem>>) dst(%dma_wait3A_191 : memref<10240x128xf32, #tpu.memory_space<vmem_shared>>)
        tpu.yield
      }) : () -> ()
      %add3A_149 = arith.constant 2 : i32
      %add3A_150 = arith.addi %add3A_131, %add3A_149 : i32
      %mul3A_151 = arith.constant 10240 : i32
      %mul3A_152 = arith.muli %add3A, %mul3A_151 : i32
      %mul3A_153 = arith.constant 128 : i32
      %mul3A_154 = arith.muli %add3A_150, %mul3A_153 : i32
      %add3A_155 = arith.addi %mul3A_152, %mul3A_154 : i32
      %multiple_of3A_156 = tpu.assume_multiple %add3A_155, 128 : i32
      %run_scoped3A_157 = arith.constant 1 : i32
      "tpu.region"() ({
        %run_scoped3A_171 = tpu.sem_alloc : memref<!tpu.dma_semaphore, #tpu.memory_space<semaphore_mem>>
        %dma_start3A_172 = arith.constant 0 : i32
        %dma_start3A_173 = tpu.memref_slice %arg7[%run_scoped3A_157, %dma_start3A_172] : memref<2x128xi32, #tpu.memory_space<vmem>> -> memref<1x128xi32, #tpu.memory_space<vmem>>
        %dma_start3A_174 = tpu.memref_squeeze %dma_start3A_173 : memref<1x128xi32, #tpu.memory_space<vmem>> -> memref<128xi32, #tpu.memory_space<vmem>>
        %dma_start3A_175 = tpu.memref_slice %arg3[%multiple_of3A_156] : memref<327680xi32, #tpu.memory_space<hbm>> -> memref<128xi32, #tpu.memory_space<hbm>>
        %dma_start3A_176 = arith.constant 0 : i32
        %dma_start3A_177 = tpu.memref_slice %arg7[%run_scoped3A_157, %dma_start3A_176] : memref<2x128xi32, #tpu.memory_space<vmem>> -> memref<1x128xi32, #tpu.memory_space<vmem>>
        %dma_start3A_178 = tpu.memref_squeeze %dma_start3A_177 : memref<1x128xi32, #tpu.memory_space<vmem>> -> memref<128xi32, #tpu.memory_space<vmem>>
        %dma_start3A_179 = tpu.memref_slice %arg3[%multiple_of3A_156] : memref<327680xi32, #tpu.memory_space<hbm>> -> memref<128xi32, #tpu.memory_space<hbm>>
        tpu.enqueue_dma source(%dma_start3A_179 : memref<128xi32, #tpu.memory_space<hbm>>) target(%dma_start3A_178 : memref<128xi32, #tpu.memory_space<vmem>>) target_semaphore(%run_scoped3A_171 : memref<!tpu.dma_semaphore, #tpu.memory_space<semaphore_mem>>)
        %dma_wait3A_180 = arith.constant 0 : i32
        %dma_wait3A_181 = tpu.memref_slice %arg7[%run_scoped3A_157, %dma_wait3A_180] : memref<2x128xi32, #tpu.memory_space<vmem>> -> memref<1x128xi32, #tpu.memory_space<vmem>>
        %dma_wait3A_182 = tpu.memref_squeeze %dma_wait3A_181 : memref<1x128xi32, #tpu.memory_space<vmem>> -> memref<128xi32, #tpu.memory_space<vmem>>
        %dma_wait3A_183 = tpu.memref_slice %arg3[%multiple_of3A_156] : memref<327680xi32, #tpu.memory_space<hbm>> -> memref<128xi32, #tpu.memory_space<hbm>>
        %dma_wait3A_184 = arith.constant 0 : i32
        %dma_wait3A_185 = tpu.memref_slice %arg7[%run_scoped3A_157, %dma_wait3A_184] : memref<2x128xi32, #tpu.memory_space<vmem>> -> memref<1x128xi32, #tpu.memory_space<vmem>>
        %dma_wait3A_186 = tpu.memref_squeeze %dma_wait3A_185 : memref<1x128xi32, #tpu.memory_space<vmem>> -> memref<128xi32, #tpu.memory_space<vmem>>
        %dma_wait3A_187 = tpu.memref_slice %arg3[%multiple_of3A_156] : memref<327680xi32, #tpu.memory_space<hbm>> -> memref<128xi32, #tpu.memory_space<hbm>>
        tpu.wait_dma2 semaphore(%run_scoped3A_171 : memref<!tpu.dma_semaphore, #tpu.memory_space<semaphore_mem>>) src(%dma_wait3A_187 : memref<128xi32, #tpu.memory_space<hbm>>) dst(%dma_wait3A_186 : memref<128xi32, #tpu.memory_space<vmem>>)
        tpu.yield
      }) : () -> ()
      %run_scoped3A_158 = arith.constant 1 : i32
      "tpu.region"() ({
        %run_scoped3A_171 = tpu.sem_alloc : memref<!tpu.dma_semaphore, #tpu.memory_space<semaphore_mem>>
        %dma_start3A_172 = arith.constant 0 : i32
        %dma_start3A_173 = tpu.memref_slice %arg8[%run_scoped3A_158, %dma_start3A_172] : memref<2x128xi32, #tpu.memory_space<vmem>> -> memref<1x128xi32, #tpu.memory_space<vmem>>
        %dma_start3A_174 = tpu.memref_squeeze %dma_start3A_173 : memref<1x128xi32, #tpu.memory_space<vmem>> -> memref<128xi32, #tpu.memory_space<vmem>>
        %dma_start3A_175 = tpu.memref_slice %arg4[%multiple_of3A_156] : memref<327680xi32, #tpu.memory_space<hbm>> -> memref<128xi32, #tpu.memory_space<hbm>>
        %dma_start3A_176 = arith.constant 0 : i32
        %dma_start3A_177 = tpu.memref_slice %arg8[%run_scoped3A_158, %dma_start3A_176] : memref<2x128xi32, #tpu.memory_space<vmem>> -> memref<1x128xi32, #tpu.memory_space<vmem>>
        %dma_start3A_178 = tpu.memref_squeeze %dma_start3A_177 : memref<1x128xi32, #tpu.memory_space<vmem>> -> memref<128xi32, #tpu.memory_space<vmem>>
        %dma_start3A_179 = tpu.memref_slice %arg4[%multiple_of3A_156] : memref<327680xi32, #tpu.memory_space<hbm>> -> memref<128xi32, #tpu.memory_space<hbm>>
        tpu.enqueue_dma source(%dma_start3A_179 : memref<128xi32, #tpu.memory_space<hbm>>) target(%dma_start3A_178 : memref<128xi32, #tpu.memory_space<vmem>>) target_semaphore(%run_scoped3A_171 : memref<!tpu.dma_semaphore, #tpu.memory_space<semaphore_mem>>)
        %dma_wait3A_180 = arith.constant 0 : i32
        %dma_wait3A_181 = tpu.memref_slice %arg8[%run_scoped3A_158, %dma_wait3A_180] : memref<2x128xi32, #tpu.memory_space<vmem>> -> memref<1x128xi32, #tpu.memory_space<vmem>>
        %dma_wait3A_182 = tpu.memref_squeeze %dma_wait3A_181 : memref<1x128xi32, #tpu.memory_space<vmem>> -> memref<128xi32, #tpu.memory_space<vmem>>
        %dma_wait3A_183 = tpu.memref_slice %arg4[%multiple_of3A_156] : memref<327680xi32, #tpu.memory_space<hbm>> -> memref<128xi32, #tpu.memory_space<hbm>>
        %dma_wait3A_184 = arith.constant 0 : i32
        %dma_wait3A_185 = tpu.memref_slice %arg8[%run_scoped3A_158, %dma_wait3A_184] : memref<2x128xi32, #tpu.memory_space<vmem>> -> memref<1x128xi32, #tpu.memory_space<vmem>>
        %dma_wait3A_186 = tpu.memref_squeeze %dma_wait3A_185 : memref<1x128xi32, #tpu.memory_space<vmem>> -> memref<128xi32, #tpu.memory_space<vmem>>
        %dma_wait3A_187 = tpu.memref_slice %arg4[%multiple_of3A_156] : memref<327680xi32, #tpu.memory_space<hbm>> -> memref<128xi32, #tpu.memory_space<hbm>>
        tpu.wait_dma2 semaphore(%run_scoped3A_171 : memref<!tpu.dma_semaphore, #tpu.memory_space<semaphore_mem>>) src(%dma_wait3A_187 : memref<128xi32, #tpu.memory_space<hbm>>) dst(%dma_wait3A_186 : memref<128xi32, #tpu.memory_space<vmem>>)
        tpu.yield
      }) : () -> ()
      %dma_start3A_159 = arith.constant 1 : i32
      %dma_start3A_160 = arith.constant 1 : i32
      %dma_start3A_161 = arith.constant 0 : i32
      %dma_start3A_162 = arith.constant 0 : i32
      %dma_start3A_163 = tpu.memref_slice %arg9[%dma_start3A_160, %dma_start3A_161, %dma_start3A_162] : memref<2x128x128xf32, #tpu.memory_space<vmem>> -> memref<1x128x128xf32, #tpu.memory_space<vmem>>
      %dma_start3A_164 = tpu.memref_squeeze %dma_start3A_163 : memref<1x128x128xf32, #tpu.memory_space<vmem>> -> memref<128x128xf32, #tpu.memory_space<vmem>>
      %dma_start3A_165 = arith.constant 0 : i32
      %dma_start3A_166 = tpu.memref_slice %arg7[%dma_start3A_159, %dma_start3A_165] : memref<2x128xi32, #tpu.memory_space<vmem>> -> memref<1x128xi32, #tpu.memory_space<vmem>>
      %dma_start3A_167 = tpu.memref_squeeze %dma_start3A_166 : memref<1x128xi32, #tpu.memory_space<vmem>> -> memref<128xi32, #tpu.memory_space<vmem>>
      %dma_start3A_168 = arith.constant 0 : i32
      %dma_start3A_169 = arith.constant 0 : i32
      %dma_start3A_170 = tpu.memref_slice %arg2[%dma_start3A_168, %dma_start3A_169] : memref<10240x128xf32, #tpu.memory_space<hbm>> -> memref<10240x128xf32, #tpu.memory_space<hbm>>
      tpu.enqueue_indirect_dma source(%dma_start3A_170 : memref<10240x128xf32, #tpu.memory_space<hbm>>) target(%dma_start3A_164 : memref<128x128xf32, #tpu.memory_space<vmem>>) offsets(%dma_start3A_167 : memref<128xi32, #tpu.memory_space<vmem>>) semaphore(%arg12 : memref<!tpu.dma_semaphore, #tpu.memory_space<semaphore_mem>>)
    }
    %scan3A_42 = arith.constant 39 : i32
    %dma_wait3A = arith.constant 0 : i32
    %dma_wait3A_43 = arith.constant 0 : i32
    %dma_wait3A_44 = arith.constant 0 : i32
    %dma_wait3A_45 = tpu.memref_slice %arg9[%dma_wait3A, %dma_wait3A_43, %dma_wait3A_44] : memref<2x128x128xf32, #tpu.memory_space<vmem>> -> memref<1x128x128xf32, #tpu.memory_space<vmem>>
    %dma_wait3A_46 = tpu.memref_squeeze %dma_wait3A_45 : memref<1x128x128xf32, #tpu.memory_space<vmem>> -> memref<128x128xf32, #tpu.memory_space<vmem>>
    %dma_wait3A_47 = arith.constant 0 : i32
    %dma_wait3A_48 = arith.constant 0 : i32
    %dma_wait3A_49 = tpu.memref_slice %arg2[%dma_wait3A_47, %dma_wait3A_48] : memref<10240x128xf32, #tpu.memory_space<hbm>> -> memref<128x128xf32, #tpu.memory_space<hbm>>
    %dma_wait3A_50 = arith.constant 0 : i32
    %dma_wait3A_51 = arith.constant 0 : i32
    %dma_wait3A_52 = tpu.memref_slice %arg9[%dma_wait3A, %dma_wait3A_50, %dma_wait3A_51] : memref<2x128x128xf32, #tpu.memory_space<vmem>> -> memref<1x128x128xf32, #tpu.memory_space<vmem>>
    %dma_wait3A_53 = tpu.memref_squeeze %dma_wait3A_52 : memref<1x128x128xf32, #tpu.memory_space<vmem>> -> memref<128x128xf32, #tpu.memory_space<vmem>>
    %dma_wait3A_54 = arith.constant 0 : i32
    %dma_wait3A_55 = arith.constant 0 : i32
    %dma_wait3A_56 = tpu.memref_slice %arg2[%dma_wait3A_54, %dma_wait3A_55] : memref<10240x128xf32, #tpu.memory_space<hbm>> -> memref<128x128xf32, #tpu.memory_space<hbm>>
    tpu.wait_dma2 semaphore(%arg11 : memref<!tpu.dma_semaphore, #tpu.memory_space<semaphore_mem>>) src(%dma_wait3A_56 : memref<128x128xf32, #tpu.memory_space<hbm>>) dst(%dma_wait3A_53 : memref<128x128xf32, #tpu.memory_space<vmem>>)
    %run_scoped3A_57 = arith.constant 0 : i32
    %run_scoped3A_58 = arith.constant 0 : i32
    "tpu.region"() ({
      %run_scoped3A_84 = tpu.sem_alloc : memref<!tpu.dma_semaphore, #tpu.memory_space<semaphore_mem>>
      %dma_start3A_85 = arith.constant 0 : i32
      %dma_start3A_86 = arith.constant 0 : i32
      %dma_start3A_87 = tpu.memref_slice %arg9[%run_scoped3A_57, %dma_start3A_85, %dma_start3A_86] : memref<2x128x128xf32, #tpu.memory_space<vmem>> -> memref<1x128x128xf32, #tpu.memory_space<vmem>>
      %dma_start3A_88 = tpu.memref_squeeze %dma_start3A_87 : memref<1x128x128xf32, #tpu.memory_space<vmem>> -> memref<128x128xf32, #tpu.memory_space<vmem>>
      %dma_start3A_89 = arith.constant 0 : i32
      %dma_start3A_90 = tpu.memref_slice %arg8[%run_scoped3A_58, %dma_start3A_89] : memref<2x128xi32, #tpu.memory_space<vmem>> -> memref<1x128xi32, #tpu.memory_space<vmem>>
      %dma_start3A_91 = tpu.memref_squeeze %dma_start3A_90 : memref<1x128xi32, #tpu.memory_space<vmem>> -> memref<128xi32, #tpu.memory_space<vmem>>
      %dma_start3A_92 = arith.constant 0 : i32
      %dma_start3A_93 = arith.constant 0 : i32
      %dma_start3A_94 = tpu.memref_slice %arg10[%dma_start3A_92, %dma_start3A_93] : memref<10240x128xf32, #tpu.memory_space<vmem_shared>> -> memref<10240x128xf32, #tpu.memory_space<vmem_shared>>
      tpu.enqueue_indirect_dma source(%dma_start3A_88 : memref<128x128xf32, #tpu.memory_space<vmem>>) target(%dma_start3A_94 : memref<10240x128xf32, #tpu.memory_space<vmem_shared>>) offsets(%dma_start3A_91 : memref<128xi32, #tpu.memory_space<vmem>>) semaphore(%run_scoped3A_84 : memref<!tpu.dma_semaphore, #tpu.memory_space<semaphore_mem>>) {add = true}
      %dma_wait3A_95 = arith.constant 0 : i32
      %dma_wait3A_96 = arith.constant 0 : i32
      %dma_wait3A_97 = tpu.memref_slice %arg9[%run_scoped3A_57, %dma_wait3A_95, %dma_wait3A_96] : memref<2x128x128xf32, #tpu.memory_space<vmem>> -> memref<1x128x128xf32, #tpu.memory_space<vmem>>
      %dma_wait3A_98 = tpu.memref_squeeze %dma_wait3A_97 : memref<1x128x128xf32, #tpu.memory_space<vmem>> -> memref<128x128xf32, #tpu.memory_space<vmem>>
      %dma_wait3A_99 = arith.constant 0 : i32
      %dma_wait3A_100 = tpu.memref_slice %arg8[%run_scoped3A_58, %dma_wait3A_99] : memref<2x128xi32, #tpu.memory_space<vmem>> -> memref<1x128xi32, #tpu.memory_space<vmem>>
      %dma_wait3A_101 = tpu.memref_squeeze %dma_wait3A_100 : memref<1x128xi32, #tpu.memory_space<vmem>> -> memref<128xi32, #tpu.memory_space<vmem>>
      %dma_wait3A_102 = arith.constant 0 : i32
      %dma_wait3A_103 = arith.constant 0 : i32
      %dma_wait3A_104 = tpu.memref_slice %arg10[%dma_wait3A_102, %dma_wait3A_103] : memref<10240x128xf32, #tpu.memory_space<vmem_shared>> -> memref<10240x128xf32, #tpu.memory_space<vmem_shared>>
      tpu.wait_indirect_dma semaphore(%run_scoped3A_84 : memref<!tpu.dma_semaphore, #tpu.memory_space<semaphore_mem>>) src(%dma_wait3A_98 : memref<128x128xf32, #tpu.memory_space<vmem>>) dst(%dma_wait3A_104 : memref<10240x128xf32, #tpu.memory_space<vmem_shared>>)
      tpu.yield
    }) : () -> ()
    %dma_wait3A_59 = arith.constant 1 : i32
    %dma_wait3A_60 = arith.constant 0 : i32
    %dma_wait3A_61 = arith.constant 0 : i32
    %dma_wait3A_62 = tpu.memref_slice %arg9[%dma_wait3A_59, %dma_wait3A_60, %dma_wait3A_61] : memref<2x128x128xf32, #tpu.memory_space<vmem>> -> memref<1x128x128xf32, #tpu.memory_space<vmem>>
    %dma_wait3A_63 = tpu.memref_squeeze %dma_wait3A_62 : memref<1x128x128xf32, #tpu.memory_space<vmem>> -> memref<128x128xf32, #tpu.memory_space<vmem>>
    %dma_wait3A_64 = arith.constant 0 : i32
    %dma_wait3A_65 = arith.constant 0 : i32
    %dma_wait3A_66 = tpu.memref_slice %arg2[%dma_wait3A_64, %dma_wait3A_65] : memref<10240x128xf32, #tpu.memory_space<hbm>> -> memref<128x128xf32, #tpu.memory_space<hbm>>
    %dma_wait3A_67 = arith.constant 0 : i32
    %dma_wait3A_68 = arith.constant 0 : i32
    %dma_wait3A_69 = tpu.memref_slice %arg9[%dma_wait3A_59, %dma_wait3A_67, %dma_wait3A_68] : memref<2x128x128xf32, #tpu.memory_space<vmem>> -> memref<1x128x128xf32, #tpu.memory_space<vmem>>
    %dma_wait3A_70 = tpu.memref_squeeze %dma_wait3A_69 : memref<1x128x128xf32, #tpu.memory_space<vmem>> -> memref<128x128xf32, #tpu.memory_space<vmem>>
    %dma_wait3A_71 = arith.constant 0 : i32
    %dma_wait3A_72 = arith.constant 0 : i32
    %dma_wait3A_73 = tpu.memref_slice %arg2[%dma_wait3A_71, %dma_wait3A_72] : memref<10240x128xf32, #tpu.memory_space<hbm>> -> memref<128x128xf32, #tpu.memory_space<hbm>>
    tpu.wait_dma2 semaphore(%arg12 : memref<!tpu.dma_semaphore, #tpu.memory_space<semaphore_mem>>) src(%dma_wait3A_73 : memref<128x128xf32, #tpu.memory_space<hbm>>) dst(%dma_wait3A_70 : memref<128x128xf32, #tpu.memory_space<vmem>>)
    %run_scoped3A_74 = arith.constant 1 : i32
    %run_scoped3A_75 = arith.constant 1 : i32
    "tpu.region"() ({
      %run_scoped3A_84 = tpu.sem_alloc : memref<!tpu.dma_semaphore, #tpu.memory_space<semaphore_mem>>
      %dma_start3A_85 = arith.constant 0 : i32
      %dma_start3A_86 = arith.constant 0 : i32
      %dma_start3A_87 = tpu.memref_slice %arg9[%run_scoped3A_74, %dma_start3A_85, %dma_start3A_86] : memref<2x128x128xf32, #tpu.memory_space<vmem>> -> memref<1x128x128xf32, #tpu.memory_space<vmem>>
      %dma_start3A_88 = tpu.memref_squeeze %dma_start3A_87 : memref<1x128x128xf32, #tpu.memory_space<vmem>> -> memref<128x128xf32, #tpu.memory_space<vmem>>
      %dma_start3A_89 = arith.constant 0 : i32
      %dma_start3A_90 = tpu.memref_slice %arg8[%run_scoped3A_75, %dma_start3A_89] : memref<2x128xi32, #tpu.memory_space<vmem>> -> memref<1x128xi32, #tpu.memory_space<vmem>>
      %dma_start3A_91 = tpu.memref_squeeze %dma_start3A_90 : memref<1x128xi32, #tpu.memory_space<vmem>> -> memref<128xi32, #tpu.memory_space<vmem>>
      %dma_start3A_92 = arith.constant 0 : i32
      %dma_start3A_93 = arith.constant 0 : i32
      %dma_start3A_94 = tpu.memref_slice %arg10[%dma_start3A_92, %dma_start3A_93] : memref<10240x128xf32, #tpu.memory_space<vmem_shared>> -> memref<10240x128xf32, #tpu.memory_space<vmem_shared>>
      tpu.enqueue_indirect_dma source(%dma_start3A_88 : memref<128x128xf32, #tpu.memory_space<vmem>>) target(%dma_start3A_94 : memref<10240x128xf32, #tpu.memory_space<vmem_shared>>) offsets(%dma_start3A_91 : memref<128xi32, #tpu.memory_space<vmem>>) semaphore(%run_scoped3A_84 : memref<!tpu.dma_semaphore, #tpu.memory_space<semaphore_mem>>) {add = true}
      %dma_wait3A_95 = arith.constant 0 : i32
      %dma_wait3A_96 = arith.constant 0 : i32
      %dma_wait3A_97 = tpu.memref_slice %arg9[%run_scoped3A_74, %dma_wait3A_95, %dma_wait3A_96] : memref<2x128x128xf32, #tpu.memory_space<vmem>> -> memref<1x128x128xf32, #tpu.memory_space<vmem>>
      %dma_wait3A_98 = tpu.memref_squeeze %dma_wait3A_97 : memref<1x128x128xf32, #tpu.memory_space<vmem>> -> memref<128x128xf32, #tpu.memory_space<vmem>>
      %dma_wait3A_99 = arith.constant 0 : i32
      %dma_wait3A_100 = tpu.memref_slice %arg8[%run_scoped3A_75, %dma_wait3A_99] : memref<2x128xi32, #tpu.memory_space<vmem>> -> memref<1x128xi32, #tpu.memory_space<vmem>>
      %dma_wait3A_101 = tpu.memref_squeeze %dma_wait3A_100 : memref<1x128xi32, #tpu.memory_space<vmem>> -> memref<128xi32, #tpu.memory_space<vmem>>
      %dma_wait3A_102 = arith.constant 0 : i32
      %dma_wait3A_103 = arith.constant 0 : i32
      %dma_wait3A_104 = tpu.memref_slice %arg10[%dma_wait3A_102, %dma_wait3A_103] : memref<10240x128xf32, #tpu.memory_space<vmem_shared>> -> memref<10240x128xf32, #tpu.memory_space<vmem_shared>>
      tpu.wait_indirect_dma semaphore(%run_scoped3A_84 : memref<!tpu.dma_semaphore, #tpu.memory_space<semaphore_mem>>) src(%dma_wait3A_98 : memref<128x128xf32, #tpu.memory_space<vmem>>) dst(%dma_wait3A_104 : memref<10240x128xf32, #tpu.memory_space<vmem_shared>>)
      tpu.yield
    }) : () -> ()
    %barrier3A_76 = arith.constant 0 : index
    tpu.barrier barrier_id(%barrier3A_76)
    %mul3A_77 = arith.constant 640 : i32
    %mul3A_78 = arith.muli %arg1, %mul3A_77 : i32
    %mul3A_79 = arith.constant 10240 : i32
    %mul3A_80 = arith.muli %arg0, %mul3A_79 : i32
    %mul3A_81 = arith.constant 640 : i32
    %mul3A_82 = arith.muli %arg1, %mul3A_81 : i32
    %add3A_83 = arith.addi %mul3A_80, %mul3A_82 : i32
    "tpu.region"() ({
      %run_scoped3A_84 = tpu.sem_alloc : memref<!tpu.dma_semaphore, #tpu.memory_space<semaphore_mem>>
      %dma_start3A_85 = arith.constant 0 : i32
      %dma_start3A_86 = tpu.memref_slice %arg6[%add3A_83, %dma_start3A_85] : memref<20480x128xf32, #tpu.memory_space<hbm>> -> memref<640x128xf32, #tpu.memory_space<hbm>>
      %dma_start3A_87 = arith.constant 0 : i32
      %dma_start3A_88 = tpu.memref_slice %arg10[%mul3A_78, %dma_start3A_87] : memref<10240x128xf32, #tpu.memory_space<vmem_shared>> -> memref<640x128xf32, #tpu.memory_space<vmem_shared>>
      tpu.enqueue_dma source(%dma_start3A_88 : memref<640x128xf32, #tpu.memory_space<vmem_shared>>) target(%dma_start3A_86 : memref<640x128xf32, #tpu.memory_space<hbm>>) target_semaphore(%run_scoped3A_84 : memref<!tpu.dma_semaphore, #tpu.memory_space<semaphore_mem>>)
      %dma_wait3A_89 = arith.constant 0 : i32
      %dma_wait3A_90 = tpu.memref_slice %arg6[%add3A_83, %dma_wait3A_89] : memref<20480x128xf32, #tpu.memory_space<hbm>> -> memref<640x128xf32, #tpu.memory_space<hbm>>
      %dma_wait3A_91 = arith.constant 0 : i32
      %dma_wait3A_92 = tpu.memref_slice %arg10[%mul3A_78, %dma_wait3A_91] : memref<10240x128xf32, #tpu.memory_space<vmem_shared>> -> memref<640x128xf32, #tpu.memory_space<vmem_shared>>
      tpu.wait_dma2 semaphore(%run_scoped3A_84 : memref<!tpu.dma_semaphore, #tpu.memory_space<semaphore_mem>>) src(%dma_wait3A_92 : memref<640x128xf32, #tpu.memory_space<vmem_shared>>) dst(%dma_wait3A_90 : memref<640x128xf32, #tpu.memory_space<hbm>>)
      tpu.yield
    }) : () -> ()
    return
  }
}

#map = affine_map<(d0, d1) -> (0)>
#map1 = affine_map<(d0, d1) -> (0, 0)>
module attributes {stable_mosaic.version = 14 : i64} {
  func.func @k(%arg0: i32, %arg1: i32, %arg2: memref<10240xf32, #tpu.memory_space<hbm>>, %arg3: memref<327680xi32, #tpu.memory_space<hbm>>, %arg4: memref<327680xi32, #tpu.memory_space<hbm>>, %arg5: memref<10240xf32, #tpu.memory_space<hbm>>, %arg6: memref<32x10240xf32, #tpu.memory_space<hbm>>, %arg7: memref<10240xf32, #tpu.memory_space<vmem>>, %arg8: memref<10240xf32, #tpu.memory_space<vmem>>, %arg9: memref<10240xi32, #tpu.memory_space<vmem>>, %arg10: memref<10240xi32, #tpu.memory_space<vmem>>) attributes {dimension_semantics = [#tpu.dimension_semantics<core_parallel>, #tpu.dimension_semantics<subcore_parallel>], iteration_bounds = array<i64: 2, 16>, scalar_prefetch = 0 : i64, scratch_operands = 4 : i64, tpu.core_type = #tpu.core_type<sc_vector_subcore>, window_params = [{transform_indices = #map}, {transform_indices = #map}, {transform_indices = #map}, {transform_indices = #map}, {transform_indices = #map1}]} {
    %mul3A = arith.constant 16 : i32
    %mul3A_0 = arith.muli %arg0, %mul3A : i32
    %add3A = arith.addi %mul3A_0, %arg1 : i32
    %mul3A_1 = arith.constant 10240 : i32
    %mul3A_2 = arith.muli %add3A, %mul3A_1 : i32
    %multiple_of3A = tpu.assume_multiple %mul3A_2, 128 : i32
    "tpu.region"() ({
      %run_scoped3A = tpu.sem_alloc : memref<!tpu.dma_semaphore, #tpu.memory_space<semaphore_mem>>
      tpu.enqueue_dma source(%arg2 : memref<10240xf32, #tpu.memory_space<hbm>>) target(%arg7 : memref<10240xf32, #tpu.memory_space<vmem>>) target_semaphore(%run_scoped3A : memref<!tpu.dma_semaphore, #tpu.memory_space<semaphore_mem>>)
      tpu.wait_dma2 semaphore(%run_scoped3A : memref<!tpu.dma_semaphore, #tpu.memory_space<semaphore_mem>>) src(%arg2 : memref<10240xf32, #tpu.memory_space<hbm>>) dst(%arg7 : memref<10240xf32, #tpu.memory_space<vmem>>)
      tpu.yield
    }) : () -> ()
    "tpu.region"() ({
      %run_scoped3A = tpu.sem_alloc : memref<!tpu.dma_semaphore, #tpu.memory_space<semaphore_mem>>
      %dma_start3A = tpu.memref_slice %arg3[%multiple_of3A] : memref<327680xi32, #tpu.memory_space<hbm>> -> memref<10240xi32, #tpu.memory_space<hbm>>
      %dma_start3A_8 = tpu.memref_slice %arg3[%multiple_of3A] : memref<327680xi32, #tpu.memory_space<hbm>> -> memref<10240xi32, #tpu.memory_space<hbm>>
      tpu.enqueue_dma source(%dma_start3A_8 : memref<10240xi32, #tpu.memory_space<hbm>>) target(%arg9 : memref<10240xi32, #tpu.memory_space<vmem>>) target_semaphore(%run_scoped3A : memref<!tpu.dma_semaphore, #tpu.memory_space<semaphore_mem>>)
      %dma_wait3A = tpu.memref_slice %arg3[%multiple_of3A] : memref<327680xi32, #tpu.memory_space<hbm>> -> memref<10240xi32, #tpu.memory_space<hbm>>
      %dma_wait3A_9 = tpu.memref_slice %arg3[%multiple_of3A] : memref<327680xi32, #tpu.memory_space<hbm>> -> memref<10240xi32, #tpu.memory_space<hbm>>
      tpu.wait_dma2 semaphore(%run_scoped3A : memref<!tpu.dma_semaphore, #tpu.memory_space<semaphore_mem>>) src(%dma_wait3A_9 : memref<10240xi32, #tpu.memory_space<hbm>>) dst(%arg9 : memref<10240xi32, #tpu.memory_space<vmem>>)
      tpu.yield
    }) : () -> ()
    "tpu.region"() ({
      %run_scoped3A = tpu.sem_alloc : memref<!tpu.dma_semaphore, #tpu.memory_space<semaphore_mem>>
      %dma_start3A = tpu.memref_slice %arg4[%multiple_of3A] : memref<327680xi32, #tpu.memory_space<hbm>> -> memref<10240xi32, #tpu.memory_space<hbm>>
      %dma_start3A_8 = tpu.memref_slice %arg4[%multiple_of3A] : memref<327680xi32, #tpu.memory_space<hbm>> -> memref<10240xi32, #tpu.memory_space<hbm>>
      tpu.enqueue_dma source(%dma_start3A_8 : memref<10240xi32, #tpu.memory_space<hbm>>) target(%arg10 : memref<10240xi32, #tpu.memory_space<vmem>>) target_semaphore(%run_scoped3A : memref<!tpu.dma_semaphore, #tpu.memory_space<semaphore_mem>>)
      %dma_wait3A = tpu.memref_slice %arg4[%multiple_of3A] : memref<327680xi32, #tpu.memory_space<hbm>> -> memref<10240xi32, #tpu.memory_space<hbm>>
      %dma_wait3A_9 = tpu.memref_slice %arg4[%multiple_of3A] : memref<327680xi32, #tpu.memory_space<hbm>> -> memref<10240xi32, #tpu.memory_space<hbm>>
      tpu.wait_dma2 semaphore(%run_scoped3A : memref<!tpu.dma_semaphore, #tpu.memory_space<semaphore_mem>>) src(%dma_wait3A_9 : memref<10240xi32, #tpu.memory_space<hbm>>) dst(%arg10 : memref<10240xi32, #tpu.memory_space<vmem>>)
      tpu.yield
    }) : () -> ()
    "tpu.region"() ({
      %run_scoped3A = tpu.sem_alloc : memref<!tpu.dma_semaphore, #tpu.memory_space<semaphore_mem>>
      tpu.enqueue_dma source(%arg5 : memref<10240xf32, #tpu.memory_space<hbm>>) target(%arg8 : memref<10240xf32, #tpu.memory_space<vmem>>) target_semaphore(%run_scoped3A : memref<!tpu.dma_semaphore, #tpu.memory_space<semaphore_mem>>)
      tpu.wait_dma2 semaphore(%run_scoped3A : memref<!tpu.dma_semaphore, #tpu.memory_space<semaphore_mem>>) src(%arg5 : memref<10240xf32, #tpu.memory_space<hbm>>) dst(%arg8 : memref<10240xf32, #tpu.memory_space<vmem>>)
      tpu.yield
    }) : () -> ()
    %scan3A = arith.constant 0 : i32
    %scan3A_3 = arith.constant 0 : i32
    %scan3A_4 = arith.constant 640 : i32
    %scan3A_5 = arith.addi %scan3A_3, %scan3A_4 : i32
    %scan3A_6 = arith.constant 1 : i32
    scf.for %scan3A_8 = %scan3A_3 to %scan3A_5 step %scan3A_6  : i32 {
      %mul3A_9 = arith.constant 16 : i32
      %mul3A_10 = arith.muli %scan3A_8, %mul3A_9 : i32
      %get3A = arith.index_cast %mul3A_10 : i32 to index
      %get3A_11 = tpu.vector_load %arg9[%get3A] {strides = array<i32>} : memref<10240xi32, #tpu.memory_space<vmem>>, vector<16xi32>,
      %mul3A_12 = arith.constant 16 : i32
      %mul3A_13 = arith.muli %scan3A_8, %mul3A_12 : i32
      %get3A_14 = arith.index_cast %mul3A_13 : i32 to index
      %get3A_15 = tpu.vector_load %arg10[%get3A_14] {strides = array<i32>} : memref<10240xi32, #tpu.memory_space<vmem>>, vector<16xi32>,
      %gather3A = tpu.vector_load_idx %arg7[%get3A_11] : memref<10240xf32, #tpu.memory_space<vmem>>[vector<16xi32>], vector<16xf32>,
      tpu.vector_store_idx %arg8[%get3A_15], %gather3A {add = true} : memref<10240xf32, #tpu.memory_space<vmem>>[vector<16xi32>], vector<16xf32>,
    }
    %scan3A_7 = arith.constant 640 : i32
    "tpu.region"() ({
      %run_scoped3A = tpu.sem_alloc : memref<!tpu.dma_semaphore, #tpu.memory_space<semaphore_mem>>
      %dma_start3A = arith.constant 0 : i32
      %dma_start3A_8 = tpu.memref_slice %arg6[%add3A, %dma_start3A] : memref<32x10240xf32, #tpu.memory_space<hbm>> -> memref<1x10240xf32, #tpu.memory_space<hbm>>
      %dma_start3A_9 = tpu.memref_squeeze %dma_start3A_8 : memref<1x10240xf32, #tpu.memory_space<hbm>> -> memref<10240xf32, #tpu.memory_space<hbm>>
      %dma_start3A_10 = arith.constant 0 : i32
      %dma_start3A_11 = tpu.memref_slice %arg6[%add3A, %dma_start3A_10] : memref<32x10240xf32, #tpu.memory_space<hbm>> -> memref<1x10240xf32, #tpu.memory_space<hbm>>
      %dma_start3A_12 = tpu.memref_squeeze %dma_start3A_11 : memref<1x10240xf32, #tpu.memory_space<hbm>> -> memref<10240xf32, #tpu.memory_space<hbm>>
      tpu.enqueue_dma source(%arg8 : memref<10240xf32, #tpu.memory_space<vmem>>) target(%dma_start3A_12 : memref<10240xf32, #tpu.memory_space<hbm>>) target_semaphore(%run_scoped3A : memref<!tpu.dma_semaphore, #tpu.memory_space<semaphore_mem>>)
      %dma_wait3A = arith.constant 0 : i32
      %dma_wait3A_13 = tpu.memref_slice %arg6[%add3A, %dma_wait3A] : memref<32x10240xf32, #tpu.memory_space<hbm>> -> memref<1x10240xf32, #tpu.memory_space<hbm>>
      %dma_wait3A_14 = tpu.memref_squeeze %dma_wait3A_13 : memref<1x10240xf32, #tpu.memory_space<hbm>> -> memref<10240xf32, #tpu.memory_space<hbm>>
      %dma_wait3A_15 = arith.constant 0 : i32
      %dma_wait3A_16 = tpu.memref_slice %arg6[%add3A, %dma_wait3A_15] : memref<32x10240xf32, #tpu.memory_space<hbm>> -> memref<1x10240xf32, #tpu.memory_space<hbm>>
      %dma_wait3A_17 = tpu.memref_squeeze %dma_wait3A_16 : memref<1x10240xf32, #tpu.memory_space<hbm>> -> memref<10240xf32, #tpu.memory_space<hbm>>
      tpu.wait_dma2 semaphore(%run_scoped3A : memref<!tpu.dma_semaphore, #tpu.memory_space<semaphore_mem>>) src(%arg8 : memref<10240xf32, #tpu.memory_space<vmem>>) dst(%dma_wait3A_17 : memref<10240xf32, #tpu.memory_space<hbm>>)
      tpu.yield
    }) : () -> ()
    return
  }
}

#map = affine_map<(d0, d1) -> (0)>
#map1 = affine_map<(d0, d1) -> (0, 0)>
module attributes {stable_mosaic.version = 14 : i64} {
  func.func @k(%arg0: i32, %arg1: i32, %arg2: memref<10240xf32, #tpu.memory_space<hbm>>, %arg3: memref<327680xi32, #tpu.memory_space<hbm>>, %arg4: memref<327680xi32, #tpu.memory_space<hbm>>, %arg5: memref<10240xf32, #tpu.memory_space<hbm>>, %arg6: memref<32x10240xf32, #tpu.memory_space<hbm>>, %arg7: memref<10240xf32, #tpu.memory_space<vmem>>, %arg8: memref<10240xf32, #tpu.memory_space<vmem>>, %arg9: memref<10240xi32, #tpu.memory_space<vmem>>, %arg10: memref<10240xi32, #tpu.memory_space<vmem>>) attributes {dimension_semantics = [#tpu.dimension_semantics<core_parallel>, #tpu.dimension_semantics<subcore_parallel>], iteration_bounds = array<i64: 2, 16>, scalar_prefetch = 0 : i64, scratch_operands = 4 : i64, tpu.core_type = #tpu.core_type<sc_vector_subcore>, window_params = [{transform_indices = #map}, {transform_indices = #map}, {transform_indices = #map}, {transform_indices = #map}, {transform_indices = #map1}]} {
    %mul3A = arith.constant 16 : i32
    %mul3A_0 = arith.muli %arg0, %mul3A : i32
    %add3A = arith.addi %mul3A_0, %arg1 : i32
    %mul3A_1 = arith.constant 10240 : i32
    %mul3A_2 = arith.muli %add3A, %mul3A_1 : i32
    %multiple_of3A = tpu.assume_multiple %mul3A_2, 128 : i32
    "tpu.region"() ({
      %run_scoped3A = tpu.sem_alloc : memref<!tpu.dma_semaphore, #tpu.memory_space<semaphore_mem>>
      tpu.enqueue_dma source(%arg2 : memref<10240xf32, #tpu.memory_space<hbm>>) target(%arg7 : memref<10240xf32, #tpu.memory_space<vmem>>) target_semaphore(%run_scoped3A : memref<!tpu.dma_semaphore, #tpu.memory_space<semaphore_mem>>)
      tpu.wait_dma2 semaphore(%run_scoped3A : memref<!tpu.dma_semaphore, #tpu.memory_space<semaphore_mem>>) src(%arg2 : memref<10240xf32, #tpu.memory_space<hbm>>) dst(%arg7 : memref<10240xf32, #tpu.memory_space<vmem>>)
      tpu.yield
    }) : () -> ()
    "tpu.region"() ({
      %run_scoped3A = tpu.sem_alloc : memref<!tpu.dma_semaphore, #tpu.memory_space<semaphore_mem>>
      %dma_start3A = tpu.memref_slice %arg3[%multiple_of3A] : memref<327680xi32, #tpu.memory_space<hbm>> -> memref<10240xi32, #tpu.memory_space<hbm>>
      %dma_start3A_8 = tpu.memref_slice %arg3[%multiple_of3A] : memref<327680xi32, #tpu.memory_space<hbm>> -> memref<10240xi32, #tpu.memory_space<hbm>>
      tpu.enqueue_dma source(%dma_start3A_8 : memref<10240xi32, #tpu.memory_space<hbm>>) target(%arg9 : memref<10240xi32, #tpu.memory_space<vmem>>) target_semaphore(%run_scoped3A : memref<!tpu.dma_semaphore, #tpu.memory_space<semaphore_mem>>)
      %dma_wait3A = tpu.memref_slice %arg3[%multiple_of3A] : memref<327680xi32, #tpu.memory_space<hbm>> -> memref<10240xi32, #tpu.memory_space<hbm>>
      %dma_wait3A_9 = tpu.memref_slice %arg3[%multiple_of3A] : memref<327680xi32, #tpu.memory_space<hbm>> -> memref<10240xi32, #tpu.memory_space<hbm>>
      tpu.wait_dma2 semaphore(%run_scoped3A : memref<!tpu.dma_semaphore, #tpu.memory_space<semaphore_mem>>) src(%dma_wait3A_9 : memref<10240xi32, #tpu.memory_space<hbm>>) dst(%arg9 : memref<10240xi32, #tpu.memory_space<vmem>>)
      tpu.yield
    }) : () -> ()
    "tpu.region"() ({
      %run_scoped3A = tpu.sem_alloc : memref<!tpu.dma_semaphore, #tpu.memory_space<semaphore_mem>>
      %dma_start3A = tpu.memref_slice %arg4[%multiple_of3A] : memref<327680xi32, #tpu.memory_space<hbm>> -> memref<10240xi32, #tpu.memory_space<hbm>>
      %dma_start3A_8 = tpu.memref_slice %arg4[%multiple_of3A] : memref<327680xi32, #tpu.memory_space<hbm>> -> memref<10240xi32, #tpu.memory_space<hbm>>
      tpu.enqueue_dma source(%dma_start3A_8 : memref<10240xi32, #tpu.memory_space<hbm>>) target(%arg10 : memref<10240xi32, #tpu.memory_space<vmem>>) target_semaphore(%run_scoped3A : memref<!tpu.dma_semaphore, #tpu.memory_space<semaphore_mem>>)
      %dma_wait3A = tpu.memref_slice %arg4[%multiple_of3A] : memref<327680xi32, #tpu.memory_space<hbm>> -> memref<10240xi32, #tpu.memory_space<hbm>>
      %dma_wait3A_9 = tpu.memref_slice %arg4[%multiple_of3A] : memref<327680xi32, #tpu.memory_space<hbm>> -> memref<10240xi32, #tpu.memory_space<hbm>>
      tpu.wait_dma2 semaphore(%run_scoped3A : memref<!tpu.dma_semaphore, #tpu.memory_space<semaphore_mem>>) src(%dma_wait3A_9 : memref<10240xi32, #tpu.memory_space<hbm>>) dst(%arg10 : memref<10240xi32, #tpu.memory_space<vmem>>)
      tpu.yield
    }) : () -> ()
    "tpu.region"() ({
      %run_scoped3A = tpu.sem_alloc : memref<!tpu.dma_semaphore, #tpu.memory_space<semaphore_mem>>
      tpu.enqueue_dma source(%arg5 : memref<10240xf32, #tpu.memory_space<hbm>>) target(%arg8 : memref<10240xf32, #tpu.memory_space<vmem>>) target_semaphore(%run_scoped3A : memref<!tpu.dma_semaphore, #tpu.memory_space<semaphore_mem>>)
      tpu.wait_dma2 semaphore(%run_scoped3A : memref<!tpu.dma_semaphore, #tpu.memory_space<semaphore_mem>>) src(%arg5 : memref<10240xf32, #tpu.memory_space<hbm>>) dst(%arg8 : memref<10240xf32, #tpu.memory_space<vmem>>)
      tpu.yield
    }) : () -> ()
    %scan3A = arith.constant 0 : i32
    %scan3A_3 = arith.constant 0 : i32
    %scan3A_4 = arith.constant 640 : i32
    %scan3A_5 = arith.addi %scan3A_3, %scan3A_4 : i32
    %scan3A_6 = arith.constant 1 : i32
    scf.for %scan3A_8 = %scan3A_3 to %scan3A_5 step %scan3A_6  : i32 {
      %mul3A_9 = arith.constant 16 : i32
      %mul3A_10 = arith.muli %scan3A_8, %mul3A_9 : i32
      %get3A = arith.index_cast %mul3A_10 : i32 to index
      %get3A_11 = tpu.vector_load %arg9[%get3A] {strides = array<i32>} : memref<10240xi32, #tpu.memory_space<vmem>>, vector<16xi32>,
      %mul3A_12 = arith.constant 16 : i32
      %mul3A_13 = arith.muli %scan3A_8, %mul3A_12 : i32
      %get3A_14 = arith.index_cast %mul3A_13 : i32 to index
      %get3A_15 = tpu.vector_load %arg10[%get3A_14] {strides = array<i32>} : memref<10240xi32, #tpu.memory_space<vmem>>, vector<16xi32>,
      %gather3A = tpu.vector_load_idx %arg7[%get3A_11] : memref<10240xf32, #tpu.memory_space<vmem>>[vector<16xi32>], vector<16xf32>,
      tpu.vector_store_idx %arg8[%get3A_15], %gather3A {add = true} : memref<10240xf32, #tpu.memory_space<vmem>>[vector<16xi32>], vector<16xf32>,
    }
    %scan3A_7 = arith.constant 640 : i32
    "tpu.region"() ({
      %run_scoped3A = tpu.sem_alloc : memref<!tpu.dma_semaphore, #tpu.memory_space<semaphore_mem>>
      %dma_start3A = arith.constant 0 : i32
      %dma_start3A_8 = tpu.memref_slice %arg6[%add3A, %dma_start3A] : memref<32x10240xf32, #tpu.memory_space<hbm>> -> memref<1x10240xf32, #tpu.memory_space<hbm>>
      %dma_start3A_9 = tpu.memref_squeeze %dma_start3A_8 : memref<1x10240xf32, #tpu.memory_space<hbm>> -> memref<10240xf32, #tpu.memory_space<hbm>>
      %dma_start3A_10 = arith.constant 0 : i32
      %dma_start3A_11 = tpu.memref_slice %arg6[%add3A, %dma_start3A_10] : memref<32x10240xf32, #tpu.memory_space<hbm>> -> memref<1x10240xf32, #tpu.memory_space<hbm>>
      %dma_start3A_12 = tpu.memref_squeeze %dma_start3A_11 : memref<1x10240xf32, #tpu.memory_space<hbm>> -> memref<10240xf32, #tpu.memory_space<hbm>>
      tpu.enqueue_dma source(%arg8 : memref<10240xf32, #tpu.memory_space<vmem>>) target(%dma_start3A_12 : memref<10240xf32, #tpu.memory_space<hbm>>) target_semaphore(%run_scoped3A : memref<!tpu.dma_semaphore, #tpu.memory_space<semaphore_mem>>)
      %dma_wait3A = arith.constant 0 : i32
      %dma_wait3A_13 = tpu.memref_slice %arg6[%add3A, %dma_wait3A] : memref<32x10240xf32, #tpu.memory_space<hbm>> -> memref<1x10240xf32, #tpu.memory_space<hbm>>
      %dma_wait3A_14 = tpu.memref_squeeze %dma_wait3A_13 : memref<1x10240xf32, #tpu.memory_space<hbm>> -> memref<10240xf32, #tpu.memory_space<hbm>>
      %dma_wait3A_15 = arith.constant 0 : i32
      %dma_wait3A_16 = tpu.memref_slice %arg6[%add3A, %dma_wait3A_15] : memref<32x10240xf32, #tpu.memory_space<hbm>> -> memref<1x10240xf32, #tpu.memory_space<hbm>>
      %dma_wait3A_17 = tpu.memref_squeeze %dma_wait3A_16 : memref<1x10240xf32, #tpu.memory_space<hbm>> -> memref<10240xf32, #tpu.memory_space<hbm>>
      tpu.wait_dma2 semaphore(%run_scoped3A : memref<!tpu.dma_semaphore, #tpu.memory_space<semaphore_mem>>) src(%arg8 : memref<10240xf32, #tpu.memory_space<vmem>>) dst(%dma_wait3A_17 : memref<10240xf32, #tpu.memory_space<hbm>>)
      tpu.yield
    }) : () -> ()
    return
  }
}

#map = affine_map<(d0, d1) -> (0, 0)>
#map1 = affine_map<(d0, d1) -> (0)>
module attributes {stable_mosaic.version = 14 : i64} {
  func.func @k(%arg0: i32, %arg1: i32, %arg2: memref<10240x128xf32, #tpu.memory_space<hbm>>, %arg3: memref<327680xi32, #tpu.memory_space<hbm>>, %arg4: memref<327680xi32, #tpu.memory_space<hbm>>, %arg5: memref<640x128xf32, #tpu.memory_space<hbm>>, %arg6: memref<20480x128xf32, #tpu.memory_space<hbm>>, %arg7: memref<2x128xi32, #tpu.memory_space<vmem>>, %arg8: memref<2x128xi32, #tpu.memory_space<vmem>>, %arg9: memref<2x128x128xf32, #tpu.memory_space<vmem>>, %arg10: memref<10240x128xf32, #tpu.memory_space<vmem_shared>>, %arg11: memref<!tpu.dma_semaphore, #tpu.memory_space<semaphore_mem>>, %arg12: memref<!tpu.dma_semaphore, #tpu.memory_space<semaphore_mem>>) attributes {dimension_semantics = [#tpu.dimension_semantics<core_parallel>, #tpu.dimension_semantics<subcore_parallel>], iteration_bounds = array<i64: 2, 16>, scalar_prefetch = 0 : i64, scratch_operands = 6 : i64, tpu.core_type = #tpu.core_type<sc_vector_subcore>, window_params = [{transform_indices = #map}, {transform_indices = #map1}, {transform_indices = #map1}, {transform_indices = #map}, {transform_indices = #map}]} {
    %mul3A = arith.constant 16 : i32
    %mul3A_0 = arith.muli %arg0, %mul3A : i32
    %add3A = arith.addi %mul3A_0, %arg1 : i32
    %mul3A_1 = arith.constant 10240 : i32
    %mul3A_2 = arith.muli %add3A, %mul3A_1 : i32
    %add3A_3 = arith.constant 0 : i32
    %add3A_4 = arith.addi %mul3A_2, %add3A_3 : i32
    %multiple_of3A = tpu.assume_multiple %add3A_4, 128 : i32
    %run_scoped3A = arith.constant 0 : i32
    "tpu.region"() ({
      %run_scoped3A_84 = tpu.sem_alloc : memref<!tpu.dma_semaphore, #tpu.memory_space<semaphore_mem>>
      %dma_start3A_85 = arith.constant 0 : i32
      %dma_start3A_86 = tpu.memref_slice %arg7[%run_scoped3A, %dma_start3A_85] : memref<2x128xi32, #tpu.memory_space<vmem>> -> memref<1x128xi32, #tpu.memory_space<vmem>>
      %dma_start3A_87 = tpu.memref_squeeze %dma_start3A_86 : memref<1x128xi32, #tpu.memory_space<vmem>> -> memref<128xi32, #tpu.memory_space<vmem>>
      %dma_start3A_88 = tpu.memref_slice %arg3[%multiple_of3A] : memref<327680xi32, #tpu.memory_space<hbm>> -> memref<128xi32, #tpu.memory_space<hbm>>
      %dma_start3A_89 = arith.constant 0 : i32
      %dma_start3A_90 = tpu.memref_slice %arg7[%run_scoped3A, %dma_start3A_89] : memref<2x128xi32, #tpu.memory_space<vmem>> -> memref<1x128xi32, #tpu.memory_space<vmem>>
      %dma_start3A_91 = tpu.memref_squeeze %dma_start3A_90 : memref<1x128xi32, #tpu.memory_space<vmem>> -> memref<128xi32, #tpu.memory_space<vmem>>
      %dma_start3A_92 = tpu.memref_slice %arg3[%multiple_of3A] : memref<327680xi32, #tpu.memory_space<hbm>> -> memref<128xi32, #tpu.memory_space<hbm>>
      tpu.enqueue_dma source(%dma_start3A_92 : memref<128xi32, #tpu.memory_space<hbm>>) target(%dma_start3A_91 : memref<128xi32, #tpu.memory_space<vmem>>) target_semaphore(%run_scoped3A_84 : memref<!tpu.dma_semaphore, #tpu.memory_space<semaphore_mem>>)
      %dma_wait3A_93 = arith.constant 0 : i32
      %dma_wait3A_94 = tpu.memref_slice %arg7[%run_scoped3A, %dma_wait3A_93] : memref<2x128xi32, #tpu.memory_space<vmem>> -> memref<1x128xi32, #tpu.memory_space<vmem>>
      %dma_wait3A_95 = tpu.memref_squeeze %dma_wait3A_94 : memref<1x128xi32, #tpu.memory_space<vmem>> -> memref<128xi32, #tpu.memory_space<vmem>>
      %dma_wait3A_96 = tpu.memref_slice %arg3[%multiple_of3A] : memref<327680xi32, #tpu.memory_space<hbm>> -> memref<128xi32, #tpu.memory_space<hbm>>
      %dma_wait3A_97 = arith.constant 0 : i32
      %dma_wait3A_98 = tpu.memref_slice %arg7[%run_scoped3A, %dma_wait3A_97] : memref<2x128xi32, #tpu.memory_space<vmem>> -> memref<1x128xi32, #tpu.memory_space<vmem>>
      %dma_wait3A_99 = tpu.memref_squeeze %dma_wait3A_98 : memref<1x128xi32, #tpu.memory_space<vmem>> -> memref<128xi32, #tpu.memory_space<vmem>>
      %dma_wait3A_100 = tpu.memref_slice %arg3[%multiple_of3A] : memref<327680xi32, #tpu.memory_space<hbm>> -> memref<128xi32, #tpu.memory_space<hbm>>
      tpu.wait_dma2 semaphore(%run_scoped3A_84 : memref<!tpu.dma_semaphore, #tpu.memory_space<semaphore_mem>>) src(%dma_wait3A_100 : memref<128xi32, #tpu.memory_space<hbm>>) dst(%dma_wait3A_99 : memref<128xi32, #tpu.memory_space<vmem>>)
      tpu.yield
    }) : () -> ()
    %run_scoped3A_5 = arith.constant 0 : i32
    "tpu.region"() ({
      %run_scoped3A_84 = tpu.sem_alloc : memref<!tpu.dma_semaphore, #tpu.memory_space<semaphore_mem>>
      %dma_start3A_85 = arith.constant 0 : i32
      %dma_start3A_86 = tpu.memref_slice %arg8[%run_scoped3A_5, %dma_start3A_85] : memref<2x128xi32, #tpu.memory_space<vmem>> -> memref<1x128xi32, #tpu.memory_space<vmem>>
      %dma_start3A_87 = tpu.memref_squeeze %dma_start3A_86 : memref<1x128xi32, #tpu.memory_space<vmem>> -> memref<128xi32, #tpu.memory_space<vmem>>
      %dma_start3A_88 = tpu.memref_slice %arg4[%multiple_of3A] : memref<327680xi32, #tpu.memory_space<hbm>> -> memref<128xi32, #tpu.memory_space<hbm>>
      %dma_start3A_89 = arith.constant 0 : i32
      %dma_start3A_90 = tpu.memref_slice %arg8[%run_scoped3A_5, %dma_start3A_89] : memref<2x128xi32, #tpu.memory_space<vmem>> -> memref<1x128xi32, #tpu.memory_space<vmem>>
      %dma_start3A_91 = tpu.memref_squeeze %dma_start3A_90 : memref<1x128xi32, #tpu.memory_space<vmem>> -> memref<128xi32, #tpu.memory_space<vmem>>
      %dma_start3A_92 = tpu.memref_slice %arg4[%multiple_of3A] : memref<327680xi32, #tpu.memory_space<hbm>> -> memref<128xi32, #tpu.memory_space<hbm>>
      tpu.enqueue_dma source(%dma_start3A_92 : memref<128xi32, #tpu.memory_space<hbm>>) target(%dma_start3A_91 : memref<128xi32, #tpu.memory_space<vmem>>) target_semaphore(%run_scoped3A_84 : memref<!tpu.dma_semaphore, #tpu.memory_space<semaphore_mem>>)
      %dma_wait3A_93 = arith.constant 0 : i32
      %dma_wait3A_94 = tpu.memref_slice %arg8[%run_scoped3A_5, %dma_wait3A_93] : memref<2x128xi32, #tpu.memory_space<vmem>> -> memref<1x128xi32, #tpu.memory_space<vmem>>
      %dma_wait3A_95 = tpu.memref_squeeze %dma_wait3A_94 : memref<1x128xi32, #tpu.memory_space<vmem>> -> memref<128xi32, #tpu.memory_space<vmem>>
      %dma_wait3A_96 = tpu.memref_slice %arg4[%multiple_of3A] : memref<327680xi32, #tpu.memory_space<hbm>> -> memref<128xi32, #tpu.memory_space<hbm>>
      %dma_wait3A_97 = arith.constant 0 : i32
      %dma_wait3A_98 = tpu.memref_slice %arg8[%run_scoped3A_5, %dma_wait3A_97] : memref<2x128xi32, #tpu.memory_space<vmem>> -> memref<1x128xi32, #tpu.memory_space<vmem>>
      %dma_wait3A_99 = tpu.memref_squeeze %dma_wait3A_98 : memref<1x128xi32, #tpu.memory_space<vmem>> -> memref<128xi32, #tpu.memory_space<vmem>>
      %dma_wait3A_100 = tpu.memref_slice %arg4[%multiple_of3A] : memref<327680xi32, #tpu.memory_space<hbm>> -> memref<128xi32, #tpu.memory_space<hbm>>
      tpu.wait_dma2 semaphore(%run_scoped3A_84 : memref<!tpu.dma_semaphore, #tpu.memory_space<semaphore_mem>>) src(%dma_wait3A_100 : memref<128xi32, #tpu.memory_space<hbm>>) dst(%dma_wait3A_99 : memref<128xi32, #tpu.memory_space<vmem>>)
      tpu.yield
    }) : () -> ()
    %dma_start3A = arith.constant 0 : i32
    %dma_start3A_6 = arith.constant 0 : i32
    %dma_start3A_7 = arith.constant 0 : i32
    %dma_start3A_8 = arith.constant 0 : i32
    %dma_start3A_9 = tpu.memref_slice %arg9[%dma_start3A_6, %dma_start3A_7, %dma_start3A_8] : memref<2x128x128xf32, #tpu.memory_space<vmem>> -> memref<1x128x128xf32, #tpu.memory_space<vmem>>
    %dma_start3A_10 = tpu.memref_squeeze %dma_start3A_9 : memref<1x128x128xf32, #tpu.memory_space<vmem>> -> memref<128x128xf32, #tpu.memory_space<vmem>>
    %dma_start3A_11 = arith.constant 0 : i32
    %dma_start3A_12 = tpu.memref_slice %arg7[%dma_start3A, %dma_start3A_11] : memref<2x128xi32, #tpu.memory_space<vmem>> -> memref<1x128xi32, #tpu.memory_space<vmem>>
    %dma_start3A_13 = tpu.memref_squeeze %dma_start3A_12 : memref<1x128xi32, #tpu.memory_space<vmem>> -> memref<128xi32, #tpu.memory_space<vmem>>
    %dma_start3A_14 = arith.constant 0 : i32
    %dma_start3A_15 = arith.constant 0 : i32
    %dma_start3A_16 = tpu.memref_slice %arg2[%dma_start3A_14, %dma_start3A_15] : memref<10240x128xf32, #tpu.memory_space<hbm>> -> memref<10240x128xf32, #tpu.memory_space<hbm>>
    tpu.enqueue_indirect_dma source(%dma_start3A_16 : memref<10240x128xf32, #tpu.memory_space<hbm>>) target(%dma_start3A_10 : memref<128x128xf32, #tpu.memory_space<vmem>>) offsets(%dma_start3A_13 : memref<128xi32, #tpu.memory_space<vmem>>) semaphore(%arg11 : memref<!tpu.dma_semaphore, #tpu.memory_space<semaphore_mem>>)
    %mul3A_17 = arith.constant 10240 : i32
    %mul3A_18 = arith.muli %add3A, %mul3A_17 : i32
    %add3A_19 = arith.constant 128 : i32
    %add3A_20 = arith.addi %mul3A_18, %add3A_19 : i32
    %multiple_of3A_21 = tpu.assume_multiple %add3A_20, 128 : i32
    %run_scoped3A_22 = arith.constant 1 : i32
    "tpu.region"() ({
      %run_scoped3A_84 = tpu.sem_alloc : memref<!tpu.dma_semaphore, #tpu.memory_space<semaphore_mem>>
      %dma_start3A_85 = arith.constant 0 : i32
      %dma_start3A_86 = tpu.memref_slice %arg7[%run_scoped3A_22, %dma_start3A_85] : memref<2x128xi32, #tpu.memory_space<vmem>> -> memref<1x128xi32, #tpu.memory_space<vmem>>
      %dma_start3A_87 = tpu.memref_squeeze %dma_start3A_86 : memref<1x128xi32, #tpu.memory_space<vmem>> -> memref<128xi32, #tpu.memory_space<vmem>>
      %dma_start3A_88 = tpu.memref_slice %arg3[%multiple_of3A_21] : memref<327680xi32, #tpu.memory_space<hbm>> -> memref<128xi32, #tpu.memory_space<hbm>>
      %dma_start3A_89 = arith.constant 0 : i32
      %dma_start3A_90 = tpu.memref_slice %arg7[%run_scoped3A_22, %dma_start3A_89] : memref<2x128xi32, #tpu.memory_space<vmem>> -> memref<1x128xi32, #tpu.memory_space<vmem>>
      %dma_start3A_91 = tpu.memref_squeeze %dma_start3A_90 : memref<1x128xi32, #tpu.memory_space<vmem>> -> memref<128xi32, #tpu.memory_space<vmem>>
      %dma_start3A_92 = tpu.memref_slice %arg3[%multiple_of3A_21] : memref<327680xi32, #tpu.memory_space<hbm>> -> memref<128xi32, #tpu.memory_space<hbm>>
      tpu.enqueue_dma source(%dma_start3A_92 : memref<128xi32, #tpu.memory_space<hbm>>) target(%dma_start3A_91 : memref<128xi32, #tpu.memory_space<vmem>>) target_semaphore(%run_scoped3A_84 : memref<!tpu.dma_semaphore, #tpu.memory_space<semaphore_mem>>)
      %dma_wait3A_93 = arith.constant 0 : i32
      %dma_wait3A_94 = tpu.memref_slice %arg7[%run_scoped3A_22, %dma_wait3A_93] : memref<2x128xi32, #tpu.memory_space<vmem>> -> memref<1x128xi32, #tpu.memory_space<vmem>>
      %dma_wait3A_95 = tpu.memref_squeeze %dma_wait3A_94 : memref<1x128xi32, #tpu.memory_space<vmem>> -> memref<128xi32, #tpu.memory_space<vmem>>
      %dma_wait3A_96 = tpu.memref_slice %arg3[%multiple_of3A_21] : memref<327680xi32, #tpu.memory_space<hbm>> -> memref<128xi32, #tpu.memory_space<hbm>>
      %dma_wait3A_97 = arith.constant 0 : i32
      %dma_wait3A_98 = tpu.memref_slice %arg7[%run_scoped3A_22, %dma_wait3A_97] : memref<2x128xi32, #tpu.memory_space<vmem>> -> memref<1x128xi32, #tpu.memory_space<vmem>>
      %dma_wait3A_99 = tpu.memref_squeeze %dma_wait3A_98 : memref<1x128xi32, #tpu.memory_space<vmem>> -> memref<128xi32, #tpu.memory_space<vmem>>
      %dma_wait3A_100 = tpu.memref_slice %arg3[%multiple_of3A_21] : memref<327680xi32, #tpu.memory_space<hbm>> -> memref<128xi32, #tpu.memory_space<hbm>>
      tpu.wait_dma2 semaphore(%run_scoped3A_84 : memref<!tpu.dma_semaphore, #tpu.memory_space<semaphore_mem>>) src(%dma_wait3A_100 : memref<128xi32, #tpu.memory_space<hbm>>) dst(%dma_wait3A_99 : memref<128xi32, #tpu.memory_space<vmem>>)
      tpu.yield
    }) : () -> ()
    %run_scoped3A_23 = arith.constant 1 : i32
    "tpu.region"() ({
      %run_scoped3A_84 = tpu.sem_alloc : memref<!tpu.dma_semaphore, #tpu.memory_space<semaphore_mem>>
      %dma_start3A_85 = arith.constant 0 : i32
      %dma_start3A_86 = tpu.memref_slice %arg8[%run_scoped3A_23, %dma_start3A_85] : memref<2x128xi32, #tpu.memory_space<vmem>> -> memref<1x128xi32, #tpu.memory_space<vmem>>
      %dma_start3A_87 = tpu.memref_squeeze %dma_start3A_86 : memref<1x128xi32, #tpu.memory_space<vmem>> -> memref<128xi32, #tpu.memory_space<vmem>>
      %dma_start3A_88 = tpu.memref_slice %arg4[%multiple_of3A_21] : memref<327680xi32, #tpu.memory_space<hbm>> -> memref<128xi32, #tpu.memory_space<hbm>>
      %dma_start3A_89 = arith.constant 0 : i32
      %dma_start3A_90 = tpu.memref_slice %arg8[%run_scoped3A_23, %dma_start3A_89] : memref<2x128xi32, #tpu.memory_space<vmem>> -> memref<1x128xi32, #tpu.memory_space<vmem>>
      %dma_start3A_91 = tpu.memref_squeeze %dma_start3A_90 : memref<1x128xi32, #tpu.memory_space<vmem>> -> memref<128xi32, #tpu.memory_space<vmem>>
      %dma_start3A_92 = tpu.memref_slice %arg4[%multiple_of3A_21] : memref<327680xi32, #tpu.memory_space<hbm>> -> memref<128xi32, #tpu.memory_space<hbm>>
      tpu.enqueue_dma source(%dma_start3A_92 : memref<128xi32, #tpu.memory_space<hbm>>) target(%dma_start3A_91 : memref<128xi32, #tpu.memory_space<vmem>>) target_semaphore(%run_scoped3A_84 : memref<!tpu.dma_semaphore, #tpu.memory_space<semaphore_mem>>)
      %dma_wait3A_93 = arith.constant 0 : i32
      %dma_wait3A_94 = tpu.memref_slice %arg8[%run_scoped3A_23, %dma_wait3A_93] : memref<2x128xi32, #tpu.memory_space<vmem>> -> memref<1x128xi32, #tpu.memory_space<vmem>>
      %dma_wait3A_95 = tpu.memref_squeeze %dma_wait3A_94 : memref<1x128xi32, #tpu.memory_space<vmem>> -> memref<128xi32, #tpu.memory_space<vmem>>
      %dma_wait3A_96 = tpu.memref_slice %arg4[%multiple_of3A_21] : memref<327680xi32, #tpu.memory_space<hbm>> -> memref<128xi32, #tpu.memory_space<hbm>>
      %dma_wait3A_97 = arith.constant 0 : i32
      %dma_wait3A_98 = tpu.memref_slice %arg8[%run_scoped3A_23, %dma_wait3A_97] : memref<2x128xi32, #tpu.memory_space<vmem>> -> memref<1x128xi32, #tpu.memory_space<vmem>>
      %dma_wait3A_99 = tpu.memref_squeeze %dma_wait3A_98 : memref<1x128xi32, #tpu.memory_space<vmem>> -> memref<128xi32, #tpu.memory_space<vmem>>
      %dma_wait3A_100 = tpu.memref_slice %arg4[%multiple_of3A_21] : memref<327680xi32, #tpu.memory_space<hbm>> -> memref<128xi32, #tpu.memory_space<hbm>>
      tpu.wait_dma2 semaphore(%run_scoped3A_84 : memref<!tpu.dma_semaphore, #tpu.memory_space<semaphore_mem>>) src(%dma_wait3A_100 : memref<128xi32, #tpu.memory_space<hbm>>) dst(%dma_wait3A_99 : memref<128xi32, #tpu.memory_space<vmem>>)
      tpu.yield
    }) : () -> ()
    %dma_start3A_24 = arith.constant 1 : i32
    %dma_start3A_25 = arith.constant 1 : i32
    %dma_start3A_26 = arith.constant 0 : i32
    %dma_start3A_27 = arith.constant 0 : i32
    %dma_start3A_28 = tpu.memref_slice %arg9[%dma_start3A_25, %dma_start3A_26, %dma_start3A_27] : memref<2x128x128xf32, #tpu.memory_space<vmem>> -> memref<1x128x128xf32, #tpu.memory_space<vmem>>
    %dma_start3A_29 = tpu.memref_squeeze %dma_start3A_28 : memref<1x128x128xf32, #tpu.memory_space<vmem>> -> memref<128x128xf32, #tpu.memory_space<vmem>>
    %dma_start3A_30 = arith.constant 0 : i32
    %dma_start3A_31 = tpu.memref_slice %arg7[%dma_start3A_24, %dma_start3A_30] : memref<2x128xi32, #tpu.memory_space<vmem>> -> memref<1x128xi32, #tpu.memory_space<vmem>>
    %dma_start3A_32 = tpu.memref_squeeze %dma_start3A_31 : memref<1x128xi32, #tpu.memory_space<vmem>> -> memref<128xi32, #tpu.memory_space<vmem>>
    %dma_start3A_33 = arith.constant 0 : i32
    %dma_start3A_34 = arith.constant 0 : i32
    %dma_start3A_35 = tpu.memref_slice %arg2[%dma_start3A_33, %dma_start3A_34] : memref<10240x128xf32, #tpu.memory_space<hbm>> -> memref<10240x128xf32, #tpu.memory_space<hbm>>
    tpu.enqueue_indirect_dma source(%dma_start3A_35 : memref<10240x128xf32, #tpu.memory_space<hbm>>) target(%dma_start3A_29 : memref<128x128xf32, #tpu.memory_space<vmem>>) offsets(%dma_start3A_32 : memref<128xi32, #tpu.memory_space<vmem>>) semaphore(%arg12 : memref<!tpu.dma_semaphore, #tpu.memory_space<semaphore_mem>>)
    %mul3A_36 = arith.constant 640 : i32
    %mul3A_37 = arith.muli %arg1, %mul3A_36 : i32
    "tpu.region"() ({
      %run_scoped3A_84 = tpu.sem_alloc : memref<!tpu.dma_semaphore, #tpu.memory_space<semaphore_mem>>
      %dma_start3A_85 = arith.constant 0 : i32
      %dma_start3A_86 = tpu.memref_slice %arg10[%mul3A_37, %dma_start3A_85] : memref<10240x128xf32, #tpu.memory_space<vmem_shared>> -> memref<640x128xf32, #tpu.memory_space<vmem_shared>>
      tpu.enqueue_dma source(%arg5 : memref<640x128xf32, #tpu.memory_space<hbm>>) target(%dma_start3A_86 : memref<640x128xf32, #tpu.memory_space<vmem_shared>>) target_semaphore(%run_scoped3A_84 : memref<!tpu.dma_semaphore, #tpu.memory_space<semaphore_mem>>)
      %dma_wait3A_87 = arith.constant 0 : i32
      %dma_wait3A_88 = tpu.memref_slice %arg10[%mul3A_37, %dma_wait3A_87] : memref<10240x128xf32, #tpu.memory_space<vmem_shared>> -> memref<640x128xf32, #tpu.memory_space<vmem_shared>>
      tpu.wait_dma2 semaphore(%run_scoped3A_84 : memref<!tpu.dma_semaphore, #tpu.memory_space<semaphore_mem>>) src(%arg5 : memref<640x128xf32, #tpu.memory_space<hbm>>) dst(%dma_wait3A_88 : memref<640x128xf32, #tpu.memory_space<vmem_shared>>)
      tpu.yield
    }) : () -> ()
    %barrier3A = arith.constant 0 : index
    tpu.barrier barrier_id(%barrier3A)
    %scan3A = arith.constant 0 : i32
    %scan3A_38 = arith.constant 0 : i32
    %scan3A_39 = arith.constant 39 : i32
    %scan3A_40 = arith.addi %scan3A_38, %scan3A_39 : i32
    %scan3A_41 = arith.constant 1 : i32
    scf.for %scan3A_84 = %scan3A_38 to %scan3A_40 step %scan3A_41  : i32 {
      %mul3A_85 = arith.constant 2 : i32
      %mul3A_86 = arith.muli %scan3A_84, %mul3A_85 : i32
      %add3A_87 = arith.constant 0 : i32
      %add3A_88 = arith.addi %mul3A_86, %add3A_87 : i32
      %dma_wait3A_89 = arith.constant 0 : i32
      %dma_wait3A_90 = arith.constant 0 : i32
      %dma_wait3A_91 = arith.constant 0 : i32
      %dma_wait3A_92 = tpu.memref_slice %arg9[%dma_wait3A_89, %dma_wait3A_90, %dma_wait3A_91] : memref<2x128x128xf32, #tpu.memory_space<vmem>> -> memref<1x128x128xf32, #tpu.memory_space<vmem>>
      %dma_wait3A_93 = tpu.memref_squeeze %dma_wait3A_92 : memref<1x128x128xf32, #tpu.memory_space<vmem>> -> memref<128x128xf32, #tpu.memory_space<vmem>>
      %dma_wait3A_94 = arith.constant 0 : i32
      %dma_wait3A_95 = arith.constant 0 : i32
      %dma_wait3A_96 = tpu.memref_slice %arg2[%dma_wait3A_94, %dma_wait3A_95] : memref<10240x128xf32, #tpu.memory_space<hbm>> -> memref<128x128xf32, #tpu.memory_space<hbm>>
      %dma_wait3A_97 = arith.constant 0 : i32
      %dma_wait3A_98 = arith.constant 0 : i32
      %dma_wait3A_99 = tpu.memref_slice %arg9[%dma_wait3A_89, %dma_wait3A_97, %dma_wait3A_98] : memref<2x128x128xf32, #tpu.memory_space<vmem>> -> memref<1x128x128xf32, #tpu.memory_space<vmem>>
      %dma_wait3A_100 = tpu.memref_squeeze %dma_wait3A_99 : memref<1x128x128xf32, #tpu.memory_space<vmem>> -> memref<128x128xf32, #tpu.memory_space<vmem>>
      %dma_wait3A_101 = arith.constant 0 : i32
      %dma_wait3A_102 = arith.constant 0 : i32
      %dma_wait3A_103 = tpu.memref_slice %arg2[%dma_wait3A_101, %dma_wait3A_102] : memref<10240x128xf32, #tpu.memory_space<hbm>> -> memref<128x128xf32, #tpu.memory_space<hbm>>
      tpu.wait_dma2 semaphore(%arg11 : memref<!tpu.dma_semaphore, #tpu.memory_space<semaphore_mem>>) src(%dma_wait3A_103 : memref<128x128xf32, #tpu.memory_space<hbm>>) dst(%dma_wait3A_100 : memref<128x128xf32, #tpu.memory_space<vmem>>)
      %run_scoped3A_104 = arith.constant 0 : i32
      %run_scoped3A_105 = arith.constant 0 : i32
      "tpu.region"() ({
        %run_scoped3A_171 = tpu.sem_alloc : memref<!tpu.dma_semaphore, #tpu.memory_space<semaphore_mem>>
        %dma_start3A_172 = arith.constant 0 : i32
        %dma_start3A_173 = arith.constant 0 : i32
        %dma_start3A_174 = tpu.memref_slice %arg9[%run_scoped3A_104, %dma_start3A_172, %dma_start3A_173] : memref<2x128x128xf32, #tpu.memory_space<vmem>> -> memref<1x128x128xf32, #tpu.memory_space<vmem>>
        %dma_start3A_175 = tpu.memref_squeeze %dma_start3A_174 : memref<1x128x128xf32, #tpu.memory_space<vmem>> -> memref<128x128xf32, #tpu.memory_space<vmem>>
        %dma_start3A_176 = arith.constant 0 : i32
        %dma_start3A_177 = tpu.memref_slice %arg8[%run_scoped3A_105, %dma_start3A_176] : memref<2x128xi32, #tpu.memory_space<vmem>> -> memref<1x128xi32, #tpu.memory_space<vmem>>
        %dma_start3A_178 = tpu.memref_squeeze %dma_start3A_177 : memref<1x128xi32, #tpu.memory_space<vmem>> -> memref<128xi32, #tpu.memory_space<vmem>>
        %dma_start3A_179 = arith.constant 0 : i32
        %dma_start3A_180 = arith.constant 0 : i32
        %dma_start3A_181 = tpu.memref_slice %arg10[%dma_start3A_179, %dma_start3A_180] : memref<10240x128xf32, #tpu.memory_space<vmem_shared>> -> memref<10240x128xf32, #tpu.memory_space<vmem_shared>>
        tpu.enqueue_indirect_dma source(%dma_start3A_175 : memref<128x128xf32, #tpu.memory_space<vmem>>) target(%dma_start3A_181 : memref<10240x128xf32, #tpu.memory_space<vmem_shared>>) offsets(%dma_start3A_178 : memref<128xi32, #tpu.memory_space<vmem>>) semaphore(%run_scoped3A_171 : memref<!tpu.dma_semaphore, #tpu.memory_space<semaphore_mem>>) {add = true}
        %dma_wait3A_182 = arith.constant 0 : i32
        %dma_wait3A_183 = arith.constant 0 : i32
        %dma_wait3A_184 = tpu.memref_slice %arg9[%run_scoped3A_104, %dma_wait3A_182, %dma_wait3A_183] : memref<2x128x128xf32, #tpu.memory_space<vmem>> -> memref<1x128x128xf32, #tpu.memory_space<vmem>>
        %dma_wait3A_185 = tpu.memref_squeeze %dma_wait3A_184 : memref<1x128x128xf32, #tpu.memory_space<vmem>> -> memref<128x128xf32, #tpu.memory_space<vmem>>
        %dma_wait3A_186 = arith.constant 0 : i32
        %dma_wait3A_187 = tpu.memref_slice %arg8[%run_scoped3A_105, %dma_wait3A_186] : memref<2x128xi32, #tpu.memory_space<vmem>> -> memref<1x128xi32, #tpu.memory_space<vmem>>
        %dma_wait3A_188 = tpu.memref_squeeze %dma_wait3A_187 : memref<1x128xi32, #tpu.memory_space<vmem>> -> memref<128xi32, #tpu.memory_space<vmem>>
        %dma_wait3A_189 = arith.constant 0 : i32
        %dma_wait3A_190 = arith.constant 0 : i32
        %dma_wait3A_191 = tpu.memref_slice %arg10[%dma_wait3A_189, %dma_wait3A_190] : memref<10240x128xf32, #tpu.memory_space<vmem_shared>> -> memref<10240x128xf32, #tpu.memory_space<vmem_shared>>
        tpu.wait_indirect_dma semaphore(%run_scoped3A_171 : memref<!tpu.dma_semaphore, #tpu.memory_space<semaphore_mem>>) src(%dma_wait3A_185 : memref<128x128xf32, #tpu.memory_space<vmem>>) dst(%dma_wait3A_191 : memref<10240x128xf32, #tpu.memory_space<vmem_shared>>)
        tpu.yield
      }) : () -> ()
      %add3A_106 = arith.constant 2 : i32
      %add3A_107 = arith.addi %add3A_88, %add3A_106 : i32
      %mul3A_108 = arith.constant 10240 : i32
      %mul3A_109 = arith.muli %add3A, %mul3A_108 : i32
      %mul3A_110 = arith.constant 128 : i32
      %mul3A_111 = arith.muli %add3A_107, %mul3A_110 : i32
      %add3A_112 = arith.addi %mul3A_109, %mul3A_111 : i32
      %multiple_of3A_113 = tpu.assume_multiple %add3A_112, 128 : i32
      %run_scoped3A_114 = arith.constant 0 : i32
      "tpu.region"() ({
        %run_scoped3A_171 = tpu.sem_alloc : memref<!tpu.dma_semaphore, #tpu.memory_space<semaphore_mem>>
        %dma_start3A_172 = arith.constant 0 : i32
        %dma_start3A_173 = tpu.memref_slice %arg7[%run_scoped3A_114, %dma_start3A_172] : memref<2x128xi32, #tpu.memory_space<vmem>> -> memref<1x128xi32, #tpu.memory_space<vmem>>
        %dma_start3A_174 = tpu.memref_squeeze %dma_start3A_173 : memref<1x128xi32, #tpu.memory_space<vmem>> -> memref<128xi32, #tpu.memory_space<vmem>>
        %dma_start3A_175 = tpu.memref_slice %arg3[%multiple_of3A_113] : memref<327680xi32, #tpu.memory_space<hbm>> -> memref<128xi32, #tpu.memory_space<hbm>>
        %dma_start3A_176 = arith.constant 0 : i32
        %dma_start3A_177 = tpu.memref_slice %arg7[%run_scoped3A_114, %dma_start3A_176] : memref<2x128xi32, #tpu.memory_space<vmem>> -> memref<1x128xi32, #tpu.memory_space<vmem>>
        %dma_start3A_178 = tpu.memref_squeeze %dma_start3A_177 : memref<1x128xi32, #tpu.memory_space<vmem>> -> memref<128xi32, #tpu.memory_space<vmem>>
        %dma_start3A_179 = tpu.memref_slice %arg3[%multiple_of3A_113] : memref<327680xi32, #tpu.memory_space<hbm>> -> memref<128xi32, #tpu.memory_space<hbm>>
        tpu.enqueue_dma source(%dma_start3A_179 : memref<128xi32, #tpu.memory_space<hbm>>) target(%dma_start3A_178 : memref<128xi32, #tpu.memory_space<vmem>>) target_semaphore(%run_scoped3A_171 : memref<!tpu.dma_semaphore, #tpu.memory_space<semaphore_mem>>)
        %dma_wait3A_180 = arith.constant 0 : i32
        %dma_wait3A_181 = tpu.memref_slice %arg7[%run_scoped3A_114, %dma_wait3A_180] : memref<2x128xi32, #tpu.memory_space<vmem>> -> memref<1x128xi32, #tpu.memory_space<vmem>>
        %dma_wait3A_182 = tpu.memref_squeeze %dma_wait3A_181 : memref<1x128xi32, #tpu.memory_space<vmem>> -> memref<128xi32, #tpu.memory_space<vmem>>
        %dma_wait3A_183 = tpu.memref_slice %arg3[%multiple_of3A_113] : memref<327680xi32, #tpu.memory_space<hbm>> -> memref<128xi32, #tpu.memory_space<hbm>>
        %dma_wait3A_184 = arith.constant 0 : i32
        %dma_wait3A_185 = tpu.memref_slice %arg7[%run_scoped3A_114, %dma_wait3A_184] : memref<2x128xi32, #tpu.memory_space<vmem>> -> memref<1x128xi32, #tpu.memory_space<vmem>>
        %dma_wait3A_186 = tpu.memref_squeeze %dma_wait3A_185 : memref<1x128xi32, #tpu.memory_space<vmem>> -> memref<128xi32, #tpu.memory_space<vmem>>
        %dma_wait3A_187 = tpu.memref_slice %arg3[%multiple_of3A_113] : memref<327680xi32, #tpu.memory_space<hbm>> -> memref<128xi32, #tpu.memory_space<hbm>>
        tpu.wait_dma2 semaphore(%run_scoped3A_171 : memref<!tpu.dma_semaphore, #tpu.memory_space<semaphore_mem>>) src(%dma_wait3A_187 : memref<128xi32, #tpu.memory_space<hbm>>) dst(%dma_wait3A_186 : memref<128xi32, #tpu.memory_space<vmem>>)
        tpu.yield
      }) : () -> ()
      %run_scoped3A_115 = arith.constant 0 : i32
      "tpu.region"() ({
        %run_scoped3A_171 = tpu.sem_alloc : memref<!tpu.dma_semaphore, #tpu.memory_space<semaphore_mem>>
        %dma_start3A_172 = arith.constant 0 : i32
        %dma_start3A_173 = tpu.memref_slice %arg8[%run_scoped3A_115, %dma_start3A_172] : memref<2x128xi32, #tpu.memory_space<vmem>> -> memref<1x128xi32, #tpu.memory_space<vmem>>
        %dma_start3A_174 = tpu.memref_squeeze %dma_start3A_173 : memref<1x128xi32, #tpu.memory_space<vmem>> -> memref<128xi32, #tpu.memory_space<vmem>>
        %dma_start3A_175 = tpu.memref_slice %arg4[%multiple_of3A_113] : memref<327680xi32, #tpu.memory_space<hbm>> -> memref<128xi32, #tpu.memory_space<hbm>>
        %dma_start3A_176 = arith.constant 0 : i32
        %dma_start3A_177 = tpu.memref_slice %arg8[%run_scoped3A_115, %dma_start3A_176] : memref<2x128xi32, #tpu.memory_space<vmem>> -> memref<1x128xi32, #tpu.memory_space<vmem>>
        %dma_start3A_178 = tpu.memref_squeeze %dma_start3A_177 : memref<1x128xi32, #tpu.memory_space<vmem>> -> memref<128xi32, #tpu.memory_space<vmem>>
        %dma_start3A_179 = tpu.memref_slice %arg4[%multiple_of3A_113] : memref<327680xi32, #tpu.memory_space<hbm>> -> memref<128xi32, #tpu.memory_space<hbm>>
        tpu.enqueue_dma source(%dma_start3A_179 : memref<128xi32, #tpu.memory_space<hbm>>) target(%dma_start3A_178 : memref<128xi32, #tpu.memory_space<vmem>>) target_semaphore(%run_scoped3A_171 : memref<!tpu.dma_semaphore, #tpu.memory_space<semaphore_mem>>)
        %dma_wait3A_180 = arith.constant 0 : i32
        %dma_wait3A_181 = tpu.memref_slice %arg8[%run_scoped3A_115, %dma_wait3A_180] : memref<2x128xi32, #tpu.memory_space<vmem>> -> memref<1x128xi32, #tpu.memory_space<vmem>>
        %dma_wait3A_182 = tpu.memref_squeeze %dma_wait3A_181 : memref<1x128xi32, #tpu.memory_space<vmem>> -> memref<128xi32, #tpu.memory_space<vmem>>
        %dma_wait3A_183 = tpu.memref_slice %arg4[%multiple_of3A_113] : memref<327680xi32, #tpu.memory_space<hbm>> -> memref<128xi32, #tpu.memory_space<hbm>>
        %dma_wait3A_184 = arith.constant 0 : i32
        %dma_wait3A_185 = tpu.memref_slice %arg8[%run_scoped3A_115, %dma_wait3A_184] : memref<2x128xi32, #tpu.memory_space<vmem>> -> memref<1x128xi32, #tpu.memory_space<vmem>>
        %dma_wait3A_186 = tpu.memref_squeeze %dma_wait3A_185 : memref<1x128xi32, #tpu.memory_space<vmem>> -> memref<128xi32, #tpu.memory_space<vmem>>
        %dma_wait3A_187 = tpu.memref_slice %arg4[%multiple_of3A_113] : memref<327680xi32, #tpu.memory_space<hbm>> -> memref<128xi32, #tpu.memory_space<hbm>>
        tpu.wait_dma2 semaphore(%run_scoped3A_171 : memref<!tpu.dma_semaphore, #tpu.memory_space<semaphore_mem>>) src(%dma_wait3A_187 : memref<128xi32, #tpu.memory_space<hbm>>) dst(%dma_wait3A_186 : memref<128xi32, #tpu.memory_space<vmem>>)
        tpu.yield
      }) : () -> ()
      %dma_start3A_116 = arith.constant 0 : i32
      %dma_start3A_117 = arith.constant 0 : i32
      %dma_start3A_118 = arith.constant 0 : i32
      %dma_start3A_119 = arith.constant 0 : i32
      %dma_start3A_120 = tpu.memref_slice %arg9[%dma_start3A_117, %dma_start3A_118, %dma_start3A_119] : memref<2x128x128xf32, #tpu.memory_space<vmem>> -> memref<1x128x128xf32, #tpu.memory_space<vmem>>
      %dma_start3A_121 = tpu.memref_squeeze %dma_start3A_120 : memref<1x128x128xf32, #tpu.memory_space<vmem>> -> memref<128x128xf32, #tpu.memory_space<vmem>>
      %dma_start3A_122 = arith.constant 0 : i32
      %dma_start3A_123 = tpu.memref_slice %arg7[%dma_start3A_116, %dma_start3A_122] : memref<2x128xi32, #tpu.memory_space<vmem>> -> memref<1x128xi32, #tpu.memory_space<vmem>>
      %dma_start3A_124 = tpu.memref_squeeze %dma_start3A_123 : memref<1x128xi32, #tpu.memory_space<vmem>> -> memref<128xi32, #tpu.memory_space<vmem>>
      %dma_start3A_125 = arith.constant 0 : i32
      %dma_start3A_126 = arith.constant 0 : i32
      %dma_start3A_127 = tpu.memref_slice %arg2[%dma_start3A_125, %dma_start3A_126] : memref<10240x128xf32, #tpu.memory_space<hbm>> -> memref<10240x128xf32, #tpu.memory_space<hbm>>
      tpu.enqueue_indirect_dma source(%dma_start3A_127 : memref<10240x128xf32, #tpu.memory_space<hbm>>) target(%dma_start3A_121 : memref<128x128xf32, #tpu.memory_space<vmem>>) offsets(%dma_start3A_124 : memref<128xi32, #tpu.memory_space<vmem>>) semaphore(%arg11 : memref<!tpu.dma_semaphore, #tpu.memory_space<semaphore_mem>>)
      %mul3A_128 = arith.constant 2 : i32
      %mul3A_129 = arith.muli %scan3A_84, %mul3A_128 : i32
      %add3A_130 = arith.constant 1 : i32
      %add3A_131 = arith.addi %mul3A_129, %add3A_130 : i32
      %dma_wait3A_132 = arith.constant 1 : i32
      %dma_wait3A_133 = arith.constant 0 : i32
      %dma_wait3A_134 = arith.constant 0 : i32
      %dma_wait3A_135 = tpu.memref_slice %arg9[%dma_wait3A_132, %dma_wait3A_133, %dma_wait3A_134] : memref<2x128x128xf32, #tpu.memory_space<vmem>> -> memref<1x128x128xf32, #tpu.memory_space<vmem>>
      %dma_wait3A_136 = tpu.memref_squeeze %dma_wait3A_135 : memref<1x128x128xf32, #tpu.memory_space<vmem>> -> memref<128x128xf32, #tpu.memory_space<vmem>>
      %dma_wait3A_137 = arith.constant 0 : i32
      %dma_wait3A_138 = arith.constant 0 : i32
      %dma_wait3A_139 = tpu.memref_slice %arg2[%dma_wait3A_137, %dma_wait3A_138] : memref<10240x128xf32, #tpu.memory_space<hbm>> -> memref<128x128xf32, #tpu.memory_space<hbm>>
      %dma_wait3A_140 = arith.constant 0 : i32
      %dma_wait3A_141 = arith.constant 0 : i32
      %dma_wait3A_142 = tpu.memref_slice %arg9[%dma_wait3A_132, %dma_wait3A_140, %dma_wait3A_141] : memref<2x128x128xf32, #tpu.memory_space<vmem>> -> memref<1x128x128xf32, #tpu.memory_space<vmem>>
      %dma_wait3A_143 = tpu.memref_squeeze %dma_wait3A_142 : memref<1x128x128xf32, #tpu.memory_space<vmem>> -> memref<128x128xf32, #tpu.memory_space<vmem>>
      %dma_wait3A_144 = arith.constant 0 : i32
      %dma_wait3A_145 = arith.constant 0 : i32
      %dma_wait3A_146 = tpu.memref_slice %arg2[%dma_wait3A_144, %dma_wait3A_145] : memref<10240x128xf32, #tpu.memory_space<hbm>> -> memref<128x128xf32, #tpu.memory_space<hbm>>
      tpu.wait_dma2 semaphore(%arg12 : memref<!tpu.dma_semaphore, #tpu.memory_space<semaphore_mem>>) src(%dma_wait3A_146 : memref<128x128xf32, #tpu.memory_space<hbm>>) dst(%dma_wait3A_143 : memref<128x128xf32, #tpu.memory_space<vmem>>)
      %run_scoped3A_147 = arith.constant 1 : i32
      %run_scoped3A_148 = arith.constant 1 : i32
      "tpu.region"() ({
        %run_scoped3A_171 = tpu.sem_alloc : memref<!tpu.dma_semaphore, #tpu.memory_space<semaphore_mem>>
        %dma_start3A_172 = arith.constant 0 : i32
        %dma_start3A_173 = arith.constant 0 : i32
        %dma_start3A_174 = tpu.memref_slice %arg9[%run_scoped3A_147, %dma_start3A_172, %dma_start3A_173] : memref<2x128x128xf32, #tpu.memory_space<vmem>> -> memref<1x128x128xf32, #tpu.memory_space<vmem>>
        %dma_start3A_175 = tpu.memref_squeeze %dma_start3A_174 : memref<1x128x128xf32, #tpu.memory_space<vmem>> -> memref<128x128xf32, #tpu.memory_space<vmem>>
        %dma_start3A_176 = arith.constant 0 : i32
        %dma_start3A_177 = tpu.memref_slice %arg8[%run_scoped3A_148, %dma_start3A_176] : memref<2x128xi32, #tpu.memory_space<vmem>> -> memref<1x128xi32, #tpu.memory_space<vmem>>
        %dma_start3A_178 = tpu.memref_squeeze %dma_start3A_177 : memref<1x128xi32, #tpu.memory_space<vmem>> -> memref<128xi32, #tpu.memory_space<vmem>>
        %dma_start3A_179 = arith.constant 0 : i32
        %dma_start3A_180 = arith.constant 0 : i32
        %dma_start3A_181 = tpu.memref_slice %arg10[%dma_start3A_179, %dma_start3A_180] : memref<10240x128xf32, #tpu.memory_space<vmem_shared>> -> memref<10240x128xf32, #tpu.memory_space<vmem_shared>>
        tpu.enqueue_indirect_dma source(%dma_start3A_175 : memref<128x128xf32, #tpu.memory_space<vmem>>) target(%dma_start3A_181 : memref<10240x128xf32, #tpu.memory_space<vmem_shared>>) offsets(%dma_start3A_178 : memref<128xi32, #tpu.memory_space<vmem>>) semaphore(%run_scoped3A_171 : memref<!tpu.dma_semaphore, #tpu.memory_space<semaphore_mem>>) {add = true}
        %dma_wait3A_182 = arith.constant 0 : i32
        %dma_wait3A_183 = arith.constant 0 : i32
        %dma_wait3A_184 = tpu.memref_slice %arg9[%run_scoped3A_147, %dma_wait3A_182, %dma_wait3A_183] : memref<2x128x128xf32, #tpu.memory_space<vmem>> -> memref<1x128x128xf32, #tpu.memory_space<vmem>>
        %dma_wait3A_185 = tpu.memref_squeeze %dma_wait3A_184 : memref<1x128x128xf32, #tpu.memory_space<vmem>> -> memref<128x128xf32, #tpu.memory_space<vmem>>
        %dma_wait3A_186 = arith.constant 0 : i32
        %dma_wait3A_187 = tpu.memref_slice %arg8[%run_scoped3A_148, %dma_wait3A_186] : memref<2x128xi32, #tpu.memory_space<vmem>> -> memref<1x128xi32, #tpu.memory_space<vmem>>
        %dma_wait3A_188 = tpu.memref_squeeze %dma_wait3A_187 : memref<1x128xi32, #tpu.memory_space<vmem>> -> memref<128xi32, #tpu.memory_space<vmem>>
        %dma_wait3A_189 = arith.constant 0 : i32
        %dma_wait3A_190 = arith.constant 0 : i32
        %dma_wait3A_191 = tpu.memref_slice %arg10[%dma_wait3A_189, %dma_wait3A_190] : memref<10240x128xf32, #tpu.memory_space<vmem_shared>> -> memref<10240x128xf32, #tpu.memory_space<vmem_shared>>
        tpu.wait_indirect_dma semaphore(%run_scoped3A_171 : memref<!tpu.dma_semaphore, #tpu.memory_space<semaphore_mem>>) src(%dma_wait3A_185 : memref<128x128xf32, #tpu.memory_space<vmem>>) dst(%dma_wait3A_191 : memref<10240x128xf32, #tpu.memory_space<vmem_shared>>)
        tpu.yield
      }) : () -> ()
      %add3A_149 = arith.constant 2 : i32
      %add3A_150 = arith.addi %add3A_131, %add3A_149 : i32
      %mul3A_151 = arith.constant 10240 : i32
      %mul3A_152 = arith.muli %add3A, %mul3A_151 : i32
      %mul3A_153 = arith.constant 128 : i32
      %mul3A_154 = arith.muli %add3A_150, %mul3A_153 : i32
      %add3A_155 = arith.addi %mul3A_152, %mul3A_154 : i32
      %multiple_of3A_156 = tpu.assume_multiple %add3A_155, 128 : i32
      %run_scoped3A_157 = arith.constant 1 : i32
      "tpu.region"() ({
        %run_scoped3A_171 = tpu.sem_alloc : memref<!tpu.dma_semaphore, #tpu.memory_space<semaphore_mem>>
        %dma_start3A_172 = arith.constant 0 : i32
        %dma_start3A_173 = tpu.memref_slice %arg7[%run_scoped3A_157, %dma_start3A_172] : memref<2x128xi32, #tpu.memory_space<vmem>> -> memref<1x128xi32, #tpu.memory_space<vmem>>
        %dma_start3A_174 = tpu.memref_squeeze %dma_start3A_173 : memref<1x128xi32, #tpu.memory_space<vmem>> -> memref<128xi32, #tpu.memory_space<vmem>>
        %dma_start3A_175 = tpu.memref_slice %arg3[%multiple_of3A_156] : memref<327680xi32, #tpu.memory_space<hbm>> -> memref<128xi32, #tpu.memory_space<hbm>>
        %dma_start3A_176 = arith.constant 0 : i32
        %dma_start3A_177 = tpu.memref_slice %arg7[%run_scoped3A_157, %dma_start3A_176] : memref<2x128xi32, #tpu.memory_space<vmem>> -> memref<1x128xi32, #tpu.memory_space<vmem>>
        %dma_start3A_178 = tpu.memref_squeeze %dma_start3A_177 : memref<1x128xi32, #tpu.memory_space<vmem>> -> memref<128xi32, #tpu.memory_space<vmem>>
        %dma_start3A_179 = tpu.memref_slice %arg3[%multiple_of3A_156] : memref<327680xi32, #tpu.memory_space<hbm>> -> memref<128xi32, #tpu.memory_space<hbm>>
        tpu.enqueue_dma source(%dma_start3A_179 : memref<128xi32, #tpu.memory_space<hbm>>) target(%dma_start3A_178 : memref<128xi32, #tpu.memory_space<vmem>>) target_semaphore(%run_scoped3A_171 : memref<!tpu.dma_semaphore, #tpu.memory_space<semaphore_mem>>)
        %dma_wait3A_180 = arith.constant 0 : i32
        %dma_wait3A_181 = tpu.memref_slice %arg7[%run_scoped3A_157, %dma_wait3A_180] : memref<2x128xi32, #tpu.memory_space<vmem>> -> memref<1x128xi32, #tpu.memory_space<vmem>>
        %dma_wait3A_182 = tpu.memref_squeeze %dma_wait3A_181 : memref<1x128xi32, #tpu.memory_space<vmem>> -> memref<128xi32, #tpu.memory_space<vmem>>
        %dma_wait3A_183 = tpu.memref_slice %arg3[%multiple_of3A_156] : memref<327680xi32, #tpu.memory_space<hbm>> -> memref<128xi32, #tpu.memory_space<hbm>>
        %dma_wait3A_184 = arith.constant 0 : i32
        %dma_wait3A_185 = tpu.memref_slice %arg7[%run_scoped3A_157, %dma_wait3A_184] : memref<2x128xi32, #tpu.memory_space<vmem>> -> memref<1x128xi32, #tpu.memory_space<vmem>>
        %dma_wait3A_186 = tpu.memref_squeeze %dma_wait3A_185 : memref<1x128xi32, #tpu.memory_space<vmem>> -> memref<128xi32, #tpu.memory_space<vmem>>
        %dma_wait3A_187 = tpu.memref_slice %arg3[%multiple_of3A_156] : memref<327680xi32, #tpu.memory_space<hbm>> -> memref<128xi32, #tpu.memory_space<hbm>>
        tpu.wait_dma2 semaphore(%run_scoped3A_171 : memref<!tpu.dma_semaphore, #tpu.memory_space<semaphore_mem>>) src(%dma_wait3A_187 : memref<128xi32, #tpu.memory_space<hbm>>) dst(%dma_wait3A_186 : memref<128xi32, #tpu.memory_space<vmem>>)
        tpu.yield
      }) : () -> ()
      %run_scoped3A_158 = arith.constant 1 : i32
      "tpu.region"() ({
        %run_scoped3A_171 = tpu.sem_alloc : memref<!tpu.dma_semaphore, #tpu.memory_space<semaphore_mem>>
        %dma_start3A_172 = arith.constant 0 : i32
        %dma_start3A_173 = tpu.memref_slice %arg8[%run_scoped3A_158, %dma_start3A_172] : memref<2x128xi32, #tpu.memory_space<vmem>> -> memref<1x128xi32, #tpu.memory_space<vmem>>
        %dma_start3A_174 = tpu.memref_squeeze %dma_start3A_173 : memref<1x128xi32, #tpu.memory_space<vmem>> -> memref<128xi32, #tpu.memory_space<vmem>>
        %dma_start3A_175 = tpu.memref_slice %arg4[%multiple_of3A_156] : memref<327680xi32, #tpu.memory_space<hbm>> -> memref<128xi32, #tpu.memory_space<hbm>>
        %dma_start3A_176 = arith.constant 0 : i32
        %dma_start3A_177 = tpu.memref_slice %arg8[%run_scoped3A_158, %dma_start3A_176] : memref<2x128xi32, #tpu.memory_space<vmem>> -> memref<1x128xi32, #tpu.memory_space<vmem>>
        %dma_start3A_178 = tpu.memref_squeeze %dma_start3A_177 : memref<1x128xi32, #tpu.memory_space<vmem>> -> memref<128xi32, #tpu.memory_space<vmem>>
        %dma_start3A_179 = tpu.memref_slice %arg4[%multiple_of3A_156] : memref<327680xi32, #tpu.memory_space<hbm>> -> memref<128xi32, #tpu.memory_space<hbm>>
        tpu.enqueue_dma source(%dma_start3A_179 : memref<128xi32, #tpu.memory_space<hbm>>) target(%dma_start3A_178 : memref<128xi32, #tpu.memory_space<vmem>>) target_semaphore(%run_scoped3A_171 : memref<!tpu.dma_semaphore, #tpu.memory_space<semaphore_mem>>)
        %dma_wait3A_180 = arith.constant 0 : i32
        %dma_wait3A_181 = tpu.memref_slice %arg8[%run_scoped3A_158, %dma_wait3A_180] : memref<2x128xi32, #tpu.memory_space<vmem>> -> memref<1x128xi32, #tpu.memory_space<vmem>>
        %dma_wait3A_182 = tpu.memref_squeeze %dma_wait3A_181 : memref<1x128xi32, #tpu.memory_space<vmem>> -> memref<128xi32, #tpu.memory_space<vmem>>
        %dma_wait3A_183 = tpu.memref_slice %arg4[%multiple_of3A_156] : memref<327680xi32, #tpu.memory_space<hbm>> -> memref<128xi32, #tpu.memory_space<hbm>>
        %dma_wait3A_184 = arith.constant 0 : i32
        %dma_wait3A_185 = tpu.memref_slice %arg8[%run_scoped3A_158, %dma_wait3A_184] : memref<2x128xi32, #tpu.memory_space<vmem>> -> memref<1x128xi32, #tpu.memory_space<vmem>>
        %dma_wait3A_186 = tpu.memref_squeeze %dma_wait3A_185 : memref<1x128xi32, #tpu.memory_space<vmem>> -> memref<128xi32, #tpu.memory_space<vmem>>
        %dma_wait3A_187 = tpu.memref_slice %arg4[%multiple_of3A_156] : memref<327680xi32, #tpu.memory_space<hbm>> -> memref<128xi32, #tpu.memory_space<hbm>>
        tpu.wait_dma2 semaphore(%run_scoped3A_171 : memref<!tpu.dma_semaphore, #tpu.memory_space<semaphore_mem>>) src(%dma_wait3A_187 : memref<128xi32, #tpu.memory_space<hbm>>) dst(%dma_wait3A_186 : memref<128xi32, #tpu.memory_space<vmem>>)
        tpu.yield
      }) : () -> ()
      %dma_start3A_159 = arith.constant 1 : i32
      %dma_start3A_160 = arith.constant 1 : i32
      %dma_start3A_161 = arith.constant 0 : i32
      %dma_start3A_162 = arith.constant 0 : i32
      %dma_start3A_163 = tpu.memref_slice %arg9[%dma_start3A_160, %dma_start3A_161, %dma_start3A_162] : memref<2x128x128xf32, #tpu.memory_space<vmem>> -> memref<1x128x128xf32, #tpu.memory_space<vmem>>
      %dma_start3A_164 = tpu.memref_squeeze %dma_start3A_163 : memref<1x128x128xf32, #tpu.memory_space<vmem>> -> memref<128x128xf32, #tpu.memory_space<vmem>>
      %dma_start3A_165 = arith.constant 0 : i32
      %dma_start3A_166 = tpu.memref_slice %arg7[%dma_start3A_159, %dma_start3A_165] : memref<2x128xi32, #tpu.memory_space<vmem>> -> memref<1x128xi32, #tpu.memory_space<vmem>>
      %dma_start3A_167 = tpu.memref_squeeze %dma_start3A_166 : memref<1x128xi32, #tpu.memory_space<vmem>> -> memref<128xi32, #tpu.memory_space<vmem>>
      %dma_start3A_168 = arith.constant 0 : i32
      %dma_start3A_169 = arith.constant 0 : i32
      %dma_start3A_170 = tpu.memref_slice %arg2[%dma_start3A_168, %dma_start3A_169] : memref<10240x128xf32, #tpu.memory_space<hbm>> -> memref<10240x128xf32, #tpu.memory_space<hbm>>
      tpu.enqueue_indirect_dma source(%dma_start3A_170 : memref<10240x128xf32, #tpu.memory_space<hbm>>) target(%dma_start3A_164 : memref<128x128xf32, #tpu.memory_space<vmem>>) offsets(%dma_start3A_167 : memref<128xi32, #tpu.memory_space<vmem>>) semaphore(%arg12 : memref<!tpu.dma_semaphore, #tpu.memory_space<semaphore_mem>>)
    }
    %scan3A_42 = arith.constant 39 : i32
    %dma_wait3A = arith.constant 0 : i32
    %dma_wait3A_43 = arith.constant 0 : i32
    %dma_wait3A_44 = arith.constant 0 : i32
    %dma_wait3A_45 = tpu.memref_slice %arg9[%dma_wait3A, %dma_wait3A_43, %dma_wait3A_44] : memref<2x128x128xf32, #tpu.memory_space<vmem>> -> memref<1x128x128xf32, #tpu.memory_space<vmem>>
    %dma_wait3A_46 = tpu.memref_squeeze %dma_wait3A_45 : memref<1x128x128xf32, #tpu.memory_space<vmem>> -> memref<128x128xf32, #tpu.memory_space<vmem>>
    %dma_wait3A_47 = arith.constant 0 : i32
    %dma_wait3A_48 = arith.constant 0 : i32
    %dma_wait3A_49 = tpu.memref_slice %arg2[%dma_wait3A_47, %dma_wait3A_48] : memref<10240x128xf32, #tpu.memory_space<hbm>> -> memref<128x128xf32, #tpu.memory_space<hbm>>
    %dma_wait3A_50 = arith.constant 0 : i32
    %dma_wait3A_51 = arith.constant 0 : i32
    %dma_wait3A_52 = tpu.memref_slice %arg9[%dma_wait3A, %dma_wait3A_50, %dma_wait3A_51] : memref<2x128x128xf32, #tpu.memory_space<vmem>> -> memref<1x128x128xf32, #tpu.memory_space<vmem>>
    %dma_wait3A_53 = tpu.memref_squeeze %dma_wait3A_52 : memref<1x128x128xf32, #tpu.memory_space<vmem>> -> memref<128x128xf32, #tpu.memory_space<vmem>>
    %dma_wait3A_54 = arith.constant 0 : i32
    %dma_wait3A_55 = arith.constant 0 : i32
    %dma_wait3A_56 = tpu.memref_slice %arg2[%dma_wait3A_54, %dma_wait3A_55] : memref<10240x128xf32, #tpu.memory_space<hbm>> -> memref<128x128xf32, #tpu.memory_space<hbm>>
    tpu.wait_dma2 semaphore(%arg11 : memref<!tpu.dma_semaphore, #tpu.memory_space<semaphore_mem>>) src(%dma_wait3A_56 : memref<128x128xf32, #tpu.memory_space<hbm>>) dst(%dma_wait3A_53 : memref<128x128xf32, #tpu.memory_space<vmem>>)
    %run_scoped3A_57 = arith.constant 0 : i32
    %run_scoped3A_58 = arith.constant 0 : i32
    "tpu.region"() ({
      %run_scoped3A_84 = tpu.sem_alloc : memref<!tpu.dma_semaphore, #tpu.memory_space<semaphore_mem>>
      %dma_start3A_85 = arith.constant 0 : i32
      %dma_start3A_86 = arith.constant 0 : i32
      %dma_start3A_87 = tpu.memref_slice %arg9[%run_scoped3A_57, %dma_start3A_85, %dma_start3A_86] : memref<2x128x128xf32, #tpu.memory_space<vmem>> -> memref<1x128x128xf32, #tpu.memory_space<vmem>>
      %dma_start3A_88 = tpu.memref_squeeze %dma_start3A_87 : memref<1x128x128xf32, #tpu.memory_space<vmem>> -> memref<128x128xf32, #tpu.memory_space<vmem>>
      %dma_start3A_89 = arith.constant 0 : i32
      %dma_start3A_90 = tpu.memref_slice %arg8[%run_scoped3A_58, %dma_start3A_89] : memref<2x128xi32, #tpu.memory_space<vmem>> -> memref<1x128xi32, #tpu.memory_space<vmem>>
      %dma_start3A_91 = tpu.memref_squeeze %dma_start3A_90 : memref<1x128xi32, #tpu.memory_space<vmem>> -> memref<128xi32, #tpu.memory_space<vmem>>
      %dma_start3A_92 = arith.constant 0 : i32
      %dma_start3A_93 = arith.constant 0 : i32
      %dma_start3A_94 = tpu.memref_slice %arg10[%dma_start3A_92, %dma_start3A_93] : memref<10240x128xf32, #tpu.memory_space<vmem_shared>> -> memref<10240x128xf32, #tpu.memory_space<vmem_shared>>
      tpu.enqueue_indirect_dma source(%dma_start3A_88 : memref<128x128xf32, #tpu.memory_space<vmem>>) target(%dma_start3A_94 : memref<10240x128xf32, #tpu.memory_space<vmem_shared>>) offsets(%dma_start3A_91 : memref<128xi32, #tpu.memory_space<vmem>>) semaphore(%run_scoped3A_84 : memref<!tpu.dma_semaphore, #tpu.memory_space<semaphore_mem>>) {add = true}
      %dma_wait3A_95 = arith.constant 0 : i32
      %dma_wait3A_96 = arith.constant 0 : i32
      %dma_wait3A_97 = tpu.memref_slice %arg9[%run_scoped3A_57, %dma_wait3A_95, %dma_wait3A_96] : memref<2x128x128xf32, #tpu.memory_space<vmem>> -> memref<1x128x128xf32, #tpu.memory_space<vmem>>
      %dma_wait3A_98 = tpu.memref_squeeze %dma_wait3A_97 : memref<1x128x128xf32, #tpu.memory_space<vmem>> -> memref<128x128xf32, #tpu.memory_space<vmem>>
      %dma_wait3A_99 = arith.constant 0 : i32
      %dma_wait3A_100 = tpu.memref_slice %arg8[%run_scoped3A_58, %dma_wait3A_99] : memref<2x128xi32, #tpu.memory_space<vmem>> -> memref<1x128xi32, #tpu.memory_space<vmem>>
      %dma_wait3A_101 = tpu.memref_squeeze %dma_wait3A_100 : memref<1x128xi32, #tpu.memory_space<vmem>> -> memref<128xi32, #tpu.memory_space<vmem>>
      %dma_wait3A_102 = arith.constant 0 : i32
      %dma_wait3A_103 = arith.constant 0 : i32
      %dma_wait3A_104 = tpu.memref_slice %arg10[%dma_wait3A_102, %dma_wait3A_103] : memref<10240x128xf32, #tpu.memory_space<vmem_shared>> -> memref<10240x128xf32, #tpu.memory_space<vmem_shared>>
      tpu.wait_indirect_dma semaphore(%run_scoped3A_84 : memref<!tpu.dma_semaphore, #tpu.memory_space<semaphore_mem>>) src(%dma_wait3A_98 : memref<128x128xf32, #tpu.memory_space<vmem>>) dst(%dma_wait3A_104 : memref<10240x128xf32, #tpu.memory_space<vmem_shared>>)
      tpu.yield
    }) : () -> ()
    %dma_wait3A_59 = arith.constant 1 : i32
    %dma_wait3A_60 = arith.constant 0 : i32
    %dma_wait3A_61 = arith.constant 0 : i32
    %dma_wait3A_62 = tpu.memref_slice %arg9[%dma_wait3A_59, %dma_wait3A_60, %dma_wait3A_61] : memref<2x128x128xf32, #tpu.memory_space<vmem>> -> memref<1x128x128xf32, #tpu.memory_space<vmem>>
    %dma_wait3A_63 = tpu.memref_squeeze %dma_wait3A_62 : memref<1x128x128xf32, #tpu.memory_space<vmem>> -> memref<128x128xf32, #tpu.memory_space<vmem>>
    %dma_wait3A_64 = arith.constant 0 : i32
    %dma_wait3A_65 = arith.constant 0 : i32
    %dma_wait3A_66 = tpu.memref_slice %arg2[%dma_wait3A_64, %dma_wait3A_65] : memref<10240x128xf32, #tpu.memory_space<hbm>> -> memref<128x128xf32, #tpu.memory_space<hbm>>
    %dma_wait3A_67 = arith.constant 0 : i32
    %dma_wait3A_68 = arith.constant 0 : i32
    %dma_wait3A_69 = tpu.memref_slice %arg9[%dma_wait3A_59, %dma_wait3A_67, %dma_wait3A_68] : memref<2x128x128xf32, #tpu.memory_space<vmem>> -> memref<1x128x128xf32, #tpu.memory_space<vmem>>
    %dma_wait3A_70 = tpu.memref_squeeze %dma_wait3A_69 : memref<1x128x128xf32, #tpu.memory_space<vmem>> -> memref<128x128xf32, #tpu.memory_space<vmem>>
    %dma_wait3A_71 = arith.constant 0 : i32
    %dma_wait3A_72 = arith.constant 0 : i32
    %dma_wait3A_73 = tpu.memref_slice %arg2[%dma_wait3A_71, %dma_wait3A_72] : memref<10240x128xf32, #tpu.memory_space<hbm>> -> memref<128x128xf32, #tpu.memory_space<hbm>>
    tpu.wait_dma2 semaphore(%arg12 : memref<!tpu.dma_semaphore, #tpu.memory_space<semaphore_mem>>) src(%dma_wait3A_73 : memref<128x128xf32, #tpu.memory_space<hbm>>) dst(%dma_wait3A_70 : memref<128x128xf32, #tpu.memory_space<vmem>>)
    %run_scoped3A_74 = arith.constant 1 : i32
    %run_scoped3A_75 = arith.constant 1 : i32
    "tpu.region"() ({
      %run_scoped3A_84 = tpu.sem_alloc : memref<!tpu.dma_semaphore, #tpu.memory_space<semaphore_mem>>
      %dma_start3A_85 = arith.constant 0 : i32
      %dma_start3A_86 = arith.constant 0 : i32
      %dma_start3A_87 = tpu.memref_slice %arg9[%run_scoped3A_74, %dma_start3A_85, %dma_start3A_86] : memref<2x128x128xf32, #tpu.memory_space<vmem>> -> memref<1x128x128xf32, #tpu.memory_space<vmem>>
      %dma_start3A_88 = tpu.memref_squeeze %dma_start3A_87 : memref<1x128x128xf32, #tpu.memory_space<vmem>> -> memref<128x128xf32, #tpu.memory_space<vmem>>
      %dma_start3A_89 = arith.constant 0 : i32
      %dma_start3A_90 = tpu.memref_slice %arg8[%run_scoped3A_75, %dma_start3A_89] : memref<2x128xi32, #tpu.memory_space<vmem>> -> memref<1x128xi32, #tpu.memory_space<vmem>>
      %dma_start3A_91 = tpu.memref_squeeze %dma_start3A_90 : memref<1x128xi32, #tpu.memory_space<vmem>> -> memref<128xi32, #tpu.memory_space<vmem>>
      %dma_start3A_92 = arith.constant 0 : i32
      %dma_start3A_93 = arith.constant 0 : i32
      %dma_start3A_94 = tpu.memref_slice %arg10[%dma_start3A_92, %dma_start3A_93] : memref<10240x128xf32, #tpu.memory_space<vmem_shared>> -> memref<10240x128xf32, #tpu.memory_space<vmem_shared>>
      tpu.enqueue_indirect_dma source(%dma_start3A_88 : memref<128x128xf32, #tpu.memory_space<vmem>>) target(%dma_start3A_94 : memref<10240x128xf32, #tpu.memory_space<vmem_shared>>) offsets(%dma_start3A_91 : memref<128xi32, #tpu.memory_space<vmem>>) semaphore(%run_scoped3A_84 : memref<!tpu.dma_semaphore, #tpu.memory_space<semaphore_mem>>) {add = true}
      %dma_wait3A_95 = arith.constant 0 : i32
      %dma_wait3A_96 = arith.constant 0 : i32
      %dma_wait3A_97 = tpu.memref_slice %arg9[%run_scoped3A_74, %dma_wait3A_95, %dma_wait3A_96] : memref<2x128x128xf32, #tpu.memory_space<vmem>> -> memref<1x128x128xf32, #tpu.memory_space<vmem>>
      %dma_wait3A_98 = tpu.memref_squeeze %dma_wait3A_97 : memref<1x128x128xf32, #tpu.memory_space<vmem>> -> memref<128x128xf32, #tpu.memory_space<vmem>>
      %dma_wait3A_99 = arith.constant 0 : i32
      %dma_wait3A_100 = tpu.memref_slice %arg8[%run_scoped3A_75, %dma_wait3A_99] : memref<2x128xi32, #tpu.memory_space<vmem>> -> memref<1x128xi32, #tpu.memory_space<vmem>>
      %dma_wait3A_101 = tpu.memref_squeeze %dma_wait3A_100 : memref<1x128xi32, #tpu.memory_space<vmem>> -> memref<128xi32, #tpu.memory_space<vmem>>
      %dma_wait3A_102 = arith.constant 0 : i32
      %dma_wait3A_103 = arith.constant 0 : i32
      %dma_wait3A_104 = tpu.memref_slice %arg10[%dma_wait3A_102, %dma_wait3A_103] : memref<10240x128xf32, #tpu.memory_space<vmem_shared>> -> memref<10240x128xf32, #tpu.memory_space<vmem_shared>>
      tpu.wait_indirect_dma semaphore(%run_scoped3A_84 : memref<!tpu.dma_semaphore, #tpu.memory_space<semaphore_mem>>) src(%dma_wait3A_98 : memref<128x128xf32, #tpu.memory_space<vmem>>) dst(%dma_wait3A_104 : memref<10240x128xf32, #tpu.memory_space<vmem_shared>>)
      tpu.yield
    }) : () -> ()
    %barrier3A_76 = arith.constant 0 : index
    tpu.barrier barrier_id(%barrier3A_76)
    %mul3A_77 = arith.constant 640 : i32
    %mul3A_78 = arith.muli %arg1, %mul3A_77 : i32
    %mul3A_79 = arith.constant 10240 : i32
    %mul3A_80 = arith.muli %arg0, %mul3A_79 : i32
    %mul3A_81 = arith.constant 640 : i32
    %mul3A_82 = arith.muli %arg1, %mul3A_81 : i32
    %add3A_83 = arith.addi %mul3A_80, %mul3A_82 : i32
    "tpu.region"() ({
      %run_scoped3A_84 = tpu.sem_alloc : memref<!tpu.dma_semaphore, #tpu.memory_space<semaphore_mem>>
      %dma_start3A_85 = arith.constant 0 : i32
      %dma_start3A_86 = tpu.memref_slice %arg6[%add3A_83, %dma_start3A_85] : memref<20480x128xf32, #tpu.memory_space<hbm>> -> memref<640x128xf32, #tpu.memory_space<hbm>>
      %dma_start3A_87 = arith.constant 0 : i32
      %dma_start3A_88 = tpu.memref_slice %arg10[%mul3A_78, %dma_start3A_87] : memref<10240x128xf32, #tpu.memory_space<vmem_shared>> -> memref<640x128xf32, #tpu.memory_space<vmem_shared>>
      tpu.enqueue_dma source(%dma_start3A_88 : memref<640x128xf32, #tpu.memory_space<vmem_shared>>) target(%dma_start3A_86 : memref<640x128xf32, #tpu.memory_space<hbm>>) target_semaphore(%run_scoped3A_84 : memref<!tpu.dma_semaphore, #tpu.memory_space<semaphore_mem>>)
      %dma_wait3A_89 = arith.constant 0 : i32
      %dma_wait3A_90 = tpu.memref_slice %arg6[%add3A_83, %dma_wait3A_89] : memref<20480x128xf32, #tpu.memory_space<hbm>> -> memref<640x128xf32, #tpu.memory_space<hbm>>
      %dma_wait3A_91 = arith.constant 0 : i32
      %dma_wait3A_92 = tpu.memref_slice %arg10[%mul3A_78, %dma_wait3A_91] : memref<10240x128xf32, #tpu.memory_space<vmem_shared>> -> memref<640x128xf32, #tpu.memory_space<vmem_shared>>
      tpu.wait_dma2 semaphore(%run_scoped3A_84 : memref<!tpu.dma_semaphore, #tpu.memory_space<semaphore_mem>>) src(%dma_wait3A_92 : memref<640x128xf32, #tpu.memory_space<vmem_shared>>) dst(%dma_wait3A_90 : memref<640x128xf32, #tpu.memory_space<hbm>>)
      tpu.yield
    }) : () -> ()
    return
  }
}

#map = affine_map<(d0, d1) -> (0)>
#map1 = affine_map<(d0, d1) -> (0, 0)>
module attributes {stable_mosaic.version = 14 : i64} {
  func.func @k(%arg0: i32, %arg1: i32, %arg2: memref<10240xf32, #tpu.memory_space<hbm>>, %arg3: memref<327680xi32, #tpu.memory_space<hbm>>, %arg4: memref<327680xi32, #tpu.memory_space<hbm>>, %arg5: memref<10240xf32, #tpu.memory_space<hbm>>, %arg6: memref<32x10240xf32, #tpu.memory_space<hbm>>, %arg7: memref<10240xf32, #tpu.memory_space<vmem>>, %arg8: memref<10240xf32, #tpu.memory_space<vmem>>, %arg9: memref<10240xi32, #tpu.memory_space<vmem>>, %arg10: memref<10240xi32, #tpu.memory_space<vmem>>) attributes {dimension_semantics = [#tpu.dimension_semantics<core_parallel>, #tpu.dimension_semantics<subcore_parallel>], iteration_bounds = array<i64: 2, 16>, scalar_prefetch = 0 : i64, scratch_operands = 4 : i64, tpu.core_type = #tpu.core_type<sc_vector_subcore>, window_params = [{transform_indices = #map}, {transform_indices = #map}, {transform_indices = #map}, {transform_indices = #map}, {transform_indices = #map1}]} {
    %mul3A = arith.constant 16 : i32
    %mul3A_0 = arith.muli %arg0, %mul3A : i32
    %add3A = arith.addi %mul3A_0, %arg1 : i32
    %mul3A_1 = arith.constant 10240 : i32
    %mul3A_2 = arith.muli %add3A, %mul3A_1 : i32
    %multiple_of3A = tpu.assume_multiple %mul3A_2, 128 : i32
    "tpu.region"() ({
      %run_scoped3A = tpu.sem_alloc : memref<!tpu.dma_semaphore, #tpu.memory_space<semaphore_mem>>
      tpu.enqueue_dma source(%arg2 : memref<10240xf32, #tpu.memory_space<hbm>>) target(%arg7 : memref<10240xf32, #tpu.memory_space<vmem>>) target_semaphore(%run_scoped3A : memref<!tpu.dma_semaphore, #tpu.memory_space<semaphore_mem>>)
      tpu.wait_dma2 semaphore(%run_scoped3A : memref<!tpu.dma_semaphore, #tpu.memory_space<semaphore_mem>>) src(%arg2 : memref<10240xf32, #tpu.memory_space<hbm>>) dst(%arg7 : memref<10240xf32, #tpu.memory_space<vmem>>)
      tpu.yield
    }) : () -> ()
    "tpu.region"() ({
      %run_scoped3A = tpu.sem_alloc : memref<!tpu.dma_semaphore, #tpu.memory_space<semaphore_mem>>
      %dma_start3A = tpu.memref_slice %arg3[%multiple_of3A] : memref<327680xi32, #tpu.memory_space<hbm>> -> memref<10240xi32, #tpu.memory_space<hbm>>
      %dma_start3A_8 = tpu.memref_slice %arg3[%multiple_of3A] : memref<327680xi32, #tpu.memory_space<hbm>> -> memref<10240xi32, #tpu.memory_space<hbm>>
      tpu.enqueue_dma source(%dma_start3A_8 : memref<10240xi32, #tpu.memory_space<hbm>>) target(%arg9 : memref<10240xi32, #tpu.memory_space<vmem>>) target_semaphore(%run_scoped3A : memref<!tpu.dma_semaphore, #tpu.memory_space<semaphore_mem>>)
      %dma_wait3A = tpu.memref_slice %arg3[%multiple_of3A] : memref<327680xi32, #tpu.memory_space<hbm>> -> memref<10240xi32, #tpu.memory_space<hbm>>
      %dma_wait3A_9 = tpu.memref_slice %arg3[%multiple_of3A] : memref<327680xi32, #tpu.memory_space<hbm>> -> memref<10240xi32, #tpu.memory_space<hbm>>
      tpu.wait_dma2 semaphore(%run_scoped3A : memref<!tpu.dma_semaphore, #tpu.memory_space<semaphore_mem>>) src(%dma_wait3A_9 : memref<10240xi32, #tpu.memory_space<hbm>>) dst(%arg9 : memref<10240xi32, #tpu.memory_space<vmem>>)
      tpu.yield
    }) : () -> ()
    "tpu.region"() ({
      %run_scoped3A = tpu.sem_alloc : memref<!tpu.dma_semaphore, #tpu.memory_space<semaphore_mem>>
      %dma_start3A = tpu.memref_slice %arg4[%multiple_of3A] : memref<327680xi32, #tpu.memory_space<hbm>> -> memref<10240xi32, #tpu.memory_space<hbm>>
      %dma_start3A_8 = tpu.memref_slice %arg4[%multiple_of3A] : memref<327680xi32, #tpu.memory_space<hbm>> -> memref<10240xi32, #tpu.memory_space<hbm>>
      tpu.enqueue_dma source(%dma_start3A_8 : memref<10240xi32, #tpu.memory_space<hbm>>) target(%arg10 : memref<10240xi32, #tpu.memory_space<vmem>>) target_semaphore(%run_scoped3A : memref<!tpu.dma_semaphore, #tpu.memory_space<semaphore_mem>>)
      %dma_wait3A = tpu.memref_slice %arg4[%multiple_of3A] : memref<327680xi32, #tpu.memory_space<hbm>> -> memref<10240xi32, #tpu.memory_space<hbm>>
      %dma_wait3A_9 = tpu.memref_slice %arg4[%multiple_of3A] : memref<327680xi32, #tpu.memory_space<hbm>> -> memref<10240xi32, #tpu.memory_space<hbm>>
      tpu.wait_dma2 semaphore(%run_scoped3A : memref<!tpu.dma_semaphore, #tpu.memory_space<semaphore_mem>>) src(%dma_wait3A_9 : memref<10240xi32, #tpu.memory_space<hbm>>) dst(%arg10 : memref<10240xi32, #tpu.memory_space<vmem>>)
      tpu.yield
    }) : () -> ()
    "tpu.region"() ({
      %run_scoped3A = tpu.sem_alloc : memref<!tpu.dma_semaphore, #tpu.memory_space<semaphore_mem>>
      tpu.enqueue_dma source(%arg5 : memref<10240xf32, #tpu.memory_space<hbm>>) target(%arg8 : memref<10240xf32, #tpu.memory_space<vmem>>) target_semaphore(%run_scoped3A : memref<!tpu.dma_semaphore, #tpu.memory_space<semaphore_mem>>)
      tpu.wait_dma2 semaphore(%run_scoped3A : memref<!tpu.dma_semaphore, #tpu.memory_space<semaphore_mem>>) src(%arg5 : memref<10240xf32, #tpu.memory_space<hbm>>) dst(%arg8 : memref<10240xf32, #tpu.memory_space<vmem>>)
      tpu.yield
    }) : () -> ()
    %scan3A = arith.constant 0 : i32
    %scan3A_3 = arith.constant 0 : i32
    %scan3A_4 = arith.constant 640 : i32
    %scan3A_5 = arith.addi %scan3A_3, %scan3A_4 : i32
    %scan3A_6 = arith.constant 1 : i32
    scf.for %scan3A_8 = %scan3A_3 to %scan3A_5 step %scan3A_6  : i32 {
      %mul3A_9 = arith.constant 16 : i32
      %mul3A_10 = arith.muli %scan3A_8, %mul3A_9 : i32
      %get3A = arith.index_cast %mul3A_10 : i32 to index
      %get3A_11 = tpu.vector_load %arg9[%get3A] {strides = array<i32>} : memref<10240xi32, #tpu.memory_space<vmem>>, vector<16xi32>,
      %mul3A_12 = arith.constant 16 : i32
      %mul3A_13 = arith.muli %scan3A_8, %mul3A_12 : i32
      %get3A_14 = arith.index_cast %mul3A_13 : i32 to index
      %get3A_15 = tpu.vector_load %arg10[%get3A_14] {strides = array<i32>} : memref<10240xi32, #tpu.memory_space<vmem>>, vector<16xi32>,
      %gather3A = tpu.vector_load_idx %arg7[%get3A_11] : memref<10240xf32, #tpu.memory_space<vmem>>[vector<16xi32>], vector<16xf32>,
      tpu.vector_store_idx %arg8[%get3A_15], %gather3A {add = true} : memref<10240xf32, #tpu.memory_space<vmem>>[vector<16xi32>], vector<16xf32>,
    }
    %scan3A_7 = arith.constant 640 : i32
    "tpu.region"() ({
      %run_scoped3A = tpu.sem_alloc : memref<!tpu.dma_semaphore, #tpu.memory_space<semaphore_mem>>
      %dma_start3A = arith.constant 0 : i32
      %dma_start3A_8 = tpu.memref_slice %arg6[%add3A, %dma_start3A] : memref<32x10240xf32, #tpu.memory_space<hbm>> -> memref<1x10240xf32, #tpu.memory_space<hbm>>
      %dma_start3A_9 = tpu.memref_squeeze %dma_start3A_8 : memref<1x10240xf32, #tpu.memory_space<hbm>> -> memref<10240xf32, #tpu.memory_space<hbm>>
      %dma_start3A_10 = arith.constant 0 : i32
      %dma_start3A_11 = tpu.memref_slice %arg6[%add3A, %dma_start3A_10] : memref<32x10240xf32, #tpu.memory_space<hbm>> -> memref<1x10240xf32, #tpu.memory_space<hbm>>
      %dma_start3A_12 = tpu.memref_squeeze %dma_start3A_11 : memref<1x10240xf32, #tpu.memory_space<hbm>> -> memref<10240xf32, #tpu.memory_space<hbm>>
      tpu.enqueue_dma source(%arg8 : memref<10240xf32, #tpu.memory_space<vmem>>) target(%dma_start3A_12 : memref<10240xf32, #tpu.memory_space<hbm>>) target_semaphore(%run_scoped3A : memref<!tpu.dma_semaphore, #tpu.memory_space<semaphore_mem>>)
      %dma_wait3A = arith.constant 0 : i32
      %dma_wait3A_13 = tpu.memref_slice %arg6[%add3A, %dma_wait3A] : memref<32x10240xf32, #tpu.memory_space<hbm>> -> memref<1x10240xf32, #tpu.memory_space<hbm>>
      %dma_wait3A_14 = tpu.memref_squeeze %dma_wait3A_13 : memref<1x10240xf32, #tpu.memory_space<hbm>> -> memref<10240xf32, #tpu.memory_space<hbm>>
      %dma_wait3A_15 = arith.constant 0 : i32
      %dma_wait3A_16 = tpu.memref_slice %arg6[%add3A, %dma_wait3A_15] : memref<32x10240xf32, #tpu.memory_space<hbm>> -> memref<1x10240xf32, #tpu.memory_space<hbm>>
      %dma_wait3A_17 = tpu.memref_squeeze %dma_wait3A_16 : memref<1x10240xf32, #tpu.memory_space<hbm>> -> memref<10240xf32, #tpu.memory_space<hbm>>
      tpu.wait_dma2 semaphore(%run_scoped3A : memref<!tpu.dma_semaphore, #tpu.memory_space<semaphore_mem>>) src(%arg8 : memref<10240xf32, #tpu.memory_space<vmem>>) dst(%dma_wait3A_17 : memref<10240xf32, #tpu.memory_space<hbm>>)
      tpu.yield
    }) : () -> ()
    return
  }
}

#map = affine_map<(d0, d1) -> (0)>
#map1 = affine_map<(d0, d1) -> (0, 0)>
module attributes {stable_mosaic.version = 14 : i64} {
  func.func @k(%arg0: i32, %arg1: i32, %arg2: memref<10240xf32, #tpu.memory_space<hbm>>, %arg3: memref<327680xi32, #tpu.memory_space<hbm>>, %arg4: memref<327680xi32, #tpu.memory_space<hbm>>, %arg5: memref<10240xf32, #tpu.memory_space<hbm>>, %arg6: memref<32x10240xf32, #tpu.memory_space<hbm>>, %arg7: memref<10240xf32, #tpu.memory_space<vmem>>, %arg8: memref<10240xf32, #tpu.memory_space<vmem>>, %arg9: memref<10240xi32, #tpu.memory_space<vmem>>, %arg10: memref<10240xi32, #tpu.memory_space<vmem>>) attributes {dimension_semantics = [#tpu.dimension_semantics<core_parallel>, #tpu.dimension_semantics<subcore_parallel>], iteration_bounds = array<i64: 2, 16>, scalar_prefetch = 0 : i64, scratch_operands = 4 : i64, tpu.core_type = #tpu.core_type<sc_vector_subcore>, window_params = [{transform_indices = #map}, {transform_indices = #map}, {transform_indices = #map}, {transform_indices = #map}, {transform_indices = #map1}]} {
    %mul3A = arith.constant 16 : i32
    %mul3A_0 = arith.muli %arg0, %mul3A : i32
    %add3A = arith.addi %mul3A_0, %arg1 : i32
    %mul3A_1 = arith.constant 10240 : i32
    %mul3A_2 = arith.muli %add3A, %mul3A_1 : i32
    %multiple_of3A = tpu.assume_multiple %mul3A_2, 128 : i32
    "tpu.region"() ({
      %run_scoped3A = tpu.sem_alloc : memref<!tpu.dma_semaphore, #tpu.memory_space<semaphore_mem>>
      tpu.enqueue_dma source(%arg2 : memref<10240xf32, #tpu.memory_space<hbm>>) target(%arg7 : memref<10240xf32, #tpu.memory_space<vmem>>) target_semaphore(%run_scoped3A : memref<!tpu.dma_semaphore, #tpu.memory_space<semaphore_mem>>)
      tpu.wait_dma2 semaphore(%run_scoped3A : memref<!tpu.dma_semaphore, #tpu.memory_space<semaphore_mem>>) src(%arg2 : memref<10240xf32, #tpu.memory_space<hbm>>) dst(%arg7 : memref<10240xf32, #tpu.memory_space<vmem>>)
      tpu.yield
    }) : () -> ()
    "tpu.region"() ({
      %run_scoped3A = tpu.sem_alloc : memref<!tpu.dma_semaphore, #tpu.memory_space<semaphore_mem>>
      %dma_start3A = tpu.memref_slice %arg3[%multiple_of3A] : memref<327680xi32, #tpu.memory_space<hbm>> -> memref<10240xi32, #tpu.memory_space<hbm>>
      %dma_start3A_8 = tpu.memref_slice %arg3[%multiple_of3A] : memref<327680xi32, #tpu.memory_space<hbm>> -> memref<10240xi32, #tpu.memory_space<hbm>>
      tpu.enqueue_dma source(%dma_start3A_8 : memref<10240xi32, #tpu.memory_space<hbm>>) target(%arg9 : memref<10240xi32, #tpu.memory_space<vmem>>) target_semaphore(%run_scoped3A : memref<!tpu.dma_semaphore, #tpu.memory_space<semaphore_mem>>)
      %dma_wait3A = tpu.memref_slice %arg3[%multiple_of3A] : memref<327680xi32, #tpu.memory_space<hbm>> -> memref<10240xi32, #tpu.memory_space<hbm>>
      %dma_wait3A_9 = tpu.memref_slice %arg3[%multiple_of3A] : memref<327680xi32, #tpu.memory_space<hbm>> -> memref<10240xi32, #tpu.memory_space<hbm>>
      tpu.wait_dma2 semaphore(%run_scoped3A : memref<!tpu.dma_semaphore, #tpu.memory_space<semaphore_mem>>) src(%dma_wait3A_9 : memref<10240xi32, #tpu.memory_space<hbm>>) dst(%arg9 : memref<10240xi32, #tpu.memory_space<vmem>>)
      tpu.yield
    }) : () -> ()
    "tpu.region"() ({
      %run_scoped3A = tpu.sem_alloc : memref<!tpu.dma_semaphore, #tpu.memory_space<semaphore_mem>>
      %dma_start3A = tpu.memref_slice %arg4[%multiple_of3A] : memref<327680xi32, #tpu.memory_space<hbm>> -> memref<10240xi32, #tpu.memory_space<hbm>>
      %dma_start3A_8 = tpu.memref_slice %arg4[%multiple_of3A] : memref<327680xi32, #tpu.memory_space<hbm>> -> memref<10240xi32, #tpu.memory_space<hbm>>
      tpu.enqueue_dma source(%dma_start3A_8 : memref<10240xi32, #tpu.memory_space<hbm>>) target(%arg10 : memref<10240xi32, #tpu.memory_space<vmem>>) target_semaphore(%run_scoped3A : memref<!tpu.dma_semaphore, #tpu.memory_space<semaphore_mem>>)
      %dma_wait3A = tpu.memref_slice %arg4[%multiple_of3A] : memref<327680xi32, #tpu.memory_space<hbm>> -> memref<10240xi32, #tpu.memory_space<hbm>>
      %dma_wait3A_9 = tpu.memref_slice %arg4[%multiple_of3A] : memref<327680xi32, #tpu.memory_space<hbm>> -> memref<10240xi32, #tpu.memory_space<hbm>>
      tpu.wait_dma2 semaphore(%run_scoped3A : memref<!tpu.dma_semaphore, #tpu.memory_space<semaphore_mem>>) src(%dma_wait3A_9 : memref<10240xi32, #tpu.memory_space<hbm>>) dst(%arg10 : memref<10240xi32, #tpu.memory_space<vmem>>)
      tpu.yield
    }) : () -> ()
    "tpu.region"() ({
      %run_scoped3A = tpu.sem_alloc : memref<!tpu.dma_semaphore, #tpu.memory_space<semaphore_mem>>
      tpu.enqueue_dma source(%arg5 : memref<10240xf32, #tpu.memory_space<hbm>>) target(%arg8 : memref<10240xf32, #tpu.memory_space<vmem>>) target_semaphore(%run_scoped3A : memref<!tpu.dma_semaphore, #tpu.memory_space<semaphore_mem>>)
      tpu.wait_dma2 semaphore(%run_scoped3A : memref<!tpu.dma_semaphore, #tpu.memory_space<semaphore_mem>>) src(%arg5 : memref<10240xf32, #tpu.memory_space<hbm>>) dst(%arg8 : memref<10240xf32, #tpu.memory_space<vmem>>)
      tpu.yield
    }) : () -> ()
    %scan3A = arith.constant 0 : i32
    %scan3A_3 = arith.constant 0 : i32
    %scan3A_4 = arith.constant 640 : i32
    %scan3A_5 = arith.addi %scan3A_3, %scan3A_4 : i32
    %scan3A_6 = arith.constant 1 : i32
    scf.for %scan3A_8 = %scan3A_3 to %scan3A_5 step %scan3A_6  : i32 {
      %mul3A_9 = arith.constant 16 : i32
      %mul3A_10 = arith.muli %scan3A_8, %mul3A_9 : i32
      %get3A = arith.index_cast %mul3A_10 : i32 to index
      %get3A_11 = tpu.vector_load %arg9[%get3A] {strides = array<i32>} : memref<10240xi32, #tpu.memory_space<vmem>>, vector<16xi32>,
      %mul3A_12 = arith.constant 16 : i32
      %mul3A_13 = arith.muli %scan3A_8, %mul3A_12 : i32
      %get3A_14 = arith.index_cast %mul3A_13 : i32 to index
      %get3A_15 = tpu.vector_load %arg10[%get3A_14] {strides = array<i32>} : memref<10240xi32, #tpu.memory_space<vmem>>, vector<16xi32>,
      %gather3A = tpu.vector_load_idx %arg7[%get3A_11] : memref<10240xf32, #tpu.memory_space<vmem>>[vector<16xi32>], vector<16xf32>,
      tpu.vector_store_idx %arg8[%get3A_15], %gather3A {add = true} : memref<10240xf32, #tpu.memory_space<vmem>>[vector<16xi32>], vector<16xf32>,
    }
    %scan3A_7 = arith.constant 640 : i32
    "tpu.region"() ({
      %run_scoped3A = tpu.sem_alloc : memref<!tpu.dma_semaphore, #tpu.memory_space<semaphore_mem>>
      %dma_start3A = arith.constant 0 : i32
      %dma_start3A_8 = tpu.memref_slice %arg6[%add3A, %dma_start3A] : memref<32x10240xf32, #tpu.memory_space<hbm>> -> memref<1x10240xf32, #tpu.memory_space<hbm>>
      %dma_start3A_9 = tpu.memref_squeeze %dma_start3A_8 : memref<1x10240xf32, #tpu.memory_space<hbm>> -> memref<10240xf32, #tpu.memory_space<hbm>>
      %dma_start3A_10 = arith.constant 0 : i32
      %dma_start3A_11 = tpu.memref_slice %arg6[%add3A, %dma_start3A_10] : memref<32x10240xf32, #tpu.memory_space<hbm>> -> memref<1x10240xf32, #tpu.memory_space<hbm>>
      %dma_start3A_12 = tpu.memref_squeeze %dma_start3A_11 : memref<1x10240xf32, #tpu.memory_space<hbm>> -> memref<10240xf32, #tpu.memory_space<hbm>>
      tpu.enqueue_dma source(%arg8 : memref<10240xf32, #tpu.memory_space<vmem>>) target(%dma_start3A_12 : memref<10240xf32, #tpu.memory_space<hbm>>) target_semaphore(%run_scoped3A : memref<!tpu.dma_semaphore, #tpu.memory_space<semaphore_mem>>)
      %dma_wait3A = arith.constant 0 : i32
      %dma_wait3A_13 = tpu.memref_slice %arg6[%add3A, %dma_wait3A] : memref<32x10240xf32, #tpu.memory_space<hbm>> -> memref<1x10240xf32, #tpu.memory_space<hbm>>
      %dma_wait3A_14 = tpu.memref_squeeze %dma_wait3A_13 : memref<1x10240xf32, #tpu.memory_space<hbm>> -> memref<10240xf32, #tpu.memory_space<hbm>>
      %dma_wait3A_15 = arith.constant 0 : i32
      %dma_wait3A_16 = tpu.memref_slice %arg6[%add3A, %dma_wait3A_15] : memref<32x10240xf32, #tpu.memory_space<hbm>> -> memref<1x10240xf32, #tpu.memory_space<hbm>>
      %dma_wait3A_17 = tpu.memref_squeeze %dma_wait3A_16 : memref<1x10240xf32, #tpu.memory_space<hbm>> -> memref<10240xf32, #tpu.memory_space<hbm>>
      tpu.wait_dma2 semaphore(%run_scoped3A : memref<!tpu.dma_semaphore, #tpu.memory_space<semaphore_mem>>) src(%arg8 : memref<10240xf32, #tpu.memory_space<vmem>>) dst(%dma_wait3A_17 : memref<10240xf32, #tpu.memory_space<hbm>>)
      tpu.yield
    }) : () -> ()
    return
  }
}

#map = affine_map<(d0, d1) -> (0, 0)>
#map1 = affine_map<(d0, d1) -> (0)>
module attributes {stable_mosaic.version = 14 : i64} {
  func.func @k(%arg0: i32, %arg1: i32, %arg2: memref<10240x128xf32, #tpu.memory_space<hbm>>, %arg3: memref<327680xi32, #tpu.memory_space<hbm>>, %arg4: memref<327680xi32, #tpu.memory_space<hbm>>, %arg5: memref<640x128xf32, #tpu.memory_space<hbm>>, %arg6: memref<20480x128xf32, #tpu.memory_space<hbm>>, %arg7: memref<2x128xi32, #tpu.memory_space<vmem>>, %arg8: memref<2x128xi32, #tpu.memory_space<vmem>>, %arg9: memref<2x128x128xf32, #tpu.memory_space<vmem>>, %arg10: memref<10240x128xf32, #tpu.memory_space<vmem_shared>>, %arg11: memref<!tpu.dma_semaphore, #tpu.memory_space<semaphore_mem>>, %arg12: memref<!tpu.dma_semaphore, #tpu.memory_space<semaphore_mem>>) attributes {dimension_semantics = [#tpu.dimension_semantics<core_parallel>, #tpu.dimension_semantics<subcore_parallel>], iteration_bounds = array<i64: 2, 16>, scalar_prefetch = 0 : i64, scratch_operands = 6 : i64, tpu.core_type = #tpu.core_type<sc_vector_subcore>, window_params = [{transform_indices = #map}, {transform_indices = #map1}, {transform_indices = #map1}, {transform_indices = #map}, {transform_indices = #map}]} {
    %mul3A = arith.constant 16 : i32
    %mul3A_0 = arith.muli %arg0, %mul3A : i32
    %add3A = arith.addi %mul3A_0, %arg1 : i32
    %mul3A_1 = arith.constant 10240 : i32
    %mul3A_2 = arith.muli %add3A, %mul3A_1 : i32
    %add3A_3 = arith.constant 0 : i32
    %add3A_4 = arith.addi %mul3A_2, %add3A_3 : i32
    %multiple_of3A = tpu.assume_multiple %add3A_4, 128 : i32
    %run_scoped3A = arith.constant 0 : i32
    "tpu.region"() ({
      %run_scoped3A_84 = tpu.sem_alloc : memref<!tpu.dma_semaphore, #tpu.memory_space<semaphore_mem>>
      %dma_start3A_85 = arith.constant 0 : i32
      %dma_start3A_86 = tpu.memref_slice %arg7[%run_scoped3A, %dma_start3A_85] : memref<2x128xi32, #tpu.memory_space<vmem>> -> memref<1x128xi32, #tpu.memory_space<vmem>>
      %dma_start3A_87 = tpu.memref_squeeze %dma_start3A_86 : memref<1x128xi32, #tpu.memory_space<vmem>> -> memref<128xi32, #tpu.memory_space<vmem>>
      %dma_start3A_88 = tpu.memref_slice %arg3[%multiple_of3A] : memref<327680xi32, #tpu.memory_space<hbm>> -> memref<128xi32, #tpu.memory_space<hbm>>
      %dma_start3A_89 = arith.constant 0 : i32
      %dma_start3A_90 = tpu.memref_slice %arg7[%run_scoped3A, %dma_start3A_89] : memref<2x128xi32, #tpu.memory_space<vmem>> -> memref<1x128xi32, #tpu.memory_space<vmem>>
      %dma_start3A_91 = tpu.memref_squeeze %dma_start3A_90 : memref<1x128xi32, #tpu.memory_space<vmem>> -> memref<128xi32, #tpu.memory_space<vmem>>
      %dma_start3A_92 = tpu.memref_slice %arg3[%multiple_of3A] : memref<327680xi32, #tpu.memory_space<hbm>> -> memref<128xi32, #tpu.memory_space<hbm>>
      tpu.enqueue_dma source(%dma_start3A_92 : memref<128xi32, #tpu.memory_space<hbm>>) target(%dma_start3A_91 : memref<128xi32, #tpu.memory_space<vmem>>) target_semaphore(%run_scoped3A_84 : memref<!tpu.dma_semaphore, #tpu.memory_space<semaphore_mem>>)
      %dma_wait3A_93 = arith.constant 0 : i32
      %dma_wait3A_94 = tpu.memref_slice %arg7[%run_scoped3A, %dma_wait3A_93] : memref<2x128xi32, #tpu.memory_space<vmem>> -> memref<1x128xi32, #tpu.memory_space<vmem>>
      %dma_wait3A_95 = tpu.memref_squeeze %dma_wait3A_94 : memref<1x128xi32, #tpu.memory_space<vmem>> -> memref<128xi32, #tpu.memory_space<vmem>>
      %dma_wait3A_96 = tpu.memref_slice %arg3[%multiple_of3A] : memref<327680xi32, #tpu.memory_space<hbm>> -> memref<128xi32, #tpu.memory_space<hbm>>
      %dma_wait3A_97 = arith.constant 0 : i32
      %dma_wait3A_98 = tpu.memref_slice %arg7[%run_scoped3A, %dma_wait3A_97] : memref<2x128xi32, #tpu.memory_space<vmem>> -> memref<1x128xi32, #tpu.memory_space<vmem>>
      %dma_wait3A_99 = tpu.memref_squeeze %dma_wait3A_98 : memref<1x128xi32, #tpu.memory_space<vmem>> -> memref<128xi32, #tpu.memory_space<vmem>>
      %dma_wait3A_100 = tpu.memref_slice %arg3[%multiple_of3A] : memref<327680xi32, #tpu.memory_space<hbm>> -> memref<128xi32, #tpu.memory_space<hbm>>
      tpu.wait_dma2 semaphore(%run_scoped3A_84 : memref<!tpu.dma_semaphore, #tpu.memory_space<semaphore_mem>>) src(%dma_wait3A_100 : memref<128xi32, #tpu.memory_space<hbm>>) dst(%dma_wait3A_99 : memref<128xi32, #tpu.memory_space<vmem>>)
      tpu.yield
    }) : () -> ()
    %run_scoped3A_5 = arith.constant 0 : i32
    "tpu.region"() ({
      %run_scoped3A_84 = tpu.sem_alloc : memref<!tpu.dma_semaphore, #tpu.memory_space<semaphore_mem>>
      %dma_start3A_85 = arith.constant 0 : i32
      %dma_start3A_86 = tpu.memref_slice %arg8[%run_scoped3A_5, %dma_start3A_85] : memref<2x128xi32, #tpu.memory_space<vmem>> -> memref<1x128xi32, #tpu.memory_space<vmem>>
      %dma_start3A_87 = tpu.memref_squeeze %dma_start3A_86 : memref<1x128xi32, #tpu.memory_space<vmem>> -> memref<128xi32, #tpu.memory_space<vmem>>
      %dma_start3A_88 = tpu.memref_slice %arg4[%multiple_of3A] : memref<327680xi32, #tpu.memory_space<hbm>> -> memref<128xi32, #tpu.memory_space<hbm>>
      %dma_start3A_89 = arith.constant 0 : i32
      %dma_start3A_90 = tpu.memref_slice %arg8[%run_scoped3A_5, %dma_start3A_89] : memref<2x128xi32, #tpu.memory_space<vmem>> -> memref<1x128xi32, #tpu.memory_space<vmem>>
      %dma_start3A_91 = tpu.memref_squeeze %dma_start3A_90 : memref<1x128xi32, #tpu.memory_space<vmem>> -> memref<128xi32, #tpu.memory_space<vmem>>
      %dma_start3A_92 = tpu.memref_slice %arg4[%multiple_of3A] : memref<327680xi32, #tpu.memory_space<hbm>> -> memref<128xi32, #tpu.memory_space<hbm>>
      tpu.enqueue_dma source(%dma_start3A_92 : memref<128xi32, #tpu.memory_space<hbm>>) target(%dma_start3A_91 : memref<128xi32, #tpu.memory_space<vmem>>) target_semaphore(%run_scoped3A_84 : memref<!tpu.dma_semaphore, #tpu.memory_space<semaphore_mem>>)
      %dma_wait3A_93 = arith.constant 0 : i32
      %dma_wait3A_94 = tpu.memref_slice %arg8[%run_scoped3A_5, %dma_wait3A_93] : memref<2x128xi32, #tpu.memory_space<vmem>> -> memref<1x128xi32, #tpu.memory_space<vmem>>
      %dma_wait3A_95 = tpu.memref_squeeze %dma_wait3A_94 : memref<1x128xi32, #tpu.memory_space<vmem>> -> memref<128xi32, #tpu.memory_space<vmem>>
      %dma_wait3A_96 = tpu.memref_slice %arg4[%multiple_of3A] : memref<327680xi32, #tpu.memory_space<hbm>> -> memref<128xi32, #tpu.memory_space<hbm>>
      %dma_wait3A_97 = arith.constant 0 : i32
      %dma_wait3A_98 = tpu.memref_slice %arg8[%run_scoped3A_5, %dma_wait3A_97] : memref<2x128xi32, #tpu.memory_space<vmem>> -> memref<1x128xi32, #tpu.memory_space<vmem>>
      %dma_wait3A_99 = tpu.memref_squeeze %dma_wait3A_98 : memref<1x128xi32, #tpu.memory_space<vmem>> -> memref<128xi32, #tpu.memory_space<vmem>>
      %dma_wait3A_100 = tpu.memref_slice %arg4[%multiple_of3A] : memref<327680xi32, #tpu.memory_space<hbm>> -> memref<128xi32, #tpu.memory_space<hbm>>
      tpu.wait_dma2 semaphore(%run_scoped3A_84 : memref<!tpu.dma_semaphore, #tpu.memory_space<semaphore_mem>>) src(%dma_wait3A_100 : memref<128xi32, #tpu.memory_space<hbm>>) dst(%dma_wait3A_99 : memref<128xi32, #tpu.memory_space<vmem>>)
      tpu.yield
    }) : () -> ()
    %dma_start3A = arith.constant 0 : i32
    %dma_start3A_6 = arith.constant 0 : i32
    %dma_start3A_7 = arith.constant 0 : i32
    %dma_start3A_8 = arith.constant 0 : i32
    %dma_start3A_9 = tpu.memref_slice %arg9[%dma_start3A_6, %dma_start3A_7, %dma_start3A_8] : memref<2x128x128xf32, #tpu.memory_space<vmem>> -> memref<1x128x128xf32, #tpu.memory_space<vmem>>
    %dma_start3A_10 = tpu.memref_squeeze %dma_start3A_9 : memref<1x128x128xf32, #tpu.memory_space<vmem>> -> memref<128x128xf32, #tpu.memory_space<vmem>>
    %dma_start3A_11 = arith.constant 0 : i32
    %dma_start3A_12 = tpu.memref_slice %arg7[%dma_start3A, %dma_start3A_11] : memref<2x128xi32, #tpu.memory_space<vmem>> -> memref<1x128xi32, #tpu.memory_space<vmem>>
    %dma_start3A_13 = tpu.memref_squeeze %dma_start3A_12 : memref<1x128xi32, #tpu.memory_space<vmem>> -> memref<128xi32, #tpu.memory_space<vmem>>
    %dma_start3A_14 = arith.constant 0 : i32
    %dma_start3A_15 = arith.constant 0 : i32
    %dma_start3A_16 = tpu.memref_slice %arg2[%dma_start3A_14, %dma_start3A_15] : memref<10240x128xf32, #tpu.memory_space<hbm>> -> memref<10240x128xf32, #tpu.memory_space<hbm>>
    tpu.enqueue_indirect_dma source(%dma_start3A_16 : memref<10240x128xf32, #tpu.memory_space<hbm>>) target(%dma_start3A_10 : memref<128x128xf32, #tpu.memory_space<vmem>>) offsets(%dma_start3A_13 : memref<128xi32, #tpu.memory_space<vmem>>) semaphore(%arg11 : memref<!tpu.dma_semaphore, #tpu.memory_space<semaphore_mem>>)
    %mul3A_17 = arith.constant 10240 : i32
    %mul3A_18 = arith.muli %add3A, %mul3A_17 : i32
    %add3A_19 = arith.constant 128 : i32
    %add3A_20 = arith.addi %mul3A_18, %add3A_19 : i32
    %multiple_of3A_21 = tpu.assume_multiple %add3A_20, 128 : i32
    %run_scoped3A_22 = arith.constant 1 : i32
    "tpu.region"() ({
      %run_scoped3A_84 = tpu.sem_alloc : memref<!tpu.dma_semaphore, #tpu.memory_space<semaphore_mem>>
      %dma_start3A_85 = arith.constant 0 : i32
      %dma_start3A_86 = tpu.memref_slice %arg7[%run_scoped3A_22, %dma_start3A_85] : memref<2x128xi32, #tpu.memory_space<vmem>> -> memref<1x128xi32, #tpu.memory_space<vmem>>
      %dma_start3A_87 = tpu.memref_squeeze %dma_start3A_86 : memref<1x128xi32, #tpu.memory_space<vmem>> -> memref<128xi32, #tpu.memory_space<vmem>>
      %dma_start3A_88 = tpu.memref_slice %arg3[%multiple_of3A_21] : memref<327680xi32, #tpu.memory_space<hbm>> -> memref<128xi32, #tpu.memory_space<hbm>>
      %dma_start3A_89 = arith.constant 0 : i32
      %dma_start3A_90 = tpu.memref_slice %arg7[%run_scoped3A_22, %dma_start3A_89] : memref<2x128xi32, #tpu.memory_space<vmem>> -> memref<1x128xi32, #tpu.memory_space<vmem>>
      %dma_start3A_91 = tpu.memref_squeeze %dma_start3A_90 : memref<1x128xi32, #tpu.memory_space<vmem>> -> memref<128xi32, #tpu.memory_space<vmem>>
      %dma_start3A_92 = tpu.memref_slice %arg3[%multiple_of3A_21] : memref<327680xi32, #tpu.memory_space<hbm>> -> memref<128xi32, #tpu.memory_space<hbm>>
      tpu.enqueue_dma source(%dma_start3A_92 : memref<128xi32, #tpu.memory_space<hbm>>) target(%dma_start3A_91 : memref<128xi32, #tpu.memory_space<vmem>>) target_semaphore(%run_scoped3A_84 : memref<!tpu.dma_semaphore, #tpu.memory_space<semaphore_mem>>)
      %dma_wait3A_93 = arith.constant 0 : i32
      %dma_wait3A_94 = tpu.memref_slice %arg7[%run_scoped3A_22, %dma_wait3A_93] : memref<2x128xi32, #tpu.memory_space<vmem>> -> memref<1x128xi32, #tpu.memory_space<vmem>>
      %dma_wait3A_95 = tpu.memref_squeeze %dma_wait3A_94 : memref<1x128xi32, #tpu.memory_space<vmem>> -> memref<128xi32, #tpu.memory_space<vmem>>
      %dma_wait3A_96 = tpu.memref_slice %arg3[%multiple_of3A_21] : memref<327680xi32, #tpu.memory_space<hbm>> -> memref<128xi32, #tpu.memory_space<hbm>>
      %dma_wait3A_97 = arith.constant 0 : i32
      %dma_wait3A_98 = tpu.memref_slice %arg7[%run_scoped3A_22, %dma_wait3A_97] : memref<2x128xi32, #tpu.memory_space<vmem>> -> memref<1x128xi32, #tpu.memory_space<vmem>>
      %dma_wait3A_99 = tpu.memref_squeeze %dma_wait3A_98 : memref<1x128xi32, #tpu.memory_space<vmem>> -> memref<128xi32, #tpu.memory_space<vmem>>
      %dma_wait3A_100 = tpu.memref_slice %arg3[%multiple_of3A_21] : memref<327680xi32, #tpu.memory_space<hbm>> -> memref<128xi32, #tpu.memory_space<hbm>>
      tpu.wait_dma2 semaphore(%run_scoped3A_84 : memref<!tpu.dma_semaphore, #tpu.memory_space<semaphore_mem>>) src(%dma_wait3A_100 : memref<128xi32, #tpu.memory_space<hbm>>) dst(%dma_wait3A_99 : memref<128xi32, #tpu.memory_space<vmem>>)
      tpu.yield
    }) : () -> ()
    %run_scoped3A_23 = arith.constant 1 : i32
    "tpu.region"() ({
      %run_scoped3A_84 = tpu.sem_alloc : memref<!tpu.dma_semaphore, #tpu.memory_space<semaphore_mem>>
      %dma_start3A_85 = arith.constant 0 : i32
      %dma_start3A_86 = tpu.memref_slice %arg8[%run_scoped3A_23, %dma_start3A_85] : memref<2x128xi32, #tpu.memory_space<vmem>> -> memref<1x128xi32, #tpu.memory_space<vmem>>
      %dma_start3A_87 = tpu.memref_squeeze %dma_start3A_86 : memref<1x128xi32, #tpu.memory_space<vmem>> -> memref<128xi32, #tpu.memory_space<vmem>>
      %dma_start3A_88 = tpu.memref_slice %arg4[%multiple_of3A_21] : memref<327680xi32, #tpu.memory_space<hbm>> -> memref<128xi32, #tpu.memory_space<hbm>>
      %dma_start3A_89 = arith.constant 0 : i32
      %dma_start3A_90 = tpu.memref_slice %arg8[%run_scoped3A_23, %dma_start3A_89] : memref<2x128xi32, #tpu.memory_space<vmem>> -> memref<1x128xi32, #tpu.memory_space<vmem>>
      %dma_start3A_91 = tpu.memref_squeeze %dma_start3A_90 : memref<1x128xi32, #tpu.memory_space<vmem>> -> memref<128xi32, #tpu.memory_space<vmem>>
      %dma_start3A_92 = tpu.memref_slice %arg4[%multiple_of3A_21] : memref<327680xi32, #tpu.memory_space<hbm>> -> memref<128xi32, #tpu.memory_space<hbm>>
      tpu.enqueue_dma source(%dma_start3A_92 : memref<128xi32, #tpu.memory_space<hbm>>) target(%dma_start3A_91 : memref<128xi32, #tpu.memory_space<vmem>>) target_semaphore(%run_scoped3A_84 : memref<!tpu.dma_semaphore, #tpu.memory_space<semaphore_mem>>)
      %dma_wait3A_93 = arith.constant 0 : i32
      %dma_wait3A_94 = tpu.memref_slice %arg8[%run_scoped3A_23, %dma_wait3A_93] : memref<2x128xi32, #tpu.memory_space<vmem>> -> memref<1x128xi32, #tpu.memory_space<vmem>>
      %dma_wait3A_95 = tpu.memref_squeeze %dma_wait3A_94 : memref<1x128xi32, #tpu.memory_space<vmem>> -> memref<128xi32, #tpu.memory_space<vmem>>
      %dma_wait3A_96 = tpu.memref_slice %arg4[%multiple_of3A_21] : memref<327680xi32, #tpu.memory_space<hbm>> -> memref<128xi32, #tpu.memory_space<hbm>>
      %dma_wait3A_97 = arith.constant 0 : i32
      %dma_wait3A_98 = tpu.memref_slice %arg8[%run_scoped3A_23, %dma_wait3A_97] : memref<2x128xi32, #tpu.memory_space<vmem>> -> memref<1x128xi32, #tpu.memory_space<vmem>>
      %dma_wait3A_99 = tpu.memref_squeeze %dma_wait3A_98 : memref<1x128xi32, #tpu.memory_space<vmem>> -> memref<128xi32, #tpu.memory_space<vmem>>
      %dma_wait3A_100 = tpu.memref_slice %arg4[%multiple_of3A_21] : memref<327680xi32, #tpu.memory_space<hbm>> -> memref<128xi32, #tpu.memory_space<hbm>>
      tpu.wait_dma2 semaphore(%run_scoped3A_84 : memref<!tpu.dma_semaphore, #tpu.memory_space<semaphore_mem>>) src(%dma_wait3A_100 : memref<128xi32, #tpu.memory_space<hbm>>) dst(%dma_wait3A_99 : memref<128xi32, #tpu.memory_space<vmem>>)
      tpu.yield
    }) : () -> ()
    %dma_start3A_24 = arith.constant 1 : i32
    %dma_start3A_25 = arith.constant 1 : i32
    %dma_start3A_26 = arith.constant 0 : i32
    %dma_start3A_27 = arith.constant 0 : i32
    %dma_start3A_28 = tpu.memref_slice %arg9[%dma_start3A_25, %dma_start3A_26, %dma_start3A_27] : memref<2x128x128xf32, #tpu.memory_space<vmem>> -> memref<1x128x128xf32, #tpu.memory_space<vmem>>
    %dma_start3A_29 = tpu.memref_squeeze %dma_start3A_28 : memref<1x128x128xf32, #tpu.memory_space<vmem>> -> memref<128x128xf32, #tpu.memory_space<vmem>>
    %dma_start3A_30 = arith.constant 0 : i32
    %dma_start3A_31 = tpu.memref_slice %arg7[%dma_start3A_24, %dma_start3A_30] : memref<2x128xi32, #tpu.memory_space<vmem>> -> memref<1x128xi32, #tpu.memory_space<vmem>>
    %dma_start3A_32 = tpu.memref_squeeze %dma_start3A_31 : memref<1x128xi32, #tpu.memory_space<vmem>> -> memref<128xi32, #tpu.memory_space<vmem>>
    %dma_start3A_33 = arith.constant 0 : i32
    %dma_start3A_34 = arith.constant 0 : i32
    %dma_start3A_35 = tpu.memref_slice %arg2[%dma_start3A_33, %dma_start3A_34] : memref<10240x128xf32, #tpu.memory_space<hbm>> -> memref<10240x128xf32, #tpu.memory_space<hbm>>
    tpu.enqueue_indirect_dma source(%dma_start3A_35 : memref<10240x128xf32, #tpu.memory_space<hbm>>) target(%dma_start3A_29 : memref<128x128xf32, #tpu.memory_space<vmem>>) offsets(%dma_start3A_32 : memref<128xi32, #tpu.memory_space<vmem>>) semaphore(%arg12 : memref<!tpu.dma_semaphore, #tpu.memory_space<semaphore_mem>>)
    %mul3A_36 = arith.constant 640 : i32
    %mul3A_37 = arith.muli %arg1, %mul3A_36 : i32
    "tpu.region"() ({
      %run_scoped3A_84 = tpu.sem_alloc : memref<!tpu.dma_semaphore, #tpu.memory_space<semaphore_mem>>
      %dma_start3A_85 = arith.constant 0 : i32
      %dma_start3A_86 = tpu.memref_slice %arg10[%mul3A_37, %dma_start3A_85] : memref<10240x128xf32, #tpu.memory_space<vmem_shared>> -> memref<640x128xf32, #tpu.memory_space<vmem_shared>>
      tpu.enqueue_dma source(%arg5 : memref<640x128xf32, #tpu.memory_space<hbm>>) target(%dma_start3A_86 : memref<640x128xf32, #tpu.memory_space<vmem_shared>>) target_semaphore(%run_scoped3A_84 : memref<!tpu.dma_semaphore, #tpu.memory_space<semaphore_mem>>)
      %dma_wait3A_87 = arith.constant 0 : i32
      %dma_wait3A_88 = tpu.memref_slice %arg10[%mul3A_37, %dma_wait3A_87] : memref<10240x128xf32, #tpu.memory_space<vmem_shared>> -> memref<640x128xf32, #tpu.memory_space<vmem_shared>>
      tpu.wait_dma2 semaphore(%run_scoped3A_84 : memref<!tpu.dma_semaphore, #tpu.memory_space<semaphore_mem>>) src(%arg5 : memref<640x128xf32, #tpu.memory_space<hbm>>) dst(%dma_wait3A_88 : memref<640x128xf32, #tpu.memory_space<vmem_shared>>)
      tpu.yield
    }) : () -> ()
    %barrier3A = arith.constant 0 : index
    tpu.barrier barrier_id(%barrier3A)
    %scan3A = arith.constant 0 : i32
    %scan3A_38 = arith.constant 0 : i32
    %scan3A_39 = arith.constant 39 : i32
    %scan3A_40 = arith.addi %scan3A_38, %scan3A_39 : i32
    %scan3A_41 = arith.constant 1 : i32
    scf.for %scan3A_84 = %scan3A_38 to %scan3A_40 step %scan3A_41  : i32 {
      %mul3A_85 = arith.constant 2 : i32
      %mul3A_86 = arith.muli %scan3A_84, %mul3A_85 : i32
      %add3A_87 = arith.constant 0 : i32
      %add3A_88 = arith.addi %mul3A_86, %add3A_87 : i32
      %dma_wait3A_89 = arith.constant 0 : i32
      %dma_wait3A_90 = arith.constant 0 : i32
      %dma_wait3A_91 = arith.constant 0 : i32
      %dma_wait3A_92 = tpu.memref_slice %arg9[%dma_wait3A_89, %dma_wait3A_90, %dma_wait3A_91] : memref<2x128x128xf32, #tpu.memory_space<vmem>> -> memref<1x128x128xf32, #tpu.memory_space<vmem>>
      %dma_wait3A_93 = tpu.memref_squeeze %dma_wait3A_92 : memref<1x128x128xf32, #tpu.memory_space<vmem>> -> memref<128x128xf32, #tpu.memory_space<vmem>>
      %dma_wait3A_94 = arith.constant 0 : i32
      %dma_wait3A_95 = arith.constant 0 : i32
      %dma_wait3A_96 = tpu.memref_slice %arg2[%dma_wait3A_94, %dma_wait3A_95] : memref<10240x128xf32, #tpu.memory_space<hbm>> -> memref<128x128xf32, #tpu.memory_space<hbm>>
      %dma_wait3A_97 = arith.constant 0 : i32
      %dma_wait3A_98 = arith.constant 0 : i32
      %dma_wait3A_99 = tpu.memref_slice %arg9[%dma_wait3A_89, %dma_wait3A_97, %dma_wait3A_98] : memref<2x128x128xf32, #tpu.memory_space<vmem>> -> memref<1x128x128xf32, #tpu.memory_space<vmem>>
      %dma_wait3A_100 = tpu.memref_squeeze %dma_wait3A_99 : memref<1x128x128xf32, #tpu.memory_space<vmem>> -> memref<128x128xf32, #tpu.memory_space<vmem>>
      %dma_wait3A_101 = arith.constant 0 : i32
      %dma_wait3A_102 = arith.constant 0 : i32
      %dma_wait3A_103 = tpu.memref_slice %arg2[%dma_wait3A_101, %dma_wait3A_102] : memref<10240x128xf32, #tpu.memory_space<hbm>> -> memref<128x128xf32, #tpu.memory_space<hbm>>
      tpu.wait_dma2 semaphore(%arg11 : memref<!tpu.dma_semaphore, #tpu.memory_space<semaphore_mem>>) src(%dma_wait3A_103 : memref<128x128xf32, #tpu.memory_space<hbm>>) dst(%dma_wait3A_100 : memref<128x128xf32, #tpu.memory_space<vmem>>)
      %run_scoped3A_104 = arith.constant 0 : i32
      %run_scoped3A_105 = arith.constant 0 : i32
      "tpu.region"() ({
        %run_scoped3A_171 = tpu.sem_alloc : memref<!tpu.dma_semaphore, #tpu.memory_space<semaphore_mem>>
        %dma_start3A_172 = arith.constant 0 : i32
        %dma_start3A_173 = arith.constant 0 : i32
        %dma_start3A_174 = tpu.memref_slice %arg9[%run_scoped3A_104, %dma_start3A_172, %dma_start3A_173] : memref<2x128x128xf32, #tpu.memory_space<vmem>> -> memref<1x128x128xf32, #tpu.memory_space<vmem>>
        %dma_start3A_175 = tpu.memref_squeeze %dma_start3A_174 : memref<1x128x128xf32, #tpu.memory_space<vmem>> -> memref<128x128xf32, #tpu.memory_space<vmem>>
        %dma_start3A_176 = arith.constant 0 : i32
        %dma_start3A_177 = tpu.memref_slice %arg8[%run_scoped3A_105, %dma_start3A_176] : memref<2x128xi32, #tpu.memory_space<vmem>> -> memref<1x128xi32, #tpu.memory_space<vmem>>
        %dma_start3A_178 = tpu.memref_squeeze %dma_start3A_177 : memref<1x128xi32, #tpu.memory_space<vmem>> -> memref<128xi32, #tpu.memory_space<vmem>>
        %dma_start3A_179 = arith.constant 0 : i32
        %dma_start3A_180 = arith.constant 0 : i32
        %dma_start3A_181 = tpu.memref_slice %arg10[%dma_start3A_179, %dma_start3A_180] : memref<10240x128xf32, #tpu.memory_space<vmem_shared>> -> memref<10240x128xf32, #tpu.memory_space<vmem_shared>>
        tpu.enqueue_indirect_dma source(%dma_start3A_175 : memref<128x128xf32, #tpu.memory_space<vmem>>) target(%dma_start3A_181 : memref<10240x128xf32, #tpu.memory_space<vmem_shared>>) offsets(%dma_start3A_178 : memref<128xi32, #tpu.memory_space<vmem>>) semaphore(%run_scoped3A_171 : memref<!tpu.dma_semaphore, #tpu.memory_space<semaphore_mem>>) {add = true}
        %dma_wait3A_182 = arith.constant 0 : i32
        %dma_wait3A_183 = arith.constant 0 : i32
        %dma_wait3A_184 = tpu.memref_slice %arg9[%run_scoped3A_104, %dma_wait3A_182, %dma_wait3A_183] : memref<2x128x128xf32, #tpu.memory_space<vmem>> -> memref<1x128x128xf32, #tpu.memory_space<vmem>>
        %dma_wait3A_185 = tpu.memref_squeeze %dma_wait3A_184 : memref<1x128x128xf32, #tpu.memory_space<vmem>> -> memref<128x128xf32, #tpu.memory_space<vmem>>
        %dma_wait3A_186 = arith.constant 0 : i32
        %dma_wait3A_187 = tpu.memref_slice %arg8[%run_scoped3A_105, %dma_wait3A_186] : memref<2x128xi32, #tpu.memory_space<vmem>> -> memref<1x128xi32, #tpu.memory_space<vmem>>
        %dma_wait3A_188 = tpu.memref_squeeze %dma_wait3A_187 : memref<1x128xi32, #tpu.memory_space<vmem>> -> memref<128xi32, #tpu.memory_space<vmem>>
        %dma_wait3A_189 = arith.constant 0 : i32
        %dma_wait3A_190 = arith.constant 0 : i32
        %dma_wait3A_191 = tpu.memref_slice %arg10[%dma_wait3A_189, %dma_wait3A_190] : memref<10240x128xf32, #tpu.memory_space<vmem_shared>> -> memref<10240x128xf32, #tpu.memory_space<vmem_shared>>
        tpu.wait_indirect_dma semaphore(%run_scoped3A_171 : memref<!tpu.dma_semaphore, #tpu.memory_space<semaphore_mem>>) src(%dma_wait3A_185 : memref<128x128xf32, #tpu.memory_space<vmem>>) dst(%dma_wait3A_191 : memref<10240x128xf32, #tpu.memory_space<vmem_shared>>)
        tpu.yield
      }) : () -> ()
      %add3A_106 = arith.constant 2 : i32
      %add3A_107 = arith.addi %add3A_88, %add3A_106 : i32
      %mul3A_108 = arith.constant 10240 : i32
      %mul3A_109 = arith.muli %add3A, %mul3A_108 : i32
      %mul3A_110 = arith.constant 128 : i32
      %mul3A_111 = arith.muli %add3A_107, %mul3A_110 : i32
      %add3A_112 = arith.addi %mul3A_109, %mul3A_111 : i32
      %multiple_of3A_113 = tpu.assume_multiple %add3A_112, 128 : i32
      %run_scoped3A_114 = arith.constant 0 : i32
      "tpu.region"() ({
        %run_scoped3A_171 = tpu.sem_alloc : memref<!tpu.dma_semaphore, #tpu.memory_space<semaphore_mem>>
        %dma_start3A_172 = arith.constant 0 : i32
        %dma_start3A_173 = tpu.memref_slice %arg7[%run_scoped3A_114, %dma_start3A_172] : memref<2x128xi32, #tpu.memory_space<vmem>> -> memref<1x128xi32, #tpu.memory_space<vmem>>
        %dma_start3A_174 = tpu.memref_squeeze %dma_start3A_173 : memref<1x128xi32, #tpu.memory_space<vmem>> -> memref<128xi32, #tpu.memory_space<vmem>>
        %dma_start3A_175 = tpu.memref_slice %arg3[%multiple_of3A_113] : memref<327680xi32, #tpu.memory_space<hbm>> -> memref<128xi32, #tpu.memory_space<hbm>>
        %dma_start3A_176 = arith.constant 0 : i32
        %dma_start3A_177 = tpu.memref_slice %arg7[%run_scoped3A_114, %dma_start3A_176] : memref<2x128xi32, #tpu.memory_space<vmem>> -> memref<1x128xi32, #tpu.memory_space<vmem>>
        %dma_start3A_178 = tpu.memref_squeeze %dma_start3A_177 : memref<1x128xi32, #tpu.memory_space<vmem>> -> memref<128xi32, #tpu.memory_space<vmem>>
        %dma_start3A_179 = tpu.memref_slice %arg3[%multiple_of3A_113] : memref<327680xi32, #tpu.memory_space<hbm>> -> memref<128xi32, #tpu.memory_space<hbm>>
        tpu.enqueue_dma source(%dma_start3A_179 : memref<128xi32, #tpu.memory_space<hbm>>) target(%dma_start3A_178 : memref<128xi32, #tpu.memory_space<vmem>>) target_semaphore(%run_scoped3A_171 : memref<!tpu.dma_semaphore, #tpu.memory_space<semaphore_mem>>)
        %dma_wait3A_180 = arith.constant 0 : i32
        %dma_wait3A_181 = tpu.memref_slice %arg7[%run_scoped3A_114, %dma_wait3A_180] : memref<2x128xi32, #tpu.memory_space<vmem>> -> memref<1x128xi32, #tpu.memory_space<vmem>>
        %dma_wait3A_182 = tpu.memref_squeeze %dma_wait3A_181 : memref<1x128xi32, #tpu.memory_space<vmem>> -> memref<128xi32, #tpu.memory_space<vmem>>
        %dma_wait3A_183 = tpu.memref_slice %arg3[%multiple_of3A_113] : memref<327680xi32, #tpu.memory_space<hbm>> -> memref<128xi32, #tpu.memory_space<hbm>>
        %dma_wait3A_184 = arith.constant 0 : i32
        %dma_wait3A_185 = tpu.memref_slice %arg7[%run_scoped3A_114, %dma_wait3A_184] : memref<2x128xi32, #tpu.memory_space<vmem>> -> memref<1x128xi32, #tpu.memory_space<vmem>>
        %dma_wait3A_186 = tpu.memref_squeeze %dma_wait3A_185 : memref<1x128xi32, #tpu.memory_space<vmem>> -> memref<128xi32, #tpu.memory_space<vmem>>
        %dma_wait3A_187 = tpu.memref_slice %arg3[%multiple_of3A_113] : memref<327680xi32, #tpu.memory_space<hbm>> -> memref<128xi32, #tpu.memory_space<hbm>>
        tpu.wait_dma2 semaphore(%run_scoped3A_171 : memref<!tpu.dma_semaphore, #tpu.memory_space<semaphore_mem>>) src(%dma_wait3A_187 : memref<128xi32, #tpu.memory_space<hbm>>) dst(%dma_wait3A_186 : memref<128xi32, #tpu.memory_space<vmem>>)
        tpu.yield
      }) : () -> ()
      %run_scoped3A_115 = arith.constant 0 : i32
      "tpu.region"() ({
        %run_scoped3A_171 = tpu.sem_alloc : memref<!tpu.dma_semaphore, #tpu.memory_space<semaphore_mem>>
        %dma_start3A_172 = arith.constant 0 : i32
        %dma_start3A_173 = tpu.memref_slice %arg8[%run_scoped3A_115, %dma_start3A_172] : memref<2x128xi32, #tpu.memory_space<vmem>> -> memref<1x128xi32, #tpu.memory_space<vmem>>
        %dma_start3A_174 = tpu.memref_squeeze %dma_start3A_173 : memref<1x128xi32, #tpu.memory_space<vmem>> -> memref<128xi32, #tpu.memory_space<vmem>>
        %dma_start3A_175 = tpu.memref_slice %arg4[%multiple_of3A_113] : memref<327680xi32, #tpu.memory_space<hbm>> -> memref<128xi32, #tpu.memory_space<hbm>>
        %dma_start3A_176 = arith.constant 0 : i32
        %dma_start3A_177 = tpu.memref_slice %arg8[%run_scoped3A_115, %dma_start3A_176] : memref<2x128xi32, #tpu.memory_space<vmem>> -> memref<1x128xi32, #tpu.memory_space<vmem>>
        %dma_start3A_178 = tpu.memref_squeeze %dma_start3A_177 : memref<1x128xi32, #tpu.memory_space<vmem>> -> memref<128xi32, #tpu.memory_space<vmem>>
        %dma_start3A_179 = tpu.memref_slice %arg4[%multiple_of3A_113] : memref<327680xi32, #tpu.memory_space<hbm>> -> memref<128xi32, #tpu.memory_space<hbm>>
        tpu.enqueue_dma source(%dma_start3A_179 : memref<128xi32, #tpu.memory_space<hbm>>) target(%dma_start3A_178 : memref<128xi32, #tpu.memory_space<vmem>>) target_semaphore(%run_scoped3A_171 : memref<!tpu.dma_semaphore, #tpu.memory_space<semaphore_mem>>)
        %dma_wait3A_180 = arith.constant 0 : i32
        %dma_wait3A_181 = tpu.memref_slice %arg8[%run_scoped3A_115, %dma_wait3A_180] : memref<2x128xi32, #tpu.memory_space<vmem>> -> memref<1x128xi32, #tpu.memory_space<vmem>>
        %dma_wait3A_182 = tpu.memref_squeeze %dma_wait3A_181 : memref<1x128xi32, #tpu.memory_space<vmem>> -> memref<128xi32, #tpu.memory_space<vmem>>
        %dma_wait3A_183 = tpu.memref_slice %arg4[%multiple_of3A_113] : memref<327680xi32, #tpu.memory_space<hbm>> -> memref<128xi32, #tpu.memory_space<hbm>>
        %dma_wait3A_184 = arith.constant 0 : i32
        %dma_wait3A_185 = tpu.memref_slice %arg8[%run_scoped3A_115, %dma_wait3A_184] : memref<2x128xi32, #tpu.memory_space<vmem>> -> memref<1x128xi32, #tpu.memory_space<vmem>>
        %dma_wait3A_186 = tpu.memref_squeeze %dma_wait3A_185 : memref<1x128xi32, #tpu.memory_space<vmem>> -> memref<128xi32, #tpu.memory_space<vmem>>
        %dma_wait3A_187 = tpu.memref_slice %arg4[%multiple_of3A_113] : memref<327680xi32, #tpu.memory_space<hbm>> -> memref<128xi32, #tpu.memory_space<hbm>>
        tpu.wait_dma2 semaphore(%run_scoped3A_171 : memref<!tpu.dma_semaphore, #tpu.memory_space<semaphore_mem>>) src(%dma_wait3A_187 : memref<128xi32, #tpu.memory_space<hbm>>) dst(%dma_wait3A_186 : memref<128xi32, #tpu.memory_space<vmem>>)
        tpu.yield
      }) : () -> ()
      %dma_start3A_116 = arith.constant 0 : i32
      %dma_start3A_117 = arith.constant 0 : i32
      %dma_start3A_118 = arith.constant 0 : i32
      %dma_start3A_119 = arith.constant 0 : i32
      %dma_start3A_120 = tpu.memref_slice %arg9[%dma_start3A_117, %dma_start3A_118, %dma_start3A_119] : memref<2x128x128xf32, #tpu.memory_space<vmem>> -> memref<1x128x128xf32, #tpu.memory_space<vmem>>
      %dma_start3A_121 = tpu.memref_squeeze %dma_start3A_120 : memref<1x128x128xf32, #tpu.memory_space<vmem>> -> memref<128x128xf32, #tpu.memory_space<vmem>>
      %dma_start3A_122 = arith.constant 0 : i32
      %dma_start3A_123 = tpu.memref_slice %arg7[%dma_start3A_116, %dma_start3A_122] : memref<2x128xi32, #tpu.memory_space<vmem>> -> memref<1x128xi32, #tpu.memory_space<vmem>>
      %dma_start3A_124 = tpu.memref_squeeze %dma_start3A_123 : memref<1x128xi32, #tpu.memory_space<vmem>> -> memref<128xi32, #tpu.memory_space<vmem>>
      %dma_start3A_125 = arith.constant 0 : i32
      %dma_start3A_126 = arith.constant 0 : i32
      %dma_start3A_127 = tpu.memref_slice %arg2[%dma_start3A_125, %dma_start3A_126] : memref<10240x128xf32, #tpu.memory_space<hbm>> -> memref<10240x128xf32, #tpu.memory_space<hbm>>
      tpu.enqueue_indirect_dma source(%dma_start3A_127 : memref<10240x128xf32, #tpu.memory_space<hbm>>) target(%dma_start3A_121 : memref<128x128xf32, #tpu.memory_space<vmem>>) offsets(%dma_start3A_124 : memref<128xi32, #tpu.memory_space<vmem>>) semaphore(%arg11 : memref<!tpu.dma_semaphore, #tpu.memory_space<semaphore_mem>>)
      %mul3A_128 = arith.constant 2 : i32
      %mul3A_129 = arith.muli %scan3A_84, %mul3A_128 : i32
      %add3A_130 = arith.constant 1 : i32
      %add3A_131 = arith.addi %mul3A_129, %add3A_130 : i32
      %dma_wait3A_132 = arith.constant 1 : i32
      %dma_wait3A_133 = arith.constant 0 : i32
      %dma_wait3A_134 = arith.constant 0 : i32
      %dma_wait3A_135 = tpu.memref_slice %arg9[%dma_wait3A_132, %dma_wait3A_133, %dma_wait3A_134] : memref<2x128x128xf32, #tpu.memory_space<vmem>> -> memref<1x128x128xf32, #tpu.memory_space<vmem>>
      %dma_wait3A_136 = tpu.memref_squeeze %dma_wait3A_135 : memref<1x128x128xf32, #tpu.memory_space<vmem>> -> memref<128x128xf32, #tpu.memory_space<vmem>>
      %dma_wait3A_137 = arith.constant 0 : i32
      %dma_wait3A_138 = arith.constant 0 : i32
      %dma_wait3A_139 = tpu.memref_slice %arg2[%dma_wait3A_137, %dma_wait3A_138] : memref<10240x128xf32, #tpu.memory_space<hbm>> -> memref<128x128xf32, #tpu.memory_space<hbm>>
      %dma_wait3A_140 = arith.constant 0 : i32
      %dma_wait3A_141 = arith.constant 0 : i32
      %dma_wait3A_142 = tpu.memref_slice %arg9[%dma_wait3A_132, %dma_wait3A_140, %dma_wait3A_141] : memref<2x128x128xf32, #tpu.memory_space<vmem>> -> memref<1x128x128xf32, #tpu.memory_space<vmem>>
      %dma_wait3A_143 = tpu.memref_squeeze %dma_wait3A_142 : memref<1x128x128xf32, #tpu.memory_space<vmem>> -> memref<128x128xf32, #tpu.memory_space<vmem>>
      %dma_wait3A_144 = arith.constant 0 : i32
      %dma_wait3A_145 = arith.constant 0 : i32
      %dma_wait3A_146 = tpu.memref_slice %arg2[%dma_wait3A_144, %dma_wait3A_145] : memref<10240x128xf32, #tpu.memory_space<hbm>> -> memref<128x128xf32, #tpu.memory_space<hbm>>
      tpu.wait_dma2 semaphore(%arg12 : memref<!tpu.dma_semaphore, #tpu.memory_space<semaphore_mem>>) src(%dma_wait3A_146 : memref<128x128xf32, #tpu.memory_space<hbm>>) dst(%dma_wait3A_143 : memref<128x128xf32, #tpu.memory_space<vmem>>)
      %run_scoped3A_147 = arith.constant 1 : i32
      %run_scoped3A_148 = arith.constant 1 : i32
      "tpu.region"() ({
        %run_scoped3A_171 = tpu.sem_alloc : memref<!tpu.dma_semaphore, #tpu.memory_space<semaphore_mem>>
        %dma_start3A_172 = arith.constant 0 : i32
        %dma_start3A_173 = arith.constant 0 : i32
        %dma_start3A_174 = tpu.memref_slice %arg9[%run_scoped3A_147, %dma_start3A_172, %dma_start3A_173] : memref<2x128x128xf32, #tpu.memory_space<vmem>> -> memref<1x128x128xf32, #tpu.memory_space<vmem>>
        %dma_start3A_175 = tpu.memref_squeeze %dma_start3A_174 : memref<1x128x128xf32, #tpu.memory_space<vmem>> -> memref<128x128xf32, #tpu.memory_space<vmem>>
        %dma_start3A_176 = arith.constant 0 : i32
        %dma_start3A_177 = tpu.memref_slice %arg8[%run_scoped3A_148, %dma_start3A_176] : memref<2x128xi32, #tpu.memory_space<vmem>> -> memref<1x128xi32, #tpu.memory_space<vmem>>
        %dma_start3A_178 = tpu.memref_squeeze %dma_start3A_177 : memref<1x128xi32, #tpu.memory_space<vmem>> -> memref<128xi32, #tpu.memory_space<vmem>>
        %dma_start3A_179 = arith.constant 0 : i32
        %dma_start3A_180 = arith.constant 0 : i32
        %dma_start3A_181 = tpu.memref_slice %arg10[%dma_start3A_179, %dma_start3A_180] : memref<10240x128xf32, #tpu.memory_space<vmem_shared>> -> memref<10240x128xf32, #tpu.memory_space<vmem_shared>>
        tpu.enqueue_indirect_dma source(%dma_start3A_175 : memref<128x128xf32, #tpu.memory_space<vmem>>) target(%dma_start3A_181 : memref<10240x128xf32, #tpu.memory_space<vmem_shared>>) offsets(%dma_start3A_178 : memref<128xi32, #tpu.memory_space<vmem>>) semaphore(%run_scoped3A_171 : memref<!tpu.dma_semaphore, #tpu.memory_space<semaphore_mem>>) {add = true}
        %dma_wait3A_182 = arith.constant 0 : i32
        %dma_wait3A_183 = arith.constant 0 : i32
        %dma_wait3A_184 = tpu.memref_slice %arg9[%run_scoped3A_147, %dma_wait3A_182, %dma_wait3A_183] : memref<2x128x128xf32, #tpu.memory_space<vmem>> -> memref<1x128x128xf32, #tpu.memory_space<vmem>>
        %dma_wait3A_185 = tpu.memref_squeeze %dma_wait3A_184 : memref<1x128x128xf32, #tpu.memory_space<vmem>> -> memref<128x128xf32, #tpu.memory_space<vmem>>
        %dma_wait3A_186 = arith.constant 0 : i32
        %dma_wait3A_187 = tpu.memref_slice %arg8[%run_scoped3A_148, %dma_wait3A_186] : memref<2x128xi32, #tpu.memory_space<vmem>> -> memref<1x128xi32, #tpu.memory_space<vmem>>
        %dma_wait3A_188 = tpu.memref_squeeze %dma_wait3A_187 : memref<1x128xi32, #tpu.memory_space<vmem>> -> memref<128xi32, #tpu.memory_space<vmem>>
        %dma_wait3A_189 = arith.constant 0 : i32
        %dma_wait3A_190 = arith.constant 0 : i32
        %dma_wait3A_191 = tpu.memref_slice %arg10[%dma_wait3A_189, %dma_wait3A_190] : memref<10240x128xf32, #tpu.memory_space<vmem_shared>> -> memref<10240x128xf32, #tpu.memory_space<vmem_shared>>
        tpu.wait_indirect_dma semaphore(%run_scoped3A_171 : memref<!tpu.dma_semaphore, #tpu.memory_space<semaphore_mem>>) src(%dma_wait3A_185 : memref<128x128xf32, #tpu.memory_space<vmem>>) dst(%dma_wait3A_191 : memref<10240x128xf32, #tpu.memory_space<vmem_shared>>)
        tpu.yield
      }) : () -> ()
      %add3A_149 = arith.constant 2 : i32
      %add3A_150 = arith.addi %add3A_131, %add3A_149 : i32
      %mul3A_151 = arith.constant 10240 : i32
      %mul3A_152 = arith.muli %add3A, %mul3A_151 : i32
      %mul3A_153 = arith.constant 128 : i32
      %mul3A_154 = arith.muli %add3A_150, %mul3A_153 : i32
      %add3A_155 = arith.addi %mul3A_152, %mul3A_154 : i32
      %multiple_of3A_156 = tpu.assume_multiple %add3A_155, 128 : i32
      %run_scoped3A_157 = arith.constant 1 : i32
      "tpu.region"() ({
        %run_scoped3A_171 = tpu.sem_alloc : memref<!tpu.dma_semaphore, #tpu.memory_space<semaphore_mem>>
        %dma_start3A_172 = arith.constant 0 : i32
        %dma_start3A_173 = tpu.memref_slice %arg7[%run_scoped3A_157, %dma_start3A_172] : memref<2x128xi32, #tpu.memory_space<vmem>> -> memref<1x128xi32, #tpu.memory_space<vmem>>
        %dma_start3A_174 = tpu.memref_squeeze %dma_start3A_173 : memref<1x128xi32, #tpu.memory_space<vmem>> -> memref<128xi32, #tpu.memory_space<vmem>>
        %dma_start3A_175 = tpu.memref_slice %arg3[%multiple_of3A_156] : memref<327680xi32, #tpu.memory_space<hbm>> -> memref<128xi32, #tpu.memory_space<hbm>>
        %dma_start3A_176 = arith.constant 0 : i32
        %dma_start3A_177 = tpu.memref_slice %arg7[%run_scoped3A_157, %dma_start3A_176] : memref<2x128xi32, #tpu.memory_space<vmem>> -> memref<1x128xi32, #tpu.memory_space<vmem>>
        %dma_start3A_178 = tpu.memref_squeeze %dma_start3A_177 : memref<1x128xi32, #tpu.memory_space<vmem>> -> memref<128xi32, #tpu.memory_space<vmem>>
        %dma_start3A_179 = tpu.memref_slice %arg3[%multiple_of3A_156] : memref<327680xi32, #tpu.memory_space<hbm>> -> memref<128xi32, #tpu.memory_space<hbm>>
        tpu.enqueue_dma source(%dma_start3A_179 : memref<128xi32, #tpu.memory_space<hbm>>) target(%dma_start3A_178 : memref<128xi32, #tpu.memory_space<vmem>>) target_semaphore(%run_scoped3A_171 : memref<!tpu.dma_semaphore, #tpu.memory_space<semaphore_mem>>)
        %dma_wait3A_180 = arith.constant 0 : i32
        %dma_wait3A_181 = tpu.memref_slice %arg7[%run_scoped3A_157, %dma_wait3A_180] : memref<2x128xi32, #tpu.memory_space<vmem>> -> memref<1x128xi32, #tpu.memory_space<vmem>>
        %dma_wait3A_182 = tpu.memref_squeeze %dma_wait3A_181 : memref<1x128xi32, #tpu.memory_space<vmem>> -> memref<128xi32, #tpu.memory_space<vmem>>
        %dma_wait3A_183 = tpu.memref_slice %arg3[%multiple_of3A_156] : memref<327680xi32, #tpu.memory_space<hbm>> -> memref<128xi32, #tpu.memory_space<hbm>>
        %dma_wait3A_184 = arith.constant 0 : i32
        %dma_wait3A_185 = tpu.memref_slice %arg7[%run_scoped3A_157, %dma_wait3A_184] : memref<2x128xi32, #tpu.memory_space<vmem>> -> memref<1x128xi32, #tpu.memory_space<vmem>>
        %dma_wait3A_186 = tpu.memref_squeeze %dma_wait3A_185 : memref<1x128xi32, #tpu.memory_space<vmem>> -> memref<128xi32, #tpu.memory_space<vmem>>
        %dma_wait3A_187 = tpu.memref_slice %arg3[%multiple_of3A_156] : memref<327680xi32, #tpu.memory_space<hbm>> -> memref<128xi32, #tpu.memory_space<hbm>>
        tpu.wait_dma2 semaphore(%run_scoped3A_171 : memref<!tpu.dma_semaphore, #tpu.memory_space<semaphore_mem>>) src(%dma_wait3A_187 : memref<128xi32, #tpu.memory_space<hbm>>) dst(%dma_wait3A_186 : memref<128xi32, #tpu.memory_space<vmem>>)
        tpu.yield
      }) : () -> ()
      %run_scoped3A_158 = arith.constant 1 : i32
      "tpu.region"() ({
        %run_scoped3A_171 = tpu.sem_alloc : memref<!tpu.dma_semaphore, #tpu.memory_space<semaphore_mem>>
        %dma_start3A_172 = arith.constant 0 : i32
        %dma_start3A_173 = tpu.memref_slice %arg8[%run_scoped3A_158, %dma_start3A_172] : memref<2x128xi32, #tpu.memory_space<vmem>> -> memref<1x128xi32, #tpu.memory_space<vmem>>
        %dma_start3A_174 = tpu.memref_squeeze %dma_start3A_173 : memref<1x128xi32, #tpu.memory_space<vmem>> -> memref<128xi32, #tpu.memory_space<vmem>>
        %dma_start3A_175 = tpu.memref_slice %arg4[%multiple_of3A_156] : memref<327680xi32, #tpu.memory_space<hbm>> -> memref<128xi32, #tpu.memory_space<hbm>>
        %dma_start3A_176 = arith.constant 0 : i32
        %dma_start3A_177 = tpu.memref_slice %arg8[%run_scoped3A_158, %dma_start3A_176] : memref<2x128xi32, #tpu.memory_space<vmem>> -> memref<1x128xi32, #tpu.memory_space<vmem>>
        %dma_start3A_178 = tpu.memref_squeeze %dma_start3A_177 : memref<1x128xi32, #tpu.memory_space<vmem>> -> memref<128xi32, #tpu.memory_space<vmem>>
        %dma_start3A_179 = tpu.memref_slice %arg4[%multiple_of3A_156] : memref<327680xi32, #tpu.memory_space<hbm>> -> memref<128xi32, #tpu.memory_space<hbm>>
        tpu.enqueue_dma source(%dma_start3A_179 : memref<128xi32, #tpu.memory_space<hbm>>) target(%dma_start3A_178 : memref<128xi32, #tpu.memory_space<vmem>>) target_semaphore(%run_scoped3A_171 : memref<!tpu.dma_semaphore, #tpu.memory_space<semaphore_mem>>)
        %dma_wait3A_180 = arith.constant 0 : i32
        %dma_wait3A_181 = tpu.memref_slice %arg8[%run_scoped3A_158, %dma_wait3A_180] : memref<2x128xi32, #tpu.memory_space<vmem>> -> memref<1x128xi32, #tpu.memory_space<vmem>>
        %dma_wait3A_182 = tpu.memref_squeeze %dma_wait3A_181 : memref<1x128xi32, #tpu.memory_space<vmem>> -> memref<128xi32, #tpu.memory_space<vmem>>
        %dma_wait3A_183 = tpu.memref_slice %arg4[%multiple_of3A_156] : memref<327680xi32, #tpu.memory_space<hbm>> -> memref<128xi32, #tpu.memory_space<hbm>>
        %dma_wait3A_184 = arith.constant 0 : i32
        %dma_wait3A_185 = tpu.memref_slice %arg8[%run_scoped3A_158, %dma_wait3A_184] : memref<2x128xi32, #tpu.memory_space<vmem>> -> memref<1x128xi32, #tpu.memory_space<vmem>>
        %dma_wait3A_186 = tpu.memref_squeeze %dma_wait3A_185 : memref<1x128xi32, #tpu.memory_space<vmem>> -> memref<128xi32, #tpu.memory_space<vmem>>
        %dma_wait3A_187 = tpu.memref_slice %arg4[%multiple_of3A_156] : memref<327680xi32, #tpu.memory_space<hbm>> -> memref<128xi32, #tpu.memory_space<hbm>>
        tpu.wait_dma2 semaphore(%run_scoped3A_171 : memref<!tpu.dma_semaphore, #tpu.memory_space<semaphore_mem>>) src(%dma_wait3A_187 : memref<128xi32, #tpu.memory_space<hbm>>) dst(%dma_wait3A_186 : memref<128xi32, #tpu.memory_space<vmem>>)
        tpu.yield
      }) : () -> ()
      %dma_start3A_159 = arith.constant 1 : i32
      %dma_start3A_160 = arith.constant 1 : i32
      %dma_start3A_161 = arith.constant 0 : i32
      %dma_start3A_162 = arith.constant 0 : i32
      %dma_start3A_163 = tpu.memref_slice %arg9[%dma_start3A_160, %dma_start3A_161, %dma_start3A_162] : memref<2x128x128xf32, #tpu.memory_space<vmem>> -> memref<1x128x128xf32, #tpu.memory_space<vmem>>
      %dma_start3A_164 = tpu.memref_squeeze %dma_start3A_163 : memref<1x128x128xf32, #tpu.memory_space<vmem>> -> memref<128x128xf32, #tpu.memory_space<vmem>>
      %dma_start3A_165 = arith.constant 0 : i32
      %dma_start3A_166 = tpu.memref_slice %arg7[%dma_start3A_159, %dma_start3A_165] : memref<2x128xi32, #tpu.memory_space<vmem>> -> memref<1x128xi32, #tpu.memory_space<vmem>>
      %dma_start3A_167 = tpu.memref_squeeze %dma_start3A_166 : memref<1x128xi32, #tpu.memory_space<vmem>> -> memref<128xi32, #tpu.memory_space<vmem>>
      %dma_start3A_168 = arith.constant 0 : i32
      %dma_start3A_169 = arith.constant 0 : i32
      %dma_start3A_170 = tpu.memref_slice %arg2[%dma_start3A_168, %dma_start3A_169] : memref<10240x128xf32, #tpu.memory_space<hbm>> -> memref<10240x128xf32, #tpu.memory_space<hbm>>
      tpu.enqueue_indirect_dma source(%dma_start3A_170 : memref<10240x128xf32, #tpu.memory_space<hbm>>) target(%dma_start3A_164 : memref<128x128xf32, #tpu.memory_space<vmem>>) offsets(%dma_start3A_167 : memref<128xi32, #tpu.memory_space<vmem>>) semaphore(%arg12 : memref<!tpu.dma_semaphore, #tpu.memory_space<semaphore_mem>>)
    }
    %scan3A_42 = arith.constant 39 : i32
    %dma_wait3A = arith.constant 0 : i32
    %dma_wait3A_43 = arith.constant 0 : i32
    %dma_wait3A_44 = arith.constant 0 : i32
    %dma_wait3A_45 = tpu.memref_slice %arg9[%dma_wait3A, %dma_wait3A_43, %dma_wait3A_44] : memref<2x128x128xf32, #tpu.memory_space<vmem>> -> memref<1x128x128xf32, #tpu.memory_space<vmem>>
    %dma_wait3A_46 = tpu.memref_squeeze %dma_wait3A_45 : memref<1x128x128xf32, #tpu.memory_space<vmem>> -> memref<128x128xf32, #tpu.memory_space<vmem>>
    %dma_wait3A_47 = arith.constant 0 : i32
    %dma_wait3A_48 = arith.constant 0 : i32
    %dma_wait3A_49 = tpu.memref_slice %arg2[%dma_wait3A_47, %dma_wait3A_48] : memref<10240x128xf32, #tpu.memory_space<hbm>> -> memref<128x128xf32, #tpu.memory_space<hbm>>
    %dma_wait3A_50 = arith.constant 0 : i32
    %dma_wait3A_51 = arith.constant 0 : i32
    %dma_wait3A_52 = tpu.memref_slice %arg9[%dma_wait3A, %dma_wait3A_50, %dma_wait3A_51] : memref<2x128x128xf32, #tpu.memory_space<vmem>> -> memref<1x128x128xf32, #tpu.memory_space<vmem>>
    %dma_wait3A_53 = tpu.memref_squeeze %dma_wait3A_52 : memref<1x128x128xf32, #tpu.memory_space<vmem>> -> memref<128x128xf32, #tpu.memory_space<vmem>>
    %dma_wait3A_54 = arith.constant 0 : i32
    %dma_wait3A_55 = arith.constant 0 : i32
    %dma_wait3A_56 = tpu.memref_slice %arg2[%dma_wait3A_54, %dma_wait3A_55] : memref<10240x128xf32, #tpu.memory_space<hbm>> -> memref<128x128xf32, #tpu.memory_space<hbm>>
    tpu.wait_dma2 semaphore(%arg11 : memref<!tpu.dma_semaphore, #tpu.memory_space<semaphore_mem>>) src(%dma_wait3A_56 : memref<128x128xf32, #tpu.memory_space<hbm>>) dst(%dma_wait3A_53 : memref<128x128xf32, #tpu.memory_space<vmem>>)
    %run_scoped3A_57 = arith.constant 0 : i32
    %run_scoped3A_58 = arith.constant 0 : i32
    "tpu.region"() ({
      %run_scoped3A_84 = tpu.sem_alloc : memref<!tpu.dma_semaphore, #tpu.memory_space<semaphore_mem>>
      %dma_start3A_85 = arith.constant 0 : i32
      %dma_start3A_86 = arith.constant 0 : i32
      %dma_start3A_87 = tpu.memref_slice %arg9[%run_scoped3A_57, %dma_start3A_85, %dma_start3A_86] : memref<2x128x128xf32, #tpu.memory_space<vmem>> -> memref<1x128x128xf32, #tpu.memory_space<vmem>>
      %dma_start3A_88 = tpu.memref_squeeze %dma_start3A_87 : memref<1x128x128xf32, #tpu.memory_space<vmem>> -> memref<128x128xf32, #tpu.memory_space<vmem>>
      %dma_start3A_89 = arith.constant 0 : i32
      %dma_start3A_90 = tpu.memref_slice %arg8[%run_scoped3A_58, %dma_start3A_89] : memref<2x128xi32, #tpu.memory_space<vmem>> -> memref<1x128xi32, #tpu.memory_space<vmem>>
      %dma_start3A_91 = tpu.memref_squeeze %dma_start3A_90 : memref<1x128xi32, #tpu.memory_space<vmem>> -> memref<128xi32, #tpu.memory_space<vmem>>
      %dma_start3A_92 = arith.constant 0 : i32
      %dma_start3A_93 = arith.constant 0 : i32
      %dma_start3A_94 = tpu.memref_slice %arg10[%dma_start3A_92, %dma_start3A_93] : memref<10240x128xf32, #tpu.memory_space<vmem_shared>> -> memref<10240x128xf32, #tpu.memory_space<vmem_shared>>
      tpu.enqueue_indirect_dma source(%dma_start3A_88 : memref<128x128xf32, #tpu.memory_space<vmem>>) target(%dma_start3A_94 : memref<10240x128xf32, #tpu.memory_space<vmem_shared>>) offsets(%dma_start3A_91 : memref<128xi32, #tpu.memory_space<vmem>>) semaphore(%run_scoped3A_84 : memref<!tpu.dma_semaphore, #tpu.memory_space<semaphore_mem>>) {add = true}
      %dma_wait3A_95 = arith.constant 0 : i32
      %dma_wait3A_96 = arith.constant 0 : i32
      %dma_wait3A_97 = tpu.memref_slice %arg9[%run_scoped3A_57, %dma_wait3A_95, %dma_wait3A_96] : memref<2x128x128xf32, #tpu.memory_space<vmem>> -> memref<1x128x128xf32, #tpu.memory_space<vmem>>
      %dma_wait3A_98 = tpu.memref_squeeze %dma_wait3A_97 : memref<1x128x128xf32, #tpu.memory_space<vmem>> -> memref<128x128xf32, #tpu.memory_space<vmem>>
      %dma_wait3A_99 = arith.constant 0 : i32
      %dma_wait3A_100 = tpu.memref_slice %arg8[%run_scoped3A_58, %dma_wait3A_99] : memref<2x128xi32, #tpu.memory_space<vmem>> -> memref<1x128xi32, #tpu.memory_space<vmem>>
      %dma_wait3A_101 = tpu.memref_squeeze %dma_wait3A_100 : memref<1x128xi32, #tpu.memory_space<vmem>> -> memref<128xi32, #tpu.memory_space<vmem>>
      %dma_wait3A_102 = arith.constant 0 : i32
      %dma_wait3A_103 = arith.constant 0 : i32
      %dma_wait3A_104 = tpu.memref_slice %arg10[%dma_wait3A_102, %dma_wait3A_103] : memref<10240x128xf32, #tpu.memory_space<vmem_shared>> -> memref<10240x128xf32, #tpu.memory_space<vmem_shared>>
      tpu.wait_indirect_dma semaphore(%run_scoped3A_84 : memref<!tpu.dma_semaphore, #tpu.memory_space<semaphore_mem>>) src(%dma_wait3A_98 : memref<128x128xf32, #tpu.memory_space<vmem>>) dst(%dma_wait3A_104 : memref<10240x128xf32, #tpu.memory_space<vmem_shared>>)
      tpu.yield
    }) : () -> ()
    %dma_wait3A_59 = arith.constant 1 : i32
    %dma_wait3A_60 = arith.constant 0 : i32
    %dma_wait3A_61 = arith.constant 0 : i32
    %dma_wait3A_62 = tpu.memref_slice %arg9[%dma_wait3A_59, %dma_wait3A_60, %dma_wait3A_61] : memref<2x128x128xf32, #tpu.memory_space<vmem>> -> memref<1x128x128xf32, #tpu.memory_space<vmem>>
    %dma_wait3A_63 = tpu.memref_squeeze %dma_wait3A_62 : memref<1x128x128xf32, #tpu.memory_space<vmem>> -> memref<128x128xf32, #tpu.memory_space<vmem>>
    %dma_wait3A_64 = arith.constant 0 : i32
    %dma_wait3A_65 = arith.constant 0 : i32
    %dma_wait3A_66 = tpu.memref_slice %arg2[%dma_wait3A_64, %dma_wait3A_65] : memref<10240x128xf32, #tpu.memory_space<hbm>> -> memref<128x128xf32, #tpu.memory_space<hbm>>
    %dma_wait3A_67 = arith.constant 0 : i32
    %dma_wait3A_68 = arith.constant 0 : i32
    %dma_wait3A_69 = tpu.memref_slice %arg9[%dma_wait3A_59, %dma_wait3A_67, %dma_wait3A_68] : memref<2x128x128xf32, #tpu.memory_space<vmem>> -> memref<1x128x128xf32, #tpu.memory_space<vmem>>
    %dma_wait3A_70 = tpu.memref_squeeze %dma_wait3A_69 : memref<1x128x128xf32, #tpu.memory_space<vmem>> -> memref<128x128xf32, #tpu.memory_space<vmem>>
    %dma_wait3A_71 = arith.constant 0 : i32
    %dma_wait3A_72 = arith.constant 0 : i32
    %dma_wait3A_73 = tpu.memref_slice %arg2[%dma_wait3A_71, %dma_wait3A_72] : memref<10240x128xf32, #tpu.memory_space<hbm>> -> memref<128x128xf32, #tpu.memory_space<hbm>>
    tpu.wait_dma2 semaphore(%arg12 : memref<!tpu.dma_semaphore, #tpu.memory_space<semaphore_mem>>) src(%dma_wait3A_73 : memref<128x128xf32, #tpu.memory_space<hbm>>) dst(%dma_wait3A_70 : memref<128x128xf32, #tpu.memory_space<vmem>>)
    %run_scoped3A_74 = arith.constant 1 : i32
    %run_scoped3A_75 = arith.constant 1 : i32
    "tpu.region"() ({
      %run_scoped3A_84 = tpu.sem_alloc : memref<!tpu.dma_semaphore, #tpu.memory_space<semaphore_mem>>
      %dma_start3A_85 = arith.constant 0 : i32
      %dma_start3A_86 = arith.constant 0 : i32
      %dma_start3A_87 = tpu.memref_slice %arg9[%run_scoped3A_74, %dma_start3A_85, %dma_start3A_86] : memref<2x128x128xf32, #tpu.memory_space<vmem>> -> memref<1x128x128xf32, #tpu.memory_space<vmem>>
      %dma_start3A_88 = tpu.memref_squeeze %dma_start3A_87 : memref<1x128x128xf32, #tpu.memory_space<vmem>> -> memref<128x128xf32, #tpu.memory_space<vmem>>
      %dma_start3A_89 = arith.constant 0 : i32
      %dma_start3A_90 = tpu.memref_slice %arg8[%run_scoped3A_75, %dma_start3A_89] : memref<2x128xi32, #tpu.memory_space<vmem>> -> memref<1x128xi32, #tpu.memory_space<vmem>>
      %dma_start3A_91 = tpu.memref_squeeze %dma_start3A_90 : memref<1x128xi32, #tpu.memory_space<vmem>> -> memref<128xi32, #tpu.memory_space<vmem>>
      %dma_start3A_92 = arith.constant 0 : i32
      %dma_start3A_93 = arith.constant 0 : i32
      %dma_start3A_94 = tpu.memref_slice %arg10[%dma_start3A_92, %dma_start3A_93] : memref<10240x128xf32, #tpu.memory_space<vmem_shared>> -> memref<10240x128xf32, #tpu.memory_space<vmem_shared>>
      tpu.enqueue_indirect_dma source(%dma_start3A_88 : memref<128x128xf32, #tpu.memory_space<vmem>>) target(%dma_start3A_94 : memref<10240x128xf32, #tpu.memory_space<vmem_shared>>) offsets(%dma_start3A_91 : memref<128xi32, #tpu.memory_space<vmem>>) semaphore(%run_scoped3A_84 : memref<!tpu.dma_semaphore, #tpu.memory_space<semaphore_mem>>) {add = true}
      %dma_wait3A_95 = arith.constant 0 : i32
      %dma_wait3A_96 = arith.constant 0 : i32
      %dma_wait3A_97 = tpu.memref_slice %arg9[%run_scoped3A_74, %dma_wait3A_95, %dma_wait3A_96] : memref<2x128x128xf32, #tpu.memory_space<vmem>> -> memref<1x128x128xf32, #tpu.memory_space<vmem>>
      %dma_wait3A_98 = tpu.memref_squeeze %dma_wait3A_97 : memref<1x128x128xf32, #tpu.memory_space<vmem>> -> memref<128x128xf32, #tpu.memory_space<vmem>>
      %dma_wait3A_99 = arith.constant 0 : i32
      %dma_wait3A_100 = tpu.memref_slice %arg8[%run_scoped3A_75, %dma_wait3A_99] : memref<2x128xi32, #tpu.memory_space<vmem>> -> memref<1x128xi32, #tpu.memory_space<vmem>>
      %dma_wait3A_101 = tpu.memref_squeeze %dma_wait3A_100 : memref<1x128xi32, #tpu.memory_space<vmem>> -> memref<128xi32, #tpu.memory_space<vmem>>
      %dma_wait3A_102 = arith.constant 0 : i32
      %dma_wait3A_103 = arith.constant 0 : i32
      %dma_wait3A_104 = tpu.memref_slice %arg10[%dma_wait3A_102, %dma_wait3A_103] : memref<10240x128xf32, #tpu.memory_space<vmem_shared>> -> memref<10240x128xf32, #tpu.memory_space<vmem_shared>>
      tpu.wait_indirect_dma semaphore(%run_scoped3A_84 : memref<!tpu.dma_semaphore, #tpu.memory_space<semaphore_mem>>) src(%dma_wait3A_98 : memref<128x128xf32, #tpu.memory_space<vmem>>) dst(%dma_wait3A_104 : memref<10240x128xf32, #tpu.memory_space<vmem_shared>>)
      tpu.yield
    }) : () -> ()
    %barrier3A_76 = arith.constant 0 : index
    tpu.barrier barrier_id(%barrier3A_76)
    %mul3A_77 = arith.constant 640 : i32
    %mul3A_78 = arith.muli %arg1, %mul3A_77 : i32
    %mul3A_79 = arith.constant 10240 : i32
    %mul3A_80 = arith.muli %arg0, %mul3A_79 : i32
    %mul3A_81 = arith.constant 640 : i32
    %mul3A_82 = arith.muli %arg1, %mul3A_81 : i32
    %add3A_83 = arith.addi %mul3A_80, %mul3A_82 : i32
    "tpu.region"() ({
      %run_scoped3A_84 = tpu.sem_alloc : memref<!tpu.dma_semaphore, #tpu.memory_space<semaphore_mem>>
      %dma_start3A_85 = arith.constant 0 : i32
      %dma_start3A_86 = tpu.memref_slice %arg6[%add3A_83, %dma_start3A_85] : memref<20480x128xf32, #tpu.memory_space<hbm>> -> memref<640x128xf32, #tpu.memory_space<hbm>>
      %dma_start3A_87 = arith.constant 0 : i32
      %dma_start3A_88 = tpu.memref_slice %arg10[%mul3A_78, %dma_start3A_87] : memref<10240x128xf32, #tpu.memory_space<vmem_shared>> -> memref<640x128xf32, #tpu.memory_space<vmem_shared>>
      tpu.enqueue_dma source(%dma_start3A_88 : memref<640x128xf32, #tpu.memory_space<vmem_shared>>) target(%dma_start3A_86 : memref<640x128xf32, #tpu.memory_space<hbm>>) target_semaphore(%run_scoped3A_84 : memref<!tpu.dma_semaphore, #tpu.memory_space<semaphore_mem>>)
      %dma_wait3A_89 = arith.constant 0 : i32
      %dma_wait3A_90 = tpu.memref_slice %arg6[%add3A_83, %dma_wait3A_89] : memref<20480x128xf32, #tpu.memory_space<hbm>> -> memref<640x128xf32, #tpu.memory_space<hbm>>
      %dma_wait3A_91 = arith.constant 0 : i32
      %dma_wait3A_92 = tpu.memref_slice %arg10[%mul3A_78, %dma_wait3A_91] : memref<10240x128xf32, #tpu.memory_space<vmem_shared>> -> memref<640x128xf32, #tpu.memory_space<vmem_shared>>
      tpu.wait_dma2 semaphore(%run_scoped3A_84 : memref<!tpu.dma_semaphore, #tpu.memory_space<semaphore_mem>>) src(%dma_wait3A_92 : memref<640x128xf32, #tpu.memory_space<vmem_shared>>) dst(%dma_wait3A_90 : memref<640x128xf32, #tpu.memory_space<hbm>>)
      tpu.yield
    }) : () -> ()
    return
  }
}

#map = affine_map<(d0, d1) -> (0)>
#map1 = affine_map<(d0, d1) -> (0, 0)>
module attributes {stable_mosaic.version = 14 : i64} {
  func.func @k(%arg0: i32, %arg1: i32, %arg2: memref<10240xf32, #tpu.memory_space<hbm>>, %arg3: memref<327680xi32, #tpu.memory_space<hbm>>, %arg4: memref<327680xi32, #tpu.memory_space<hbm>>, %arg5: memref<10240xf32, #tpu.memory_space<hbm>>, %arg6: memref<32x10240xf32, #tpu.memory_space<hbm>>, %arg7: memref<10240xf32, #tpu.memory_space<vmem>>, %arg8: memref<10240xf32, #tpu.memory_space<vmem>>, %arg9: memref<10240xi32, #tpu.memory_space<vmem>>, %arg10: memref<10240xi32, #tpu.memory_space<vmem>>) attributes {dimension_semantics = [#tpu.dimension_semantics<core_parallel>, #tpu.dimension_semantics<subcore_parallel>], iteration_bounds = array<i64: 2, 16>, scalar_prefetch = 0 : i64, scratch_operands = 4 : i64, tpu.core_type = #tpu.core_type<sc_vector_subcore>, window_params = [{transform_indices = #map}, {transform_indices = #map}, {transform_indices = #map}, {transform_indices = #map}, {transform_indices = #map1}]} {
    %mul3A = arith.constant 16 : i32
    %mul3A_0 = arith.muli %arg0, %mul3A : i32
    %add3A = arith.addi %mul3A_0, %arg1 : i32
    %mul3A_1 = arith.constant 10240 : i32
    %mul3A_2 = arith.muli %add3A, %mul3A_1 : i32
    %multiple_of3A = tpu.assume_multiple %mul3A_2, 128 : i32
    "tpu.region"() ({
      %run_scoped3A = tpu.sem_alloc : memref<!tpu.dma_semaphore, #tpu.memory_space<semaphore_mem>>
      tpu.enqueue_dma source(%arg2 : memref<10240xf32, #tpu.memory_space<hbm>>) target(%arg7 : memref<10240xf32, #tpu.memory_space<vmem>>) target_semaphore(%run_scoped3A : memref<!tpu.dma_semaphore, #tpu.memory_space<semaphore_mem>>)
      tpu.wait_dma2 semaphore(%run_scoped3A : memref<!tpu.dma_semaphore, #tpu.memory_space<semaphore_mem>>) src(%arg2 : memref<10240xf32, #tpu.memory_space<hbm>>) dst(%arg7 : memref<10240xf32, #tpu.memory_space<vmem>>)
      tpu.yield
    }) : () -> ()
    "tpu.region"() ({
      %run_scoped3A = tpu.sem_alloc : memref<!tpu.dma_semaphore, #tpu.memory_space<semaphore_mem>>
      %dma_start3A = tpu.memref_slice %arg3[%multiple_of3A] : memref<327680xi32, #tpu.memory_space<hbm>> -> memref<10240xi32, #tpu.memory_space<hbm>>
      %dma_start3A_8 = tpu.memref_slice %arg3[%multiple_of3A] : memref<327680xi32, #tpu.memory_space<hbm>> -> memref<10240xi32, #tpu.memory_space<hbm>>
      tpu.enqueue_dma source(%dma_start3A_8 : memref<10240xi32, #tpu.memory_space<hbm>>) target(%arg9 : memref<10240xi32, #tpu.memory_space<vmem>>) target_semaphore(%run_scoped3A : memref<!tpu.dma_semaphore, #tpu.memory_space<semaphore_mem>>)
      %dma_wait3A = tpu.memref_slice %arg3[%multiple_of3A] : memref<327680xi32, #tpu.memory_space<hbm>> -> memref<10240xi32, #tpu.memory_space<hbm>>
      %dma_wait3A_9 = tpu.memref_slice %arg3[%multiple_of3A] : memref<327680xi32, #tpu.memory_space<hbm>> -> memref<10240xi32, #tpu.memory_space<hbm>>
      tpu.wait_dma2 semaphore(%run_scoped3A : memref<!tpu.dma_semaphore, #tpu.memory_space<semaphore_mem>>) src(%dma_wait3A_9 : memref<10240xi32, #tpu.memory_space<hbm>>) dst(%arg9 : memref<10240xi32, #tpu.memory_space<vmem>>)
      tpu.yield
    }) : () -> ()
    "tpu.region"() ({
      %run_scoped3A = tpu.sem_alloc : memref<!tpu.dma_semaphore, #tpu.memory_space<semaphore_mem>>
      %dma_start3A = tpu.memref_slice %arg4[%multiple_of3A] : memref<327680xi32, #tpu.memory_space<hbm>> -> memref<10240xi32, #tpu.memory_space<hbm>>
      %dma_start3A_8 = tpu.memref_slice %arg4[%multiple_of3A] : memref<327680xi32, #tpu.memory_space<hbm>> -> memref<10240xi32, #tpu.memory_space<hbm>>
      tpu.enqueue_dma source(%dma_start3A_8 : memref<10240xi32, #tpu.memory_space<hbm>>) target(%arg10 : memref<10240xi32, #tpu.memory_space<vmem>>) target_semaphore(%run_scoped3A : memref<!tpu.dma_semaphore, #tpu.memory_space<semaphore_mem>>)
      %dma_wait3A = tpu.memref_slice %arg4[%multiple_of3A] : memref<327680xi32, #tpu.memory_space<hbm>> -> memref<10240xi32, #tpu.memory_space<hbm>>
      %dma_wait3A_9 = tpu.memref_slice %arg4[%multiple_of3A] : memref<327680xi32, #tpu.memory_space<hbm>> -> memref<10240xi32, #tpu.memory_space<hbm>>
      tpu.wait_dma2 semaphore(%run_scoped3A : memref<!tpu.dma_semaphore, #tpu.memory_space<semaphore_mem>>) src(%dma_wait3A_9 : memref<10240xi32, #tpu.memory_space<hbm>>) dst(%arg10 : memref<10240xi32, #tpu.memory_space<vmem>>)
      tpu.yield
    }) : () -> ()
    "tpu.region"() ({
      %run_scoped3A = tpu.sem_alloc : memref<!tpu.dma_semaphore, #tpu.memory_space<semaphore_mem>>
      tpu.enqueue_dma source(%arg5 : memref<10240xf32, #tpu.memory_space<hbm>>) target(%arg8 : memref<10240xf32, #tpu.memory_space<vmem>>) target_semaphore(%run_scoped3A : memref<!tpu.dma_semaphore, #tpu.memory_space<semaphore_mem>>)
      tpu.wait_dma2 semaphore(%run_scoped3A : memref<!tpu.dma_semaphore, #tpu.memory_space<semaphore_mem>>) src(%arg5 : memref<10240xf32, #tpu.memory_space<hbm>>) dst(%arg8 : memref<10240xf32, #tpu.memory_space<vmem>>)
      tpu.yield
    }) : () -> ()
    %scan3A = arith.constant 0 : i32
    %scan3A_3 = arith.constant 0 : i32
    %scan3A_4 = arith.constant 640 : i32
    %scan3A_5 = arith.addi %scan3A_3, %scan3A_4 : i32
    %scan3A_6 = arith.constant 1 : i32
    scf.for %scan3A_8 = %scan3A_3 to %scan3A_5 step %scan3A_6  : i32 {
      %mul3A_9 = arith.constant 16 : i32
      %mul3A_10 = arith.muli %scan3A_8, %mul3A_9 : i32
      %get3A = arith.index_cast %mul3A_10 : i32 to index
      %get3A_11 = tpu.vector_load %arg9[%get3A] {strides = array<i32>} : memref<10240xi32, #tpu.memory_space<vmem>>, vector<16xi32>,
      %mul3A_12 = arith.constant 16 : i32
      %mul3A_13 = arith.muli %scan3A_8, %mul3A_12 : i32
      %get3A_14 = arith.index_cast %mul3A_13 : i32 to index
      %get3A_15 = tpu.vector_load %arg10[%get3A_14] {strides = array<i32>} : memref<10240xi32, #tpu.memory_space<vmem>>, vector<16xi32>,
      %gather3A = tpu.vector_load_idx %arg7[%get3A_11] : memref<10240xf32, #tpu.memory_space<vmem>>[vector<16xi32>], vector<16xf32>,
      tpu.vector_store_idx %arg8[%get3A_15], %gather3A {add = true} : memref<10240xf32, #tpu.memory_space<vmem>>[vector<16xi32>], vector<16xf32>,
    }
    %scan3A_7 = arith.constant 640 : i32
    "tpu.region"() ({
      %run_scoped3A = tpu.sem_alloc : memref<!tpu.dma_semaphore, #tpu.memory_space<semaphore_mem>>
      %dma_start3A = arith.constant 0 : i32
      %dma_start3A_8 = tpu.memref_slice %arg6[%add3A, %dma_start3A] : memref<32x10240xf32, #tpu.memory_space<hbm>> -> memref<1x10240xf32, #tpu.memory_space<hbm>>
      %dma_start3A_9 = tpu.memref_squeeze %dma_start3A_8 : memref<1x10240xf32, #tpu.memory_space<hbm>> -> memref<10240xf32, #tpu.memory_space<hbm>>
      %dma_start3A_10 = arith.constant 0 : i32
      %dma_start3A_11 = tpu.memref_slice %arg6[%add3A, %dma_start3A_10] : memref<32x10240xf32, #tpu.memory_space<hbm>> -> memref<1x10240xf32, #tpu.memory_space<hbm>>
      %dma_start3A_12 = tpu.memref_squeeze %dma_start3A_11 : memref<1x10240xf32, #tpu.memory_space<hbm>> -> memref<10240xf32, #tpu.memory_space<hbm>>
      tpu.enqueue_dma source(%arg8 : memref<10240xf32, #tpu.memory_space<vmem>>) target(%dma_start3A_12 : memref<10240xf32, #tpu.memory_space<hbm>>) target_semaphore(%run_scoped3A : memref<!tpu.dma_semaphore, #tpu.memory_space<semaphore_mem>>)
      %dma_wait3A = arith.constant 0 : i32
      %dma_wait3A_13 = tpu.memref_slice %arg6[%add3A, %dma_wait3A] : memref<32x10240xf32, #tpu.memory_space<hbm>> -> memref<1x10240xf32, #tpu.memory_space<hbm>>
      %dma_wait3A_14 = tpu.memref_squeeze %dma_wait3A_13 : memref<1x10240xf32, #tpu.memory_space<hbm>> -> memref<10240xf32, #tpu.memory_space<hbm>>
      %dma_wait3A_15 = arith.constant 0 : i32
      %dma_wait3A_16 = tpu.memref_slice %arg6[%add3A, %dma_wait3A_15] : memref<32x10240xf32, #tpu.memory_space<hbm>> -> memref<1x10240xf32, #tpu.memory_space<hbm>>
      %dma_wait3A_17 = tpu.memref_squeeze %dma_wait3A_16 : memref<1x10240xf32, #tpu.memory_space<hbm>> -> memref<10240xf32, #tpu.memory_space<hbm>>
      tpu.wait_dma2 semaphore(%run_scoped3A : memref<!tpu.dma_semaphore, #tpu.memory_space<semaphore_mem>>) src(%arg8 : memref<10240xf32, #tpu.memory_space<vmem>>) dst(%dma_wait3A_17 : memref<10240xf32, #tpu.memory_space<hbm>>)
      tpu.yield
    }) : () -> ()
    return
  }
}

module attributes {stable_mosaic.version = 14 : i64} {
  func.func @_mlp_body(%arg0: memref<1x256xf32, #tpu.memory_space<vmem>>, %arg1: memref<256x128xf32, #tpu.memory_space<vmem>>, %arg2: memref<1x128xf32, #tpu.memory_space<vmem>>, %arg3: memref<128x64xf32, #tpu.memory_space<vmem>>, %arg4: memref<1x64xf32, #tpu.memory_space<vmem>>, %arg5: memref<64x128xf32, #tpu.memory_space<vmem>>, %arg6: memref<1x128xf32, #tpu.memory_space<vmem>>, %arg7: memref<1x128xf32, #tpu.memory_space<vmem>>) attributes {dimension_semantics = [], scalar_prefetch = 0 : i64, scratch_operands = 0 : i64, tpu.core_type = #tpu.core_type<tc>} {
    %get3A = arith.constant 0 : index
    %get3A_0 = arith.constant 0 : index
    %get3A_1 = vector.load %arg0[%get3A, %get3A_0] : memref<1x256xf32, #tpu.memory_space<vmem>>, vector<1x256xf32>
    %get3A_2 = arith.constant 0 : index
    %get3A_3 = arith.constant 0 : index
    %get3A_4 = vector.load %arg1[%get3A_2, %get3A_3] : memref<256x128xf32, #tpu.memory_space<vmem>>, vector<256x128xf32>
    %dot_general3A = arith.constant dense<0.000000e+00> : vector<1x128xf32>
    %dot_general3A_5 = tpu.matmul %get3A_1, %get3A_4, %dot_general3A {dimension_numbers = #tpu.dot_dimension_numbers<[1], [0], [0], [1], [0, 0, 1, 1], [], []>, transpose_lhs_hint = false} : vector<1x256xf32>, vector<256x128xf32>, vector<1x128xf32> -> vector<1x128xf32>
    %get3A_6 = arith.constant 0 : index
    %get3A_7 = arith.constant 0 : index
    %get3A_8 = vector.load %arg2[%get3A_6, %get3A_7] : memref<1x128xf32, #tpu.memory_space<vmem>>, vector<1x128xf32>
    %add3A = arith.addf %dot_general3A_5, %get3A_8 : vector<1x128xf32>
    %max3A = arith.constant 0.000000e+00 : f32
    %max3A_9 = vector.broadcast %max3A : f32 to vector<1x128xf32>
    %max3A_10 = arith.maximumf %add3A, %max3A_9 : vector<1x128xf32>
    %get3A_11 = arith.constant 0 : index
    %get3A_12 = arith.constant 0 : index
    %get3A_13 = vector.load %arg3[%get3A_11, %get3A_12] : memref<128x64xf32, #tpu.memory_space<vmem>>, vector<128x64xf32>
    %dot_general3A_14 = arith.constant dense<0.000000e+00> : vector<1x64xf32>
    %dot_general3A_15 = tpu.matmul %max3A_10, %get3A_13, %dot_general3A_14 {dimension_numbers = #tpu.dot_dimension_numbers<[1], [0], [0], [1], [0, 0, 1, 1], [], []>, transpose_lhs_hint = false} : vector<1x128xf32>, vector<128x64xf32>, vector<1x64xf32> -> vector<1x64xf32>
    %get3A_16 = arith.constant 0 : index
    %get3A_17 = arith.constant 0 : index
    %get3A_18 = vector.load %arg4[%get3A_16, %get3A_17] : memref<1x64xf32, #tpu.memory_space<vmem>>, vector<1x64xf32>
    %add3A_19 = arith.addf %dot_general3A_15, %get3A_18 : vector<1x64xf32>
    %max3A_20 = arith.constant 0.000000e+00 : f32
    %max3A_21 = vector.broadcast %max3A_20 : f32 to vector<1x64xf32>
    %max3A_22 = arith.maximumf %add3A_19, %max3A_21 : vector<1x64xf32>
    %get3A_23 = arith.constant 0 : index
    %get3A_24 = arith.constant 0 : index
    %get3A_25 = vector.load %arg5[%get3A_23, %get3A_24] : memref<64x128xf32, #tpu.memory_space<vmem>>, vector<64x128xf32>
    %dot_general3A_26 = arith.constant dense<0.000000e+00> : vector<1x128xf32>
    %dot_general3A_27 = tpu.matmul %max3A_22, %get3A_25, %dot_general3A_26 {dimension_numbers = #tpu.dot_dimension_numbers<[1], [0], [0], [1], [0, 0, 1, 1], [], []>, transpose_lhs_hint = false} : vector<1x64xf32>, vector<64x128xf32>, vector<1x128xf32> -> vector<1x128xf32>
    %get3A_28 = arith.constant 0 : index
    %get3A_29 = arith.constant 0 : index
    %get3A_30 = vector.load %arg6[%get3A_28, %get3A_29] : memref<1x128xf32, #tpu.memory_space<vmem>>, vector<1x128xf32>
    %add3A_31 = arith.addf %dot_general3A_27, %get3A_30 : vector<1x128xf32>
    %reduce_max3A = arith.constant dense<0xFF800000> : vector<1xf32>
    %reduce_max3A_32 = vector.multi_reduction <maximumf>, %add3A_31, %reduce_max3A [1] : vector<1x128xf32> to vector<1xf32>
    %max3A_33 = arith.constant 0xFF800000 : f32
    %max3A_34 = vector.broadcast %max3A_33 : f32 to vector<1xf32>
    %max3A_35 = arith.maximumf %max3A_34, %reduce_max3A_32 : vector<1xf32>
    %broadcast_in_dim3A = vector.shape_cast %max3A_35 : vector<1xf32> to vector<1x1xf32>
    %sub3A = vector.broadcast %broadcast_in_dim3A : vector<1x1xf32> to vector<1x128xf32>
    %sub3A_36 = arith.subf %add3A_31, %sub3A : vector<1x128xf32>
    %exp3A = math.exp %sub3A_36 : vector<1x128xf32>
    %reduce_sum3A = arith.constant dense<0.000000e+00> : vector<1xf32>
    %reduce_sum3A_37 = vector.multi_reduction <add>, %exp3A, %reduce_sum3A [1] : vector<1x128xf32> to vector<1xf32>
    %broadcast_in_dim3A_38 = vector.shape_cast %reduce_sum3A_37 : vector<1xf32> to vector<1x1xf32>
    %log3A = math.log %broadcast_in_dim3A_38 : vector<1x1xf32>
    %sub3A_39 = vector.broadcast %log3A : vector<1x1xf32> to vector<1x128xf32>
    %sub3A_40 = arith.subf %sub3A_36, %sub3A_39 : vector<1x128xf32>
    %swap3A = arith.constant 0 : index
    %swap3A_41 = arith.constant 0 : index
    %swap3A_42 = vector.load %arg7[%swap3A, %swap3A_41] : memref<1x128xf32, #tpu.memory_space<vmem>>, vector<1x128xf32>
    tpu.vector_store %arg7[%swap3A, %swap3A_41], %sub3A_40 {strides = array<i32>} : memref<1x128xf32, #tpu.memory_space<vmem>>, vector<1x128xf32>,
    return
  }
}

</mosaic_0001>

<sc_bundles>
// kernel: kernel.12.cloned.1.call-start
scs
__scs_entry_jumppad:
0x0: {  	(pc) =	sbr.rel $0x88, $3  }
0x1: {  	(tag) =	ssettag $0x0;
	lr =	simm.s32 $0x1  }
0x2: {  	[smem:$0x3F8D] =	sst lr;
	_ =	strace $0xD0000000  }
0x3: {  	_ = 	snop  }
0x4: {  	_ = 	snop  }
0x5: {  	_ = 	snop  }
0x6: {  	_ = 	snop  }
0x7: {  	_ = 	snop  }
__scs_overlays_trampoline_lowered:
0x8: {  	[smem:$0x3F9C] =	sst s0  }
0x9: {  	[smem:$0x3F9D] =	sst s1  }
0xa: {  	[smem:$0x3F9E] =	sst s2  }
0xb: {  	[smem:$0x3F9F] =	sst s3  }
0xc: {  	[smem:$0x3FA0] =	sst s4  }
0xd: {  	[smem:$0x3FA1] =	sst s5  }
0xe: {  	[smem:$0x3FA2] =	sst s6  }
0xf: {  	[smem:$0x3FA3] =	sst s7  }
0x10: {  	[smem:$0x3FA4] =	sst s8  }
0x11: {  	[smem:$0x3FA5] =	sst s9;
	s0 =	simm.s32 @!p0 $0x0  }
0x12: {  	s1 =	sld [smem:$0x3F8B];
	s0 =	simm.s32 @p0 $0x1  }
0x13: {  	[smem:$0x3FA6] =	sst s0;
	s0 =	simm.s32 @!p1 $0x0  }
0x14: {  	s2 =	sld [smem:$0x3F8A];
	s0 =	simm.s32 @p1 $0x1  }
0x15: {  	[smem:$0x3FA7] =	sst s0;
	s0 =	simm.s32 @!p2 $0x0  }
0x16: {  	s3 =	sld [smem:$0x3FDB];
	s0 =	simm.s32 @p2 $0x1  }
0x17: {  	s4 =	simm.s32 $0x1BF5;
	[smem:$0x3FA9] =	sst s0  }
0x18: {  	s0 =	sld [smem:$0x3F8C];
	_ =	swait.ge [sflag:s4], $0x0  }
0x19: {  	s7 =	sld [smem:$0x3F8D]  }
0x1a: {  	s8 =	sadd.s32 $0xFFFFE003, lr  }
0x1b: {  	s9 =	sadd.s32 $0xFFFFFEF7, lr;
	s5 =	simm.s32 $0xFFFFFFFF;
	p2 =	slt.u32 s8, $0xFFFFF086  }
0x1c: {  	p1 =	slt.u32 s9, $0xF7A;
	s5 =	simm.s32 @!p2 $0x0  }
0x1d: {  	s5 =	simm.s32 @p1 $0x1;
	p0 =	seq.s32 s7, s2  }
0x1e: {  	s7 =	smul.u32 @!p0 $0xF7A, s2;
	p2 =	seq.s32 @!p0 s5, $0x0  }
0x1f: {  	s9 =	smul.u32 $0xF7A, s1;
	s8 =	simm.s32 @!p0 $0x1BF5;
	p2 =	por !p2, p0  }
0x20: {  	[sflag:s8] =	ssyncset.s32 @!p0 $0xFFFFF086;
	s6 =	sadd.s32 @!p0 s3, s7;
	s7 =	simm.s32 @!p0 $0x108  }
0x21: {  	s3 =	sadd.s32 s3, s9;
	s6 =	sadd.s32 @!p0 $0x88, s6;
	s7 =	simm.s32 @p2 $0x1082  }
0x22: {  	[simem:s7], [sflag:s8] =	dma.local @!p0 [hbm:s6], $0xF7A  }
0x23: {  	s9 =	sor.u32 $0xD0000000, s2;
	s6 =	simm.s32 $0x108;
	_ =	swait.ge @!p0 [sflag:s8], $0x0  }
0x24: {  	s3 =	sadd.s32 $0x88, s3;
	s6 =	simm.s32 @!p1 $0x1082;
	[sflag:s4] =	ssyncset.s32 $0xFFFFF086  }
0x25: {  	[simem:s6], [sflag:s4] =	dma.local [hbm:s3], $0xF7A  }
0x26: {  	[smem:$0x3F8D] =	sst s1;
	(tag) =	ssettag s2;
	_ =	strace s9  }
0x27: {  	s1 =	sld [smem:$0x3F9D]  }
0x28: {  	s2 =	sld [smem:$0x3F9E]  }
0x29: {  	s4 =	sld [smem:$0x3FA0]  }
0x2a: {  	p0 =	seq.s32 s5, $0x0;
	s5 =	sld [smem:$0x3FA1]  }
0x2b: {  	s6 =	sld [smem:$0x3FA2]  }
0x2c: {  	s7 =	sld [smem:$0x3FA3]  }
0x2d: {  	s3 =	simm.s32 $0x108;
	s8 =	sld [smem:$0x3FA4]  }
0x2e: {  	s3 =	simm.s32 @!p0 $0x1082;
	s9 =	sld [smem:$0x3FA5]  }
0x2f: {  	lr =	sadd.s32 s0, s3;
	s0 =	sld [smem:$0x3F9C]  }
0x30: {  	s3 =	sld [smem:$0x3F9F]  }
0x31: {  	[smem:$0x3FA8] =	sst s10  }
0x32: {  	s10 =	sld [smem:$0x3FA6];
	_ =	sdelay $0x3  }
0x33: {  	p0 =	seq.s32 s10, $0x1;
	s10 =	sld [smem:$0x3FA8];
	_ =	sdelay $0x3  }
0x34: {  	[smem:$0x3FA8] =	sst s10  }
0x35: {  	s10 =	sld [smem:$0x3FA7];
	_ =	sdelay $0x3  }
0x36: {  	p1 =	seq.s32 s10, $0x1;
	s10 =	sld [smem:$0x3FA8];
	_ =	sdelay $0x3  }
0x37: {  	[smem:$0x3FA8] =	sst s10  }
0x38: {  	s10 =	sld [smem:$0x3FA9]  }
0x39: {  	_ = 	snop;
	(pc) =	sbr.ind lr, $3  }
0x3a: {  	_ = 	snop  }
0x3b: {  	_ = 	snop  }
0x3c: {  	p2 =	seq.s32 s10, $0x1;
	s10 =	sld [smem:$0x3FA8]  }
0x3d: {  	_ =	shalt  }
0x3e: {  	_ =	shalt  }
0x3f: {  	_ =	shalt  }
0x40: {  	_ =	shalt  }
0x41: {  	_ =	shalt  }
0x42: {  	_ =	shalt  }
0x43: {  	_ =	shalt  }
0x44: {  	_ =	shalt  }
0x45: {  	_ =	shalt  }
0x46: {  	_ =	shalt  }
0x47: {  	_ =	shalt  }
0x48: {  	_ =	shalt  }
0x49: {  	_ =	shalt  }
0x4a: {  	_ =	shalt  }
0x4b: {  	_ =	shalt  }
0x4c: {  	_ =	shalt  }
0x4d: {  	_ =	shalt  }
0x4e: {  	_ =	shalt  }
0x4f: {  	_ =	shalt  }
0x50: {  	_ =	shalt  }
0x51: {  	_ =	shalt  }
0x52: {  	_ =	shalt  }
0x53: {  	_ =	shalt  }
0x54: {  	_ =	shalt  }
0x55: {  	_ =	shalt  }
0x56: {  	_ =	shalt  }
0x57: {  	_ =	shalt  }
0x58: {  	_ =	shalt  }
0x59: {  	_ =	shalt  }
0x5a: {  	_ =	shalt  }
0x5b: {  	_ =	shalt  }
0x5c: {  	_ =	shalt  }
0x5d: {  	_ =	shalt  }
0x5e: {  	_ =	shalt  }
0x5f: {  	_ =	shalt  }
0x60: {  	_ =	shalt  }
0x61: {  	_ =	shalt  }
0x62: {  	_ =	shalt  }
0x63: {  	_ =	shalt  }
0x64: {  	_ =	shalt  }
0x65: {  	_ =	shalt  }
0x66: {  	_ =	shalt  }
0x67: {  	_ =	shalt  }
0x68: {  	_ =	shalt  }
0x69: {  	_ =	shalt  }
0x6a: {  	_ =	shalt  }
0x6b: {  	_ =	shalt  }
0x6c: {  	_ =	shalt  }
0x6d: {  	_ =	shalt  }
0x6e: {  	_ =	shalt  }
0x6f: {  	_ =	shalt  }
0x70: {  	_ =	shalt  }
0x71: {  	_ =	shalt  }
0x72: {  	_ =	shalt  }
0x73: {  	_ =	shalt  }
0x74: {  	_ =	shalt  }
0x75: {  	_ =	shalt  }
0x76: {  	_ =	shalt  }
0x77: {  	_ =	shalt  }
0x78: {  	_ =	shalt  }
0x79: {  	_ =	shalt  }
0x7a: {  	_ =	shalt  }
0x7b: {  	_ =	shalt  }
0x7c: {  	_ =	shalt  }
0x7d: {  	_ =	shalt  }
0x7e: {  	_ =	shalt  }
0x7f: {  	_ =	shalt  }
0x80: {  	_ =	shalt  }
0x81: {  	_ =	shalt  }
0x82: {  	_ =	shalt  }
0x83: {  	_ =	shalt  }
0x84: {  	_ =	shalt  }
0x85: {  	_ =	shalt  }
0x86: {  	_ =	shalt  }
0x87: {  	_ =	shalt  }
.Lfunc_end0:
.L_simem_size_0:
called_computation_lowered:
.L_overlay_start_0:
0x88: {  	s2 =	sld [smem:$0x3FD9]  }
0x89: {  	s3 =	sld [smem:$0x3FFE];
	_ =	sdelay $0x1  }
0x8a: {  	s1 =	srdreg.scid  }
0x8b: {  	s0 =	sand.u32 $0x1, s1  }
0x8c: {  	s16 =	sshll.u32 s0, $0xA;
	s2 =	sadd.s32 s3, s2  }
0x8d: {  	s2 =	sadd.s32 s2, s16  }
0x8e: {  	[smem:$0x3FB4] =	sst s2  }
0x8f: {  	_ = 	snop  }
0x90: {  	(tm) =	ssettm $0x1  }
0x91: {  	s17 =	sld [smem:$0x3FFB];
	_ =	sdelay $0x3  }
0x92: {  	_ =	strace s17  }
0x93: {  	s2 =	sld [smem:$0x3FFC];
	_ =	sdelay $0x3  }
0x94: {  	_ =	strace s2  }
0x95: {  	s2 =	sld [smem:$0x3FFD];
	_ =	sdelay $0x3  }
0x96: {  	_ =	strace s2  }
0x97: {  	_ =	strace $0x8FFFFFFF  }
0x98: {  	s18 =	sld [smem:$0x3FDB];
	_ =	sdelay $0x1  }
0x99: {  	s19 =	simm.s32 $_scs_section_size  }
0x9a: {  	s4 =	simm.s32 $_size__tile_overlayer_lowered;
	s5 =	simm.s32 $_tile_overlayer_lowered  }
0x9b: {  	s22 =	simm.s32 $0x1BFF;
	s21 =	sshll.u32 s5, $0x1;
	s2 =	sadd.s32 s19, s18  }
0x9c: {  	s6 =	simm.s32 $0x0;
	s20 =	sshll.u32 s4, $0x1;
	s4 =	sadd.s32 s21, s2  }
0x9d: {  	[timem:s6], [sflag:s22] =	dma.local [hbm:s4], s20  }
0x9e: {  	_ =	swait.ge [sflag:s22], s20  }
0x9f: {  	s3 =	ssub.s32 $0x0, s20;
	[sflag:s22] =	ssyncset.done $0x0  }
0xa0: {  	[sflag:s22] =	ssyncadd.s32 s3;
	_ =	sdelay $0x1  }
0xa1: {  	s23 =	simm.s32 $0x1B8B  }
0xa2: {  	_ =	swait.ge [sflag:s23], $0x1  }
0xa3: {  	[sflag:s23] =	ssyncset.done $0x0  }
0xa4: {  	s25 =	simm.s32 $0x1B8E;
	s24 =	sld [smem:$0x3FFE];
	[sflag:s23] =	ssyncadd.s32 $0xFFFFFFFF  }
0xa5: {  	s26 =	simm.s32 $execute0_lowered;
	[smem:$0x3FD2] =	sst s25  }
0xa6: {  	s4 =	sshll.u32 s26, $0x1;
	_ =	strace $0x80000046;
	[dreg:$0x1] =	wrdreg $0xFFFFFFFF  }
0xa7: {  	s28 =	simm.s32 $_size_execute0_lowered;
	s2 =	sadd.s32 s2, s4;
	[dreg:$0x0] =	wrdreg $0x0  }
0xa8: {  	s4 =	sshll.u32 s28, $0x1;
	[dreg:$0x2] =	wrdreg s2  }
0xa9: {  	[dreg:$0x3] =	wrdreg s4  }
0xaa: {  	[dreg:$0x4] =	wrdreg $0xC0  }
0xab: {  	_ =	task [dreg:s6], $0x5FFFF  }
0xac: {  	[dreg:$0x1] =	wrdreg $0xFFFFFFFF  }
0xad: {  	[dreg:$0x0] =	wrdreg $0x60  }
0xae: {  	[dreg:$0x2] =	wrdreg s24  }
0xaf: {  	[dreg:$0x3] =	wrdreg $0x9  }
0xb0: {  	_ =	task.clear_ibuf [dreg:s6], $0x4FFFF;
	_ =	strace $0x90000046  }
0xb1: {  	s29 =	simm.s32 $0x9;
	_ =	strace $0x80000048  }
0xb2: {  	_ =	swait.ge [sflag:s29], $0x1  }
0xb3: {  	[sflag:s29] =	ssyncadd.s32 $0xFFFFFFFF  }
0xb4: {  	_ =	strace $0x90000048  }
0xb5: {  	_ =	sfence  }
0xb6: {  	s30 =	sld [smem:$0x0];
	_ =	sdelay $0x2  }
0xb7: {  	s31 =	sshll.u32 s1, $0xD;
	s1 =	sshrl.u32 s1, $0x2  }
0xb8: {  	s3 =	sand.u32 $0x4000, s31;
	s1 =	sadd.s32 s1, s30  }
0xb9: {  	s0 =	sor.u32 s3, s0;
	s1 =	sshll.u32 s1, $0x11  }
0xba: {  	s0 =	sor.u32 s1, s0  }
0xbb: {  	s0 =	sadd.s32 $0x8F2B, s0  }
0xbc: {  	[sflag:s0] =	ssyncadd.remote.s32 $0x1  }
0xbd: {  	_ =	sfence.sel $0xFFFF  }
0xbe: {  	[dreg:$0x0] =	wrdreg $0xFFFFFFFF;
	(pc) =	sbr.abs _section_cstart, $3  }
0xbf: {  	[dreg:$0x1] =	wrdreg $0xFFFFFFFF  }
0xc0: {  	_ =	task.clear_ibuf [dreg:s6], $0x2FFFF;
	_ =	strace $0x9FFFFFFF  }
0xc1: {  	(tm) =	ssettm $0x7FFFFFFF  }
tec
execute0_lowered:
.L_overlay_start_1:
0x0: {  	(tag) =	ssettag $0x1  }
0x1: {  	s0 =	srdreg.scid  }
0x2: {  	s6 =	rddreg [dreg:$0x0];
	s1 =	stileid.u32;
	s2 =	simm.s32 $0x0  }
0x3: {  	s11 =	simm.s32 $0x7800;
	s12 =	simm.s32 $0x2800;
	s5 =	sand.u32 $0x1, s0  }
0x4: {  	s13 =	simm.s32 $0x80;
	s14 =	simm.s32 $0x400;
	s3 =	sshll.u32 s5, $0x4  }
0x5: {  	s15 =	simm.s32 $0x0;
	s0 =	rddreg [dreg:$0x1];
	s4 =	sor.u32 s1, s3  }
0x6: {  	[smem:$0x7FF] =	sst s2;
	s8 =	sshll.u32 s1, $0x7;
	s3 =	sshrl.u32 s4, $0x3  }
0x7: {  	_ =	strace $0x80000047;
	s31 =	ssub.s32 $0x2, s5;
	s7 =	smul.u32 $0x14000, s3  }
0x8: {  	s8 =	sand.u32 $0x380, s8;
	s10 =	sshrl.u32 s31, $0x1;
	s9 =	smul.u32 $0x500, s4  }
0x9: {  	s4 =	sadd.s32 $0x14600, s6;
	s3 =	sadd.s32 $0x14000, s6;
	s7 =	sor.u32 s8, s7  }
0xa: {  	s5 =	sadd.s32 s6, s9;
	s9 =	simm.s32 $0x1;
	s7 =	sshrl.u32 s7, $0x3  }
0xb: {  	s8 =	ssub.s32 s31, s10;
	s10 =	simm.s32 $0x5000;
	s7 =	sadd.s32 s7, s6  }
0xc: {  	s8 =	smax.u32 s8, $0x1;
	s6 =	sadd.s32 $0xA000, s5;
	s7 =	sadd.s32 $0x14C00, s7  }
.LBB2_1:
0xd: {  	[tilespmem:s2], [sflag:$0x1] =	stream.linear.gather [hbm4b:s3+s2], $0x2800, $0x38;
	[tilespmem:$0xA000] =	vst v63  }
0xe: {  	_ =	swait.ge [sflag:s9], $0x2800  }
0xf: {  	[sflag:s9] =	ssyncset.done $0x0  }
0x10: {  	[sflag:s9] =	ssyncadd.s32 $0xFFFFD800  }
0x11: {  	[tilespmem:s10], [sflag:$0x1] =	stream.linear.gather [hbm4b:s5+s2], $0x2800, $0x38;
	[tilespmem:$0xA000] =	vst v63  }
0x12: {  	_ =	swait.ge [sflag:s9], $0x2800  }
0x13: {  	[sflag:s9] =	ssyncset.done $0x0  }
0x14: {  	[sflag:s9] =	ssyncadd.s32 $0xFFFFD800  }
0x15: {  	[tilespmem:s11], [sflag:$0x1] =	stream.linear.gather [hbm4b:s6+s2], $0x2800, $0x38;
	[tilespmem:$0xA000] =	vst v63  }
0x16: {  	_ =	swait.ge [sflag:s9], $0x2800  }
0x17: {  	[sflag:s9] =	ssyncset.done $0x0  }
0x18: {  	[sflag:s9] =	ssyncadd.s32 $0xFFFFD800  }
0x19: {  	[tilespmem:s12], [sflag:$0x1] =	stream.linear.gather [hbm4b:s4+s2], $0x2800, $0x38;
	[tilespmem:$0xA000] =	vst v63  }
0x1a: {  	_ =	swait.ge [sflag:s9], $0x2800  }
0x1b: {  	[sflag:s9] =	ssyncset.done $0x0  }
0x1c: {  	s17 =	simm.s32 $0x0;
	s16 =	simm.s32 $0x40;
	[sflag:s9] =	ssyncadd.s32 $0xFFFFD800  }
.LBB2_2:
0x1d: {  	p0 =	sne.s32 s16, $0x9FC0;
	v0 =	vld [tilespmem:s17+$0x5000];
	_ =	sdelay $0x5  }
0x1e: {  	v1 =	vld [tilespmem:s17+$0x7800];
	_ =	sdelay $0x1  }
0x1f: {  	v0 =	vld.idx.msk [tilespmem:v0+s2+$0x0], $0xffff;
	_ =	sdelay $0x1  }
.Ltmp0:
0x20: {  	(pc) =	sbr.rel @p0 .LBB2_2-.Ltmp0, $2  }
0x21: {  	_ =	sdelay $0x2  }
0x22: {  	s17 =	sshra.s32 s16, $0x2;
	s16 =	sadd.s32 $0x40, s16;
	[tilespmem:v1+s12+$0x0] =	vst.idx.add.f32.msk $0xffff, v0  }
0x23: {  	v0 =	vld [tilespmem:s17+$0x5000];
	_ =	sdelay $0x4  }
0x24: {  	v1 =	vld [tilespmem:s17+$0x7800];
	_ =	sdelay $0x2  }
0x25: {  	v0 =	vld.idx.msk [tilespmem:v0+s2+$0x0], $0xffff;
	_ =	sdelay $0x2  }
0x26: {  	s15 =	sadd.s32 $0x1, s15  }
0x27: {  	p0 =	sne.s32 s15, s8  }
.Ltmp1:
0x28: {  	[tilespmem:v1+s12+$0x0] =	vst.idx.add.f32.msk $0xffff, v0;
	(pc) =	sbr.rel @p0 .LBB2_1-.Ltmp1, $4  }
0x29: {  	[hbm4b:s7+s13] =	stream.strided.scatter [tilespmem:s12], [sflag:$0x1], $0x2800, s14, s13, $0x38;
	[tilespmem:$0xA000] =	vst v63  }
0x2a: {  	_ =	swait.ge [sflag:s9], $0x2800  }
0x2b: {  	[sflag:s9] =	ssyncset.done $0x0  }
0x2c: {  	[sflag:s9] =	ssyncadd.s32 $0xFFFFD800  }
0x2d: {  	_ =	sfence.sel $0x180000  }
0x2e: {  	[bflag:$0x0] =	sbarrier.arrive $0xFFFF  }
0x2f: {  	p0 =	sne.s32 s1, $0x0;
	_ =	strace $0x90000047  }
0x30: {  	s0 =	sadd.s32 @!p0 $0x100000, s0;
	[bflag:$0x2] =	sbarrier.arrive $0xFFFF  }
0x31: {  	[sflag:s0] =	ssyncadd.tile.s32 @!p0 $0x1;
	_ =	shalt  }
.Lfunc_end2:
_tile_overlayer_lowered:
.L_overlay_start_2:
0x32: {  	(tag) =	ssettag $0x2  }
0x33: {  	s0 =	rddreg [dreg:$0x0];
	s2 =	stileid.u32  }
0x34: {  	s1 =	rddreg [dreg:$0x1];
	p0 =	sne.s32 s2, $0x0  }
0x35: {  	s3 =	rddreg [dreg:$0x2];
	[bflag:$0x3] =	sbarrier.arrive $0xFFFF;
	s2 =	simm.s32 @!p0 $0x1C01  }
0x36: {  	[timem:s3], [sflag:s2] =	dma.local @!p0 [hbm:s0], s1  }
0x37: {  	s0 =	simm.s32 @!p0 $0x1  }
0x38: {  	_ =	swait.ge @!p0 [sflag:s0], s1  }
0x39: {  	s1 =	ssub.s32 @!p0 $0x0, s1;
	[sflag:s0] =	ssyncset.done @!p0 $0x0  }
0x3a: {  	[sflag:s0] =	ssyncadd.s32 @!p0 s1  }
0x3b: {  	[bflag:$0x3] =	sbarrier.arrive $0xFFFF  }
0x3c: {  	_ =	shalt  }

// kernel: kernel.15.cloned.1.call-start
scs
__scs_entry_jumppad:
0x0: {  	(pc) =	sbr.rel $0x88, $3  }
0x1: {  	(tag) =	ssettag $0x0;
	lr =	simm.s32 $0x1  }
0x2: {  	[smem:$0x3F8D] =	sst lr;
	_ =	strace $0xD0000000  }
0x3: {  	_ = 	snop  }
0x4: {  	_ = 	snop  }
0x5: {  	_ = 	snop  }
0x6: {  	_ = 	snop  }
0x7: {  	_ = 	snop  }
__scs_overlays_trampoline_lowered:
0x8: {  	[smem:$0x3F9C] =	sst s0  }
0x9: {  	[smem:$0x3F9D] =	sst s1  }
0xa: {  	[smem:$0x3F9E] =	sst s2  }
0xb: {  	[smem:$0x3F9F] =	sst s3  }
0xc: {  	[smem:$0x3FA0] =	sst s4  }
0xd: {  	[smem:$0x3FA1] =	sst s5  }
0xe: {  	[smem:$0x3FA2] =	sst s6  }
0xf: {  	[smem:$0x3FA3] =	sst s7  }
0x10: {  	[smem:$0x3FA4] =	sst s8  }
0x11: {  	[smem:$0x3FA5] =	sst s9;
	s0 =	simm.s32 @!p0 $0x0  }
0x12: {  	s1 =	sld [smem:$0x3F8B];
	s0 =	simm.s32 @p0 $0x1  }
0x13: {  	[smem:$0x3FA6] =	sst s0;
	s0 =	simm.s32 @!p1 $0x0  }
0x14: {  	s2 =	sld [smem:$0x3F8A];
	s0 =	simm.s32 @p1 $0x1  }
0x15: {  	[smem:$0x3FA7] =	sst s0;
	s0 =	simm.s32 @!p2 $0x0  }
0x16: {  	s3 =	sld [smem:$0x3FDB];
	s0 =	simm.s32 @p2 $0x1  }
0x17: {  	s4 =	simm.s32 $0x1BF5;
	[smem:$0x3FA9] =	sst s0  }
0x18: {  	s0 =	sld [smem:$0x3F8C];
	_ =	swait.ge [sflag:s4], $0x0  }
0x19: {  	s7 =	sld [smem:$0x3F8D]  }
0x1a: {  	s8 =	sadd.s32 $0xFFFFE003, lr  }
0x1b: {  	s9 =	sadd.s32 $0xFFFFFEF7, lr;
	s5 =	simm.s32 $0xFFFFFFFF;
	p2 =	slt.u32 s8, $0xFFFFF086  }
0x1c: {  	p1 =	slt.u32 s9, $0xF7A;
	s5 =	simm.s32 @!p2 $0x0  }
0x1d: {  	s5 =	simm.s32 @p1 $0x1;
	p0 =	seq.s32 s7, s2  }
0x1e: {  	s7 =	smul.u32 @!p0 $0xF7A, s2;
	p2 =	seq.s32 @!p0 s5, $0x0  }
0x1f: {  	s9 =	smul.u32 $0xF7A, s1;
	s8 =	simm.s32 @!p0 $0x1BF5;
	p2 =	por !p2, p0  }
0x20: {  	[sflag:s8] =	ssyncset.s32 @!p0 $0xFFFFF086;
	s6 =	sadd.s32 @!p0 s3, s7;
	s7 =	simm.s32 @!p0 $0x108  }
0x21: {  	s3 =	sadd.s32 s3, s9;
	s6 =	sadd.s32 @!p0 $0x88, s6;
	s7 =	simm.s32 @p2 $0x1082  }
0x22: {  	[simem:s7], [sflag:s8] =	dma.local @!p0 [hbm:s6], $0xF7A  }
0x23: {  	s9 =	sor.u32 $0xD0000000, s2;
	s6 =	simm.s32 $0x108;
	_ =	swait.ge @!p0 [sflag:s8], $0x0  }
0x24: {  	s3 =	sadd.s32 $0x88, s3;
	s6 =	simm.s32 @!p1 $0x1082;
	[sflag:s4] =	ssyncset.s32 $0xFFFFF086  }
0x25: {  	[simem:s6], [sflag:s4] =	dma.local [hbm:s3], $0xF7A  }
0x26: {  	[smem:$0x3F8D] =	sst s1;
	(tag) =	ssettag s2;
	_ =	strace s9  }
0x27: {  	s1 =	sld [smem:$0x3F9D]  }
0x28: {  	s2 =	sld [smem:$0x3F9E]  }
0x29: {  	s4 =	sld [smem:$0x3FA0]  }
0x2a: {  	p0 =	seq.s32 s5, $0x0;
	s5 =	sld [smem:$0x3FA1]  }
0x2b: {  	s6 =	sld [smem:$0x3FA2]  }
0x2c: {  	s7 =	sld [smem:$0x3FA3]  }
0x2d: {  	s3 =	simm.s32 $0x108;
	s8 =	sld [smem:$0x3FA4]  }
0x2e: {  	s3 =	simm.s32 @!p0 $0x1082;
	s9 =	sld [smem:$0x3FA5]  }
0x2f: {  	lr =	sadd.s32 s0, s3;
	s0 =	sld [smem:$0x3F9C]  }
0x30: {  	s3 =	sld [smem:$0x3F9F]  }
0x31: {  	[smem:$0x3FA8] =	sst s10  }
0x32: {  	s10 =	sld [smem:$0x3FA6];
	_ =	sdelay $0x3  }
0x33: {  	p0 =	seq.s32 s10, $0x1;
	s10 =	sld [smem:$0x3FA8];
	_ =	sdelay $0x3  }
0x34: {  	[smem:$0x3FA8] =	sst s10  }
0x35: {  	s10 =	sld [smem:$0x3FA7];
	_ =	sdelay $0x3  }
0x36: {  	p1 =	seq.s32 s10, $0x1;
	s10 =	sld [smem:$0x3FA8];
	_ =	sdelay $0x3  }
0x37: {  	[smem:$0x3FA8] =	sst s10  }
0x38: {  	s10 =	sld [smem:$0x3FA9]  }
0x39: {  	_ = 	snop;
	(pc) =	sbr.ind lr, $3  }
0x3a: {  	_ = 	snop  }
0x3b: {  	_ = 	snop  }
0x3c: {  	p2 =	seq.s32 s10, $0x1;
	s10 =	sld [smem:$0x3FA8]  }
0x3d: {  	_ =	shalt  }
0x3e: {  	_ =	shalt  }
0x3f: {  	_ =	shalt  }
0x40: {  	_ =	shalt  }
0x41: {  	_ =	shalt  }
0x42: {  	_ =	shalt  }
0x43: {  	_ =	shalt  }
0x44: {  	_ =	shalt  }
0x45: {  	_ =	shalt  }
0x46: {  	_ =	shalt  }
0x47: {  	_ =	shalt  }
0x48: {  	_ =	shalt  }
0x49: {  	_ =	shalt  }
0x4a: {  	_ =	shalt  }
0x4b: {  	_ =	shalt  }
0x4c: {  	_ =	shalt  }
0x4d: {  	_ =	shalt  }
0x4e: {  	_ =	shalt  }
0x4f: {  	_ =	shalt  }
0x50: {  	_ =	shalt  }
0x51: {  	_ =	shalt  }
0x52: {  	_ =	shalt  }
0x53: {  	_ =	shalt  }
0x54: {  	_ =	shalt  }
0x55: {  	_ =	shalt  }
0x56: {  	_ =	shalt  }
0x57: {  	_ =	shalt  }
0x58: {  	_ =	shalt  }
0x59: {  	_ =	shalt  }
0x5a: {  	_ =	shalt  }
0x5b: {  	_ =	shalt  }
0x5c: {  	_ =	shalt  }
0x5d: {  	_ =	shalt  }
0x5e: {  	_ =	shalt  }
0x5f: {  	_ =	shalt  }
0x60: {  	_ =	shalt  }
0x61: {  	_ =	shalt  }
0x62: {  	_ =	shalt  }
0x63: {  	_ =	shalt  }
0x64: {  	_ =	shalt  }
0x65: {  	_ =	shalt  }
0x66: {  	_ =	shalt  }
0x67: {  	_ =	shalt  }
0x68: {  	_ =	shalt  }
0x69: {  	_ =	shalt  }
0x6a: {  	_ =	shalt  }
0x6b: {  	_ =	shalt  }
0x6c: {  	_ =	shalt  }
0x6d: {  	_ =	shalt  }
0x6e: {  	_ =	shalt  }
0x6f: {  	_ =	shalt  }
0x70: {  	_ =	shalt  }
0x71: {  	_ =	shalt  }
0x72: {  	_ =	shalt  }
0x73: {  	_ =	shalt  }
0x74: {  	_ =	shalt  }
0x75: {  	_ =	shalt  }
0x76: {  	_ =	shalt  }
0x77: {  	_ =	shalt  }
0x78: {  	_ =	shalt  }
0x79: {  	_ =	shalt  }
0x7a: {  	_ =	shalt  }
0x7b: {  	_ =	shalt  }
0x7c: {  	_ =	shalt  }
0x7d: {  	_ =	shalt  }
0x7e: {  	_ =	shalt  }
0x7f: {  	_ =	shalt  }
0x80: {  	_ =	shalt  }
0x81: {  	_ =	shalt  }
0x82: {  	_ =	shalt  }
0x83: {  	_ =	shalt  }
0x84: {  	_ =	shalt  }
0x85: {  	_ =	shalt  }
0x86: {  	_ =	shalt  }
0x87: {  	_ =	shalt  }
.Lfunc_end0:
.L_simem_size_0:
called_computation.1_lowered:
.L_overlay_start_0:
0x88: {  	s2 =	sld [smem:$0x3FD9]  }
0x89: {  	s3 =	sld [smem:$0x3FFE];
	_ =	sdelay $0x1  }
0x8a: {  	s1 =	srdreg.scid  }
0x8b: {  	s0 =	sand.u32 $0x1, s1  }
0x8c: {  	s16 =	sshll.u32 s0, $0xA;
	s2 =	sadd.s32 s3, s2  }
0x8d: {  	s2 =	sadd.s32 s2, s16  }
0x8e: {  	[smem:$0x3FB4] =	sst s2  }
0x8f: {  	_ = 	snop  }
0x90: {  	(tm) =	ssettm $0x1  }
0x91: {  	s17 =	sld [smem:$0x3FFB];
	_ =	sdelay $0x3  }
0x92: {  	_ =	strace s17  }
0x93: {  	s2 =	sld [smem:$0x3FFC];
	_ =	sdelay $0x3  }
0x94: {  	_ =	strace s2  }
0x95: {  	s2 =	sld [smem:$0x3FFD];
	_ =	sdelay $0x3  }
0x96: {  	_ =	strace s2  }
0x97: {  	_ =	strace $0x8FFFFFFF  }
0x98: {  	s18 =	sld [smem:$0x3FDB];
	_ =	sdelay $0x1  }
0x99: {  	s19 =	simm.s32 $_scs_section_size  }
0x9a: {  	s4 =	simm.s32 $_size__tile_overlayer_lowered;
	s5 =	simm.s32 $_tile_overlayer_lowered  }
0x9b: {  	s22 =	simm.s32 $0x1BFF;
	s21 =	sshll.u32 s5, $0x1;
	s2 =	sadd.s32 s19, s18  }
0x9c: {  	s6 =	simm.s32 $0x0;
	s20 =	sshll.u32 s4, $0x1;
	s4 =	sadd.s32 s21, s2  }
0x9d: {  	[timem:s6], [sflag:s22] =	dma.local [hbm:s4], s20  }
0x9e: {  	_ =	swait.ge [sflag:s22], s20  }
0x9f: {  	s3 =	ssub.s32 $0x0, s20;
	[sflag:s22] =	ssyncset.done $0x0  }
0xa0: {  	[sflag:s22] =	ssyncadd.s32 s3;
	_ =	sdelay $0x1  }
0xa1: {  	s23 =	simm.s32 $0x1B8B  }
0xa2: {  	_ =	swait.ge [sflag:s23], $0x1  }
0xa3: {  	[sflag:s23] =	ssyncset.done $0x0  }
0xa4: {  	s25 =	simm.s32 $0x1B8E;
	s24 =	sld [smem:$0x3FFE];
	[sflag:s23] =	ssyncadd.s32 $0xFFFFFFFF  }
0xa5: {  	s26 =	simm.s32 $execute0_lowered;
	[smem:$0x3FD2] =	sst s25  }
0xa6: {  	s4 =	sshll.u32 s26, $0x1;
	_ =	strace $0x80000049;
	[dreg:$0x1] =	wrdreg $0xFFFFFFFF  }
0xa7: {  	s28 =	simm.s32 $_size_execute0_lowered;
	s2 =	sadd.s32 s2, s4;
	[dreg:$0x0] =	wrdreg $0x0  }
0xa8: {  	s4 =	sshll.u32 s28, $0x1;
	[dreg:$0x2] =	wrdreg s2  }
0xa9: {  	[dreg:$0x3] =	wrdreg s4  }
0xaa: {  	[dreg:$0x4] =	wrdreg $0xC0  }
0xab: {  	_ =	task [dreg:s6], $0x5FFFF  }
0xac: {  	[dreg:$0x1] =	wrdreg $0xFFFFFFFF  }
0xad: {  	[dreg:$0x0] =	wrdreg $0x60  }
0xae: {  	[dreg:$0x2] =	wrdreg s24  }
0xaf: {  	[dreg:$0x3] =	wrdreg $0x82000  }
0xb0: {  	[dreg:$0x4] =	wrdreg $0x9  }
0xb1: {  	_ =	task.clear_ibuf [dreg:s6], $0x5FFFF;
	_ =	strace $0x90000049  }
0xb2: {  	s29 =	simm.s32 $0x9;
	_ =	strace $0x8000004B  }
0xb3: {  	_ =	swait.ge [sflag:s29], $0x1  }
0xb4: {  	[sflag:s29] =	ssyncadd.s32 $0xFFFFFFFF  }
0xb5: {  	_ =	strace $0x9000004B  }
0xb6: {  	_ =	sfence  }
0xb7: {  	s30 =	sld [smem:$0x0];
	_ =	sdelay $0x2  }
0xb8: {  	s31 =	sshll.u32 s1, $0xD;
	s1 =	sshrl.u32 s1, $0x2  }
0xb9: {  	s3 =	sand.u32 $0x4000, s31;
	s1 =	sadd.s32 s1, s30  }
0xba: {  	s0 =	sor.u32 s3, s0;
	s1 =	sshll.u32 s1, $0x11  }
0xbb: {  	s0 =	sor.u32 s1, s0  }
0xbc: {  	s0 =	sadd.s32 $0x8F2B, s0  }
0xbd: {  	[sflag:s0] =	ssyncadd.remote.s32 $0x1  }
0xbe: {  	_ =	sfence.sel $0xFFFF  }
0xbf: {  	[dreg:$0x0] =	wrdreg $0xFFFFFFFF;
	(pc) =	sbr.abs _section_cstart, $3  }
0xc0: {  	[dreg:$0x1] =	wrdreg $0xFFFFFFFF  }
0xc1: {  	_ =	task.clear_ibuf [dreg:s6], $0x2FFFF;
	_ =	strace $0x9FFFFFFF  }
0xc2: {  	(tm) =	ssettm $0x7FFFFFFF  }
0xc3: {  	_ =	shalt  }
tec
execute0_lowered:
.L_overlay_start_1:
0x0: {  	(tag) =	ssettag $0x1  }
0x1: {  	s16 =	rddreg [dreg:$0x0]  }
0x2: {  	s2 =	rddreg [dreg:$0x1]  }
0x3: {  	s0 =	rddreg [dreg:$0x2]  }
0x4: {  	s4 =	srdreg.scid;
	s1 =	stileid.u32  }
0x5: {  	s3 =	simm.s32 $0x0;
	s18 =	simm.s32 $0x100;
	s19 =	simm.s32 $0x80  }
0x6: {  	s20 =	simm.s32 $0x200;
	s21 =	simm.s32 $0x180;
	s22 =	simm.s32 $0x4200  }
0x7: {  	s23 =	simm.s32 $0x1;
	s24 =	simm.s32 $0x2;
	s25 =	simm.s32 $0x0  }
0x8: {  	s6 =	sand.u32 $0x1, s4;
	s5 =	smul.u32 $0x2800, s1;
	[smem:$0x7FF] =	sst s3  }
0x9: {  	s4 =	sadd.s32 $0x14C00, s16;
	s15 =	sadd.s32 $0xA000, s16;
	s9 =	smul.u32 $0x50000, s1  }
0xa: {  	s7 =	smul.u32 $0x28000, s6;
	s8 =	sshll.u32 s6, $0x4;
	s6 =	ssub.s32 $0x2, s6  }
0xb: {  	_ =	strace $0x8000004A;
	s8 =	sor.u32 s1, s8;
	s30 =	sshrl.u32 s6, $0x1  }
0xc: {  	s14 =	sshrl.u32 s9, $0x2;
	s12 =	sadd.s32 s5, s7;
	s29 =	smul.u32 $0x2800, s8  }
0xd: {  	s5 =	sadd.s32 $0x3CC00, s16;
	s13 =	ssub.s32 s6, s30;
	s11 =	sadd.s32 s12, s16  }
0xe: {  	s31 =	sor.u32 $0x180, s12;
	s17 =	sor.u32 $0x100, s12;
	s7 =	sshrl.u32 s29, $0x3  }
0xf: {  	s12 =	smax.u32 s13, $0x1;
	s11 =	sadd.s32 $0x3F400, s11;
	s10 =	sor.u32 $0x10, s7  }
0x10: {  	s17 =	sshrl.u32 s17, $0x3;
	s6 =	sadd.s32 s16, s7;
	s8 =	sadd.s32 s16, s10  }
0x11: {  	s9 =	sadd.s32 s15, s10;
	s10 =	sadd.s32 s14, s2;
	s14 =	sshrl.u32 s31, $0x3  }
0x12: {  	s7 =	sadd.s32 s15, s7;
	s13 =	sadd.s32 s14, s15;
	s14 =	sadd.s32 s14, s16  }
0x13: {  	s15 =	sadd.s32 s17, s15;
	s16 =	sadd.s32 s17, s16;
	s17 =	simm.s32 $0x3  }
.LBB2_1:
0x14: {  	[tilespmem:s3], [sflag:$0x3] =	stream.linear.gather [hbm4b:s6+s3], $0x80, $0x38;
	[tilespmem:$0x1C200] =	vst v63  }
0x15: {  	_ =	swait.ge [sflag:s17], $0x80  }
0x16: {  	[sflag:s17] =	ssyncset.done $0x0  }
0x17: {  	[sflag:s17] =	ssyncadd.s32 $0xFFFFFF80  }
0x18: {  	[tilespmem:s18], [sflag:$0x3] =	stream.linear.gather [hbm4b:s7+s3], $0x80, $0x38;
	[tilespmem:$0x1C200] =	vst v63  }
0x19: {  	_ =	swait.ge [sflag:s17], $0x80  }
0x1a: {  	[sflag:s17] =	ssyncset.done $0x0  }
0x1b: {  	[sflag:s17] =	ssyncadd.s32 $0xFFFFFF80  }
0x1c: {  	[tilespmem:s20], [sflag:$0x1] =	stream.indirect.gather [hbm4b:s4+s19], $0x80, s3, s19, $0xb8;
	[tilespmem:$0x1C200] =	vst v63  }
0x1d: {  	_ = 	snop  }
0x1e: {  	[tilespmem:s19], [sflag:$0x3] =	stream.linear.gather [hbm4b:s8+s3], $0x80, $0x38;
	[tilespmem:$0x1C200] =	vst v63  }
0x1f: {  	_ =	swait.ge [sflag:s17], $0x80  }
0x20: {  	[sflag:s17] =	ssyncset.done $0x0  }
0x21: {  	[sflag:s17] =	ssyncadd.s32 $0xFFFFFF80  }
0x22: {  	[tilespmem:s21], [sflag:$0x3] =	stream.linear.gather [hbm4b:s9+s3], $0x80, $0x38;
	[tilespmem:$0x1C200] =	vst v63  }
0x23: {  	_ =	swait.ge [sflag:s17], $0x80  }
0x24: {  	s26 =	sshll.u32 s1, $0x6;
	[sflag:s17] =	ssyncset.done $0x0  }
0x25: {  	s28 =	sshrl.u32 s10, $0x3;
	s26 =	sor.u32 $0x1C03, s26;
	[sflag:s17] =	ssyncadd.s32 $0xFFFFFF80  }
0x26: {  	[tilespmem:s22], [sflag:$0x2] =	stream.indirect.gather [hbm4b:s4+s19], $0x80, s19, s19, $0xb8;
	[tilespmem:$0x1C200] =	vst v63  }
0x27: {  	[spmem:s28], [sflag:s26] =	dma.local [hbm:s5], $0x2800  }
0x28: {  	_ =	swait.ge [sflag:s17], $0x2800  }
0x29: {  	[sflag:s17] =	ssyncset.done $0x0  }
0x2a: {  	[sflag:s17] =	ssyncadd.s32 $0xFFFFD800  }
0x2b: {  	[bflag:$0x0] =	sbarrier.arrive $0xFFFF  }
0x2c: {  	_ =	swait.ge [sflag:s23], $0x4000  }
0x2d: {  	[sflag:s23] =	ssyncset.done $0x0  }
0x2e: {  	[sflag:s23] =	ssyncadd.s32 $0xFFFFC000  }
0x2f: {  	[spmem:s2] =	stream.indirect.scatter.add.f32 [tilespmem:s20], [sflag:$0x3], $0x80, s18, s19, $0xb8;
	[tilespmem:$0x1C200] =	vst v63  }
0x30: {  	_ =	swait.ge [sflag:s17], $0x4000  }
0x31: {  	[sflag:s17] =	ssyncset.done $0x0  }
0x32: {  	s29 =	sadd.s32 $0x0, s16;
	[sflag:s17] =	ssyncadd.s32 $0xFFFFC000  }
0x33: {  	[tilespmem:s3], [sflag:$0x3] =	stream.linear.gather [hbm4b:s29+s3], $0x80, $0x38;
	[tilespmem:$0x1C200] =	vst v63  }
0x34: {  	_ =	swait.ge [sflag:s17], $0x80  }
0x35: {  	[sflag:s17] =	ssyncset.done $0x0  }
0x36: {  	s29 =	sadd.s32 $0x0, s15;
	[sflag:s17] =	ssyncadd.s32 $0xFFFFFF80  }
0x37: {  	[tilespmem:s18], [sflag:$0x3] =	stream.linear.gather [hbm4b:s29+s3], $0x80, $0x38;
	[tilespmem:$0x1C200] =	vst v63  }
0x38: {  	_ =	swait.ge [sflag:s17], $0x80  }
0x39: {  	[sflag:s17] =	ssyncset.done $0x0  }
0x3a: {  	[sflag:s17] =	ssyncadd.s32 $0xFFFFFF80  }
0x3b: {  	[tilespmem:s20], [sflag:$0x1] =	stream.indirect.gather [hbm4b:s4+s19], $0x80, s3, s19, $0xb8;
	[tilespmem:$0x1C200] =	vst v63  }
0x3c: {  	_ =	swait.ge [sflag:s24], $0x4000  }
0x3d: {  	[sflag:s24] =	ssyncset.done $0x0  }
0x3e: {  	[sflag:s24] =	ssyncadd.s32 $0xFFFFC000  }
0x3f: {  	[spmem:s2] =	stream.indirect.scatter.add.f32 [tilespmem:s22], [sflag:$0x3], $0x80, s21, s19, $0xb8;
	[tilespmem:$0x1C200] =	vst v63  }
0x40: {  	_ =	swait.ge [sflag:s17], $0x4000  }
0x41: {  	[sflag:s17] =	ssyncset.done $0x0  }
0x42: {  	s29 =	sadd.s32 $0x0, s14;
	[sflag:s17] =	ssyncadd.s32 $0xFFFFC000  }
0x43: {  	[tilespmem:s19], [sflag:$0x3] =	stream.linear.gather [hbm4b:s29+s3], $0x80, $0x38;
	[tilespmem:$0x1C200] =	vst v63  }
0x44: {  	_ =	swait.ge [sflag:s17], $0x80  }
0x45: {  	[sflag:s17] =	ssyncset.done $0x0  }
0x46: {  	s29 =	sadd.s32 $0x0, s13;
	[sflag:s17] =	ssyncadd.s32 $0xFFFFFF80  }
0x47: {  	[tilespmem:s21], [sflag:$0x3] =	stream.linear.gather [hbm4b:s29+s3], $0x80, $0x38;
	[tilespmem:$0x1C200] =	vst v63  }
0x48: {  	_ =	swait.ge [sflag:s17], $0x80  }
0x49: {  	[sflag:s17] =	ssyncset.done $0x0  }
0x4a: {  	s29 =	simm.s32 $0x20;
	[sflag:s17] =	ssyncadd.s32 $0xFFFFFF80  }
.LBB2_2:
0x4b: {  	[tilespmem:s22], [sflag:$0x2] =	stream.indirect.gather [hbm4b:s4+s19], $0x80, s19, s19, $0xb8;
	[tilespmem:$0x1C200] =	vst v63  }
0x4c: {  	s30 =	smov.u32 s29  }
0x4d: {  	p0 =	sne.s32 s29, $0x4C0;
	s29 =	sadd.s32 $0x20, s29;
	_ =	swait.ge [sflag:s23], $0x4000  }
0x4e: {  	[sflag:s23] =	ssyncset.done $0x0  }
0x4f: {  	[sflag:s23] =	ssyncadd.s32 $0xFFFFC000  }
0x50: {  	[spmem:s2] =	stream.indirect.scatter.add.f32 [tilespmem:s20], [sflag:$0x3], $0x80, s18, s19, $0xb8;
	[tilespmem:$0x1C200] =	vst v63  }
0x51: {  	_ =	swait.ge [sflag:s17], $0x4000  }
0x52: {  	[sflag:s17] =	ssyncset.done $0x0  }
0x53: {  	s31 =	sadd.s32 s30, s16;
	[sflag:s17] =	ssyncadd.s32 $0xFFFFC000  }
0x54: {  	[tilespmem:s3], [sflag:$0x3] =	stream.linear.gather [hbm4b:s31+s3], $0x80, $0x38;
	[tilespmem:$0x1C200] =	vst v63  }
0x55: {  	_ =	swait.ge [sflag:s17], $0x80  }
0x56: {  	[sflag:s17] =	ssyncset.done $0x0  }
0x57: {  	s31 =	sadd.s32 s30, s15;
	[sflag:s17] =	ssyncadd.s32 $0xFFFFFF80  }
0x58: {  	[tilespmem:s18], [sflag:$0x3] =	stream.linear.gather [hbm4b:s31+s3], $0x80, $0x38;
	[tilespmem:$0x1C200] =	vst v63  }
0x59: {  	_ =	swait.ge [sflag:s17], $0x80  }
0x5a: {  	[sflag:s17] =	ssyncset.done $0x0  }
0x5b: {  	[sflag:s17] =	ssyncadd.s32 $0xFFFFFF80  }
0x5c: {  	[tilespmem:s20], [sflag:$0x1] =	stream.indirect.gather [hbm4b:s4+s19], $0x80, s3, s19, $0xb8;
	[tilespmem:$0x1C200] =	vst v63  }
0x5d: {  	_ =	swait.ge [sflag:s24], $0x4000  }
0x5e: {  	[sflag:s24] =	ssyncset.done $0x0  }
0x5f: {  	[sflag:s24] =	ssyncadd.s32 $0xFFFFC000  }
0x60: {  	[spmem:s2] =	stream.indirect.scatter.add.f32 [tilespmem:s22], [sflag:$0x3], $0x80, s21, s19, $0xb8;
	[tilespmem:$0x1C200] =	vst v63  }
0x61: {  	_ =	swait.ge [sflag:s17], $0x4000  }
0x62: {  	[sflag:s17] =	ssyncset.done $0x0  }
0x63: {  	s31 =	sadd.s32 s30, s14;
	[sflag:s17] =	ssyncadd.s32 $0xFFFFC000  }
0x64: {  	[tilespmem:s19], [sflag:$0x3] =	stream.linear.gather [hbm4b:s31+s3], $0x80, $0x38;
	[tilespmem:$0x1C200] =	vst v63  }
0x65: {  	_ =	swait.ge [sflag:s17], $0x80  }
0x66: {  	[sflag:s17] =	ssyncset.done $0x0  }
.Ltmp0:
0x67: {  	s30 =	sadd.s32 s30, s13;
	[sflag:s17] =	ssyncadd.s32 $0xFFFFFF80;
	(pc) =	sbr.rel @p0 .LBB2_2-.Ltmp0, $4  }
0x68: {  	[tilespmem:s21], [sflag:$0x3] =	stream.linear.gather [hbm4b:s30+s3], $0x80, $0x38;
	[tilespmem:$0x1C200] =	vst v63  }
0x69: {  	_ =	swait.ge [sflag:s17], $0x80  }
0x6a: {  	[sflag:s17] =	ssyncset.done $0x0  }
0x6b: {  	[sflag:s17] =	ssyncadd.s32 $0xFFFFFF80  }
0x6c: {  	[tilespmem:s22], [sflag:$0x2] =	stream.indirect.gather [hbm4b:s4+s19], $0x80, s19, s19, $0xb8;
	[tilespmem:$0x1C200] =	vst v63  }
0x6d: {  	_ =	swait.ge [sflag:s23], $0x4000  }
0x6e: {  	[sflag:s23] =	ssyncset.done $0x0  }
0x6f: {  	[sflag:s23] =	ssyncadd.s32 $0xFFFFC000  }
0x70: {  	[spmem:s2] =	stream.indirect.scatter.add.f32 [tilespmem:s20], [sflag:$0x3], $0x80, s18, s19, $0xb8;
	[tilespmem:$0x1C200] =	vst v63  }
0x71: {  	_ =	swait.ge [sflag:s17], $0x4000  }
0x72: {  	[sflag:s17] =	ssyncset.done $0x0  }
0x73: {  	[sflag:s17] =	ssyncadd.s32 $0xFFFFC000  }
0x74: {  	_ =	swait.ge [sflag:s24], $0x4000  }
0x75: {  	[sflag:s24] =	ssyncset.done $0x0  }
0x76: {  	[sflag:s24] =	ssyncadd.s32 $0xFFFFC000  }
0x77: {  	[spmem:s2] =	stream.indirect.scatter.add.f32 [tilespmem:s22], [sflag:$0x3], $0x80, s21, s19, $0xb8;
	[tilespmem:$0x1C200] =	vst v63  }
0x78: {  	_ =	swait.ge [sflag:s17], $0x4000  }
0x79: {  	s25 =	sadd.s32 $0x1, s25;
	[sflag:s17] =	ssyncset.done $0x0  }
0x7a: {  	p0 =	sne.s32 s25, s12;
	[sflag:s17] =	ssyncadd.s32 $0xFFFFC000  }
.Ltmp1:
0x7b: {  	[bflag:$0x0] =	sbarrier.arrive $0xFFFF;
	(pc) =	sbr.rel @p0 .LBB2_1-.Ltmp1, $4  }
0x7c: {  	[hbm:s11], [sflag:s26] =	dma.local [spmem:s28], $0x2800  }
0x7d: {  	_ =	swait.ge [sflag:s17], $0x2800  }
0x7e: {  	[sflag:s17] =	ssyncset.done $0x0  }
0x7f: {  	[sflag:s17] =	ssyncadd.s32 $0xFFFFD800  }
0x80: {  	_ =	sfence.sel $0x180000  }
0x81: {  	[bflag:$0x0] =	sbarrier.arrive $0xFFFF  }
0x82: {  	p0 =	sne.s32 s1, $0x0;
	_ =	strace $0x9000004A  }
0x83: {  	s0 =	sadd.s32 @!p0 $0x100000, s0;
	[bflag:$0x2] =	sbarrier.arrive $0xFFFF  }
0x84: {  	[sflag:s0] =	ssyncadd.tile.s32 @!p0 $0x1;
	_ =	shalt  }
.Lfunc_end2:
_tile_overlayer_lowered:
.L_overlay_start_2:
0x85: {  	(tag) =	ssettag $0x2  }
0x86: {  	s0 =	rddreg [dreg:$0x0];
	s2 =	stileid.u32  }
0x87: {  	s1 =	rddreg [dreg:$0x1];
	p0 =	sne.s32 s2, $0x0  }
0x88: {  	s3 =	rddreg [dreg:$0x2];
	[bflag:$0x3] =	sbarrier.arrive $0xFFFF;
	s2 =	simm.s32 @!p0 $0x1C03  }
0x89: {  	[timem:s3], [sflag:s2] =	dma.local @!p0 [hbm:s0], s1  }
0x8a: {  	s0 =	simm.s32 @!p0 $0x3  }
0x8b: {  	_ =	swait.ge @!p0 [sflag:s0], s1  }
0x8c: {  	s1 =	ssub.s32 @!p0 $0x0, s1;
	[sflag:s0] =	ssyncset.done @!p0 $0x0  }
0x8d: {  	[sflag:s0] =	ssyncadd.s32 @!p0 s1  }
0x8e: {  	[bflag:$0x3] =	sbarrier.arrive $0xFFFF  }
0x8f: {  	_ =	shalt  }

// kernel: kernel.18.cloned.1.call-start
scs
__scs_entry_jumppad:
0x0: {  	(pc) =	sbr.rel $0x88, $3  }
0x1: {  	(tag) =	ssettag $0x0;
	lr =	simm.s32 $0x1  }
0x2: {  	[smem:$0x3F8D] =	sst lr;
	_ =	strace $0xD0000000  }
0x3: {  	_ = 	snop  }
0x4: {  	_ = 	snop  }
0x5: {  	_ = 	snop  }
0x6: {  	_ = 	snop  }
0x7: {  	_ = 	snop  }
__scs_overlays_trampoline_lowered:
0x8: {  	[smem:$0x3F9C] =	sst s0  }
0x9: {  	[smem:$0x3F9D] =	sst s1  }
0xa: {  	[smem:$0x3F9E] =	sst s2  }
0xb: {  	[smem:$0x3F9F] =	sst s3  }
0xc: {  	[smem:$0x3FA0] =	sst s4  }
0xd: {  	[smem:$0x3FA1] =	sst s5  }
0xe: {  	[smem:$0x3FA2] =	sst s6  }
0xf: {  	[smem:$0x3FA3] =	sst s7  }
0x10: {  	[smem:$0x3FA4] =	sst s8  }
0x11: {  	[smem:$0x3FA5] =	sst s9;
	s0 =	simm.s32 @!p0 $0x0  }
0x12: {  	s1 =	sld [smem:$0x3F8B];
	s0 =	simm.s32 @p0 $0x1  }
0x13: {  	[smem:$0x3FA6] =	sst s0;
	s0 =	simm.s32 @!p1 $0x0  }
0x14: {  	s2 =	sld [smem:$0x3F8A];
	s0 =	simm.s32 @p1 $0x1  }
0x15: {  	[smem:$0x3FA7] =	sst s0;
	s0 =	simm.s32 @!p2 $0x0  }
0x16: {  	s3 =	sld [smem:$0x3FDB];
	s0 =	simm.s32 @p2 $0x1  }
0x17: {  	s4 =	simm.s32 $0x1BF5;
	[smem:$0x3FA9] =	sst s0  }
0x18: {  	s0 =	sld [smem:$0x3F8C];
	_ =	swait.ge [sflag:s4], $0x0  }
0x19: {  	s7 =	sld [smem:$0x3F8D]  }
0x1a: {  	s8 =	sadd.s32 $0xFFFFE003, lr  }
0x1b: {  	s9 =	sadd.s32 $0xFFFFFEF7, lr;
	s5 =	simm.s32 $0xFFFFFFFF;
	p2 =	slt.u32 s8, $0xFFFFF086  }
0x1c: {  	p1 =	slt.u32 s9, $0xF7A;
	s5 =	simm.s32 @!p2 $0x0  }
0x1d: {  	s5 =	simm.s32 @p1 $0x1;
	p0 =	seq.s32 s7, s2  }
0x1e: {  	s7 =	smul.u32 @!p0 $0xF7A, s2;
	p2 =	seq.s32 @!p0 s5, $0x0  }
0x1f: {  	s9 =	smul.u32 $0xF7A, s1;
	s8 =	simm.s32 @!p0 $0x1BF5;
	p2 =	por !p2, p0  }
0x20: {  	[sflag:s8] =	ssyncset.s32 @!p0 $0xFFFFF086;
	s6 =	sadd.s32 @!p0 s3, s7;
	s7 =	simm.s32 @!p0 $0x108  }
0x21: {  	s3 =	sadd.s32 s3, s9;
	s6 =	sadd.s32 @!p0 $0x88, s6;
	s7 =	simm.s32 @p2 $0x1082  }
0x22: {  	[simem:s7], [sflag:s8] =	dma.local @!p0 [hbm:s6], $0xF7A  }
0x23: {  	s9 =	sor.u32 $0xD0000000, s2;
	s6 =	simm.s32 $0x108;
	_ =	swait.ge @!p0 [sflag:s8], $0x0  }
0x24: {  	s3 =	sadd.s32 $0x88, s3;
	s6 =	simm.s32 @!p1 $0x1082;
	[sflag:s4] =	ssyncset.s32 $0xFFFFF086  }
0x25: {  	[simem:s6], [sflag:s4] =	dma.local [hbm:s3], $0xF7A  }
0x26: {  	[smem:$0x3F8D] =	sst s1;
	(tag) =	ssettag s2;
	_ =	strace s9  }
0x27: {  	s1 =	sld [smem:$0x3F9D]  }
0x28: {  	s2 =	sld [smem:$0x3F9E]  }
0x29: {  	s4 =	sld [smem:$0x3FA0]  }
0x2a: {  	p0 =	seq.s32 s5, $0x0;
	s5 =	sld [smem:$0x3FA1]  }
0x2b: {  	s6 =	sld [smem:$0x3FA2]  }
0x2c: {  	s7 =	sld [smem:$0x3FA3]  }
0x2d: {  	s3 =	simm.s32 $0x108;
	s8 =	sld [smem:$0x3FA4]  }
0x2e: {  	s3 =	simm.s32 @!p0 $0x1082;
	s9 =	sld [smem:$0x3FA5]  }
0x2f: {  	lr =	sadd.s32 s0, s3;
	s0 =	sld [smem:$0x3F9C]  }
0x30: {  	s3 =	sld [smem:$0x3F9F]  }
0x31: {  	[smem:$0x3FA8] =	sst s10  }
0x32: {  	s10 =	sld [smem:$0x3FA6];
	_ =	sdelay $0x3  }
0x33: {  	p0 =	seq.s32 s10, $0x1;
	s10 =	sld [smem:$0x3FA8];
	_ =	sdelay $0x3  }
0x34: {  	[smem:$0x3FA8] =	sst s10  }
0x35: {  	s10 =	sld [smem:$0x3FA7];
	_ =	sdelay $0x3  }
0x36: {  	p1 =	seq.s32 s10, $0x1;
	s10 =	sld [smem:$0x3FA8];
	_ =	sdelay $0x3  }
0x37: {  	[smem:$0x3FA8] =	sst s10  }
0x38: {  	s10 =	sld [smem:$0x3FA9]  }
0x39: {  	_ = 	snop;
	(pc) =	sbr.ind lr, $3  }
0x3a: {  	_ = 	snop  }
0x3b: {  	_ = 	snop  }
0x3c: {  	p2 =	seq.s32 s10, $0x1;
	s10 =	sld [smem:$0x3FA8]  }
0x3d: {  	_ =	shalt  }
0x3e: {  	_ =	shalt  }
0x3f: {  	_ =	shalt  }
0x40: {  	_ =	shalt  }
0x41: {  	_ =	shalt  }
0x42: {  	_ =	shalt  }
0x43: {  	_ =	shalt  }
0x44: {  	_ =	shalt  }
0x45: {  	_ =	shalt  }
0x46: {  	_ =	shalt  }
0x47: {  	_ =	shalt  }
0x48: {  	_ =	shalt  }
0x49: {  	_ =	shalt  }
0x4a: {  	_ =	shalt  }
0x4b: {  	_ =	shalt  }
0x4c: {  	_ =	shalt  }
0x4d: {  	_ =	shalt  }
0x4e: {  	_ =	shalt  }
0x4f: {  	_ =	shalt  }
0x50: {  	_ =	shalt  }
0x51: {  	_ =	shalt  }
0x52: {  	_ =	shalt  }
0x53: {  	_ =	shalt  }
0x54: {  	_ =	shalt  }
0x55: {  	_ =	shalt  }
0x56: {  	_ =	shalt  }
0x57: {  	_ =	shalt  }
0x58: {  	_ =	shalt  }
0x59: {  	_ =	shalt  }
0x5a: {  	_ =	shalt  }
0x5b: {  	_ =	shalt  }
0x5c: {  	_ =	shalt  }
0x5d: {  	_ =	shalt  }
0x5e: {  	_ =	shalt  }
0x5f: {  	_ =	shalt  }
0x60: {  	_ =	shalt  }
0x61: {  	_ =	shalt  }
0x62: {  	_ =	shalt  }
0x63: {  	_ =	shalt  }
0x64: {  	_ =	shalt  }
0x65: {  	_ =	shalt  }
0x66: {  	_ =	shalt  }
0x67: {  	_ =	shalt  }
0x68: {  	_ =	shalt  }
0x69: {  	_ =	shalt  }
0x6a: {  	_ =	shalt  }
0x6b: {  	_ =	shalt  }
0x6c: {  	_ =	shalt  }
0x6d: {  	_ =	shalt  }
0x6e: {  	_ =	shalt  }
0x6f: {  	_ =	shalt  }
0x70: {  	_ =	shalt  }
0x71: {  	_ =	shalt  }
0x72: {  	_ =	shalt  }
0x73: {  	_ =	shalt  }
0x74: {  	_ =	shalt  }
0x75: {  	_ =	shalt  }
0x76: {  	_ =	shalt  }
0x77: {  	_ =	shalt  }
0x78: {  	_ =	shalt  }
0x79: {  	_ =	shalt  }
0x7a: {  	_ =	shalt  }
0x7b: {  	_ =	shalt  }
0x7c: {  	_ =	shalt  }
0x7d: {  	_ =	shalt  }
0x7e: {  	_ =	shalt  }
0x7f: {  	_ =	shalt  }
0x80: {  	_ =	shalt  }
0x81: {  	_ =	shalt  }
0x82: {  	_ =	shalt  }
0x83: {  	_ =	shalt  }
0x84: {  	_ =	shalt  }
0x85: {  	_ =	shalt  }
0x86: {  	_ =	shalt  }
0x87: {  	_ =	shalt  }
.Lfunc_end0:
.L_simem_size_0:
called_computation.2_lowered:
.L_overlay_start_0:
0x88: {  	s2 =	sld [smem:$0x3FD9]  }
0x89: {  	s3 =	sld [smem:$0x3FFE];
	_ =	sdelay $0x1  }
0x8a: {  	s1 =	srdreg.scid  }
0x8b: {  	s0 =	sand.u32 $0x1, s1  }
0x8c: {  	s16 =	sshll.u32 s0, $0xA;
	s2 =	sadd.s32 s3, s2  }
0x8d: {  	s2 =	sadd.s32 s2, s16  }
0x8e: {  	[smem:$0x3FB4] =	sst s2  }
0x8f: {  	_ = 	snop  }
0x90: {  	(tm) =	ssettm $0x1  }
0x91: {  	s17 =	sld [smem:$0x3FFB];
	_ =	sdelay $0x3  }
0x92: {  	_ =	strace s17  }
0x93: {  	s2 =	sld [smem:$0x3FFC];
	_ =	sdelay $0x3  }
0x94: {  	_ =	strace s2  }
0x95: {  	s2 =	sld [smem:$0x3FFD];
	_ =	sdelay $0x3  }
0x96: {  	_ =	strace s2  }
0x97: {  	_ =	strace $0x8FFFFFFF  }
0x98: {  	s18 =	sld [smem:$0x3FDB];
	_ =	sdelay $0x1  }
0x99: {  	s19 =	simm.s32 $_scs_section_size  }
0x9a: {  	s4 =	simm.s32 $_size__tile_overlayer_lowered;
	s5 =	simm.s32 $_tile_overlayer_lowered  }
0x9b: {  	s22 =	simm.s32 $0x1BFF;
	s21 =	sshll.u32 s5, $0x1;
	s2 =	sadd.s32 s19, s18  }
0x9c: {  	s6 =	simm.s32 $0x0;
	s20 =	sshll.u32 s4, $0x1;
	s4 =	sadd.s32 s21, s2  }
0x9d: {  	[timem:s6], [sflag:s22] =	dma.local [hbm:s4], s20  }
0x9e: {  	_ =	swait.ge [sflag:s22], s20  }
0x9f: {  	s3 =	ssub.s32 $0x0, s20;
	[sflag:s22] =	ssyncset.done $0x0  }
0xa0: {  	[sflag:s22] =	ssyncadd.s32 s3;
	_ =	sdelay $0x1  }
0xa1: {  	s23 =	simm.s32 $0x1B8B  }
0xa2: {  	_ =	swait.ge [sflag:s23], $0x1  }
0xa3: {  	[sflag:s23] =	ssyncset.done $0x0  }
0xa4: {  	s25 =	simm.s32 $0x1B8E;
	s24 =	sld [smem:$0x3FFE];
	[sflag:s23] =	ssyncadd.s32 $0xFFFFFFFF  }
0xa5: {  	s26 =	simm.s32 $execute0_lowered;
	[smem:$0x3FD2] =	sst s25  }
0xa6: {  	s4 =	sshll.u32 s26, $0x1;
	_ =	strace $0x8000004C;
	[dreg:$0x1] =	wrdreg $0xFFFFFFFF  }
0xa7: {  	s28 =	simm.s32 $_size_execute0_lowered;
	s2 =	sadd.s32 s2, s4;
	[dreg:$0x0] =	wrdreg $0x0  }
0xa8: {  	s4 =	sshll.u32 s28, $0x1;
	[dreg:$0x2] =	wrdreg s2  }
0xa9: {  	[dreg:$0x3] =	wrdreg s4  }
0xaa: {  	[dreg:$0x4] =	wrdreg $0xC0  }
0xab: {  	_ =	task [dreg:s6], $0x5FFFF  }
0xac: {  	[dreg:$0x1] =	wrdreg $0xFFFFFFFF  }
0xad: {  	[dreg:$0x0] =	wrdreg $0x60  }
0xae: {  	[dreg:$0x2] =	wrdreg s24  }
0xaf: {  	[dreg:$0x3] =	wrdreg $0x9  }
0xb0: {  	_ =	task.clear_ibuf [dreg:s6], $0x4FFFF;
	_ =	strace $0x9000004C  }
0xb1: {  	s29 =	simm.s32 $0x9;
	_ =	strace $0x8000004E  }
0xb2: {  	_ =	swait.ge [sflag:s29], $0x1  }
0xb3: {  	[sflag:s29] =	ssyncadd.s32 $0xFFFFFFFF  }
0xb4: {  	_ =	strace $0x9000004E  }
0xb5: {  	_ =	sfence  }
0xb6: {  	s30 =	sld [smem:$0x0];
	_ =	sdelay $0x2  }
0xb7: {  	s31 =	sshll.u32 s1, $0xD;
	s1 =	sshrl.u32 s1, $0x2  }
0xb8: {  	s3 =	sand.u32 $0x4000, s31;
	s1 =	sadd.s32 s1, s30  }
0xb9: {  	s0 =	sor.u32 s3, s0;
	s1 =	sshll.u32 s1, $0x11  }
0xba: {  	s0 =	sor.u32 s1, s0  }
0xbb: {  	s0 =	sadd.s32 $0x8F2B, s0  }
0xbc: {  	[sflag:s0] =	ssyncadd.remote.s32 $0x1  }
0xbd: {  	_ =	sfence.sel $0xFFFF  }
0xbe: {  	[dreg:$0x0] =	wrdreg $0xFFFFFFFF;
	(pc) =	sbr.abs _section_cstart, $3  }
0xbf: {  	[dreg:$0x1] =	wrdreg $0xFFFFFFFF  }
0xc0: {  	_ =	task.clear_ibuf [dreg:s6], $0x2FFFF;
	_ =	strace $0x9FFFFFFF  }
0xc1: {  	(tm) =	ssettm $0x7FFFFFFF  }
tec
execute0_lowered:
.L_overlay_start_1:
0x0: {  	(tag) =	ssettag $0x1  }
0x1: {  	s0 =	srdreg.scid  }
0x2: {  	s6 =	rddreg [dreg:$0x0];
	s1 =	stileid.u32;
	s2 =	simm.s32 $0x0  }
0x3: {  	s11 =	simm.s32 $0x7800;
	s12 =	simm.s32 $0x2800;
	s5 =	sand.u32 $0x1, s0  }
0x4: {  	s13 =	simm.s32 $0x80;
	s14 =	simm.s32 $0x400;
	s3 =	sshll.u32 s5, $0x4  }
0x5: {  	s15 =	simm.s32 $0x0;
	s0 =	rddreg [dreg:$0x1];
	s4 =	sor.u32 s1, s3  }
0x6: {  	[smem:$0x7FF] =	sst s2;
	s8 =	sshll.u32 s1, $0x7;
	s3 =	sshrl.u32 s4, $0x3  }
0x7: {  	_ =	strace $0x8000004D;
	s31 =	ssub.s32 $0x2, s5;
	s7 =	smul.u32 $0x14000, s3  }
0x8: {  	s8 =	sand.u32 $0x380, s8;
	s10 =	sshrl.u32 s31, $0x1;
	s9 =	smul.u32 $0x500, s4  }
0x9: {  	s4 =	sadd.s32 $0x14600, s6;
	s3 =	sadd.s32 $0x14000, s6;
	s7 =	sor.u32 s8, s7  }
0xa: {  	s5 =	sadd.s32 s6, s9;
	s9 =	simm.s32 $0x1;
	s7 =	sshrl.u32 s7, $0x3  }
0xb: {  	s8 =	ssub.s32 s31, s10;
	s10 =	simm.s32 $0x5000;
	s7 =	sadd.s32 s7, s6  }
0xc: {  	s8 =	smax.u32 s8, $0x1;
	s6 =	sadd.s32 $0xA000, s5;
	s7 =	sadd.s32 $0x14C00, s7  }
.LBB2_1:
0xd: {  	[tilespmem:s2], [sflag:$0x1] =	stream.linear.gather [hbm4b:s3+s2], $0x2800, $0x38;
	[tilespmem:$0xA000] =	vst v63  }
0xe: {  	_ =	swait.ge [sflag:s9], $0x2800  }
0xf: {  	[sflag:s9] =	ssyncset.done $0x0  }
0x10: {  	[sflag:s9] =	ssyncadd.s32 $0xFFFFD800  }
0x11: {  	[tilespmem:s10], [sflag:$0x1] =	stream.linear.gather [hbm4b:s5+s2], $0x2800, $0x38;
	[tilespmem:$0xA000] =	vst v63  }
0x12: {  	_ =	swait.ge [sflag:s9], $0x2800  }
0x13: {  	[sflag:s9] =	ssyncset.done $0x0  }
0x14: {  	[sflag:s9] =	ssyncadd.s32 $0xFFFFD800  }
0x15: {  	[tilespmem:s11], [sflag:$0x1] =	stream.linear.gather [hbm4b:s6+s2], $0x2800, $0x38;
	[tilespmem:$0xA000] =	vst v63  }
0x16: {  	_ =	swait.ge [sflag:s9], $0x2800  }
0x17: {  	[sflag:s9] =	ssyncset.done $0x0  }
0x18: {  	[sflag:s9] =	ssyncadd.s32 $0xFFFFD800  }
0x19: {  	[tilespmem:s12], [sflag:$0x1] =	stream.linear.gather [hbm4b:s4+s2], $0x2800, $0x38;
	[tilespmem:$0xA000] =	vst v63  }
0x1a: {  	_ =	swait.ge [sflag:s9], $0x2800  }
0x1b: {  	[sflag:s9] =	ssyncset.done $0x0  }
0x1c: {  	s17 =	simm.s32 $0x0;
	s16 =	simm.s32 $0x40;
	[sflag:s9] =	ssyncadd.s32 $0xFFFFD800  }
.LBB2_2:
0x1d: {  	p0 =	sne.s32 s16, $0x9FC0;
	v0 =	vld [tilespmem:s17+$0x5000];
	_ =	sdelay $0x5  }
0x1e: {  	v1 =	vld [tilespmem:s17+$0x7800];
	_ =	sdelay $0x1  }
0x1f: {  	v0 =	vld.idx.msk [tilespmem:v0+s2+$0x0], $0xffff;
	_ =	sdelay $0x1  }
.Ltmp0:
0x20: {  	(pc) =	sbr.rel @p0 .LBB2_2-.Ltmp0, $2  }
0x21: {  	_ =	sdelay $0x2  }
0x22: {  	s17 =	sshra.s32 s16, $0x2;
	s16 =	sadd.s32 $0x40, s16;
	[tilespmem:v1+s12+$0x0] =	vst.idx.add.f32.msk $0xffff, v0  }
0x23: {  	v0 =	vld [tilespmem:s17+$0x5000];
	_ =	sdelay $0x4  }
0x24: {  	v1 =	vld [tilespmem:s17+$0x7800];
	_ =	sdelay $0x2  }
0x25: {  	v0 =	vld.idx.msk [tilespmem:v0+s2+$0x0], $0xffff;
	_ =	sdelay $0x2  }
0x26: {  	s15 =	sadd.s32 $0x1, s15  }
0x27: {  	p0 =	sne.s32 s15, s8  }
.Ltmp1:
0x28: {  	[tilespmem:v1+s12+$0x0] =	vst.idx.add.f32.msk $0xffff, v0;
	(pc) =	sbr.rel @p0 .LBB2_1-.Ltmp1, $4  }
0x29: {  	[hbm4b:s7+s13] =	stream.strided.scatter [tilespmem:s12], [sflag:$0x1], $0x2800, s14, s13, $0x38;
	[tilespmem:$0xA000] =	vst v63  }
0x2a: {  	_ =	swait.ge [sflag:s9], $0x2800  }
0x2b: {  	[sflag:s9] =	ssyncset.done $0x0  }
0x2c: {  	[sflag:s9] =	ssyncadd.s32 $0xFFFFD800  }
0x2d: {  	_ =	sfence.sel $0x180000  }
0x2e: {  	[bflag:$0x0] =	sbarrier.arrive $0xFFFF  }
0x2f: {  	p0 =	sne.s32 s1, $0x0;
	_ =	strace $0x9000004D  }
0x30: {  	s0 =	sadd.s32 @!p0 $0x100000, s0;
	[bflag:$0x2] =	sbarrier.arrive $0xFFFF  }
0x31: {  	[sflag:s0] =	ssyncadd.tile.s32 @!p0 $0x1;
	_ =	shalt  }
.Lfunc_end2:
_tile_overlayer_lowered:
.L_overlay_start_2:
0x32: {  	(tag) =	ssettag $0x2  }
0x33: {  	s0 =	rddreg [dreg:$0x0];
	s2 =	stileid.u32  }
0x34: {  	s1 =	rddreg [dreg:$0x1];
	p0 =	sne.s32 s2, $0x0  }
0x35: {  	s3 =	rddreg [dreg:$0x2];
	[bflag:$0x3] =	sbarrier.arrive $0xFFFF;
	s2 =	simm.s32 @!p0 $0x1C01  }
0x36: {  	[timem:s3], [sflag:s2] =	dma.local @!p0 [hbm:s0], s1  }
0x37: {  	s0 =	simm.s32 @!p0 $0x1  }
0x38: {  	_ =	swait.ge @!p0 [sflag:s0], s1  }
0x39: {  	s1 =	ssub.s32 @!p0 $0x0, s1;
	[sflag:s0] =	ssyncset.done @!p0 $0x0  }
0x3a: {  	[sflag:s0] =	ssyncadd.s32 @!p0 s1  }
0x3b: {  	[bflag:$0x3] =	sbarrier.arrive $0xFFFF  }
0x3c: {  	_ =	shalt  }

// kernel: kernel.21.cloned.1.call-start
scs
__scs_entry_jumppad:
0x0: {  	(pc) =	sbr.rel $0x88, $3  }
0x1: {  	(tag) =	ssettag $0x0;
	lr =	simm.s32 $0x1  }
0x2: {  	[smem:$0x3F8D] =	sst lr;
	_ =	strace $0xD0000000  }
0x3: {  	_ = 	snop  }
0x4: {  	_ = 	snop  }
0x5: {  	_ = 	snop  }
0x6: {  	_ = 	snop  }
0x7: {  	_ = 	snop  }
__scs_overlays_trampoline_lowered:
0x8: {  	[smem:$0x3F9C] =	sst s0  }
0x9: {  	[smem:$0x3F9D] =	sst s1  }
0xa: {  	[smem:$0x3F9E] =	sst s2  }
0xb: {  	[smem:$0x3F9F] =	sst s3  }
0xc: {  	[smem:$0x3FA0] =	sst s4  }
0xd: {  	[smem:$0x3FA1] =	sst s5  }
0xe: {  	[smem:$0x3FA2] =	sst s6  }
0xf: {  	[smem:$0x3FA3] =	sst s7  }
0x10: {  	[smem:$0x3FA4] =	sst s8  }
0x11: {  	[smem:$0x3FA5] =	sst s9;
	s0 =	simm.s32 @!p0 $0x0  }
0x12: {  	s1 =	sld [smem:$0x3F8B];
	s0 =	simm.s32 @p0 $0x1  }
0x13: {  	[smem:$0x3FA6] =	sst s0;
	s0 =	simm.s32 @!p1 $0x0  }
0x14: {  	s2 =	sld [smem:$0x3F8A];
	s0 =	simm.s32 @p1 $0x1  }
0x15: {  	[smem:$0x3FA7] =	sst s0;
	s0 =	simm.s32 @!p2 $0x0  }
0x16: {  	s3 =	sld [smem:$0x3FDB];
	s0 =	simm.s32 @p2 $0x1  }
0x17: {  	s4 =	simm.s32 $0x1BF5;
	[smem:$0x3FA9] =	sst s0  }
0x18: {  	s0 =	sld [smem:$0x3F8C];
	_ =	swait.ge [sflag:s4], $0x0  }
0x19: {  	s7 =	sld [smem:$0x3F8D]  }
0x1a: {  	s8 =	sadd.s32 $0xFFFFE003, lr  }
0x1b: {  	s9 =	sadd.s32 $0xFFFFFEF7, lr;
	s5 =	simm.s32 $0xFFFFFFFF;
	p2 =	slt.u32 s8, $0xFFFFF086  }
0x1c: {  	p1 =	slt.u32 s9, $0xF7A;
	s5 =	simm.s32 @!p2 $0x0  }
0x1d: {  	s5 =	simm.s32 @p1 $0x1;
	p0 =	seq.s32 s7, s2  }
0x1e: {  	s7 =	smul.u32 @!p0 $0xF7A, s2;
	p2 =	seq.s32 @!p0 s5, $0x0  }
0x1f: {  	s9 =	smul.u32 $0xF7A, s1;
	s8 =	simm.s32 @!p0 $0x1BF5;
	p2 =	por !p2, p0  }
0x20: {  	[sflag:s8] =	ssyncset.s32 @!p0 $0xFFFFF086;
	s6 =	sadd.s32 @!p0 s3, s7;
	s7 =	simm.s32 @!p0 $0x108  }
0x21: {  	s3 =	sadd.s32 s3, s9;
	s6 =	sadd.s32 @!p0 $0x88, s6;
	s7 =	simm.s32 @p2 $0x1082  }
0x22: {  	[simem:s7], [sflag:s8] =	dma.local @!p0 [hbm:s6], $0xF7A  }
0x23: {  	s9 =	sor.u32 $0xD0000000, s2;
	s6 =	simm.s32 $0x108;
	_ =	swait.ge @!p0 [sflag:s8], $0x0  }
0x24: {  	s3 =	sadd.s32 $0x88, s3;
	s6 =	simm.s32 @!p1 $0x1082;
	[sflag:s4] =	ssyncset.s32 $0xFFFFF086  }
0x25: {  	[simem:s6], [sflag:s4] =	dma.local [hbm:s3], $0xF7A  }
0x26: {  	[smem:$0x3F8D] =	sst s1;
	(tag) =	ssettag s2;
	_ =	strace s9  }
0x27: {  	s1 =	sld [smem:$0x3F9D]  }
0x28: {  	s2 =	sld [smem:$0x3F9E]  }
0x29: {  	s4 =	sld [smem:$0x3FA0]  }
0x2a: {  	p0 =	seq.s32 s5, $0x0;
	s5 =	sld [smem:$0x3FA1]  }
0x2b: {  	s6 =	sld [smem:$0x3FA2]  }
0x2c: {  	s7 =	sld [smem:$0x3FA3]  }
0x2d: {  	s3 =	simm.s32 $0x108;
	s8 =	sld [smem:$0x3FA4]  }
0x2e: {  	s3 =	simm.s32 @!p0 $0x1082;
	s9 =	sld [smem:$0x3FA5]  }
0x2f: {  	lr =	sadd.s32 s0, s3;
	s0 =	sld [smem:$0x3F9C]  }
0x30: {  	s3 =	sld [smem:$0x3F9F]  }
0x31: {  	[smem:$0x3FA8] =	sst s10  }
0x32: {  	s10 =	sld [smem:$0x3FA6];
	_ =	sdelay $0x3  }
0x33: {  	p0 =	seq.s32 s10, $0x1;
	s10 =	sld [smem:$0x3FA8];
	_ =	sdelay $0x3  }
0x34: {  	[smem:$0x3FA8] =	sst s10  }
0x35: {  	s10 =	sld [smem:$0x3FA7];
	_ =	sdelay $0x3  }
0x36: {  	p1 =	seq.s32 s10, $0x1;
	s10 =	sld [smem:$0x3FA8];
	_ =	sdelay $0x3  }
0x37: {  	[smem:$0x3FA8] =	sst s10  }
0x38: {  	s10 =	sld [smem:$0x3FA9]  }
0x39: {  	_ = 	snop;
	(pc) =	sbr.ind lr, $3  }
0x3a: {  	_ = 	snop  }
0x3b: {  	_ = 	snop  }
0x3c: {  	p2 =	seq.s32 s10, $0x1;
	s10 =	sld [smem:$0x3FA8]  }
0x3d: {  	_ =	shalt  }
0x3e: {  	_ =	shalt  }
0x3f: {  	_ =	shalt  }
0x40: {  	_ =	shalt  }
0x41: {  	_ =	shalt  }
0x42: {  	_ =	shalt  }
0x43: {  	_ =	shalt  }
0x44: {  	_ =	shalt  }
0x45: {  	_ =	shalt  }
0x46: {  	_ =	shalt  }
0x47: {  	_ =	shalt  }
0x48: {  	_ =	shalt  }
0x49: {  	_ =	shalt  }
0x4a: {  	_ =	shalt  }
0x4b: {  	_ =	shalt  }
0x4c: {  	_ =	shalt  }
0x4d: {  	_ =	shalt  }
0x4e: {  	_ =	shalt  }
0x4f: {  	_ =	shalt  }
0x50: {  	_ =	shalt  }
0x51: {  	_ =	shalt  }
0x52: {  	_ =	shalt  }
0x53: {  	_ =	shalt  }
0x54: {  	_ =	shalt  }
0x55: {  	_ =	shalt  }
0x56: {  	_ =	shalt  }
0x57: {  	_ =	shalt  }
0x58: {  	_ =	shalt  }
0x59: {  	_ =	shalt  }
0x5a: {  	_ =	shalt  }
0x5b: {  	_ =	shalt  }
0x5c: {  	_ =	shalt  }
0x5d: {  	_ =	shalt  }
0x5e: {  	_ =	shalt  }
0x5f: {  	_ =	shalt  }
0x60: {  	_ =	shalt  }
0x61: {  	_ =	shalt  }
0x62: {  	_ =	shalt  }
0x63: {  	_ =	shalt  }
0x64: {  	_ =	shalt  }
0x65: {  	_ =	shalt  }
0x66: {  	_ =	shalt  }
0x67: {  	_ =	shalt  }
0x68: {  	_ =	shalt  }
0x69: {  	_ =	shalt  }
0x6a: {  	_ =	shalt  }
0x6b: {  	_ =	shalt  }
0x6c: {  	_ =	shalt  }
0x6d: {  	_ =	shalt  }
0x6e: {  	_ =	shalt  }
0x6f: {  	_ =	shalt  }
0x70: {  	_ =	shalt  }
0x71: {  	_ =	shalt  }
0x72: {  	_ =	shalt  }
0x73: {  	_ =	shalt  }
0x74: {  	_ =	shalt  }
0x75: {  	_ =	shalt  }
0x76: {  	_ =	shalt  }
0x77: {  	_ =	shalt  }
0x78: {  	_ =	shalt  }
0x79: {  	_ =	shalt  }
0x7a: {  	_ =	shalt  }
0x7b: {  	_ =	shalt  }
0x7c: {  	_ =	shalt  }
0x7d: {  	_ =	shalt  }
0x7e: {  	_ =	shalt  }
0x7f: {  	_ =	shalt  }
0x80: {  	_ =	shalt  }
0x81: {  	_ =	shalt  }
0x82: {  	_ =	shalt  }
0x83: {  	_ =	shalt  }
0x84: {  	_ =	shalt  }
0x85: {  	_ =	shalt  }
0x86: {  	_ =	shalt  }
0x87: {  	_ =	shalt  }
.Lfunc_end0:
.L_simem_size_0:
called_computation.3_lowered:
.L_overlay_start_0:
0x88: {  	s2 =	sld [smem:$0x3FD9]  }
0x89: {  	s3 =	sld [smem:$0x3FFE];
	_ =	sdelay $0x1  }
0x8a: {  	s1 =	srdreg.scid  }
0x8b: {  	s0 =	sand.u32 $0x1, s1  }
0x8c: {  	s16 =	sshll.u32 s0, $0xA;
	s2 =	sadd.s32 s3, s2  }
0x8d: {  	s2 =	sadd.s32 s2, s16  }
0x8e: {  	[smem:$0x3FB4] =	sst s2  }
0x8f: {  	_ = 	snop  }
0x90: {  	(tm) =	ssettm $0x1  }
0x91: {  	s17 =	sld [smem:$0x3FFB];
	_ =	sdelay $0x3  }
0x92: {  	_ =	strace s17  }
0x93: {  	s2 =	sld [smem:$0x3FFC];
	_ =	sdelay $0x3  }
0x94: {  	_ =	strace s2  }
0x95: {  	s2 =	sld [smem:$0x3FFD];
	_ =	sdelay $0x3  }
0x96: {  	_ =	strace s2  }
0x97: {  	_ =	strace $0x8FFFFFFF  }
0x98: {  	s18 =	sld [smem:$0x3FDB];
	_ =	sdelay $0x1  }
0x99: {  	s19 =	simm.s32 $_scs_section_size  }
0x9a: {  	s4 =	simm.s32 $_size__tile_overlayer_lowered;
	s5 =	simm.s32 $_tile_overlayer_lowered  }
0x9b: {  	s22 =	simm.s32 $0x1BFF;
	s21 =	sshll.u32 s5, $0x1;
	s2 =	sadd.s32 s19, s18  }
0x9c: {  	s6 =	simm.s32 $0x0;
	s20 =	sshll.u32 s4, $0x1;
	s4 =	sadd.s32 s21, s2  }
0x9d: {  	[timem:s6], [sflag:s22] =	dma.local [hbm:s4], s20  }
0x9e: {  	_ =	swait.ge [sflag:s22], s20  }
0x9f: {  	s3 =	ssub.s32 $0x0, s20;
	[sflag:s22] =	ssyncset.done $0x0  }
0xa0: {  	[sflag:s22] =	ssyncadd.s32 s3;
	_ =	sdelay $0x1  }
0xa1: {  	s23 =	simm.s32 $0x1B8B  }
0xa2: {  	_ =	swait.ge [sflag:s23], $0x1  }
0xa3: {  	[sflag:s23] =	ssyncset.done $0x0  }
0xa4: {  	s25 =	simm.s32 $0x1B8E;
	s24 =	sld [smem:$0x3FFE];
	[sflag:s23] =	ssyncadd.s32 $0xFFFFFFFF  }
0xa5: {  	s26 =	simm.s32 $execute0_lowered;
	[smem:$0x3FD2] =	sst s25  }
0xa6: {  	s4 =	sshll.u32 s26, $0x1;
	_ =	strace $0x8000004F;
	[dreg:$0x1] =	wrdreg $0xFFFFFFFF  }
0xa7: {  	s28 =	simm.s32 $_size_execute0_lowered;
	s2 =	sadd.s32 s2, s4;
	[dreg:$0x0] =	wrdreg $0x0  }
0xa8: {  	s4 =	sshll.u32 s28, $0x1;
	[dreg:$0x2] =	wrdreg s2  }
0xa9: {  	[dreg:$0x3] =	wrdreg s4  }
0xaa: {  	[dreg:$0x4] =	wrdreg $0xC0  }
0xab: {  	_ =	task [dreg:s6], $0x5FFFF  }
0xac: {  	[dreg:$0x1] =	wrdreg $0xFFFFFFFF  }
0xad: {  	[dreg:$0x0] =	wrdreg $0x60  }
0xae: {  	[dreg:$0x2] =	wrdreg s24  }
0xaf: {  	[dreg:$0x3] =	wrdreg $0x9  }
0xb0: {  	_ =	task.clear_ibuf [dreg:s6], $0x4FFFF;
	_ =	strace $0x9000004F  }
0xb1: {  	s29 =	simm.s32 $0x9;
	_ =	strace $0x80000051  }
0xb2: {  	_ =	swait.ge [sflag:s29], $0x1  }
0xb3: {  	[sflag:s29] =	ssyncadd.s32 $0xFFFFFFFF  }
0xb4: {  	_ =	strace $0x90000051  }
0xb5: {  	_ =	sfence  }
0xb6: {  	s30 =	sld [smem:$0x0];
	_ =	sdelay $0x2  }
0xb7: {  	s31 =	sshll.u32 s1, $0xD;
	s1 =	sshrl.u32 s1, $0x2  }
0xb8: {  	s3 =	sand.u32 $0x4000, s31;
	s1 =	sadd.s32 s1, s30  }
0xb9: {  	s0 =	sor.u32 s3, s0;
	s1 =	sshll.u32 s1, $0x11  }
0xba: {  	s0 =	sor.u32 s1, s0  }
0xbb: {  	s0 =	sadd.s32 $0x8F2B, s0  }
0xbc: {  	[sflag:s0] =	ssyncadd.remote.s32 $0x1  }
0xbd: {  	_ =	sfence.sel $0xFFFF  }
0xbe: {  	[dreg:$0x0] =	wrdreg $0xFFFFFFFF;
	(pc) =	sbr.abs _section_cstart, $3  }
0xbf: {  	[dreg:$0x1] =	wrdreg $0xFFFFFFFF  }
0xc0: {  	_ =	task.clear_ibuf [dreg:s6], $0x2FFFF;
	_ =	strace $0x9FFFFFFF  }
0xc1: {  	(tm) =	ssettm $0x7FFFFFFF  }
tec
execute0_lowered:
.L_overlay_start_1:
0x0: {  	(tag) =	ssettag $0x1  }
0x1: {  	s0 =	srdreg.scid  }
0x2: {  	s6 =	rddreg [dreg:$0x0];
	s1 =	stileid.u32;
	s2 =	simm.s32 $0x0  }
0x3: {  	s11 =	simm.s32 $0x7800;
	s12 =	simm.s32 $0x2800;
	s5 =	sand.u32 $0x1, s0  }
0x4: {  	s13 =	simm.s32 $0x80;
	s14 =	simm.s32 $0x400;
	s3 =	sshll.u32 s5, $0x4  }
0x5: {  	s15 =	simm.s32 $0x0;
	s0 =	rddreg [dreg:$0x1];
	s4 =	sor.u32 s1, s3  }
0x6: {  	[smem:$0x7FF] =	sst s2;
	s8 =	sshll.u32 s1, $0x7;
	s3 =	sshrl.u32 s4, $0x3  }
0x7: {  	_ =	strace $0x80000050;
	s31 =	ssub.s32 $0x2, s5;
	s7 =	smul.u32 $0x14000, s3  }
0x8: {  	s8 =	sand.u32 $0x380, s8;
	s10 =	sshrl.u32 s31, $0x1;
	s9 =	smul.u32 $0x500, s4  }
0x9: {  	s4 =	sadd.s32 $0x14600, s6;
	s3 =	sadd.s32 $0x14000, s6;
	s7 =	sor.u32 s8, s7  }
0xa: {  	s5 =	sadd.s32 s6, s9;
	s9 =	simm.s32 $0x1;
	s7 =	sshrl.u32 s7, $0x3  }
0xb: {  	s8 =	ssub.s32 s31, s10;
	s10 =	simm.s32 $0x5000;
	s7 =	sadd.s32 s7, s6  }
0xc: {  	s8 =	smax.u32 s8, $0x1;
	s6 =	sadd.s32 $0xA000, s5;
	s7 =	sadd.s32 $0x14C00, s7  }
.LBB2_1:
0xd: {  	[tilespmem:s2], [sflag:$0x1] =	stream.linear.gather [hbm4b:s3+s2], $0x2800, $0x38;
	[tilespmem:$0xA000] =	vst v63  }
0xe: {  	_ =	swait.ge [sflag:s9], $0x2800  }
0xf: {  	[sflag:s9] =	ssyncset.done $0x0  }
0x10: {  	[sflag:s9] =	ssyncadd.s32 $0xFFFFD800  }
0x11: {  	[tilespmem:s10], [sflag:$0x1] =	stream.linear.gather [hbm4b:s5+s2], $0x2800, $0x38;
	[tilespmem:$0xA000] =	vst v63  }
0x12: {  	_ =	swait.ge [sflag:s9], $0x2800  }
0x13: {  	[sflag:s9] =	ssyncset.done $0x0  }
0x14: {  	[sflag:s9] =	ssyncadd.s32 $0xFFFFD800  }
0x15: {  	[tilespmem:s11], [sflag:$0x1] =	stream.linear.gather [hbm4b:s6+s2], $0x2800, $0x38;
	[tilespmem:$0xA000] =	vst v63  }
0x16: {  	_ =	swait.ge [sflag:s9], $0x2800  }
0x17: {  	[sflag:s9] =	ssyncset.done $0x0  }
0x18: {  	[sflag:s9] =	ssyncadd.s32 $0xFFFFD800  }
0x19: {  	[tilespmem:s12], [sflag:$0x1] =	stream.linear.gather [hbm4b:s4+s2], $0x2800, $0x38;
	[tilespmem:$0xA000] =	vst v63  }
0x1a: {  	_ =	swait.ge [sflag:s9], $0x2800  }
0x1b: {  	[sflag:s9] =	ssyncset.done $0x0  }
0x1c: {  	s17 =	simm.s32 $0x0;
	s16 =	simm.s32 $0x40;
	[sflag:s9] =	ssyncadd.s32 $0xFFFFD800  }
.LBB2_2:
0x1d: {  	p0 =	sne.s32 s16, $0x9FC0;
	v0 =	vld [tilespmem:s17+$0x5000];
	_ =	sdelay $0x5  }
0x1e: {  	v1 =	vld [tilespmem:s17+$0x7800];
	_ =	sdelay $0x1  }
0x1f: {  	v0 =	vld.idx.msk [tilespmem:v0+s2+$0x0], $0xffff;
	_ =	sdelay $0x1  }
.Ltmp0:
0x20: {  	(pc) =	sbr.rel @p0 .LBB2_2-.Ltmp0, $2  }
0x21: {  	_ =	sdelay $0x2  }
0x22: {  	s17 =	sshra.s32 s16, $0x2;
	s16 =	sadd.s32 $0x40, s16;
	[tilespmem:v1+s12+$0x0] =	vst.idx.add.f32.msk $0xffff, v0  }
0x23: {  	v0 =	vld [tilespmem:s17+$0x5000];
	_ =	sdelay $0x4  }
0x24: {  	v1 =	vld [tilespmem:s17+$0x7800];
	_ =	sdelay $0x2  }
0x25: {  	v0 =	vld.idx.msk [tilespmem:v0+s2+$0x0], $0xffff;
	_ =	sdelay $0x2  }
0x26: {  	s15 =	sadd.s32 $0x1, s15  }
0x27: {  	p0 =	sne.s32 s15, s8  }
.Ltmp1:
0x28: {  	[tilespmem:v1+s12+$0x0] =	vst.idx.add.f32.msk $0xffff, v0;
	(pc) =	sbr.rel @p0 .LBB2_1-.Ltmp1, $4  }
0x29: {  	[hbm4b:s7+s13] =	stream.strided.scatter [tilespmem:s12], [sflag:$0x1], $0x2800, s14, s13, $0x38;
	[tilespmem:$0xA000] =	vst v63  }
0x2a: {  	_ =	swait.ge [sflag:s9], $0x2800  }
0x2b: {  	[sflag:s9] =	ssyncset.done $0x0  }
0x2c: {  	[sflag:s9] =	ssyncadd.s32 $0xFFFFD800  }
0x2d: {  	_ =	sfence.sel $0x180000  }
0x2e: {  	[bflag:$0x0] =	sbarrier.arrive $0xFFFF  }
0x2f: {  	p0 =	sne.s32 s1, $0x0;
	_ =	strace $0x90000050  }
0x30: {  	s0 =	sadd.s32 @!p0 $0x100000, s0;
	[bflag:$0x2] =	sbarrier.arrive $0xFFFF  }
0x31: {  	[sflag:s0] =	ssyncadd.tile.s32 @!p0 $0x1;
	_ =	shalt  }
.Lfunc_end2:
_tile_overlayer_lowered:
.L_overlay_start_2:
0x32: {  	(tag) =	ssettag $0x2  }
0x33: {  	s0 =	rddreg [dreg:$0x0];
	s2 =	stileid.u32  }
0x34: {  	s1 =	rddreg [dreg:$0x1];
	p0 =	sne.s32 s2, $0x0  }
0x35: {  	s3 =	rddreg [dreg:$0x2];
	[bflag:$0x3] =	sbarrier.arrive $0xFFFF;
	s2 =	simm.s32 @!p0 $0x1C01  }
0x36: {  	[timem:s3], [sflag:s2] =	dma.local @!p0 [hbm:s0], s1  }
0x37: {  	s0 =	simm.s32 @!p0 $0x1  }
0x38: {  	_ =	swait.ge @!p0 [sflag:s0], s1  }
0x39: {  	s1 =	ssub.s32 @!p0 $0x0, s1;
	[sflag:s0] =	ssyncset.done @!p0 $0x0  }
0x3a: {  	[sflag:s0] =	ssyncadd.s32 @!p0 s1  }
0x3b: {  	[bflag:$0x3] =	sbarrier.arrive $0xFFFF  }
0x3c: {  	_ =	shalt  }

// kernel: kernel.24.cloned.1.call-start
scs
__scs_entry_jumppad:
0x0: {  	(pc) =	sbr.rel $0x88, $3  }
0x1: {  	(tag) =	ssettag $0x0;
	lr =	simm.s32 $0x1  }
0x2: {  	[smem:$0x3F8D] =	sst lr;
	_ =	strace $0xD0000000  }
0x3: {  	_ = 	snop  }
0x4: {  	_ = 	snop  }
0x5: {  	_ = 	snop  }
0x6: {  	_ = 	snop  }
0x7: {  	_ = 	snop  }
__scs_overlays_trampoline_lowered:
0x8: {  	[smem:$0x3F9C] =	sst s0  }
0x9: {  	[smem:$0x3F9D] =	sst s1  }
0xa: {  	[smem:$0x3F9E] =	sst s2  }
0xb: {  	[smem:$0x3F9F] =	sst s3  }
0xc: {  	[smem:$0x3FA0] =	sst s4  }
0xd: {  	[smem:$0x3FA1] =	sst s5  }
0xe: {  	[smem:$0x3FA2] =	sst s6  }
0xf: {  	[smem:$0x3FA3] =	sst s7  }
0x10: {  	[smem:$0x3FA4] =	sst s8  }
0x11: {  	[smem:$0x3FA5] =	sst s9;
	s0 =	simm.s32 @!p0 $0x0  }
0x12: {  	s1 =	sld [smem:$0x3F8B];
	s0 =	simm.s32 @p0 $0x1  }
0x13: {  	[smem:$0x3FA6] =	sst s0;
	s0 =	simm.s32 @!p1 $0x0  }
0x14: {  	s2 =	sld [smem:$0x3F8A];
	s0 =	simm.s32 @p1 $0x1  }
0x15: {  	[smem:$0x3FA7] =	sst s0;
	s0 =	simm.s32 @!p2 $0x0  }
0x16: {  	s3 =	sld [smem:$0x3FDB];
	s0 =	simm.s32 @p2 $0x1  }
0x17: {  	s4 =	simm.s32 $0x1BF5;
	[smem:$0x3FA9] =	sst s0  }
0x18: {  	s0 =	sld [smem:$0x3F8C];
	_ =	swait.ge [sflag:s4], $0x0  }
0x19: {  	s7 =	sld [smem:$0x3F8D]  }
0x1a: {  	s8 =	sadd.s32 $0xFFFFE003, lr  }
0x1b: {  	s9 =	sadd.s32 $0xFFFFFEF7, lr;
	s5 =	simm.s32 $0xFFFFFFFF;
	p2 =	slt.u32 s8, $0xFFFFF086  }
0x1c: {  	p1 =	slt.u32 s9, $0xF7A;
	s5 =	simm.s32 @!p2 $0x0  }
0x1d: {  	s5 =	simm.s32 @p1 $0x1;
	p0 =	seq.s32 s7, s2  }
0x1e: {  	s7 =	smul.u32 @!p0 $0xF7A, s2;
	p2 =	seq.s32 @!p0 s5, $0x0  }
0x1f: {  	s9 =	smul.u32 $0xF7A, s1;
	s8 =	simm.s32 @!p0 $0x1BF5;
	p2 =	por !p2, p0  }
0x20: {  	[sflag:s8] =	ssyncset.s32 @!p0 $0xFFFFF086;
	s6 =	sadd.s32 @!p0 s3, s7;
	s7 =	simm.s32 @!p0 $0x108  }
0x21: {  	s3 =	sadd.s32 s3, s9;
	s6 =	sadd.s32 @!p0 $0x88, s6;
	s7 =	simm.s32 @p2 $0x1082  }
0x22: {  	[simem:s7], [sflag:s8] =	dma.local @!p0 [hbm:s6], $0xF7A  }
0x23: {  	s9 =	sor.u32 $0xD0000000, s2;
	s6 =	simm.s32 $0x108;
	_ =	swait.ge @!p0 [sflag:s8], $0x0  }
0x24: {  	s3 =	sadd.s32 $0x88, s3;
	s6 =	simm.s32 @!p1 $0x1082;
	[sflag:s4] =	ssyncset.s32 $0xFFFFF086  }
0x25: {  	[simem:s6], [sflag:s4] =	dma.local [hbm:s3], $0xF7A  }
0x26: {  	[smem:$0x3F8D] =	sst s1;
	(tag) =	ssettag s2;
	_ =	strace s9  }
0x27: {  	s1 =	sld [smem:$0x3F9D]  }
0x28: {  	s2 =	sld [smem:$0x3F9E]  }
0x29: {  	s4 =	sld [smem:$0x3FA0]  }
0x2a: {  	p0 =	seq.s32 s5, $0x0;
	s5 =	sld [smem:$0x3FA1]  }
0x2b: {  	s6 =	sld [smem:$0x3FA2]  }
0x2c: {  	s7 =	sld [smem:$0x3FA3]  }
0x2d: {  	s3 =	simm.s32 $0x108;
	s8 =	sld [smem:$0x3FA4]  }
0x2e: {  	s3 =	simm.s32 @!p0 $0x1082;
	s9 =	sld [smem:$0x3FA5]  }
0x2f: {  	lr =	sadd.s32 s0, s3;
	s0 =	sld [smem:$0x3F9C]  }
0x30: {  	s3 =	sld [smem:$0x3F9F]  }
0x31: {  	[smem:$0x3FA8] =	sst s10  }
0x32: {  	s10 =	sld [smem:$0x3FA6];
	_ =	sdelay $0x3  }
0x33: {  	p0 =	seq.s32 s10, $0x1;
	s10 =	sld [smem:$0x3FA8];
	_ =	sdelay $0x3  }
0x34: {  	[smem:$0x3FA8] =	sst s10  }
0x35: {  	s10 =	sld [smem:$0x3FA7];
	_ =	sdelay $0x3  }
0x36: {  	p1 =	seq.s32 s10, $0x1;
	s10 =	sld [smem:$0x3FA8];
	_ =	sdelay $0x3  }
0x37: {  	[smem:$0x3FA8] =	sst s10  }
0x38: {  	s10 =	sld [smem:$0x3FA9]  }
0x39: {  	_ = 	snop;
	(pc) =	sbr.ind lr, $3  }
0x3a: {  	_ = 	snop  }
0x3b: {  	_ = 	snop  }
0x3c: {  	p2 =	seq.s32 s10, $0x1;
	s10 =	sld [smem:$0x3FA8]  }
0x3d: {  	_ =	shalt  }
0x3e: {  	_ =	shalt  }
0x3f: {  	_ =	shalt  }
0x40: {  	_ =	shalt  }
0x41: {  	_ =	shalt  }
0x42: {  	_ =	shalt  }
0x43: {  	_ =	shalt  }
0x44: {  	_ =	shalt  }
0x45: {  	_ =	shalt  }
0x46: {  	_ =	shalt  }
0x47: {  	_ =	shalt  }
0x48: {  	_ =	shalt  }
0x49: {  	_ =	shalt  }
0x4a: {  	_ =	shalt  }
0x4b: {  	_ =	shalt  }
0x4c: {  	_ =	shalt  }
0x4d: {  	_ =	shalt  }
0x4e: {  	_ =	shalt  }
0x4f: {  	_ =	shalt  }
0x50: {  	_ =	shalt  }
0x51: {  	_ =	shalt  }
0x52: {  	_ =	shalt  }
0x53: {  	_ =	shalt  }
0x54: {  	_ =	shalt  }
0x55: {  	_ =	shalt  }
0x56: {  	_ =	shalt  }
0x57: {  	_ =	shalt  }
0x58: {  	_ =	shalt  }
0x59: {  	_ =	shalt  }
0x5a: {  	_ =	shalt  }
0x5b: {  	_ =	shalt  }
0x5c: {  	_ =	shalt  }
0x5d: {  	_ =	shalt  }
0x5e: {  	_ =	shalt  }
0x5f: {  	_ =	shalt  }
0x60: {  	_ =	shalt  }
0x61: {  	_ =	shalt  }
0x62: {  	_ =	shalt  }
0x63: {  	_ =	shalt  }
0x64: {  	_ =	shalt  }
0x65: {  	_ =	shalt  }
0x66: {  	_ =	shalt  }
0x67: {  	_ =	shalt  }
0x68: {  	_ =	shalt  }
0x69: {  	_ =	shalt  }
0x6a: {  	_ =	shalt  }
0x6b: {  	_ =	shalt  }
0x6c: {  	_ =	shalt  }
0x6d: {  	_ =	shalt  }
0x6e: {  	_ =	shalt  }
0x6f: {  	_ =	shalt  }
0x70: {  	_ =	shalt  }
0x71: {  	_ =	shalt  }
0x72: {  	_ =	shalt  }
0x73: {  	_ =	shalt  }
0x74: {  	_ =	shalt  }
0x75: {  	_ =	shalt  }
0x76: {  	_ =	shalt  }
0x77: {  	_ =	shalt  }
0x78: {  	_ =	shalt  }
0x79: {  	_ =	shalt  }
0x7a: {  	_ =	shalt  }
0x7b: {  	_ =	shalt  }
0x7c: {  	_ =	shalt  }
0x7d: {  	_ =	shalt  }
0x7e: {  	_ =	shalt  }
0x7f: {  	_ =	shalt  }
0x80: {  	_ =	shalt  }
0x81: {  	_ =	shalt  }
0x82: {  	_ =	shalt  }
0x83: {  	_ =	shalt  }
0x84: {  	_ =	shalt  }
0x85: {  	_ =	shalt  }
0x86: {  	_ =	shalt  }
0x87: {  	_ =	shalt  }
.Lfunc_end0:
.L_simem_size_0:
called_computation.4_lowered:
.L_overlay_start_0:
0x88: {  	s2 =	sld [smem:$0x3FD9]  }
0x89: {  	s3 =	sld [smem:$0x3FFE];
	_ =	sdelay $0x1  }
0x8a: {  	s1 =	srdreg.scid  }
0x8b: {  	s0 =	sand.u32 $0x1, s1  }
0x8c: {  	s16 =	sshll.u32 s0, $0xA;
	s2 =	sadd.s32 s3, s2  }
0x8d: {  	s2 =	sadd.s32 s2, s16  }
0x8e: {  	[smem:$0x3FB4] =	sst s2  }
0x8f: {  	_ = 	snop  }
0x90: {  	(tm) =	ssettm $0x1  }
0x91: {  	s17 =	sld [smem:$0x3FFB];
	_ =	sdelay $0x3  }
0x92: {  	_ =	strace s17  }
0x93: {  	s2 =	sld [smem:$0x3FFC];
	_ =	sdelay $0x3  }
0x94: {  	_ =	strace s2  }
0x95: {  	s2 =	sld [smem:$0x3FFD];
	_ =	sdelay $0x3  }
0x96: {  	_ =	strace s2  }
0x97: {  	_ =	strace $0x8FFFFFFF  }
0x98: {  	s18 =	sld [smem:$0x3FDB];
	_ =	sdelay $0x1  }
0x99: {  	s19 =	simm.s32 $_scs_section_size  }
0x9a: {  	s4 =	simm.s32 $_size__tile_overlayer_lowered;
	s5 =	simm.s32 $_tile_overlayer_lowered  }
0x9b: {  	s22 =	simm.s32 $0x1BFF;
	s21 =	sshll.u32 s5, $0x1;
	s2 =	sadd.s32 s19, s18  }
0x9c: {  	s6 =	simm.s32 $0x0;
	s20 =	sshll.u32 s4, $0x1;
	s4 =	sadd.s32 s21, s2  }
0x9d: {  	[timem:s6], [sflag:s22] =	dma.local [hbm:s4], s20  }
0x9e: {  	_ =	swait.ge [sflag:s22], s20  }
0x9f: {  	s3 =	ssub.s32 $0x0, s20;
	[sflag:s22] =	ssyncset.done $0x0  }
0xa0: {  	[sflag:s22] =	ssyncadd.s32 s3;
	_ =	sdelay $0x1  }
0xa1: {  	s23 =	simm.s32 $0x1B8B  }
0xa2: {  	_ =	swait.ge [sflag:s23], $0x1  }
0xa3: {  	[sflag:s23] =	ssyncset.done $0x0  }
0xa4: {  	s25 =	simm.s32 $0x1B8E;
	s24 =	sld [smem:$0x3FFE];
	[sflag:s23] =	ssyncadd.s32 $0xFFFFFFFF  }
0xa5: {  	s26 =	simm.s32 $execute0_lowered;
	[smem:$0x3FD2] =	sst s25  }
0xa6: {  	s4 =	sshll.u32 s26, $0x1;
	_ =	strace $0x80000052;
	[dreg:$0x1] =	wrdreg $0xFFFFFFFF  }
0xa7: {  	s28 =	simm.s32 $_size_execute0_lowered;
	s2 =	sadd.s32 s2, s4;
	[dreg:$0x0] =	wrdreg $0x0  }
0xa8: {  	s4 =	sshll.u32 s28, $0x1;
	[dreg:$0x2] =	wrdreg s2  }
0xa9: {  	[dreg:$0x3] =	wrdreg s4  }
0xaa: {  	[dreg:$0x4] =	wrdreg $0xC0  }
0xab: {  	_ =	task [dreg:s6], $0x5FFFF  }
0xac: {  	[dreg:$0x1] =	wrdreg $0xFFFFFFFF  }
0xad: {  	[dreg:$0x0] =	wrdreg $0x60  }
0xae: {  	[dreg:$0x2] =	wrdreg s24  }
0xaf: {  	[dreg:$0x3] =	wrdreg $0x82000  }
0xb0: {  	[dreg:$0x4] =	wrdreg $0x9  }
0xb1: {  	_ =	task.clear_ibuf [dreg:s6], $0x5FFFF;
	_ =	strace $0x90000052  }
0xb2: {  	s29 =	simm.s32 $0x9;
	_ =	strace $0x80000054  }
0xb3: {  	_ =	swait.ge [sflag:s29], $0x1  }
0xb4: {  	[sflag:s29] =	ssyncadd.s32 $0xFFFFFFFF  }
0xb5: {  	_ =	strace $0x90000054  }
0xb6: {  	_ =	sfence  }
0xb7: {  	s30 =	sld [smem:$0x0];
	_ =	sdelay $0x2  }
0xb8: {  	s31 =	sshll.u32 s1, $0xD;
	s1 =	sshrl.u32 s1, $0x2  }
0xb9: {  	s3 =	sand.u32 $0x4000, s31;
	s1 =	sadd.s32 s1, s30  }
0xba: {  	s0 =	sor.u32 s3, s0;
	s1 =	sshll.u32 s1, $0x11  }
0xbb: {  	s0 =	sor.u32 s1, s0  }
0xbc: {  	s0 =	sadd.s32 $0x8F2B, s0  }
0xbd: {  	[sflag:s0] =	ssyncadd.remote.s32 $0x1  }
0xbe: {  	_ =	sfence.sel $0xFFFF  }
0xbf: {  	[dreg:$0x0] =	wrdreg $0xFFFFFFFF;
	(pc) =	sbr.abs _section_cstart, $3  }
0xc0: {  	[dreg:$0x1] =	wrdreg $0xFFFFFFFF  }
0xc1: {  	_ =	task.clear_ibuf [dreg:s6], $0x2FFFF;
	_ =	strace $0x9FFFFFFF  }
0xc2: {  	(tm) =	ssettm $0x7FFFFFFF  }
0xc3: {  	_ =	shalt  }
tec
execute0_lowered:
.L_overlay_start_1:
0x0: {  	(tag) =	ssettag $0x1  }
0x1: {  	s16 =	rddreg [dreg:$0x0]  }
0x2: {  	s2 =	rddreg [dreg:$0x1]  }
0x3: {  	s0 =	rddreg [dreg:$0x2]  }
0x4: {  	s4 =	srdreg.scid;
	s1 =	stileid.u32  }
0x5: {  	s3 =	simm.s32 $0x0;
	s18 =	simm.s32 $0x100;
	s19 =	simm.s32 $0x80  }
0x6: {  	s20 =	simm.s32 $0x200;
	s21 =	simm.s32 $0x180;
	s22 =	simm.s32 $0x4200  }
0x7: {  	s23 =	simm.s32 $0x1;
	s24 =	simm.s32 $0x2;
	s25 =	simm.s32 $0x0  }
0x8: {  	s6 =	sand.u32 $0x1, s4;
	s5 =	smul.u32 $0x2800, s1;
	[smem:$0x7FF] =	sst s3  }
0x9: {  	s4 =	sadd.s32 $0x14C00, s16;
	s15 =	sadd.s32 $0xA000, s16;
	s9 =	smul.u32 $0x50000, s1  }
0xa: {  	s7 =	smul.u32 $0x28000, s6;
	s8 =	sshll.u32 s6, $0x4;
	s6 =	ssub.s32 $0x2, s6  }
0xb: {  	_ =	strace $0x80000053;
	s8 =	sor.u32 s1, s8;
	s30 =	sshrl.u32 s6, $0x1  }
0xc: {  	s14 =	sshrl.u32 s9, $0x2;
	s12 =	sadd.s32 s5, s7;
	s29 =	smul.u32 $0x2800, s8  }
0xd: {  	s5 =	sadd.s32 $0x3CC00, s16;
	s13 =	ssub.s32 s6, s30;
	s11 =	sadd.s32 s12, s16  }
0xe: {  	s31 =	sor.u32 $0x180, s12;
	s17 =	sor.u32 $0x100, s12;
	s7 =	sshrl.u32 s29, $0x3  }
0xf: {  	s12 =	smax.u32 s13, $0x1;
	s11 =	sadd.s32 $0x3F400, s11;
	s10 =	sor.u32 $0x10, s7  }
0x10: {  	s17 =	sshrl.u32 s17, $0x3;
	s6 =	sadd.s32 s16, s7;
	s8 =	sadd.s32 s16, s10  }
0x11: {  	s9 =	sadd.s32 s15, s10;
	s10 =	sadd.s32 s14, s2;
	s14 =	sshrl.u32 s31, $0x3  }
0x12: {  	s7 =	sadd.s32 s15, s7;
	s13 =	sadd.s32 s14, s15;
	s14 =	sadd.s32 s14, s16  }
0x13: {  	s15 =	sadd.s32 s17, s15;
	s16 =	sadd.s32 s17, s16;
	s17 =	simm.s32 $0x3  }
.LBB2_1:
0x14: {  	[tilespmem:s3], [sflag:$0x3] =	stream.linear.gather [hbm4b:s6+s3], $0x80, $0x38;
	[tilespmem:$0x1C200] =	vst v63  }
0x15: {  	_ =	swait.ge [sflag:s17], $0x80  }
0x16: {  	[sflag:s17] =	ssyncset.done $0x0  }
0x17: {  	[sflag:s17] =	ssyncadd.s32 $0xFFFFFF80  }
0x18: {  	[tilespmem:s18], [sflag:$0x3] =	stream.linear.gather [hbm4b:s7+s3], $0x80, $0x38;
	[tilespmem:$0x1C200] =	vst v63  }
0x19: {  	_ =	swait.ge [sflag:s17], $0x80  }
0x1a: {  	[sflag:s17] =	ssyncset.done $0x0  }
0x1b: {  	[sflag:s17] =	ssyncadd.s32 $0xFFFFFF80  }
0x1c: {  	[tilespmem:s20], [sflag:$0x1] =	stream.indirect.gather [hbm4b:s4+s19], $0x80, s3, s19, $0xb8;
	[tilespmem:$0x1C200] =	vst v63  }
0x1d: {  	_ = 	snop  }
0x1e: {  	[tilespmem:s19], [sflag:$0x3] =	stream.linear.gather [hbm4b:s8+s3], $0x80, $0x38;
	[tilespmem:$0x1C200] =	vst v63  }
0x1f: {  	_ =	swait.ge [sflag:s17], $0x80  }
0x20: {  	[sflag:s17] =	ssyncset.done $0x0  }
0x21: {  	[sflag:s17] =	ssyncadd.s32 $0xFFFFFF80  }
0x22: {  	[tilespmem:s21], [sflag:$0x3] =	stream.linear.gather [hbm4b:s9+s3], $0x80, $0x38;
	[tilespmem:$0x1C200] =	vst v63  }
0x23: {  	_ =	swait.ge [sflag:s17], $0x80  }
0x24: {  	s26 =	sshll.u32 s1, $0x6;
	[sflag:s17] =	ssyncset.done $0x0  }
0x25: {  	s28 =	sshrl.u32 s10, $0x3;
	s26 =	sor.u32 $0x1C03, s26;
	[sflag:s17] =	ssyncadd.s32 $0xFFFFFF80  }
0x26: {  	[tilespmem:s22], [sflag:$0x2] =	stream.indirect.gather [hbm4b:s4+s19], $0x80, s19, s19, $0xb8;
	[tilespmem:$0x1C200] =	vst v63  }
0x27: {  	[spmem:s28], [sflag:s26] =	dma.local [hbm:s5], $0x2800  }
0x28: {  	_ =	swait.ge [sflag:s17], $0x2800  }
0x29: {  	[sflag:s17] =	ssyncset.done $0x0  }
0x2a: {  	[sflag:s17] =	ssyncadd.s32 $0xFFFFD800  }
0x2b: {  	[bflag:$0x0] =	sbarrier.arrive $0xFFFF  }
0x2c: {  	_ =	swait.ge [sflag:s23], $0x4000  }
0x2d: {  	[sflag:s23] =	ssyncset.done $0x0  }
0x2e: {  	[sflag:s23] =	ssyncadd.s32 $0xFFFFC000  }
0x2f: {  	[spmem:s2] =	stream.indirect.scatter.add.f32 [tilespmem:s20], [sflag:$0x3], $0x80, s18, s19, $0xb8;
	[tilespmem:$0x1C200] =	vst v63  }
0x30: {  	_ =	swait.ge [sflag:s17], $0x4000  }
0x31: {  	[sflag:s17] =	ssyncset.done $0x0  }
0x32: {  	s29 =	sadd.s32 $0x0, s16;
	[sflag:s17] =	ssyncadd.s32 $0xFFFFC000  }
0x33: {  	[tilespmem:s3], [sflag:$0x3] =	stream.linear.gather [hbm4b:s29+s3], $0x80, $0x38;
	[tilespmem:$0x1C200] =	vst v63  }
0x34: {  	_ =	swait.ge [sflag:s17], $0x80  }
0x35: {  	[sflag:s17] =	ssyncset.done $0x0  }
0x36: {  	s29 =	sadd.s32 $0x0, s15;
	[sflag:s17] =	ssyncadd.s32 $0xFFFFFF80  }
0x37: {  	[tilespmem:s18], [sflag:$0x3] =	stream.linear.gather [hbm4b:s29+s3], $0x80, $0x38;
	[tilespmem:$0x1C200] =	vst v63  }
0x38: {  	_ =	swait.ge [sflag:s17], $0x80  }
0x39: {  	[sflag:s17] =	ssyncset.done $0x0  }
0x3a: {  	[sflag:s17] =	ssyncadd.s32 $0xFFFFFF80  }
0x3b: {  	[tilespmem:s20], [sflag:$0x1] =	stream.indirect.gather [hbm4b:s4+s19], $0x80, s3, s19, $0xb8;
	[tilespmem:$0x1C200] =	vst v63  }
0x3c: {  	_ =	swait.ge [sflag:s24], $0x4000  }
0x3d: {  	[sflag:s24] =	ssyncset.done $0x0  }
0x3e: {  	[sflag:s24] =	ssyncadd.s32 $0xFFFFC000  }
0x3f: {  	[spmem:s2] =	stream.indirect.scatter.add.f32 [tilespmem:s22], [sflag:$0x3], $0x80, s21, s19, $0xb8;
	[tilespmem:$0x1C200] =	vst v63  }
0x40: {  	_ =	swait.ge [sflag:s17], $0x4000  }
0x41: {  	[sflag:s17] =	ssyncset.done $0x0  }
0x42: {  	s29 =	sadd.s32 $0x0, s14;
	[sflag:s17] =	ssyncadd.s32 $0xFFFFC000  }
0x43: {  	[tilespmem:s19], [sflag:$0x3] =	stream.linear.gather [hbm4b:s29+s3], $0x80, $0x38;
	[tilespmem:$0x1C200] =	vst v63  }
0x44: {  	_ =	swait.ge [sflag:s17], $0x80  }
0x45: {  	[sflag:s17] =	ssyncset.done $0x0  }
0x46: {  	s29 =	sadd.s32 $0x0, s13;
	[sflag:s17] =	ssyncadd.s32 $0xFFFFFF80  }
0x47: {  	[tilespmem:s21], [sflag:$0x3] =	stream.linear.gather [hbm4b:s29+s3], $0x80, $0x38;
	[tilespmem:$0x1C200] =	vst v63  }
0x48: {  	_ =	swait.ge [sflag:s17], $0x80  }
0x49: {  	[sflag:s17] =	ssyncset.done $0x0  }
0x4a: {  	s29 =	simm.s32 $0x20;
	[sflag:s17] =	ssyncadd.s32 $0xFFFFFF80  }
.LBB2_2:
0x4b: {  	[tilespmem:s22], [sflag:$0x2] =	stream.indirect.gather [hbm4b:s4+s19], $0x80, s19, s19, $0xb8;
	[tilespmem:$0x1C200] =	vst v63  }
0x4c: {  	s30 =	smov.u32 s29  }
0x4d: {  	p0 =	sne.s32 s29, $0x4C0;
	s29 =	sadd.s32 $0x20, s29;
	_ =	swait.ge [sflag:s23], $0x4000  }
0x4e: {  	[sflag:s23] =	ssyncset.done $0x0  }
0x4f: {  	[sflag:s23] =	ssyncadd.s32 $0xFFFFC000  }
0x50: {  	[spmem:s2] =	stream.indirect.scatter.add.f32 [tilespmem:s20], [sflag:$0x3], $0x80, s18, s19, $0xb8;
	[tilespmem:$0x1C200] =	vst v63  }
0x51: {  	_ =	swait.ge [sflag:s17], $0x4000  }
0x52: {  	[sflag:s17] =	ssyncset.done $0x0  }
0x53: {  	s31 =	sadd.s32 s30, s16;
	[sflag:s17] =	ssyncadd.s32 $0xFFFFC000  }
0x54: {  	[tilespmem:s3], [sflag:$0x3] =	stream.linear.gather [hbm4b:s31+s3], $0x80, $0x38;
	[tilespmem:$0x1C200] =	vst v63  }
0x55: {  	_ =	swait.ge [sflag:s17], $0x80  }
0x56: {  	[sflag:s17] =	ssyncset.done $0x0  }
0x57: {  	s31 =	sadd.s32 s30, s15;
	[sflag:s17] =	ssyncadd.s32 $0xFFFFFF80  }
0x58: {  	[tilespmem:s18], [sflag:$0x3] =	stream.linear.gather [hbm4b:s31+s3], $0x80, $0x38;
	[tilespmem:$0x1C200] =	vst v63  }
0x59: {  	_ =	swait.ge [sflag:s17], $0x80  }
0x5a: {  	[sflag:s17] =	ssyncset.done $0x0  }
0x5b: {  	[sflag:s17] =	ssyncadd.s32 $0xFFFFFF80  }
0x5c: {  	[tilespmem:s20], [sflag:$0x1] =	stream.indirect.gather [hbm4b:s4+s19], $0x80, s3, s19, $0xb8;
	[tilespmem:$0x1C200] =	vst v63  }
0x5d: {  	_ =	swait.ge [sflag:s24], $0x4000  }
0x5e: {  	[sflag:s24] =	ssyncset.done $0x0  }
0x5f: {  	[sflag:s24] =	ssyncadd.s32 $0xFFFFC000  }
0x60: {  	[spmem:s2] =	stream.indirect.scatter.add.f32 [tilespmem:s22], [sflag:$0x3], $0x80, s21, s19, $0xb8;
	[tilespmem:$0x1C200] =	vst v63  }
0x61: {  	_ =	swait.ge [sflag:s17], $0x4000  }
0x62: {  	[sflag:s17] =	ssyncset.done $0x0  }
0x63: {  	s31 =	sadd.s32 s30, s14;
	[sflag:s17] =	ssyncadd.s32 $0xFFFFC000  }
0x64: {  	[tilespmem:s19], [sflag:$0x3] =	stream.linear.gather [hbm4b:s31+s3], $0x80, $0x38;
	[tilespmem:$0x1C200] =	vst v63  }
0x65: {  	_ =	swait.ge [sflag:s17], $0x80  }
0x66: {  	[sflag:s17] =	ssyncset.done $0x0  }
.Ltmp0:
0x67: {  	s30 =	sadd.s32 s30, s13;
	[sflag:s17] =	ssyncadd.s32 $0xFFFFFF80;
	(pc) =	sbr.rel @p0 .LBB2_2-.Ltmp0, $4  }
0x68: {  	[tilespmem:s21], [sflag:$0x3] =	stream.linear.gather [hbm4b:s30+s3], $0x80, $0x38;
	[tilespmem:$0x1C200] =	vst v63  }
0x69: {  	_ =	swait.ge [sflag:s17], $0x80  }
0x6a: {  	[sflag:s17] =	ssyncset.done $0x0  }
0x6b: {  	[sflag:s17] =	ssyncadd.s32 $0xFFFFFF80  }
0x6c: {  	[tilespmem:s22], [sflag:$0x2] =	stream.indirect.gather [hbm4b:s4+s19], $0x80, s19, s19, $0xb8;
	[tilespmem:$0x1C200] =	vst v63  }
0x6d: {  	_ =	swait.ge [sflag:s23], $0x4000  }
0x6e: {  	[sflag:s23] =	ssyncset.done $0x0  }
0x6f: {  	[sflag:s23] =	ssyncadd.s32 $0xFFFFC000  }
0x70: {  	[spmem:s2] =	stream.indirect.scatter.add.f32 [tilespmem:s20], [sflag:$0x3], $0x80, s18, s19, $0xb8;
	[tilespmem:$0x1C200] =	vst v63  }
0x71: {  	_ =	swait.ge [sflag:s17], $0x4000  }
0x72: {  	[sflag:s17] =	ssyncset.done $0x0  }
0x73: {  	[sflag:s17] =	ssyncadd.s32 $0xFFFFC000  }
0x74: {  	_ =	swait.ge [sflag:s24], $0x4000  }
0x75: {  	[sflag:s24] =	ssyncset.done $0x0  }
0x76: {  	[sflag:s24] =	ssyncadd.s32 $0xFFFFC000  }
0x77: {  	[spmem:s2] =	stream.indirect.scatter.add.f32 [tilespmem:s22], [sflag:$0x3], $0x80, s21, s19, $0xb8;
	[tilespmem:$0x1C200] =	vst v63  }
0x78: {  	_ =	swait.ge [sflag:s17], $0x4000  }
0x79: {  	s25 =	sadd.s32 $0x1, s25;
	[sflag:s17] =	ssyncset.done $0x0  }
0x7a: {  	p0 =	sne.s32 s25, s12;
	[sflag:s17] =	ssyncadd.s32 $0xFFFFC000  }
.Ltmp1:
0x7b: {  	[bflag:$0x0] =	sbarrier.arrive $0xFFFF;
	(pc) =	sbr.rel @p0 .LBB2_1-.Ltmp1, $4  }
0x7c: {  	[hbm:s11], [sflag:s26] =	dma.local [spmem:s28], $0x2800  }
0x7d: {  	_ =	swait.ge [sflag:s17], $0x2800  }
0x7e: {  	[sflag:s17] =	ssyncset.done $0x0  }
0x7f: {  	[sflag:s17] =	ssyncadd.s32 $0xFFFFD800  }
0x80: {  	_ =	sfence.sel $0x180000  }
0x81: {  	[bflag:$0x0] =	sbarrier.arrive $0xFFFF  }
0x82: {  	p0 =	sne.s32 s1, $0x0;
	_ =	strace $0x90000053  }
0x83: {  	s0 =	sadd.s32 @!p0 $0x100000, s0;
	[bflag:$0x2] =	sbarrier.arrive $0xFFFF  }
0x84: {  	[sflag:s0] =	ssyncadd.tile.s32 @!p0 $0x1;
	_ =	shalt  }
.Lfunc_end2:
_tile_overlayer_lowered:
.L_overlay_start_2:
0x85: {  	(tag) =	ssettag $0x2  }
0x86: {  	s0 =	rddreg [dreg:$0x0];
	s2 =	stileid.u32  }
0x87: {  	s1 =	rddreg [dreg:$0x1];
	p0 =	sne.s32 s2, $0x0  }
0x88: {  	s3 =	rddreg [dreg:$0x2];
	[bflag:$0x3] =	sbarrier.arrive $0xFFFF;
	s2 =	simm.s32 @!p0 $0x1C03  }
0x89: {  	[timem:s3], [sflag:s2] =	dma.local @!p0 [hbm:s0], s1  }
0x8a: {  	s0 =	simm.s32 @!p0 $0x3  }
0x8b: {  	_ =	swait.ge @!p0 [sflag:s0], s1  }
0x8c: {  	s1 =	ssub.s32 @!p0 $0x0, s1;
	[sflag:s0] =	ssyncset.done @!p0 $0x0  }
0x8d: {  	[sflag:s0] =	ssyncadd.s32 @!p0 s1  }
0x8e: {  	[bflag:$0x3] =	sbarrier.arrive $0xFFFF  }
0x8f: {  	_ =	shalt  }

// kernel: kernel.27.cloned.1.call-start
scs
__scs_entry_jumppad:
0x0: {  	(pc) =	sbr.rel $0x88, $3  }
0x1: {  	(tag) =	ssettag $0x0;
	lr =	simm.s32 $0x1  }
0x2: {  	[smem:$0x3F8D] =	sst lr;
	_ =	strace $0xD0000000  }
0x3: {  	_ = 	snop  }
0x4: {  	_ = 	snop  }
0x5: {  	_ = 	snop  }
0x6: {  	_ = 	snop  }
0x7: {  	_ = 	snop  }
__scs_overlays_trampoline_lowered:
0x8: {  	[smem:$0x3F9C] =	sst s0  }
0x9: {  	[smem:$0x3F9D] =	sst s1  }
0xa: {  	[smem:$0x3F9E] =	sst s2  }
0xb: {  	[smem:$0x3F9F] =	sst s3  }
0xc: {  	[smem:$0x3FA0] =	sst s4  }
0xd: {  	[smem:$0x3FA1] =	sst s5  }
0xe: {  	[smem:$0x3FA2] =	sst s6  }
0xf: {  	[smem:$0x3FA3] =	sst s7  }
0x10: {  	[smem:$0x3FA4] =	sst s8  }
0x11: {  	[smem:$0x3FA5] =	sst s9;
	s0 =	simm.s32 @!p0 $0x0  }
0x12: {  	s1 =	sld [smem:$0x3F8B];
	s0 =	simm.s32 @p0 $0x1  }
0x13: {  	[smem:$0x3FA6] =	sst s0;
	s0 =	simm.s32 @!p1 $0x0  }
0x14: {  	s2 =	sld [smem:$0x3F8A];
	s0 =	simm.s32 @p1 $0x1  }
0x15: {  	[smem:$0x3FA7] =	sst s0;
	s0 =	simm.s32 @!p2 $0x0  }
0x16: {  	s3 =	sld [smem:$0x3FDB];
	s0 =	simm.s32 @p2 $0x1  }
0x17: {  	s4 =	simm.s32 $0x1BF5;
	[smem:$0x3FA9] =	sst s0  }
0x18: {  	s0 =	sld [smem:$0x3F8C];
	_ =	swait.ge [sflag:s4], $0x0  }
0x19: {  	s7 =	sld [smem:$0x3F8D]  }
0x1a: {  	s8 =	sadd.s32 $0xFFFFE003, lr  }
0x1b: {  	s9 =	sadd.s32 $0xFFFFFEF7, lr;
	s5 =	simm.s32 $0xFFFFFFFF;
	p2 =	slt.u32 s8, $0xFFFFF086  }
0x1c: {  	p1 =	slt.u32 s9, $0xF7A;
	s5 =	simm.s32 @!p2 $0x0  }
0x1d: {  	s5 =	simm.s32 @p1 $0x1;
	p0 =	seq.s32 s7, s2  }
0x1e: {  	s7 =	smul.u32 @!p0 $0xF7A, s2;
	p2 =	seq.s32 @!p0 s5, $0x0  }
0x1f: {  	s9 =	smul.u32 $0xF7A, s1;
	s8 =	simm.s32 @!p0 $0x1BF5;
	p2 =	por !p2, p0  }
0x20: {  	[sflag:s8] =	ssyncset.s32 @!p0 $0xFFFFF086;
	s6 =	sadd.s32 @!p0 s3, s7;
	s7 =	simm.s32 @!p0 $0x108  }
0x21: {  	s3 =	sadd.s32 s3, s9;
	s6 =	sadd.s32 @!p0 $0x88, s6;
	s7 =	simm.s32 @p2 $0x1082  }
0x22: {  	[simem:s7], [sflag:s8] =	dma.local @!p0 [hbm:s6], $0xF7A  }
0x23: {  	s9 =	sor.u32 $0xD0000000, s2;
	s6 =	simm.s32 $0x108;
	_ =	swait.ge @!p0 [sflag:s8], $0x0  }
0x24: {  	s3 =	sadd.s32 $0x88, s3;
	s6 =	simm.s32 @!p1 $0x1082;
	[sflag:s4] =	ssyncset.s32 $0xFFFFF086  }
0x25: {  	[simem:s6], [sflag:s4] =	dma.local [hbm:s3], $0xF7A  }
0x26: {  	[smem:$0x3F8D] =	sst s1;
	(tag) =	ssettag s2;
	_ =	strace s9  }
0x27: {  	s1 =	sld [smem:$0x3F9D]  }
0x28: {  	s2 =	sld [smem:$0x3F9E]  }
0x29: {  	s4 =	sld [smem:$0x3FA0]  }
0x2a: {  	p0 =	seq.s32 s5, $0x0;
	s5 =	sld [smem:$0x3FA1]  }
0x2b: {  	s6 =	sld [smem:$0x3FA2]  }
0x2c: {  	s7 =	sld [smem:$0x3FA3]  }
0x2d: {  	s3 =	simm.s32 $0x108;
	s8 =	sld [smem:$0x3FA4]  }
0x2e: {  	s3 =	simm.s32 @!p0 $0x1082;
	s9 =	sld [smem:$0x3FA5]  }
0x2f: {  	lr =	sadd.s32 s0, s3;
	s0 =	sld [smem:$0x3F9C]  }
0x30: {  	s3 =	sld [smem:$0x3F9F]  }
0x31: {  	[smem:$0x3FA8] =	sst s10  }
0x32: {  	s10 =	sld [smem:$0x3FA6];
	_ =	sdelay $0x3  }
0x33: {  	p0 =	seq.s32 s10, $0x1;
	s10 =	sld [smem:$0x3FA8];
	_ =	sdelay $0x3  }
0x34: {  	[smem:$0x3FA8] =	sst s10  }
0x35: {  	s10 =	sld [smem:$0x3FA7];
	_ =	sdelay $0x3  }
0x36: {  	p1 =	seq.s32 s10, $0x1;
	s10 =	sld [smem:$0x3FA8];
	_ =	sdelay $0x3  }
0x37: {  	[smem:$0x3FA8] =	sst s10  }
0x38: {  	s10 =	sld [smem:$0x3FA9]  }
0x39: {  	_ = 	snop;
	(pc) =	sbr.ind lr, $3  }
0x3a: {  	_ = 	snop  }
0x3b: {  	_ = 	snop  }
0x3c: {  	p2 =	seq.s32 s10, $0x1;
	s10 =	sld [smem:$0x3FA8]  }
0x3d: {  	_ =	shalt  }
0x3e: {  	_ =	shalt  }
0x3f: {  	_ =	shalt  }
0x40: {  	_ =	shalt  }
0x41: {  	_ =	shalt  }
0x42: {  	_ =	shalt  }
0x43: {  	_ =	shalt  }
0x44: {  	_ =	shalt  }
0x45: {  	_ =	shalt  }
0x46: {  	_ =	shalt  }
0x47: {  	_ =	shalt  }
0x48: {  	_ =	shalt  }
0x49: {  	_ =	shalt  }
0x4a: {  	_ =	shalt  }
0x4b: {  	_ =	shalt  }
0x4c: {  	_ =	shalt  }
0x4d: {  	_ =	shalt  }
0x4e: {  	_ =	shalt  }
0x4f: {  	_ =	shalt  }
0x50: {  	_ =	shalt  }
0x51: {  	_ =	shalt  }
0x52: {  	_ =	shalt  }
0x53: {  	_ =	shalt  }
0x54: {  	_ =	shalt  }
0x55: {  	_ =	shalt  }
0x56: {  	_ =	shalt  }
0x57: {  	_ =	shalt  }
0x58: {  	_ =	shalt  }
0x59: {  	_ =	shalt  }
0x5a: {  	_ =	shalt  }
0x5b: {  	_ =	shalt  }
0x5c: {  	_ =	shalt  }
0x5d: {  	_ =	shalt  }
0x5e: {  	_ =	shalt  }
0x5f: {  	_ =	shalt  }
0x60: {  	_ =	shalt  }
0x61: {  	_ =	shalt  }
0x62: {  	_ =	shalt  }
0x63: {  	_ =	shalt  }
0x64: {  	_ =	shalt  }
0x65: {  	_ =	shalt  }
0x66: {  	_ =	shalt  }
0x67: {  	_ =	shalt  }
0x68: {  	_ =	shalt  }
0x69: {  	_ =	shalt  }
0x6a: {  	_ =	shalt  }
0x6b: {  	_ =	shalt  }
0x6c: {  	_ =	shalt  }
0x6d: {  	_ =	shalt  }
0x6e: {  	_ =	shalt  }
0x6f: {  	_ =	shalt  }
0x70: {  	_ =	shalt  }
0x71: {  	_ =	shalt  }
0x72: {  	_ =	shalt  }
0x73: {  	_ =	shalt  }
0x74: {  	_ =	shalt  }
0x75: {  	_ =	shalt  }
0x76: {  	_ =	shalt  }
0x77: {  	_ =	shalt  }
0x78: {  	_ =	shalt  }
0x79: {  	_ =	shalt  }
0x7a: {  	_ =	shalt  }
0x7b: {  	_ =	shalt  }
0x7c: {  	_ =	shalt  }
0x7d: {  	_ =	shalt  }
0x7e: {  	_ =	shalt  }
0x7f: {  	_ =	shalt  }
0x80: {  	_ =	shalt  }
0x81: {  	_ =	shalt  }
0x82: {  	_ =	shalt  }
0x83: {  	_ =	shalt  }
0x84: {  	_ =	shalt  }
0x85: {  	_ =	shalt  }
0x86: {  	_ =	shalt  }
0x87: {  	_ =	shalt  }
.Lfunc_end0:
.L_simem_size_0:
called_computation.5_lowered:
.L_overlay_start_0:
0x88: {  	s2 =	sld [smem:$0x3FD9]  }
0x89: {  	s3 =	sld [smem:$0x3FFE];
	_ =	sdelay $0x1  }
0x8a: {  	s1 =	srdreg.scid  }
0x8b: {  	s0 =	sand.u32 $0x1, s1  }
0x8c: {  	s16 =	sshll.u32 s0, $0xA;
	s2 =	sadd.s32 s3, s2  }
0x8d: {  	s2 =	sadd.s32 s2, s16  }
0x8e: {  	[smem:$0x3FB4] =	sst s2  }
0x8f: {  	_ = 	snop  }
0x90: {  	(tm) =	ssettm $0x1  }
0x91: {  	s17 =	sld [smem:$0x3FFB];
	_ =	sdelay $0x3  }
0x92: {  	_ =	strace s17  }
0x93: {  	s2 =	sld [smem:$0x3FFC];
	_ =	sdelay $0x3  }
0x94: {  	_ =	strace s2  }
0x95: {  	s2 =	sld [smem:$0x3FFD];
	_ =	sdelay $0x3  }
0x96: {  	_ =	strace s2  }
0x97: {  	_ =	strace $0x8FFFFFFF  }
0x98: {  	s18 =	sld [smem:$0x3FDB];
	_ =	sdelay $0x1  }
0x99: {  	s19 =	simm.s32 $_scs_section_size  }
0x9a: {  	s4 =	simm.s32 $_size__tile_overlayer_lowered;
	s5 =	simm.s32 $_tile_overlayer_lowered  }
0x9b: {  	s22 =	simm.s32 $0x1BFF;
	s21 =	sshll.u32 s5, $0x1;
	s2 =	sadd.s32 s19, s18  }
0x9c: {  	s6 =	simm.s32 $0x0;
	s20 =	sshll.u32 s4, $0x1;
	s4 =	sadd.s32 s21, s2  }
0x9d: {  	[timem:s6], [sflag:s22] =	dma.local [hbm:s4], s20  }
0x9e: {  	_ =	swait.ge [sflag:s22], s20  }
0x9f: {  	s3 =	ssub.s32 $0x0, s20;
	[sflag:s22] =	ssyncset.done $0x0  }
0xa0: {  	[sflag:s22] =	ssyncadd.s32 s3;
	_ =	sdelay $0x1  }
0xa1: {  	s23 =	simm.s32 $0x1B8B  }
0xa2: {  	_ =	swait.ge [sflag:s23], $0x1  }
0xa3: {  	[sflag:s23] =	ssyncset.done $0x0  }
0xa4: {  	s25 =	simm.s32 $0x1B8E;
	s24 =	sld [smem:$0x3FFE];
	[sflag:s23] =	ssyncadd.s32 $0xFFFFFFFF  }
0xa5: {  	s26 =	simm.s32 $execute0_lowered;
	[smem:$0x3FD2] =	sst s25  }
0xa6: {  	s4 =	sshll.u32 s26, $0x1;
	_ =	strace $0x80000055;
	[dreg:$0x1] =	wrdreg $0xFFFFFFFF  }
0xa7: {  	s28 =	simm.s32 $_size_execute0_lowered;
	s2 =	sadd.s32 s2, s4;
	[dreg:$0x0] =	wrdreg $0x0  }
0xa8: {  	s4 =	sshll.u32 s28, $0x1;
	[dreg:$0x2] =	wrdreg s2  }
0xa9: {  	[dreg:$0x3] =	wrdreg s4  }
0xaa: {  	[dreg:$0x4] =	wrdreg $0xC0  }
0xab: {  	_ =	task [dreg:s6], $0x5FFFF  }
0xac: {  	[dreg:$0x1] =	wrdreg $0xFFFFFFFF  }
0xad: {  	[dreg:$0x0] =	wrdreg $0x60  }
0xae: {  	[dreg:$0x2] =	wrdreg s24  }
0xaf: {  	[dreg:$0x3] =	wrdreg $0x9  }
0xb0: {  	_ =	task.clear_ibuf [dreg:s6], $0x4FFFF;
	_ =	strace $0x90000055  }
0xb1: {  	s29 =	simm.s32 $0x9;
	_ =	strace $0x80000057  }
0xb2: {  	_ =	swait.ge [sflag:s29], $0x1  }
0xb3: {  	[sflag:s29] =	ssyncadd.s32 $0xFFFFFFFF  }
0xb4: {  	_ =	strace $0x90000057  }
0xb5: {  	_ =	sfence  }
0xb6: {  	s30 =	sld [smem:$0x0];
	_ =	sdelay $0x2  }
0xb7: {  	s31 =	sshll.u32 s1, $0xD;
	s1 =	sshrl.u32 s1, $0x2  }
0xb8: {  	s3 =	sand.u32 $0x4000, s31;
	s1 =	sadd.s32 s1, s30  }
0xb9: {  	s0 =	sor.u32 s3, s0;
	s1 =	sshll.u32 s1, $0x11  }
0xba: {  	s0 =	sor.u32 s1, s0  }
0xbb: {  	s0 =	sadd.s32 $0x8F2B, s0  }
0xbc: {  	[sflag:s0] =	ssyncadd.remote.s32 $0x1  }
0xbd: {  	_ =	sfence.sel $0xFFFF  }
0xbe: {  	[dreg:$0x0] =	wrdreg $0xFFFFFFFF;
	(pc) =	sbr.abs _section_cstart, $3  }
0xbf: {  	[dreg:$0x1] =	wrdreg $0xFFFFFFFF  }
0xc0: {  	_ =	task.clear_ibuf [dreg:s6], $0x2FFFF;
	_ =	strace $0x9FFFFFFF  }
0xc1: {  	(tm) =	ssettm $0x7FFFFFFF  }
tec
execute0_lowered:
.L_overlay_start_1:
0x0: {  	(tag) =	ssettag $0x1  }
0x1: {  	s0 =	srdreg.scid  }
0x2: {  	s6 =	rddreg [dreg:$0x0];
	s1 =	stileid.u32;
	s2 =	simm.s32 $0x0  }
0x3: {  	s11 =	simm.s32 $0x7800;
	s12 =	simm.s32 $0x2800;
	s5 =	sand.u32 $0x1, s0  }
0x4: {  	s13 =	simm.s32 $0x80;
	s14 =	simm.s32 $0x400;
	s3 =	sshll.u32 s5, $0x4  }
0x5: {  	s15 =	simm.s32 $0x0;
	s0 =	rddreg [dreg:$0x1];
	s4 =	sor.u32 s1, s3  }
0x6: {  	[smem:$0x7FF] =	sst s2;
	s8 =	sshll.u32 s1, $0x7;
	s3 =	sshrl.u32 s4, $0x3  }
0x7: {  	_ =	strace $0x80000056;
	s31 =	ssub.s32 $0x2, s5;
	s7 =	smul.u32 $0x14000, s3  }
0x8: {  	s8 =	sand.u32 $0x380, s8;
	s10 =	sshrl.u32 s31, $0x1;
	s9 =	smul.u32 $0x500, s4  }
0x9: {  	s4 =	sadd.s32 $0x14600, s6;
	s3 =	sadd.s32 $0x14000, s6;
	s7 =	sor.u32 s8, s7  }
0xa: {  	s5 =	sadd.s32 s6, s9;
	s9 =	simm.s32 $0x1;
	s7 =	sshrl.u32 s7, $0x3  }
0xb: {  	s8 =	ssub.s32 s31, s10;
	s10 =	simm.s32 $0x5000;
	s7 =	sadd.s32 s7, s6  }
0xc: {  	s8 =	smax.u32 s8, $0x1;
	s6 =	sadd.s32 $0xA000, s5;
	s7 =	sadd.s32 $0x14C00, s7  }
.LBB2_1:
0xd: {  	[tilespmem:s2], [sflag:$0x1] =	stream.linear.gather [hbm4b:s3+s2], $0x2800, $0x38;
	[tilespmem:$0xA000] =	vst v63  }
0xe: {  	_ =	swait.ge [sflag:s9], $0x2800  }
0xf: {  	[sflag:s9] =	ssyncset.done $0x0  }
0x10: {  	[sflag:s9] =	ssyncadd.s32 $0xFFFFD800  }
0x11: {  	[tilespmem:s10], [sflag:$0x1] =	stream.linear.gather [hbm4b:s5+s2], $0x2800, $0x38;
	[tilespmem:$0xA000] =	vst v63  }
0x12: {  	_ =	swait.ge [sflag:s9], $0x2800  }
0x13: {  	[sflag:s9] =	ssyncset.done $0x0  }
0x14: {  	[sflag:s9] =	ssyncadd.s32 $0xFFFFD800  }
0x15: {  	[tilespmem:s11], [sflag:$0x1] =	stream.linear.gather [hbm4b:s6+s2], $0x2800, $0x38;
	[tilespmem:$0xA000] =	vst v63  }
0x16: {  	_ =	swait.ge [sflag:s9], $0x2800  }
0x17: {  	[sflag:s9] =	ssyncset.done $0x0  }
0x18: {  	[sflag:s9] =	ssyncadd.s32 $0xFFFFD800  }
0x19: {  	[tilespmem:s12], [sflag:$0x1] =	stream.linear.gather [hbm4b:s4+s2], $0x2800, $0x38;
	[tilespmem:$0xA000] =	vst v63  }
0x1a: {  	_ =	swait.ge [sflag:s9], $0x2800  }
0x1b: {  	[sflag:s9] =	ssyncset.done $0x0  }
0x1c: {  	s17 =	simm.s32 $0x0;
	s16 =	simm.s32 $0x40;
	[sflag:s9] =	ssyncadd.s32 $0xFFFFD800  }
.LBB2_2:
0x1d: {  	p0 =	sne.s32 s16, $0x9FC0;
	v0 =	vld [tilespmem:s17+$0x5000];
	_ =	sdelay $0x5  }
0x1e: {  	v1 =	vld [tilespmem:s17+$0x7800];
	_ =	sdelay $0x1  }
0x1f: {  	v0 =	vld.idx.msk [tilespmem:v0+s2+$0x0], $0xffff;
	_ =	sdelay $0x1  }
.Ltmp0:
0x20: {  	(pc) =	sbr.rel @p0 .LBB2_2-.Ltmp0, $2  }
0x21: {  	_ =	sdelay $0x2  }
0x22: {  	s17 =	sshra.s32 s16, $0x2;
	s16 =	sadd.s32 $0x40, s16;
	[tilespmem:v1+s12+$0x0] =	vst.idx.add.f32.msk $0xffff, v0  }
0x23: {  	v0 =	vld [tilespmem:s17+$0x5000];
	_ =	sdelay $0x4  }
0x24: {  	v1 =	vld [tilespmem:s17+$0x7800];
	_ =	sdelay $0x2  }
0x25: {  	v0 =	vld.idx.msk [tilespmem:v0+s2+$0x0], $0xffff;
	_ =	sdelay $0x2  }
0x26: {  	s15 =	sadd.s32 $0x1, s15  }
0x27: {  	p0 =	sne.s32 s15, s8  }
.Ltmp1:
0x28: {  	[tilespmem:v1+s12+$0x0] =	vst.idx.add.f32.msk $0xffff, v0;
	(pc) =	sbr.rel @p0 .LBB2_1-.Ltmp1, $4  }
0x29: {  	[hbm4b:s7+s13] =	stream.strided.scatter [tilespmem:s12], [sflag:$0x1], $0x2800, s14, s13, $0x38;
	[tilespmem:$0xA000] =	vst v63  }
0x2a: {  	_ =	swait.ge [sflag:s9], $0x2800  }
0x2b: {  	[sflag:s9] =	ssyncset.done $0x0  }
0x2c: {  	[sflag:s9] =	ssyncadd.s32 $0xFFFFD800  }
0x2d: {  	_ =	sfence.sel $0x180000  }
0x2e: {  	[bflag:$0x0] =	sbarrier.arrive $0xFFFF  }
0x2f: {  	p0 =	sne.s32 s1, $0x0;
	_ =	strace $0x90000056  }
0x30: {  	s0 =	sadd.s32 @!p0 $0x100000, s0;
	[bflag:$0x2] =	sbarrier.arrive $0xFFFF  }
0x31: {  	[sflag:s0] =	ssyncadd.tile.s32 @!p0 $0x1;
	_ =	shalt  }
.Lfunc_end2:
_tile_overlayer_lowered:
.L_overlay_start_2:
0x32: {  	(tag) =	ssettag $0x2  }
0x33: {  	s0 =	rddreg [dreg:$0x0];
	s2 =	stileid.u32  }
0x34: {  	s1 =	rddreg [dreg:$0x1];
	p0 =	sne.s32 s2, $0x0  }
0x35: {  	s3 =	rddreg [dreg:$0x2];
	[bflag:$0x3] =	sbarrier.arrive $0xFFFF;
	s2 =	simm.s32 @!p0 $0x1C01  }
0x36: {  	[timem:s3], [sflag:s2] =	dma.local @!p0 [hbm:s0], s1  }
0x37: {  	s0 =	simm.s32 @!p0 $0x1  }
0x38: {  	_ =	swait.ge @!p0 [sflag:s0], s1  }
0x39: {  	s1 =	ssub.s32 @!p0 $0x0, s1;
	[sflag:s0] =	ssyncset.done @!p0 $0x0  }
0x3a: {  	[sflag:s0] =	ssyncadd.s32 @!p0 s1  }
0x3b: {  	[bflag:$0x3] =	sbarrier.arrive $0xFFFF  }
0x3c: {  	_ =	shalt  }

// kernel: kernel.30.cloned.1.call-start
scs
__scs_entry_jumppad:
0x0: {  	(pc) =	sbr.rel $0x88, $3  }
0x1: {  	(tag) =	ssettag $0x0;
	lr =	simm.s32 $0x1  }
0x2: {  	[smem:$0x3F8D] =	sst lr;
	_ =	strace $0xD0000000  }
0x3: {  	_ = 	snop  }
0x4: {  	_ = 	snop  }
0x5: {  	_ = 	snop  }
0x6: {  	_ = 	snop  }
0x7: {  	_ = 	snop  }
__scs_overlays_trampoline_lowered:
0x8: {  	[smem:$0x3F9C] =	sst s0  }
0x9: {  	[smem:$0x3F9D] =	sst s1  }
0xa: {  	[smem:$0x3F9E] =	sst s2  }
0xb: {  	[smem:$0x3F9F] =	sst s3  }
0xc: {  	[smem:$0x3FA0] =	sst s4  }
0xd: {  	[smem:$0x3FA1] =	sst s5  }
0xe: {  	[smem:$0x3FA2] =	sst s6  }
0xf: {  	[smem:$0x3FA3] =	sst s7  }
0x10: {  	[smem:$0x3FA4] =	sst s8  }
0x11: {  	[smem:$0x3FA5] =	sst s9;
	s0 =	simm.s32 @!p0 $0x0  }
0x12: {  	s1 =	sld [smem:$0x3F8B];
	s0 =	simm.s32 @p0 $0x1  }
0x13: {  	[smem:$0x3FA6] =	sst s0;
	s0 =	simm.s32 @!p1 $0x0  }
0x14: {  	s2 =	sld [smem:$0x3F8A];
	s0 =	simm.s32 @p1 $0x1  }
0x15: {  	[smem:$0x3FA7] =	sst s0;
	s0 =	simm.s32 @!p2 $0x0  }
0x16: {  	s3 =	sld [smem:$0x3FDB];
	s0 =	simm.s32 @p2 $0x1  }
0x17: {  	s4 =	simm.s32 $0x1BF5;
	[smem:$0x3FA9] =	sst s0  }
0x18: {  	s0 =	sld [smem:$0x3F8C];
	_ =	swait.ge [sflag:s4], $0x0  }
0x19: {  	s7 =	sld [smem:$0x3F8D]  }
0x1a: {  	s8 =	sadd.s32 $0xFFFFE003, lr  }
0x1b: {  	s9 =	sadd.s32 $0xFFFFFEF7, lr;
	s5 =	simm.s32 $0xFFFFFFFF;
	p2 =	slt.u32 s8, $0xFFFFF086  }
0x1c: {  	p1 =	slt.u32 s9, $0xF7A;
	s5 =	simm.s32 @!p2 $0x0  }
0x1d: {  	s5 =	simm.s32 @p1 $0x1;
	p0 =	seq.s32 s7, s2  }
0x1e: {  	s7 =	smul.u32 @!p0 $0xF7A, s2;
	p2 =	seq.s32 @!p0 s5, $0x0  }
0x1f: {  	s9 =	smul.u32 $0xF7A, s1;
	s8 =	simm.s32 @!p0 $0x1BF5;
	p2 =	por !p2, p0  }
0x20: {  	[sflag:s8] =	ssyncset.s32 @!p0 $0xFFFFF086;
	s6 =	sadd.s32 @!p0 s3, s7;
	s7 =	simm.s32 @!p0 $0x108  }
0x21: {  	s3 =	sadd.s32 s3, s9;
	s6 =	sadd.s32 @!p0 $0x88, s6;
	s7 =	simm.s32 @p2 $0x1082  }
0x22: {  	[simem:s7], [sflag:s8] =	dma.local @!p0 [hbm:s6], $0xF7A  }
0x23: {  	s9 =	sor.u32 $0xD0000000, s2;
	s6 =	simm.s32 $0x108;
	_ =	swait.ge @!p0 [sflag:s8], $0x0  }
0x24: {  	s3 =	sadd.s32 $0x88, s3;
	s6 =	simm.s32 @!p1 $0x1082;
	[sflag:s4] =	ssyncset.s32 $0xFFFFF086  }
0x25: {  	[simem:s6], [sflag:s4] =	dma.local [hbm:s3], $0xF7A  }
0x26: {  	[smem:$0x3F8D] =	sst s1;
	(tag) =	ssettag s2;
	_ =	strace s9  }
0x27: {  	s1 =	sld [smem:$0x3F9D]  }
0x28: {  	s2 =	sld [smem:$0x3F9E]  }
0x29: {  	s4 =	sld [smem:$0x3FA0]  }
0x2a: {  	p0 =	seq.s32 s5, $0x0;
	s5 =	sld [smem:$0x3FA1]  }
0x2b: {  	s6 =	sld [smem:$0x3FA2]  }
0x2c: {  	s7 =	sld [smem:$0x3FA3]  }
0x2d: {  	s3 =	simm.s32 $0x108;
	s8 =	sld [smem:$0x3FA4]  }
0x2e: {  	s3 =	simm.s32 @!p0 $0x1082;
	s9 =	sld [smem:$0x3FA5]  }
0x2f: {  	lr =	sadd.s32 s0, s3;
	s0 =	sld [smem:$0x3F9C]  }
0x30: {  	s3 =	sld [smem:$0x3F9F]  }
0x31: {  	[smem:$0x3FA8] =	sst s10  }
0x32: {  	s10 =	sld [smem:$0x3FA6];
	_ =	sdelay $0x3  }
0x33: {  	p0 =	seq.s32 s10, $0x1;
	s10 =	sld [smem:$0x3FA8];
	_ =	sdelay $0x3  }
0x34: {  	[smem:$0x3FA8] =	sst s10  }
0x35: {  	s10 =	sld [smem:$0x3FA7];
	_ =	sdelay $0x3  }
0x36: {  	p1 =	seq.s32 s10, $0x1;
	s10 =	sld [smem:$0x3FA8];
	_ =	sdelay $0x3  }
0x37: {  	[smem:$0x3FA8] =	sst s10  }
0x38: {  	s10 =	sld [smem:$0x3FA9]  }
0x39: {  	_ = 	snop;
	(pc) =	sbr.ind lr, $3  }
0x3a: {  	_ = 	snop  }
0x3b: {  	_ = 	snop  }
0x3c: {  	p2 =	seq.s32 s10, $0x1;
	s10 =	sld [smem:$0x3FA8]  }
0x3d: {  	_ =	shalt  }
0x3e: {  	_ =	shalt  }
0x3f: {  	_ =	shalt  }
0x40: {  	_ =	shalt  }
0x41: {  	_ =	shalt  }
0x42: {  	_ =	shalt  }
0x43: {  	_ =	shalt  }
0x44: {  	_ =	shalt  }
0x45: {  	_ =	shalt  }
0x46: {  	_ =	shalt  }
0x47: {  	_ =	shalt  }
0x48: {  	_ =	shalt  }
0x49: {  	_ =	shalt  }
0x4a: {  	_ =	shalt  }
0x4b: {  	_ =	shalt  }
0x4c: {  	_ =	shalt  }
0x4d: {  	_ =	shalt  }
0x4e: {  	_ =	shalt  }
0x4f: {  	_ =	shalt  }
0x50: {  	_ =	shalt  }
0x51: {  	_ =	shalt  }
0x52: {  	_ =	shalt  }
0x53: {  	_ =	shalt  }
0x54: {  	_ =	shalt  }
0x55: {  	_ =	shalt  }
0x56: {  	_ =	shalt  }
0x57: {  	_ =	shalt  }
0x58: {  	_ =	shalt  }
0x59: {  	_ =	shalt  }
0x5a: {  	_ =	shalt  }
0x5b: {  	_ =	shalt  }
0x5c: {  	_ =	shalt  }
0x5d: {  	_ =	shalt  }
0x5e: {  	_ =	shalt  }
0x5f: {  	_ =	shalt  }
0x60: {  	_ =	shalt  }
0x61: {  	_ =	shalt  }
0x62: {  	_ =	shalt  }
0x63: {  	_ =	shalt  }
0x64: {  	_ =	shalt  }
0x65: {  	_ =	shalt  }
0x66: {  	_ =	shalt  }
0x67: {  	_ =	shalt  }
0x68: {  	_ =	shalt  }
0x69: {  	_ =	shalt  }
0x6a: {  	_ =	shalt  }
0x6b: {  	_ =	shalt  }
0x6c: {  	_ =	shalt  }
0x6d: {  	_ =	shalt  }
0x6e: {  	_ =	shalt  }
0x6f: {  	_ =	shalt  }
0x70: {  	_ =	shalt  }
0x71: {  	_ =	shalt  }
0x72: {  	_ =	shalt  }
0x73: {  	_ =	shalt  }
0x74: {  	_ =	shalt  }
0x75: {  	_ =	shalt  }
0x76: {  	_ =	shalt  }
0x77: {  	_ =	shalt  }
0x78: {  	_ =	shalt  }
0x79: {  	_ =	shalt  }
0x7a: {  	_ =	shalt  }
0x7b: {  	_ =	shalt  }
0x7c: {  	_ =	shalt  }
0x7d: {  	_ =	shalt  }
0x7e: {  	_ =	shalt  }
0x7f: {  	_ =	shalt  }
0x80: {  	_ =	shalt  }
0x81: {  	_ =	shalt  }
0x82: {  	_ =	shalt  }
0x83: {  	_ =	shalt  }
0x84: {  	_ =	shalt  }
0x85: {  	_ =	shalt  }
0x86: {  	_ =	shalt  }
0x87: {  	_ =	shalt  }
.Lfunc_end0:
.L_simem_size_0:
called_computation.6_lowered:
.L_overlay_start_0:
0x88: {  	s2 =	sld [smem:$0x3FD9]  }
0x89: {  	s3 =	sld [smem:$0x3FFE];
	_ =	sdelay $0x1  }
0x8a: {  	s1 =	srdreg.scid  }
0x8b: {  	s0 =	sand.u32 $0x1, s1  }
0x8c: {  	s16 =	sshll.u32 s0, $0xA;
	s2 =	sadd.s32 s3, s2  }
0x8d: {  	s2 =	sadd.s32 s2, s16  }
0x8e: {  	[smem:$0x3FB4] =	sst s2  }
0x8f: {  	_ = 	snop  }
0x90: {  	(tm) =	ssettm $0x1  }
0x91: {  	s17 =	sld [smem:$0x3FFB];
	_ =	sdelay $0x3  }
0x92: {  	_ =	strace s17  }
0x93: {  	s2 =	sld [smem:$0x3FFC];
	_ =	sdelay $0x3  }
0x94: {  	_ =	strace s2  }
0x95: {  	s2 =	sld [smem:$0x3FFD];
	_ =	sdelay $0x3  }
0x96: {  	_ =	strace s2  }
0x97: {  	_ =	strace $0x8FFFFFFF  }
0x98: {  	s18 =	sld [smem:$0x3FDB];
	_ =	sdelay $0x1  }
0x99: {  	s19 =	simm.s32 $_scs_section_size  }
0x9a: {  	s4 =	simm.s32 $_size__tile_overlayer_lowered;
	s5 =	simm.s32 $_tile_overlayer_lowered  }
0x9b: {  	s22 =	simm.s32 $0x1BFF;
	s21 =	sshll.u32 s5, $0x1;
	s2 =	sadd.s32 s19, s18  }
0x9c: {  	s6 =	simm.s32 $0x0;
	s20 =	sshll.u32 s4, $0x1;
	s4 =	sadd.s32 s21, s2  }
0x9d: {  	[timem:s6], [sflag:s22] =	dma.local [hbm:s4], s20  }
0x9e: {  	_ =	swait.ge [sflag:s22], s20  }
0x9f: {  	s3 =	ssub.s32 $0x0, s20;
	[sflag:s22] =	ssyncset.done $0x0  }
0xa0: {  	[sflag:s22] =	ssyncadd.s32 s3;
	_ =	sdelay $0x1  }
0xa1: {  	s23 =	simm.s32 $0x1B8B  }
0xa2: {  	_ =	swait.ge [sflag:s23], $0x1  }
0xa3: {  	[sflag:s23] =	ssyncset.done $0x0  }
0xa4: {  	s25 =	simm.s32 $0x1B8E;
	s24 =	sld [smem:$0x3FFE];
	[sflag:s23] =	ssyncadd.s32 $0xFFFFFFFF  }
0xa5: {  	s26 =	simm.s32 $execute0_lowered;
	[smem:$0x3FD2] =	sst s25  }
0xa6: {  	s4 =	sshll.u32 s26, $0x1;
	_ =	strace $0x80000058;
	[dreg:$0x1] =	wrdreg $0xFFFFFFFF  }
0xa7: {  	s28 =	simm.s32 $_size_execute0_lowered;
	s2 =	sadd.s32 s2, s4;
	[dreg:$0x0] =	wrdreg $0x0  }
0xa8: {  	s4 =	sshll.u32 s28, $0x1;
	[dreg:$0x2] =	wrdreg s2  }
0xa9: {  	[dreg:$0x3] =	wrdreg s4  }
0xaa: {  	[dreg:$0x4] =	wrdreg $0xC0  }
0xab: {  	_ =	task [dreg:s6], $0x5FFFF  }
0xac: {  	[dreg:$0x1] =	wrdreg $0xFFFFFFFF  }
0xad: {  	[dreg:$0x0] =	wrdreg $0x60  }
0xae: {  	[dreg:$0x2] =	wrdreg s24  }
0xaf: {  	[dreg:$0x3] =	wrdreg $0x9  }
0xb0: {  	_ =	task.clear_ibuf [dreg:s6], $0x4FFFF;
	_ =	strace $0x90000058  }
0xb1: {  	s29 =	simm.s32 $0x9;
	_ =	strace $0x8000005A  }
0xb2: {  	_ =	swait.ge [sflag:s29], $0x1  }
0xb3: {  	[sflag:s29] =	ssyncadd.s32 $0xFFFFFFFF  }
0xb4: {  	_ =	strace $0x9000005A  }
0xb5: {  	_ =	sfence  }
0xb6: {  	s30 =	sld [smem:$0x0];
	_ =	sdelay $0x2  }
0xb7: {  	s31 =	sshll.u32 s1, $0xD;
	s1 =	sshrl.u32 s1, $0x2  }
0xb8: {  	s3 =	sand.u32 $0x4000, s31;
	s1 =	sadd.s32 s1, s30  }
0xb9: {  	s0 =	sor.u32 s3, s0;
	s1 =	sshll.u32 s1, $0x11  }
0xba: {  	s0 =	sor.u32 s1, s0  }
0xbb: {  	s0 =	sadd.s32 $0x8F2B, s0  }
0xbc: {  	[sflag:s0] =	ssyncadd.remote.s32 $0x1  }
0xbd: {  	_ =	sfence.sel $0xFFFF  }
0xbe: {  	[dreg:$0x0] =	wrdreg $0xFFFFFFFF;
	(pc) =	sbr.abs _section_cstart, $3  }
0xbf: {  	[dreg:$0x1] =	wrdreg $0xFFFFFFFF  }
0xc0: {  	_ =	task.clear_ibuf [dreg:s6], $0x2FFFF;
	_ =	strace $0x9FFFFFFF  }
0xc1: {  	(tm) =	ssettm $0x7FFFFFFF  }
tec
execute0_lowered:
.L_overlay_start_1:
0x0: {  	(tag) =	ssettag $0x1  }
0x1: {  	s0 =	srdreg.scid  }
0x2: {  	s6 =	rddreg [dreg:$0x0];
	s1 =	stileid.u32;
	s2 =	simm.s32 $0x0  }
0x3: {  	s11 =	simm.s32 $0x7800;
	s12 =	simm.s32 $0x2800;
	s5 =	sand.u32 $0x1, s0  }
0x4: {  	s13 =	simm.s32 $0x80;
	s14 =	simm.s32 $0x400;
	s3 =	sshll.u32 s5, $0x4  }
0x5: {  	s15 =	simm.s32 $0x0;
	s0 =	rddreg [dreg:$0x1];
	s4 =	sor.u32 s1, s3  }
0x6: {  	[smem:$0x7FF] =	sst s2;
	s8 =	sshll.u32 s1, $0x7;
	s3 =	sshrl.u32 s4, $0x3  }
0x7: {  	_ =	strace $0x80000059;
	s31 =	ssub.s32 $0x2, s5;
	s7 =	smul.u32 $0x14000, s3  }
0x8: {  	s8 =	sand.u32 $0x380, s8;
	s10 =	sshrl.u32 s31, $0x1;
	s9 =	smul.u32 $0x500, s4  }
0x9: {  	s4 =	sadd.s32 $0x14600, s6;
	s3 =	sadd.s32 $0x14000, s6;
	s7 =	sor.u32 s8, s7  }
0xa: {  	s5 =	sadd.s32 s6, s9;
	s9 =	simm.s32 $0x1;
	s7 =	sshrl.u32 s7, $0x3  }
0xb: {  	s8 =	ssub.s32 s31, s10;
	s10 =	simm.s32 $0x5000;
	s7 =	sadd.s32 s7, s6  }
0xc: {  	s8 =	smax.u32 s8, $0x1;
	s6 =	sadd.s32 $0xA000, s5;
	s7 =	sadd.s32 $0x14C00, s7  }
.LBB2_1:
0xd: {  	[tilespmem:s2], [sflag:$0x1] =	stream.linear.gather [hbm4b:s3+s2], $0x2800, $0x38;
	[tilespmem:$0xA000] =	vst v63  }
0xe: {  	_ =	swait.ge [sflag:s9], $0x2800  }
0xf: {  	[sflag:s9] =	ssyncset.done $0x0  }
0x10: {  	[sflag:s9] =	ssyncadd.s32 $0xFFFFD800  }
0x11: {  	[tilespmem:s10], [sflag:$0x1] =	stream.linear.gather [hbm4b:s5+s2], $0x2800, $0x38;
	[tilespmem:$0xA000] =	vst v63  }
0x12: {  	_ =	swait.ge [sflag:s9], $0x2800  }
0x13: {  	[sflag:s9] =	ssyncset.done $0x0  }
0x14: {  	[sflag:s9] =	ssyncadd.s32 $0xFFFFD800  }
0x15: {  	[tilespmem:s11], [sflag:$0x1] =	stream.linear.gather [hbm4b:s6+s2], $0x2800, $0x38;
	[tilespmem:$0xA000] =	vst v63  }
0x16: {  	_ =	swait.ge [sflag:s9], $0x2800  }
0x17: {  	[sflag:s9] =	ssyncset.done $0x0  }
0x18: {  	[sflag:s9] =	ssyncadd.s32 $0xFFFFD800  }
0x19: {  	[tilespmem:s12], [sflag:$0x1] =	stream.linear.gather [hbm4b:s4+s2], $0x2800, $0x38;
	[tilespmem:$0xA000] =	vst v63  }
0x1a: {  	_ =	swait.ge [sflag:s9], $0x2800  }
0x1b: {  	[sflag:s9] =	ssyncset.done $0x0  }
0x1c: {  	s17 =	simm.s32 $0x0;
	s16 =	simm.s32 $0x40;
	[sflag:s9] =	ssyncadd.s32 $0xFFFFD800  }
.LBB2_2:
0x1d: {  	p0 =	sne.s32 s16, $0x9FC0;
	v0 =	vld [tilespmem:s17+$0x5000];
	_ =	sdelay $0x5  }
0x1e: {  	v1 =	vld [tilespmem:s17+$0x7800];
	_ =	sdelay $0x1  }
0x1f: {  	v0 =	vld.idx.msk [tilespmem:v0+s2+$0x0], $0xffff;
	_ =	sdelay $0x1  }
.Ltmp0:
0x20: {  	(pc) =	sbr.rel @p0 .LBB2_2-.Ltmp0, $2  }
0x21: {  	_ =	sdelay $0x2  }
0x22: {  	s17 =	sshra.s32 s16, $0x2;
	s16 =	sadd.s32 $0x40, s16;
	[tilespmem:v1+s12+$0x0] =	vst.idx.add.f32.msk $0xffff, v0  }
0x23: {  	v0 =	vld [tilespmem:s17+$0x5000];
	_ =	sdelay $0x4  }
0x24: {  	v1 =	vld [tilespmem:s17+$0x7800];
	_ =	sdelay $0x2  }
0x25: {  	v0 =	vld.idx.msk [tilespmem:v0+s2+$0x0], $0xffff;
	_ =	sdelay $0x2  }
0x26: {  	s15 =	sadd.s32 $0x1, s15  }
0x27: {  	p0 =	sne.s32 s15, s8  }
.Ltmp1:
0x28: {  	[tilespmem:v1+s12+$0x0] =	vst.idx.add.f32.msk $0xffff, v0;
	(pc) =	sbr.rel @p0 .LBB2_1-.Ltmp1, $4  }
0x29: {  	[hbm4b:s7+s13] =	stream.strided.scatter [tilespmem:s12], [sflag:$0x1], $0x2800, s14, s13, $0x38;
	[tilespmem:$0xA000] =	vst v63  }
0x2a: {  	_ =	swait.ge [sflag:s9], $0x2800  }
0x2b: {  	[sflag:s9] =	ssyncset.done $0x0  }
0x2c: {  	[sflag:s9] =	ssyncadd.s32 $0xFFFFD800  }
0x2d: {  	_ =	sfence.sel $0x180000  }
0x2e: {  	[bflag:$0x0] =	sbarrier.arrive $0xFFFF  }
0x2f: {  	p0 =	sne.s32 s1, $0x0;
	_ =	strace $0x90000059  }
0x30: {  	s0 =	sadd.s32 @!p0 $0x100000, s0;
	[bflag:$0x2] =	sbarrier.arrive $0xFFFF  }
0x31: {  	[sflag:s0] =	ssyncadd.tile.s32 @!p0 $0x1;
	_ =	shalt  }
.Lfunc_end2:
_tile_overlayer_lowered:
.L_overlay_start_2:
0x32: {  	(tag) =	ssettag $0x2  }
0x33: {  	s0 =	rddreg [dreg:$0x0];
	s2 =	stileid.u32  }
0x34: {  	s1 =	rddreg [dreg:$0x1];
	p0 =	sne.s32 s2, $0x0  }
0x35: {  	s3 =	rddreg [dreg:$0x2];
	[bflag:$0x3] =	sbarrier.arrive $0xFFFF;
	s2 =	simm.s32 @!p0 $0x1C01  }
0x36: {  	[timem:s3], [sflag:s2] =	dma.local @!p0 [hbm:s0], s1  }
0x37: {  	s0 =	simm.s32 @!p0 $0x1  }
0x38: {  	_ =	swait.ge @!p0 [sflag:s0], s1  }
0x39: {  	s1 =	ssub.s32 @!p0 $0x0, s1;
	[sflag:s0] =	ssyncset.done @!p0 $0x0  }
0x3a: {  	[sflag:s0] =	ssyncadd.s32 @!p0 s1  }
0x3b: {  	[bflag:$0x3] =	sbarrier.arrive $0xFFFF  }
0x3c: {  	_ =	shalt  }

// kernel: kernel.33.cloned.1.call-start
scs
__scs_entry_jumppad:
0x0: {  	(pc) =	sbr.rel $0x88, $3  }
0x1: {  	(tag) =	ssettag $0x0;
	lr =	simm.s32 $0x1  }
0x2: {  	[smem:$0x3F8D] =	sst lr;
	_ =	strace $0xD0000000  }
0x3: {  	_ = 	snop  }
0x4: {  	_ = 	snop  }
0x5: {  	_ = 	snop  }
0x6: {  	_ = 	snop  }
0x7: {  	_ = 	snop  }
__scs_overlays_trampoline_lowered:
0x8: {  	[smem:$0x3F9C] =	sst s0  }
0x9: {  	[smem:$0x3F9D] =	sst s1  }
0xa: {  	[smem:$0x3F9E] =	sst s2  }
0xb: {  	[smem:$0x3F9F] =	sst s3  }
0xc: {  	[smem:$0x3FA0] =	sst s4  }
0xd: {  	[smem:$0x3FA1] =	sst s5  }
0xe: {  	[smem:$0x3FA2] =	sst s6  }
0xf: {  	[smem:$0x3FA3] =	sst s7  }
0x10: {  	[smem:$0x3FA4] =	sst s8  }
0x11: {  	[smem:$0x3FA5] =	sst s9;
	s0 =	simm.s32 @!p0 $0x0  }
0x12: {  	s1 =	sld [smem:$0x3F8B];
	s0 =	simm.s32 @p0 $0x1  }
0x13: {  	[smem:$0x3FA6] =	sst s0;
	s0 =	simm.s32 @!p1 $0x0  }
0x14: {  	s2 =	sld [smem:$0x3F8A];
	s0 =	simm.s32 @p1 $0x1  }
0x15: {  	[smem:$0x3FA7] =	sst s0;
	s0 =	simm.s32 @!p2 $0x0  }
0x16: {  	s3 =	sld [smem:$0x3FDB];
	s0 =	simm.s32 @p2 $0x1  }
0x17: {  	s4 =	simm.s32 $0x1BF5;
	[smem:$0x3FA9] =	sst s0  }
0x18: {  	s0 =	sld [smem:$0x3F8C];
	_ =	swait.ge [sflag:s4], $0x0  }
0x19: {  	s7 =	sld [smem:$0x3F8D]  }
0x1a: {  	s8 =	sadd.s32 $0xFFFFE003, lr  }
0x1b: {  	s9 =	sadd.s32 $0xFFFFFEF7, lr;
	s5 =	simm.s32 $0xFFFFFFFF;
	p2 =	slt.u32 s8, $0xFFFFF086  }
0x1c: {  	p1 =	slt.u32 s9, $0xF7A;
	s5 =	simm.s32 @!p2 $0x0  }
0x1d: {  	s5 =	simm.s32 @p1 $0x1;
	p0 =	seq.s32 s7, s2  }
0x1e: {  	s7 =	smul.u32 @!p0 $0xF7A, s2;
	p2 =	seq.s32 @!p0 s5, $0x0  }
0x1f: {  	s9 =	smul.u32 $0xF7A, s1;
	s8 =	simm.s32 @!p0 $0x1BF5;
	p2 =	por !p2, p0  }
0x20: {  	[sflag:s8] =	ssyncset.s32 @!p0 $0xFFFFF086;
	s6 =	sadd.s32 @!p0 s3, s7;
	s7 =	simm.s32 @!p0 $0x108  }
0x21: {  	s3 =	sadd.s32 s3, s9;
	s6 =	sadd.s32 @!p0 $0x88, s6;
	s7 =	simm.s32 @p2 $0x1082  }
0x22: {  	[simem:s7], [sflag:s8] =	dma.local @!p0 [hbm:s6], $0xF7A  }
0x23: {  	s9 =	sor.u32 $0xD0000000, s2;
	s6 =	simm.s32 $0x108;
	_ =	swait.ge @!p0 [sflag:s8], $0x0  }
0x24: {  	s3 =	sadd.s32 $0x88, s3;
	s6 =	simm.s32 @!p1 $0x1082;
	[sflag:s4] =	ssyncset.s32 $0xFFFFF086  }
0x25: {  	[simem:s6], [sflag:s4] =	dma.local [hbm:s3], $0xF7A  }
0x26: {  	[smem:$0x3F8D] =	sst s1;
	(tag) =	ssettag s2;
	_ =	strace s9  }
0x27: {  	s1 =	sld [smem:$0x3F9D]  }
0x28: {  	s2 =	sld [smem:$0x3F9E]  }
0x29: {  	s4 =	sld [smem:$0x3FA0]  }
0x2a: {  	p0 =	seq.s32 s5, $0x0;
	s5 =	sld [smem:$0x3FA1]  }
0x2b: {  	s6 =	sld [smem:$0x3FA2]  }
0x2c: {  	s7 =	sld [smem:$0x3FA3]  }
0x2d: {  	s3 =	simm.s32 $0x108;
	s8 =	sld [smem:$0x3FA4]  }
0x2e: {  	s3 =	simm.s32 @!p0 $0x1082;
	s9 =	sld [smem:$0x3FA5]  }
0x2f: {  	lr =	sadd.s32 s0, s3;
	s0 =	sld [smem:$0x3F9C]  }
0x30: {  	s3 =	sld [smem:$0x3F9F]  }
0x31: {  	[smem:$0x3FA8] =	sst s10  }
0x32: {  	s10 =	sld [smem:$0x3FA6];
	_ =	sdelay $0x3  }
0x33: {  	p0 =	seq.s32 s10, $0x1;
	s10 =	sld [smem:$0x3FA8];
	_ =	sdelay $0x3  }
0x34: {  	[smem:$0x3FA8] =	sst s10  }
0x35: {  	s10 =	sld [smem:$0x3FA7];
	_ =	sdelay $0x3  }
0x36: {  	p1 =	seq.s32 s10, $0x1;
	s10 =	sld [smem:$0x3FA8];
	_ =	sdelay $0x3  }
0x37: {  	[smem:$0x3FA8] =	sst s10  }
0x38: {  	s10 =	sld [smem:$0x3FA9]  }
0x39: {  	_ = 	snop;
	(pc) =	sbr.ind lr, $3  }
0x3a: {  	_ = 	snop  }
0x3b: {  	_ = 	snop  }
0x3c: {  	p2 =	seq.s32 s10, $0x1;
	s10 =	sld [smem:$0x3FA8]  }
0x3d: {  	_ =	shalt  }
0x3e: {  	_ =	shalt  }
0x3f: {  	_ =	shalt  }
0x40: {  	_ =	shalt  }
0x41: {  	_ =	shalt  }
0x42: {  	_ =	shalt  }
0x43: {  	_ =	shalt  }
0x44: {  	_ =	shalt  }
0x45: {  	_ =	shalt  }
0x46: {  	_ =	shalt  }
0x47: {  	_ =	shalt  }
0x48: {  	_ =	shalt  }
0x49: {  	_ =	shalt  }
0x4a: {  	_ =	shalt  }
0x4b: {  	_ =	shalt  }
0x4c: {  	_ =	shalt  }
0x4d: {  	_ =	shalt  }
0x4e: {  	_ =	shalt  }
0x4f: {  	_ =	shalt  }
0x50: {  	_ =	shalt  }
0x51: {  	_ =	shalt  }
0x52: {  	_ =	shalt  }
0x53: {  	_ =	shalt  }
0x54: {  	_ =	shalt  }
0x55: {  	_ =	shalt  }
0x56: {  	_ =	shalt  }
0x57: {  	_ =	shalt  }
0x58: {  	_ =	shalt  }
0x59: {  	_ =	shalt  }
0x5a: {  	_ =	shalt  }
0x5b: {  	_ =	shalt  }
0x5c: {  	_ =	shalt  }
0x5d: {  	_ =	shalt  }
0x5e: {  	_ =	shalt  }
0x5f: {  	_ =	shalt  }
0x60: {  	_ =	shalt  }
0x61: {  	_ =	shalt  }
0x62: {  	_ =	shalt  }
0x63: {  	_ =	shalt  }
0x64: {  	_ =	shalt  }
0x65: {  	_ =	shalt  }
0x66: {  	_ =	shalt  }
0x67: {  	_ =	shalt  }
0x68: {  	_ =	shalt  }
0x69: {  	_ =	shalt  }
0x6a: {  	_ =	shalt  }
0x6b: {  	_ =	shalt  }
0x6c: {  	_ =	shalt  }
0x6d: {  	_ =	shalt  }
0x6e: {  	_ =	shalt  }
0x6f: {  	_ =	shalt  }
0x70: {  	_ =	shalt  }
0x71: {  	_ =	shalt  }
0x72: {  	_ =	shalt  }
0x73: {  	_ =	shalt  }
0x74: {  	_ =	shalt  }
0x75: {  	_ =	shalt  }
0x76: {  	_ =	shalt  }
0x77: {  	_ =	shalt  }
0x78: {  	_ =	shalt  }
0x79: {  	_ =	shalt  }
0x7a: {  	_ =	shalt  }
0x7b: {  	_ =	shalt  }
0x7c: {  	_ =	shalt  }
0x7d: {  	_ =	shalt  }
0x7e: {  	_ =	shalt  }
0x7f: {  	_ =	shalt  }
0x80: {  	_ =	shalt  }
0x81: {  	_ =	shalt  }
0x82: {  	_ =	shalt  }
0x83: {  	_ =	shalt  }
0x84: {  	_ =	shalt  }
0x85: {  	_ =	shalt  }
0x86: {  	_ =	shalt  }
0x87: {  	_ =	shalt  }
.Lfunc_end0:
.L_simem_size_0:
called_computation.7_lowered:
.L_overlay_start_0:
0x88: {  	s2 =	sld [smem:$0x3FD9]  }
0x89: {  	s3 =	sld [smem:$0x3FFE];
	_ =	sdelay $0x1  }
0x8a: {  	s1 =	srdreg.scid  }
0x8b: {  	s0 =	sand.u32 $0x1, s1  }
0x8c: {  	s16 =	sshll.u32 s0, $0xA;
	s2 =	sadd.s32 s3, s2  }
0x8d: {  	s2 =	sadd.s32 s2, s16  }
0x8e: {  	[smem:$0x3FB4] =	sst s2  }
0x8f: {  	_ = 	snop  }
0x90: {  	(tm) =	ssettm $0x1  }
0x91: {  	s17 =	sld [smem:$0x3FFB];
	_ =	sdelay $0x3  }
0x92: {  	_ =	strace s17  }
0x93: {  	s2 =	sld [smem:$0x3FFC];
	_ =	sdelay $0x3  }
0x94: {  	_ =	strace s2  }
0x95: {  	s2 =	sld [smem:$0x3FFD];
	_ =	sdelay $0x3  }
0x96: {  	_ =	strace s2  }
0x97: {  	_ =	strace $0x8FFFFFFF  }
0x98: {  	s18 =	sld [smem:$0x3FDB];
	_ =	sdelay $0x1  }
0x99: {  	s19 =	simm.s32 $_scs_section_size  }
0x9a: {  	s4 =	simm.s32 $_size__tile_overlayer_lowered;
	s5 =	simm.s32 $_tile_overlayer_lowered  }
0x9b: {  	s22 =	simm.s32 $0x1BFF;
	s21 =	sshll.u32 s5, $0x1;
	s2 =	sadd.s32 s19, s18  }
0x9c: {  	s6 =	simm.s32 $0x0;
	s20 =	sshll.u32 s4, $0x1;
	s4 =	sadd.s32 s21, s2  }
0x9d: {  	[timem:s6], [sflag:s22] =	dma.local [hbm:s4], s20  }
0x9e: {  	_ =	swait.ge [sflag:s22], s20  }
0x9f: {  	s3 =	ssub.s32 $0x0, s20;
	[sflag:s22] =	ssyncset.done $0x0  }
0xa0: {  	[sflag:s22] =	ssyncadd.s32 s3;
	_ =	sdelay $0x1  }
0xa1: {  	s23 =	simm.s32 $0x1B8B  }
0xa2: {  	_ =	swait.ge [sflag:s23], $0x1  }
0xa3: {  	[sflag:s23] =	ssyncset.done $0x0  }
0xa4: {  	s25 =	simm.s32 $0x1B8E;
	s24 =	sld [smem:$0x3FFE];
	[sflag:s23] =	ssyncadd.s32 $0xFFFFFFFF  }
0xa5: {  	s26 =	simm.s32 $execute0_lowered;
	[smem:$0x3FD2] =	sst s25  }
0xa6: {  	s4 =	sshll.u32 s26, $0x1;
	_ =	strace $0x8000005B;
	[dreg:$0x1] =	wrdreg $0xFFFFFFFF  }
0xa7: {  	s28 =	simm.s32 $_size_execute0_lowered;
	s2 =	sadd.s32 s2, s4;
	[dreg:$0x0] =	wrdreg $0x0  }
0xa8: {  	s4 =	sshll.u32 s28, $0x1;
	[dreg:$0x2] =	wrdreg s2  }
0xa9: {  	[dreg:$0x3] =	wrdreg s4  }
0xaa: {  	[dreg:$0x4] =	wrdreg $0xC0  }
0xab: {  	_ =	task [dreg:s6], $0x5FFFF  }
0xac: {  	[dreg:$0x1] =	wrdreg $0xFFFFFFFF  }
0xad: {  	[dreg:$0x0] =	wrdreg $0x60  }
0xae: {  	[dreg:$0x2] =	wrdreg s24  }
0xaf: {  	[dreg:$0x3] =	wrdreg $0x82000  }
0xb0: {  	[dreg:$0x4] =	wrdreg $0x9  }
0xb1: {  	_ =	task.clear_ibuf [dreg:s6], $0x5FFFF;
	_ =	strace $0x9000005B  }
0xb2: {  	s29 =	simm.s32 $0x9;
	_ =	strace $0x8000005D  }
0xb3: {  	_ =	swait.ge [sflag:s29], $0x1  }
0xb4: {  	[sflag:s29] =	ssyncadd.s32 $0xFFFFFFFF  }
0xb5: {  	_ =	strace $0x9000005D  }
0xb6: {  	_ =	sfence  }
0xb7: {  	s30 =	sld [smem:$0x0];
	_ =	sdelay $0x2  }
0xb8: {  	s31 =	sshll.u32 s1, $0xD;
	s1 =	sshrl.u32 s1, $0x2  }
0xb9: {  	s3 =	sand.u32 $0x4000, s31;
	s1 =	sadd.s32 s1, s30  }
0xba: {  	s0 =	sor.u32 s3, s0;
	s1 =	sshll.u32 s1, $0x11  }
0xbb: {  	s0 =	sor.u32 s1, s0  }
0xbc: {  	s0 =	sadd.s32 $0x8F2B, s0  }
0xbd: {  	[sflag:s0] =	ssyncadd.remote.s32 $0x1  }
0xbe: {  	_ =	sfence.sel $0xFFFF  }
0xbf: {  	[dreg:$0x0] =	wrdreg $0xFFFFFFFF;
	(pc) =	sbr.abs _section_cstart, $3  }
0xc0: {  	[dreg:$0x1] =	wrdreg $0xFFFFFFFF  }
0xc1: {  	_ =	task.clear_ibuf [dreg:s6], $0x2FFFF;
	_ =	strace $0x9FFFFFFF  }
0xc2: {  	(tm) =	ssettm $0x7FFFFFFF  }
0xc3: {  	_ =	shalt  }
tec
execute0_lowered:
.L_overlay_start_1:
0x0: {  	(tag) =	ssettag $0x1  }
0x1: {  	s16 =	rddreg [dreg:$0x0]  }
0x2: {  	s2 =	rddreg [dreg:$0x1]  }
0x3: {  	s0 =	rddreg [dreg:$0x2]  }
0x4: {  	s4 =	srdreg.scid;
	s1 =	stileid.u32  }
0x5: {  	s3 =	simm.s32 $0x0;
	s18 =	simm.s32 $0x100;
	s19 =	simm.s32 $0x80  }
0x6: {  	s20 =	simm.s32 $0x200;
	s21 =	simm.s32 $0x180;
	s22 =	simm.s32 $0x4200  }
0x7: {  	s23 =	simm.s32 $0x1;
	s24 =	simm.s32 $0x2;
	s25 =	simm.s32 $0x0  }
0x8: {  	s6 =	sand.u32 $0x1, s4;
	s5 =	smul.u32 $0x2800, s1;
	[smem:$0x7FF] =	sst s3  }
0x9: {  	s4 =	sadd.s32 $0x14C00, s16;
	s15 =	sadd.s32 $0xA000, s16;
	s9 =	smul.u32 $0x50000, s1  }
0xa: {  	s7 =	smul.u32 $0x28000, s6;
	s8 =	sshll.u32 s6, $0x4;
	s6 =	ssub.s32 $0x2, s6  }
0xb: {  	_ =	strace $0x8000005C;
	s8 =	sor.u32 s1, s8;
	s30 =	sshrl.u32 s6, $0x1  }
0xc: {  	s14 =	sshrl.u32 s9, $0x2;
	s12 =	sadd.s32 s5, s7;
	s29 =	smul.u32 $0x2800, s8  }
0xd: {  	s5 =	sadd.s32 $0x3CC00, s16;
	s13 =	ssub.s32 s6, s30;
	s11 =	sadd.s32 s12, s16  }
0xe: {  	s31 =	sor.u32 $0x180, s12;
	s17 =	sor.u32 $0x100, s12;
	s7 =	sshrl.u32 s29, $0x3  }
0xf: {  	s12 =	smax.u32 s13, $0x1;
	s11 =	sadd.s32 $0x3F400, s11;
	s10 =	sor.u32 $0x10, s7  }
0x10: {  	s17 =	sshrl.u32 s17, $0x3;
	s6 =	sadd.s32 s16, s7;
	s8 =	sadd.s32 s16, s10  }
0x11: {  	s9 =	sadd.s32 s15, s10;
	s10 =	sadd.s32 s14, s2;
	s14 =	sshrl.u32 s31, $0x3  }
0x12: {  	s7 =	sadd.s32 s15, s7;
	s13 =	sadd.s32 s14, s15;
	s14 =	sadd.s32 s14, s16  }
0x13: {  	s15 =	sadd.s32 s17, s15;
	s16 =	sadd.s32 s17, s16;
	s17 =	simm.s32 $0x3  }
.LBB2_1:
0x14: {  	[tilespmem:s3], [sflag:$0x3] =	stream.linear.gather [hbm4b:s6+s3], $0x80, $0x38;
	[tilespmem:$0x1C200] =	vst v63  }
0x15: {  	_ =	swait.ge [sflag:s17], $0x80  }
0x16: {  	[sflag:s17] =	ssyncset.done $0x0  }
0x17: {  	[sflag:s17] =	ssyncadd.s32 $0xFFFFFF80  }
0x18: {  	[tilespmem:s18], [sflag:$0x3] =	stream.linear.gather [hbm4b:s7+s3], $0x80, $0x38;
	[tilespmem:$0x1C200] =	vst v63  }
0x19: {  	_ =	swait.ge [sflag:s17], $0x80  }
0x1a: {  	[sflag:s17] =	ssyncset.done $0x0  }
0x1b: {  	[sflag:s17] =	ssyncadd.s32 $0xFFFFFF80  }
0x1c: {  	[tilespmem:s20], [sflag:$0x1] =	stream.indirect.gather [hbm4b:s4+s19], $0x80, s3, s19, $0xb8;
	[tilespmem:$0x1C200] =	vst v63  }
0x1d: {  	_ = 	snop  }
0x1e: {  	[tilespmem:s19], [sflag:$0x3] =	stream.linear.gather [hbm4b:s8+s3], $0x80, $0x38;
	[tilespmem:$0x1C200] =	vst v63  }
0x1f: {  	_ =	swait.ge [sflag:s17], $0x80  }
0x20: {  	[sflag:s17] =	ssyncset.done $0x0  }
0x21: {  	[sflag:s17] =	ssyncadd.s32 $0xFFFFFF80  }
0x22: {  	[tilespmem:s21], [sflag:$0x3] =	stream.linear.gather [hbm4b:s9+s3], $0x80, $0x38;
	[tilespmem:$0x1C200] =	vst v63  }
0x23: {  	_ =	swait.ge [sflag:s17], $0x80  }
0x24: {  	s26 =	sshll.u32 s1, $0x6;
	[sflag:s17] =	ssyncset.done $0x0  }
0x25: {  	s28 =	sshrl.u32 s10, $0x3;
	s26 =	sor.u32 $0x1C03, s26;
	[sflag:s17] =	ssyncadd.s32 $0xFFFFFF80  }
0x26: {  	[tilespmem:s22], [sflag:$0x2] =	stream.indirect.gather [hbm4b:s4+s19], $0x80, s19, s19, $0xb8;
	[tilespmem:$0x1C200] =	vst v63  }
0x27: {  	[spmem:s28], [sflag:s26] =	dma.local [hbm:s5], $0x2800  }
0x28: {  	_ =	swait.ge [sflag:s17], $0x2800  }
0x29: {  	[sflag:s17] =	ssyncset.done $0x0  }
0x2a: {  	[sflag:s17] =	ssyncadd.s32 $0xFFFFD800  }
0x2b: {  	[bflag:$0x0] =	sbarrier.arrive $0xFFFF  }
0x2c: {  	_ =	swait.ge [sflag:s23], $0x4000  }
0x2d: {  	[sflag:s23] =	ssyncset.done $0x0  }
0x2e: {  	[sflag:s23] =	ssyncadd.s32 $0xFFFFC000  }
0x2f: {  	[spmem:s2] =	stream.indirect.scatter.add.f32 [tilespmem:s20], [sflag:$0x3], $0x80, s18, s19, $0xb8;
	[tilespmem:$0x1C200] =	vst v63  }
0x30: {  	_ =	swait.ge [sflag:s17], $0x4000  }
0x31: {  	[sflag:s17] =	ssyncset.done $0x0  }
0x32: {  	s29 =	sadd.s32 $0x0, s16;
	[sflag:s17] =	ssyncadd.s32 $0xFFFFC000  }
0x33: {  	[tilespmem:s3], [sflag:$0x3] =	stream.linear.gather [hbm4b:s29+s3], $0x80, $0x38;
	[tilespmem:$0x1C200] =	vst v63  }
0x34: {  	_ =	swait.ge [sflag:s17], $0x80  }
0x35: {  	[sflag:s17] =	ssyncset.done $0x0  }
0x36: {  	s29 =	sadd.s32 $0x0, s15;
	[sflag:s17] =	ssyncadd.s32 $0xFFFFFF80  }
0x37: {  	[tilespmem:s18], [sflag:$0x3] =	stream.linear.gather [hbm4b:s29+s3], $0x80, $0x38;
	[tilespmem:$0x1C200] =	vst v63  }
0x38: {  	_ =	swait.ge [sflag:s17], $0x80  }
0x39: {  	[sflag:s17] =	ssyncset.done $0x0  }
0x3a: {  	[sflag:s17] =	ssyncadd.s32 $0xFFFFFF80  }
0x3b: {  	[tilespmem:s20], [sflag:$0x1] =	stream.indirect.gather [hbm4b:s4+s19], $0x80, s3, s19, $0xb8;
	[tilespmem:$0x1C200] =	vst v63  }
0x3c: {  	_ =	swait.ge [sflag:s24], $0x4000  }
0x3d: {  	[sflag:s24] =	ssyncset.done $0x0  }
0x3e: {  	[sflag:s24] =	ssyncadd.s32 $0xFFFFC000  }
0x3f: {  	[spmem:s2] =	stream.indirect.scatter.add.f32 [tilespmem:s22], [sflag:$0x3], $0x80, s21, s19, $0xb8;
	[tilespmem:$0x1C200] =	vst v63  }
0x40: {  	_ =	swait.ge [sflag:s17], $0x4000  }
0x41: {  	[sflag:s17] =	ssyncset.done $0x0  }
0x42: {  	s29 =	sadd.s32 $0x0, s14;
	[sflag:s17] =	ssyncadd.s32 $0xFFFFC000  }
0x43: {  	[tilespmem:s19], [sflag:$0x3] =	stream.linear.gather [hbm4b:s29+s3], $0x80, $0x38;
	[tilespmem:$0x1C200] =	vst v63  }
0x44: {  	_ =	swait.ge [sflag:s17], $0x80  }
0x45: {  	[sflag:s17] =	ssyncset.done $0x0  }
0x46: {  	s29 =	sadd.s32 $0x0, s13;
	[sflag:s17] =	ssyncadd.s32 $0xFFFFFF80  }
0x47: {  	[tilespmem:s21], [sflag:$0x3] =	stream.linear.gather [hbm4b:s29+s3], $0x80, $0x38;
	[tilespmem:$0x1C200] =	vst v63  }
0x48: {  	_ =	swait.ge [sflag:s17], $0x80  }
0x49: {  	[sflag:s17] =	ssyncset.done $0x0  }
0x4a: {  	s29 =	simm.s32 $0x20;
	[sflag:s17] =	ssyncadd.s32 $0xFFFFFF80  }
.LBB2_2:
0x4b: {  	[tilespmem:s22], [sflag:$0x2] =	stream.indirect.gather [hbm4b:s4+s19], $0x80, s19, s19, $0xb8;
	[tilespmem:$0x1C200] =	vst v63  }
0x4c: {  	s30 =	smov.u32 s29  }
0x4d: {  	p0 =	sne.s32 s29, $0x4C0;
	s29 =	sadd.s32 $0x20, s29;
	_ =	swait.ge [sflag:s23], $0x4000  }
0x4e: {  	[sflag:s23] =	ssyncset.done $0x0  }
0x4f: {  	[sflag:s23] =	ssyncadd.s32 $0xFFFFC000  }
0x50: {  	[spmem:s2] =	stream.indirect.scatter.add.f32 [tilespmem:s20], [sflag:$0x3], $0x80, s18, s19, $0xb8;
	[tilespmem:$0x1C200] =	vst v63  }
0x51: {  	_ =	swait.ge [sflag:s17], $0x4000  }
0x52: {  	[sflag:s17] =	ssyncset.done $0x0  }
0x53: {  	s31 =	sadd.s32 s30, s16;
	[sflag:s17] =	ssyncadd.s32 $0xFFFFC000  }
0x54: {  	[tilespmem:s3], [sflag:$0x3] =	stream.linear.gather [hbm4b:s31+s3], $0x80, $0x38;
	[tilespmem:$0x1C200] =	vst v63  }
0x55: {  	_ =	swait.ge [sflag:s17], $0x80  }
0x56: {  	[sflag:s17] =	ssyncset.done $0x0  }
0x57: {  	s31 =	sadd.s32 s30, s15;
	[sflag:s17] =	ssyncadd.s32 $0xFFFFFF80  }
0x58: {  	[tilespmem:s18], [sflag:$0x3] =	stream.linear.gather [hbm4b:s31+s3], $0x80, $0x38;
	[tilespmem:$0x1C200] =	vst v63  }
0x59: {  	_ =	swait.ge [sflag:s17], $0x80  }
0x5a: {  	[sflag:s17] =	ssyncset.done $0x0  }
0x5b: {  	[sflag:s17] =	ssyncadd.s32 $0xFFFFFF80  }
0x5c: {  	[tilespmem:s20], [sflag:$0x1] =	stream.indirect.gather [hbm4b:s4+s19], $0x80, s3, s19, $0xb8;
	[tilespmem:$0x1C200] =	vst v63  }
0x5d: {  	_ =	swait.ge [sflag:s24], $0x4000  }
0x5e: {  	[sflag:s24] =	ssyncset.done $0x0  }
0x5f: {  	[sflag:s24] =	ssyncadd.s32 $0xFFFFC000  }
0x60: {  	[spmem:s2] =	stream.indirect.scatter.add.f32 [tilespmem:s22], [sflag:$0x3], $0x80, s21, s19, $0xb8;
	[tilespmem:$0x1C200] =	vst v63  }
0x61: {  	_ =	swait.ge [sflag:s17], $0x4000  }
0x62: {  	[sflag:s17] =	ssyncset.done $0x0  }
0x63: {  	s31 =	sadd.s32 s30, s14;
	[sflag:s17] =	ssyncadd.s32 $0xFFFFC000  }
0x64: {  	[tilespmem:s19], [sflag:$0x3] =	stream.linear.gather [hbm4b:s31+s3], $0x80, $0x38;
	[tilespmem:$0x1C200] =	vst v63  }
0x65: {  	_ =	swait.ge [sflag:s17], $0x80  }
0x66: {  	[sflag:s17] =	ssyncset.done $0x0  }
.Ltmp0:
0x67: {  	s30 =	sadd.s32 s30, s13;
	[sflag:s17] =	ssyncadd.s32 $0xFFFFFF80;
	(pc) =	sbr.rel @p0 .LBB2_2-.Ltmp0, $4  }
0x68: {  	[tilespmem:s21], [sflag:$0x3] =	stream.linear.gather [hbm4b:s30+s3], $0x80, $0x38;
	[tilespmem:$0x1C200] =	vst v63  }
0x69: {  	_ =	swait.ge [sflag:s17], $0x80  }
0x6a: {  	[sflag:s17] =	ssyncset.done $0x0  }
0x6b: {  	[sflag:s17] =	ssyncadd.s32 $0xFFFFFF80  }
0x6c: {  	[tilespmem:s22], [sflag:$0x2] =	stream.indirect.gather [hbm4b:s4+s19], $0x80, s19, s19, $0xb8;
	[tilespmem:$0x1C200] =	vst v63  }
0x6d: {  	_ =	swait.ge [sflag:s23], $0x4000  }
0x6e: {  	[sflag:s23] =	ssyncset.done $0x0  }
0x6f: {  	[sflag:s23] =	ssyncadd.s32 $0xFFFFC000  }
0x70: {  	[spmem:s2] =	stream.indirect.scatter.add.f32 [tilespmem:s20], [sflag:$0x3], $0x80, s18, s19, $0xb8;
	[tilespmem:$0x1C200] =	vst v63  }
0x71: {  	_ =	swait.ge [sflag:s17], $0x4000  }
0x72: {  	[sflag:s17] =	ssyncset.done $0x0  }
0x73: {  	[sflag:s17] =	ssyncadd.s32 $0xFFFFC000  }
0x74: {  	_ =	swait.ge [sflag:s24], $0x4000  }
0x75: {  	[sflag:s24] =	ssyncset.done $0x0  }
0x76: {  	[sflag:s24] =	ssyncadd.s32 $0xFFFFC000  }
0x77: {  	[spmem:s2] =	stream.indirect.scatter.add.f32 [tilespmem:s22], [sflag:$0x3], $0x80, s21, s19, $0xb8;
	[tilespmem:$0x1C200] =	vst v63  }
0x78: {  	_ =	swait.ge [sflag:s17], $0x4000  }
0x79: {  	s25 =	sadd.s32 $0x1, s25;
	[sflag:s17] =	ssyncset.done $0x0  }
0x7a: {  	p0 =	sne.s32 s25, s12;
	[sflag:s17] =	ssyncadd.s32 $0xFFFFC000  }
.Ltmp1:
0x7b: {  	[bflag:$0x0] =	sbarrier.arrive $0xFFFF;
	(pc) =	sbr.rel @p0 .LBB2_1-.Ltmp1, $4  }
0x7c: {  	[hbm:s11], [sflag:s26] =	dma.local [spmem:s28], $0x2800  }
0x7d: {  	_ =	swait.ge [sflag:s17], $0x2800  }
0x7e: {  	[sflag:s17] =	ssyncset.done $0x0  }
0x7f: {  	[sflag:s17] =	ssyncadd.s32 $0xFFFFD800  }
0x80: {  	_ =	sfence.sel $0x180000  }
0x81: {  	[bflag:$0x0] =	sbarrier.arrive $0xFFFF  }
0x82: {  	p0 =	sne.s32 s1, $0x0;
	_ =	strace $0x9000005C  }
0x83: {  	s0 =	sadd.s32 @!p0 $0x100000, s0;
	[bflag:$0x2] =	sbarrier.arrive $0xFFFF  }
0x84: {  	[sflag:s0] =	ssyncadd.tile.s32 @!p0 $0x1;
	_ =	shalt  }
.Lfunc_end2:
_tile_overlayer_lowered:
.L_overlay_start_2:
0x85: {  	(tag) =	ssettag $0x2  }
0x86: {  	s0 =	rddreg [dreg:$0x0];
	s2 =	stileid.u32  }
0x87: {  	s1 =	rddreg [dreg:$0x1];
	p0 =	sne.s32 s2, $0x0  }
0x88: {  	s3 =	rddreg [dreg:$0x2];
	[bflag:$0x3] =	sbarrier.arrive $0xFFFF;
	s2 =	simm.s32 @!p0 $0x1C03  }
0x89: {  	[timem:s3], [sflag:s2] =	dma.local @!p0 [hbm:s0], s1  }
0x8a: {  	s0 =	simm.s32 @!p0 $0x3  }
0x8b: {  	_ =	swait.ge @!p0 [sflag:s0], s1  }
0x8c: {  	s1 =	ssub.s32 @!p0 $0x0, s1;
	[sflag:s0] =	ssyncset.done @!p0 $0x0  }
0x8d: {  	[sflag:s0] =	ssyncadd.s32 @!p0 s1  }
0x8e: {  	[bflag:$0x3] =	sbarrier.arrive $0xFFFF  }
0x8f: {  	_ =	shalt  }

// kernel: kernel.36.cloned.1.call-start
scs
__scs_entry_jumppad:
0x0: {  	(pc) =	sbr.rel $0x88, $3  }
0x1: {  	(tag) =	ssettag $0x0;
	lr =	simm.s32 $0x1  }
0x2: {  	[smem:$0x3F8D] =	sst lr;
	_ =	strace $0xD0000000  }
0x3: {  	_ = 	snop  }
0x4: {  	_ = 	snop  }
0x5: {  	_ = 	snop  }
0x6: {  	_ = 	snop  }
0x7: {  	_ = 	snop  }
__scs_overlays_trampoline_lowered:
0x8: {  	[smem:$0x3F9C] =	sst s0  }
0x9: {  	[smem:$0x3F9D] =	sst s1  }
0xa: {  	[smem:$0x3F9E] =	sst s2  }
0xb: {  	[smem:$0x3F9F] =	sst s3  }
0xc: {  	[smem:$0x3FA0] =	sst s4  }
0xd: {  	[smem:$0x3FA1] =	sst s5  }
0xe: {  	[smem:$0x3FA2] =	sst s6  }
0xf: {  	[smem:$0x3FA3] =	sst s7  }
0x10: {  	[smem:$0x3FA4] =	sst s8  }
0x11: {  	[smem:$0x3FA5] =	sst s9;
	s0 =	simm.s32 @!p0 $0x0  }
0x12: {  	s1 =	sld [smem:$0x3F8B];
	s0 =	simm.s32 @p0 $0x1  }
0x13: {  	[smem:$0x3FA6] =	sst s0;
	s0 =	simm.s32 @!p1 $0x0  }
0x14: {  	s2 =	sld [smem:$0x3F8A];
	s0 =	simm.s32 @p1 $0x1  }
0x15: {  	[smem:$0x3FA7] =	sst s0;
	s0 =	simm.s32 @!p2 $0x0  }
0x16: {  	s3 =	sld [smem:$0x3FDB];
	s0 =	simm.s32 @p2 $0x1  }
0x17: {  	s4 =	simm.s32 $0x1BF5;
	[smem:$0x3FA9] =	sst s0  }
0x18: {  	s0 =	sld [smem:$0x3F8C];
	_ =	swait.ge [sflag:s4], $0x0  }
0x19: {  	s7 =	sld [smem:$0x3F8D]  }
0x1a: {  	s8 =	sadd.s32 $0xFFFFE003, lr  }
0x1b: {  	s9 =	sadd.s32 $0xFFFFFEF7, lr;
	s5 =	simm.s32 $0xFFFFFFFF;
	p2 =	slt.u32 s8, $0xFFFFF086  }
0x1c: {  	p1 =	slt.u32 s9, $0xF7A;
	s5 =	simm.s32 @!p2 $0x0  }
0x1d: {  	s5 =	simm.s32 @p1 $0x1;
	p0 =	seq.s32 s7, s2  }
0x1e: {  	s7 =	smul.u32 @!p0 $0xF7A, s2;
	p2 =	seq.s32 @!p0 s5, $0x0  }
0x1f: {  	s9 =	smul.u32 $0xF7A, s1;
	s8 =	simm.s32 @!p0 $0x1BF5;
	p2 =	por !p2, p0  }
0x20: {  	[sflag:s8] =	ssyncset.s32 @!p0 $0xFFFFF086;
	s6 =	sadd.s32 @!p0 s3, s7;
	s7 =	simm.s32 @!p0 $0x108  }
0x21: {  	s3 =	sadd.s32 s3, s9;
	s6 =	sadd.s32 @!p0 $0x88, s6;
	s7 =	simm.s32 @p2 $0x1082  }
0x22: {  	[simem:s7], [sflag:s8] =	dma.local @!p0 [hbm:s6], $0xF7A  }
0x23: {  	s9 =	sor.u32 $0xD0000000, s2;
	s6 =	simm.s32 $0x108;
	_ =	swait.ge @!p0 [sflag:s8], $0x0  }
0x24: {  	s3 =	sadd.s32 $0x88, s3;
	s6 =	simm.s32 @!p1 $0x1082;
	[sflag:s4] =	ssyncset.s32 $0xFFFFF086  }
0x25: {  	[simem:s6], [sflag:s4] =	dma.local [hbm:s3], $0xF7A  }
0x26: {  	[smem:$0x3F8D] =	sst s1;
	(tag) =	ssettag s2;
	_ =	strace s9  }
0x27: {  	s1 =	sld [smem:$0x3F9D]  }
0x28: {  	s2 =	sld [smem:$0x3F9E]  }
0x29: {  	s4 =	sld [smem:$0x3FA0]  }
0x2a: {  	p0 =	seq.s32 s5, $0x0;
	s5 =	sld [smem:$0x3FA1]  }
0x2b: {  	s6 =	sld [smem:$0x3FA2]  }
0x2c: {  	s7 =	sld [smem:$0x3FA3]  }
0x2d: {  	s3 =	simm.s32 $0x108;
	s8 =	sld [smem:$0x3FA4]  }
0x2e: {  	s3 =	simm.s32 @!p0 $0x1082;
	s9 =	sld [smem:$0x3FA5]  }
0x2f: {  	lr =	sadd.s32 s0, s3;
	s0 =	sld [smem:$0x3F9C]  }
0x30: {  	s3 =	sld [smem:$0x3F9F]  }
0x31: {  	[smem:$0x3FA8] =	sst s10  }
0x32: {  	s10 =	sld [smem:$0x3FA6];
	_ =	sdelay $0x3  }
0x33: {  	p0 =	seq.s32 s10, $0x1;
	s10 =	sld [smem:$0x3FA8];
	_ =	sdelay $0x3  }
0x34: {  	[smem:$0x3FA8] =	sst s10  }
0x35: {  	s10 =	sld [smem:$0x3FA7];
	_ =	sdelay $0x3  }
0x36: {  	p1 =	seq.s32 s10, $0x1;
	s10 =	sld [smem:$0x3FA8];
	_ =	sdelay $0x3  }
0x37: {  	[smem:$0x3FA8] =	sst s10  }
0x38: {  	s10 =	sld [smem:$0x3FA9]  }
0x39: {  	_ = 	snop;
	(pc) =	sbr.ind lr, $3  }
0x3a: {  	_ = 	snop  }
0x3b: {  	_ = 	snop  }
0x3c: {  	p2 =	seq.s32 s10, $0x1;
	s10 =	sld [smem:$0x3FA8]  }
0x3d: {  	_ =	shalt  }
0x3e: {  	_ =	shalt  }
0x3f: {  	_ =	shalt  }
0x40: {  	_ =	shalt  }
0x41: {  	_ =	shalt  }
0x42: {  	_ =	shalt  }
0x43: {  	_ =	shalt  }
0x44: {  	_ =	shalt  }
0x45: {  	_ =	shalt  }
0x46: {  	_ =	shalt  }
0x47: {  	_ =	shalt  }
0x48: {  	_ =	shalt  }
0x49: {  	_ =	shalt  }
0x4a: {  	_ =	shalt  }
0x4b: {  	_ =	shalt  }
0x4c: {  	_ =	shalt  }
0x4d: {  	_ =	shalt  }
0x4e: {  	_ =	shalt  }
0x4f: {  	_ =	shalt  }
0x50: {  	_ =	shalt  }
0x51: {  	_ =	shalt  }
0x52: {  	_ =	shalt  }
0x53: {  	_ =	shalt  }
0x54: {  	_ =	shalt  }
0x55: {  	_ =	shalt  }
0x56: {  	_ =	shalt  }
0x57: {  	_ =	shalt  }
0x58: {  	_ =	shalt  }
0x59: {  	_ =	shalt  }
0x5a: {  	_ =	shalt  }
0x5b: {  	_ =	shalt  }
0x5c: {  	_ =	shalt  }
0x5d: {  	_ =	shalt  }
0x5e: {  	_ =	shalt  }
0x5f: {  	_ =	shalt  }
0x60: {  	_ =	shalt  }
0x61: {  	_ =	shalt  }
0x62: {  	_ =	shalt  }
0x63: {  	_ =	shalt  }
0x64: {  	_ =	shalt  }
0x65: {  	_ =	shalt  }
0x66: {  	_ =	shalt  }
0x67: {  	_ =	shalt  }
0x68: {  	_ =	shalt  }
0x69: {  	_ =	shalt  }
0x6a: {  	_ =	shalt  }
0x6b: {  	_ =	shalt  }
0x6c: {  	_ =	shalt  }
0x6d: {  	_ =	shalt  }
0x6e: {  	_ =	shalt  }
0x6f: {  	_ =	shalt  }
0x70: {  	_ =	shalt  }
0x71: {  	_ =	shalt  }
0x72: {  	_ =	shalt  }
0x73: {  	_ =	shalt  }
0x74: {  	_ =	shalt  }
0x75: {  	_ =	shalt  }
0x76: {  	_ =	shalt  }
0x77: {  	_ =	shalt  }
0x78: {  	_ =	shalt  }
0x79: {  	_ =	shalt  }
0x7a: {  	_ =	shalt  }
0x7b: {  	_ =	shalt  }
0x7c: {  	_ =	shalt  }
0x7d: {  	_ =	shalt  }
0x7e: {  	_ =	shalt  }
0x7f: {  	_ =	shalt  }
0x80: {  	_ =	shalt  }
0x81: {  	_ =	shalt  }
0x82: {  	_ =	shalt  }
0x83: {  	_ =	shalt  }
0x84: {  	_ =	shalt  }
0x85: {  	_ =	shalt  }
0x86: {  	_ =	shalt  }
0x87: {  	_ =	shalt  }
.Lfunc_end0:
.L_simem_size_0:
called_computation.8_lowered:
.L_overlay_start_0:
0x88: {  	s2 =	sld [smem:$0x3FD9]  }
0x89: {  	s3 =	sld [smem:$0x3FFE];
	_ =	sdelay $0x1  }
0x8a: {  	s1 =	srdreg.scid  }
0x8b: {  	s0 =	sand.u32 $0x1, s1  }
0x8c: {  	s16 =	sshll.u32 s0, $0xA;
	s2 =	sadd.s32 s3, s2  }
0x8d: {  	s2 =	sadd.s32 s2, s16  }
0x8e: {  	[smem:$0x3FB4] =	sst s2  }
0x8f: {  	_ = 	snop  }
0x90: {  	(tm) =	ssettm $0x1  }
0x91: {  	s17 =	sld [smem:$0x3FFB];
	_ =	sdelay $0x3  }
0x92: {  	_ =	strace s17  }
0x93: {  	s2 =	sld [smem:$0x3FFC];
	_ =	sdelay $0x3  }
0x94: {  	_ =	strace s2  }
0x95: {  	s2 =	sld [smem:$0x3FFD];
	_ =	sdelay $0x3  }
0x96: {  	_ =	strace s2  }
0x97: {  	_ =	strace $0x8FFFFFFF  }
0x98: {  	s18 =	sld [smem:$0x3FDB];
	_ =	sdelay $0x1  }
0x99: {  	s19 =	simm.s32 $_scs_section_size  }
0x9a: {  	s4 =	simm.s32 $_size__tile_overlayer_lowered;
	s5 =	simm.s32 $_tile_overlayer_lowered  }
0x9b: {  	s22 =	simm.s32 $0x1BFF;
	s21 =	sshll.u32 s5, $0x1;
	s2 =	sadd.s32 s19, s18  }
0x9c: {  	s6 =	simm.s32 $0x0;
	s20 =	sshll.u32 s4, $0x1;
	s4 =	sadd.s32 s21, s2  }
0x9d: {  	[timem:s6], [sflag:s22] =	dma.local [hbm:s4], s20  }
0x9e: {  	_ =	swait.ge [sflag:s22], s20  }
0x9f: {  	s3 =	ssub.s32 $0x0, s20;
	[sflag:s22] =	ssyncset.done $0x0  }
0xa0: {  	[sflag:s22] =	ssyncadd.s32 s3;
	_ =	sdelay $0x1  }
0xa1: {  	s23 =	simm.s32 $0x1B8B  }
0xa2: {  	_ =	swait.ge [sflag:s23], $0x1  }
0xa3: {  	[sflag:s23] =	ssyncset.done $0x0  }
0xa4: {  	s25 =	simm.s32 $0x1B8E;
	s24 =	sld [smem:$0x3FFE];
	[sflag:s23] =	ssyncadd.s32 $0xFFFFFFFF  }
0xa5: {  	s26 =	simm.s32 $execute0_lowered;
	[smem:$0x3FD2] =	sst s25  }
0xa6: {  	s4 =	sshll.u32 s26, $0x1;
	_ =	strace $0x8000005E;
	[dreg:$0x1] =	wrdreg $0xFFFFFFFF  }
0xa7: {  	s28 =	simm.s32 $_size_execute0_lowered;
	s2 =	sadd.s32 s2, s4;
	[dreg:$0x0] =	wrdreg $0x0  }
0xa8: {  	s4 =	sshll.u32 s28, $0x1;
	[dreg:$0x2] =	wrdreg s2  }
0xa9: {  	[dreg:$0x3] =	wrdreg s4  }
0xaa: {  	[dreg:$0x4] =	wrdreg $0xC0  }
0xab: {  	_ =	task [dreg:s6], $0x5FFFF  }
0xac: {  	[dreg:$0x1] =	wrdreg $0xFFFFFFFF  }
0xad: {  	[dreg:$0x0] =	wrdreg $0x60  }
0xae: {  	[dreg:$0x2] =	wrdreg s24  }
0xaf: {  	[dreg:$0x3] =	wrdreg $0x9  }
0xb0: {  	_ =	task.clear_ibuf [dreg:s6], $0x4FFFF;
	_ =	strace $0x9000005E  }
0xb1: {  	s29 =	simm.s32 $0x9;
	_ =	strace $0x80000060  }
0xb2: {  	_ =	swait.ge [sflag:s29], $0x1  }
0xb3: {  	[sflag:s29] =	ssyncadd.s32 $0xFFFFFFFF  }
0xb4: {  	_ =	strace $0x90000060  }
0xb5: {  	_ =	sfence  }
0xb6: {  	s30 =	sld [smem:$0x0];
	_ =	sdelay $0x2  }
0xb7: {  	s31 =	sshll.u32 s1, $0xD;
	s1 =	sshrl.u32 s1, $0x2  }
0xb8: {  	s3 =	sand.u32 $0x4000, s31;
	s1 =	sadd.s32 s1, s30  }
0xb9: {  	s0 =	sor.u32 s3, s0;
	s1 =	sshll.u32 s1, $0x11  }
0xba: {  	s0 =	sor.u32 s1, s0  }
0xbb: {  	s0 =	sadd.s32 $0x8F2B, s0  }
0xbc: {  	[sflag:s0] =	ssyncadd.remote.s32 $0x1  }
0xbd: {  	_ =	sfence.sel $0xFFFF  }
0xbe: {  	[dreg:$0x0] =	wrdreg $0xFFFFFFFF;
	(pc) =	sbr.abs _section_cstart, $3  }
0xbf: {  	[dreg:$0x1] =	wrdreg $0xFFFFFFFF  }
0xc0: {  	_ =	task.clear_ibuf [dreg:s6], $0x2FFFF;
	_ =	strace $0x9FFFFFFF  }
0xc1: {  	(tm) =	ssettm $0x7FFFFFFF  }
tec
execute0_lowered:
.L_overlay_start_1:
0x0: {  	(tag) =	ssettag $0x1  }
0x1: {  	s0 =	srdreg.scid  }
0x2: {  	s6 =	rddreg [dreg:$0x0];
	s1 =	stileid.u32;
	s2 =	simm.s32 $0x0  }
0x3: {  	s11 =	simm.s32 $0x7800;
	s12 =	simm.s32 $0x2800;
	s5 =	sand.u32 $0x1, s0  }
0x4: {  	s13 =	simm.s32 $0x80;
	s14 =	simm.s32 $0x400;
	s3 =	sshll.u32 s5, $0x4  }
0x5: {  	s15 =	simm.s32 $0x0;
	s0 =	rddreg [dreg:$0x1];
	s4 =	sor.u32 s1, s3  }
0x6: {  	[smem:$0x7FF] =	sst s2;
	s8 =	sshll.u32 s1, $0x7;
	s3 =	sshrl.u32 s4, $0x3  }
0x7: {  	_ =	strace $0x8000005F;
	s31 =	ssub.s32 $0x2, s5;
	s7 =	smul.u32 $0x14000, s3  }
0x8: {  	s8 =	sand.u32 $0x380, s8;
	s10 =	sshrl.u32 s31, $0x1;
	s9 =	smul.u32 $0x500, s4  }
0x9: {  	s4 =	sadd.s32 $0x14600, s6;
	s3 =	sadd.s32 $0x14000, s6;
	s7 =	sor.u32 s8, s7  }
0xa: {  	s5 =	sadd.s32 s6, s9;
	s9 =	simm.s32 $0x1;
	s7 =	sshrl.u32 s7, $0x3  }
0xb: {  	s8 =	ssub.s32 s31, s10;
	s10 =	simm.s32 $0x5000;
	s7 =	sadd.s32 s7, s6  }
0xc: {  	s8 =	smax.u32 s8, $0x1;
	s6 =	sadd.s32 $0xA000, s5;
	s7 =	sadd.s32 $0x14C00, s7  }
.LBB2_1:
0xd: {  	[tilespmem:s2], [sflag:$0x1] =	stream.linear.gather [hbm4b:s3+s2], $0x2800, $0x38;
	[tilespmem:$0xA000] =	vst v63  }
0xe: {  	_ =	swait.ge [sflag:s9], $0x2800  }
0xf: {  	[sflag:s9] =	ssyncset.done $0x0  }
0x10: {  	[sflag:s9] =	ssyncadd.s32 $0xFFFFD800  }
0x11: {  	[tilespmem:s10], [sflag:$0x1] =	stream.linear.gather [hbm4b:s5+s2], $0x2800, $0x38;
	[tilespmem:$0xA000] =	vst v63  }
0x12: {  	_ =	swait.ge [sflag:s9], $0x2800  }
0x13: {  	[sflag:s9] =	ssyncset.done $0x0  }
0x14: {  	[sflag:s9] =	ssyncadd.s32 $0xFFFFD800  }
0x15: {  	[tilespmem:s11], [sflag:$0x1] =	stream.linear.gather [hbm4b:s6+s2], $0x2800, $0x38;
	[tilespmem:$0xA000] =	vst v63  }
0x16: {  	_ =	swait.ge [sflag:s9], $0x2800  }
0x17: {  	[sflag:s9] =	ssyncset.done $0x0  }
0x18: {  	[sflag:s9] =	ssyncadd.s32 $0xFFFFD800  }
0x19: {  	[tilespmem:s12], [sflag:$0x1] =	stream.linear.gather [hbm4b:s4+s2], $0x2800, $0x38;
	[tilespmem:$0xA000] =	vst v63  }
0x1a: {  	_ =	swait.ge [sflag:s9], $0x2800  }
0x1b: {  	[sflag:s9] =	ssyncset.done $0x0  }
0x1c: {  	s17 =	simm.s32 $0x0;
	s16 =	simm.s32 $0x40;
	[sflag:s9] =	ssyncadd.s32 $0xFFFFD800  }
.LBB2_2:
0x1d: {  	p0 =	sne.s32 s16, $0x9FC0;
	v0 =	vld [tilespmem:s17+$0x5000];
	_ =	sdelay $0x5  }
0x1e: {  	v1 =	vld [tilespmem:s17+$0x7800];
	_ =	sdelay $0x1  }
0x1f: {  	v0 =	vld.idx.msk [tilespmem:v0+s2+$0x0], $0xffff;
	_ =	sdelay $0x1  }
.Ltmp0:
0x20: {  	(pc) =	sbr.rel @p0 .LBB2_2-.Ltmp0, $2  }
0x21: {  	_ =	sdelay $0x2  }
0x22: {  	s17 =	sshra.s32 s16, $0x2;
	s16 =	sadd.s32 $0x40, s16;
	[tilespmem:v1+s12+$0x0] =	vst.idx.add.f32.msk $0xffff, v0  }
0x23: {  	v0 =	vld [tilespmem:s17+$0x5000];
	_ =	sdelay $0x4  }
0x24: {  	v1 =	vld [tilespmem:s17+$0x7800];
	_ =	sdelay $0x2  }
0x25: {  	v0 =	vld.idx.msk [tilespmem:v0+s2+$0x0], $0xffff;
	_ =	sdelay $0x2  }
0x26: {  	s15 =	sadd.s32 $0x1, s15  }
0x27: {  	p0 =	sne.s32 s15, s8  }
.Ltmp1:
0x28: {  	[tilespmem:v1+s12+$0x0] =	vst.idx.add.f32.msk $0xffff, v0;
	(pc) =	sbr.rel @p0 .LBB2_1-.Ltmp1, $4  }
0x29: {  	[hbm4b:s7+s13] =	stream.strided.scatter [tilespmem:s12], [sflag:$0x1], $0x2800, s14, s13, $0x38;
	[tilespmem:$0xA000] =	vst v63  }
0x2a: {  	_ =	swait.ge [sflag:s9], $0x2800  }
0x2b: {  	[sflag:s9] =	ssyncset.done $0x0  }
0x2c: {  	[sflag:s9] =	ssyncadd.s32 $0xFFFFD800  }
0x2d: {  	_ =	sfence.sel $0x180000  }
0x2e: {  	[bflag:$0x0] =	sbarrier.arrive $0xFFFF  }
0x2f: {  	p0 =	sne.s32 s1, $0x0;
	_ =	strace $0x9000005F  }
0x30: {  	s0 =	sadd.s32 @!p0 $0x100000, s0;
	[bflag:$0x2] =	sbarrier.arrive $0xFFFF  }
0x31: {  	[sflag:s0] =	ssyncadd.tile.s32 @!p0 $0x1;
	_ =	shalt  }
.Lfunc_end2:
_tile_overlayer_lowered:
.L_overlay_start_2:
0x32: {  	(tag) =	ssettag $0x2  }
0x33: {  	s0 =	rddreg [dreg:$0x0];
	s2 =	stileid.u32  }
0x34: {  	s1 =	rddreg [dreg:$0x1];
	p0 =	sne.s32 s2, $0x0  }
0x35: {  	s3 =	rddreg [dreg:$0x2];
	[bflag:$0x3] =	sbarrier.arrive $0xFFFF;
	s2 =	simm.s32 @!p0 $0x1C01  }
0x36: {  	[timem:s3], [sflag:s2] =	dma.local @!p0 [hbm:s0], s1  }
0x37: {  	s0 =	simm.s32 @!p0 $0x1  }
0x38: {  	_ =	swait.ge @!p0 [sflag:s0], s1  }
0x39: {  	s1 =	ssub.s32 @!p0 $0x0, s1;
	[sflag:s0] =	ssyncset.done @!p0 $0x0  }
0x3a: {  	[sflag:s0] =	ssyncadd.s32 @!p0 s1  }
0x3b: {  	[bflag:$0x3] =	sbarrier.arrive $0xFFFF  }
0x3c: {  	_ =	shalt  }

</sc_bundles>
